<compile_context>
chip_gen: v7x
topology: tpu7x:2x2x1
jax: 0.10.2.dev20260603
libtpu: 0.0.44.dev20260713+nightly
codegen_flags: <defaults>
</compile_context>

<pallas_src>
import functools

import jax
import jax.numpy as jnp
from jax import lax
from jax.experimental import pallas as pl
from jax.experimental.pallas import tpu as pltpu
from jax.experimental.pallas import tpu_sc as plsc

VOCAB_ROWS = 1002
EMBED = 64
B, L = 16384, 50
N_IDX = B * L

_info = plsc.get_sparse_core_info()
NC, NS = _info.num_cores, _info.num_subcores
NW = NC * NS
B_PER_W = N_IDX // NW
CHUNK = 400
ROWS_PER_CHUNK = CHUNK // L
T_STEPS = B_PER_W // CHUNK
NBUF = 4
assert B_PER_W % CHUNK == 0 and T_STEPS % NBUF == 0 and CHUNK % L == 0


def _gather_body(idx_hbm, table_hbm, out_hbm3d, idx_v, rows_v,
                 sem_g0, sem_g1, sem_g2, sem_g3,
                 sem_w0, sem_w1, sem_w2, sem_w3):
    wid = lax.axis_index("s") * NC + lax.axis_index("c")
    base = wid * B_PER_W
    row_base = wid * (B_PER_W // L)
    sems_g = (sem_g0, sem_g1, sem_g2, sem_g3)
    sems_w = (sem_w0, sem_w1, sem_w2, sem_w3)

    pltpu.sync_copy(idx_hbm.at[pl.ds(base, B_PER_W)], idx_v)

    def start_gather(t, b):
        pltpu.async_copy(
            table_hbm.at[idx_v.at[pl.ds(t * CHUNK, CHUNK)]],
            rows_v.at[b], sems_g[b])

    def wait_gather(b):
        pltpu.make_async_copy(
            table_hbm.at[idx_v.at[pl.ds(0, CHUNK)]],
            rows_v.at[b], sems_g[b]).wait()

    def start_write(t, b):
        for r in range(ROWS_PER_CHUNK):
            pltpu.async_copy(
                rows_v.at[b].at[pl.ds(r * L, L)],
                out_hbm3d.at[row_base + t * ROWS_PER_CHUNK + r],
                sems_w[b])

    def wait_write(b):
        for r in range(ROWS_PER_CHUNK):
            pltpu.make_async_copy(
                rows_v.at[b].at[pl.ds(r * L, L)],
                out_hbm3d.at[row_base], sems_w[b]).wait()

    for b in range(NBUF):
        start_gather(b, b)

    @pl.loop(0, T_STEPS, step=NBUF)
    def _outer(t0):
        for b in range(NBUF):
            t = t0 + b
            wait_gather(b)
            start_write(t, b)
            bp = (b - 1) % NBUF
            tp = t - 1 + NBUF

            @pl.when(jnp.logical_and(t >= 1, tp < T_STEPS))
            def _():
                wait_write(bp)
                start_gather(tp, bp)

    for b in range(NBUF):
        wait_write(b)


@jax.jit
def _embed_lookup(idx_flat, table):
    mesh = plsc.VectorSubcoreMesh(core_axis_name="c", subcore_axis_name="s")
    return pl.kernel(
        _gather_body,
        out_type=jax.ShapeDtypeStruct((B, L, EMBED), jnp.float32),
        mesh=mesh,
        scratch_types=[
            pltpu.VMEM((B_PER_W,), jnp.int32),
            pltpu.VMEM((NBUF, CHUNK, EMBED), jnp.float32),
            pltpu.SemaphoreType.DMA,
            pltpu.SemaphoreType.DMA,
            pltpu.SemaphoreType.DMA,
            pltpu.SemaphoreType.DMA,
            pltpu.SemaphoreType.DMA,
            pltpu.SemaphoreType.DMA,
            pltpu.SemaphoreType.DMA,
            pltpu.SemaphoreType.DMA,
        ],
        compiler_params=pltpu.CompilerParams(use_tc_tiling_on_sc=False),
    )(idx_flat, table)


def kernel(indices, table):
    return _embed_lookup(indices.reshape(N_IDX), table)

# --- scband reference (transcript-rebuilt; emitter-appended) ---
"""Pipeline reference for scband-base-model-16535624089709 (READ-ONLY COPY).

The authoritative reference and input builder live on the scoring server;
editing this copy changes nothing except your own understanding.
"""

import jax, jax.numpy as jnp
import numpy as np

VOCAB = 1000
EMBED = 64
B, L = 16384, 50


def setup_inputs(seed: int = 0) -> dict:
    key = jax.random.key(seed)
    k1, k2 = jax.random.split(key)
    indices = jax.random.randint(k1, (B, L), 0, 990, dtype=jnp.int64 if jax.config.jax_enable_x64 else jnp.int32).astype(jnp.int32)
    # learned parameter: embedding table sized per init (vocab_size + 2, embed_size)
    table = jax.random.normal(k2, (VOCAB + 2, EMBED), dtype=jnp.float32) * 0.05
    return {"indices": indices, "table": table}


def reference(indices, table):
    # nn.Embedding lookup: gather rows of the table by index
    return jnp.take(table, indices, axis=0)

if __name__ == "__main__":
    import jax
    _d = setup_inputs()
    print(jax.jit(kernel)(*tuple(_d.values())))

</pallas_src>

<mosaic_0001>
#map = affine_map<(d0, d1) -> (0)>
#map1 = affine_map<(d0, d1) -> (0, 0)>
#map2 = affine_map<(d0, d1) -> (0, 0, 0)>
module attributes {stable_mosaic.version = 14 : i64} {
  func.func @_gather_body(%arg0: i32, %arg1: i32, %arg2: memref<819200xi32, #tpu.memory_space<hbm>>, %arg3: memref<1002x64xf32, #tpu.memory_space<hbm>>, %arg4: memref<16384x50x64xf32, #tpu.memory_space<hbm>>, %arg5: memref<25600xi32, #tpu.memory_space<vmem>>, %arg6: memref<4x400x64xf32, #tpu.memory_space<vmem>>, %arg7: memref<!tpu.dma_semaphore, #tpu.memory_space<semaphore_mem>>, %arg8: memref<!tpu.dma_semaphore, #tpu.memory_space<semaphore_mem>>, %arg9: memref<!tpu.dma_semaphore, #tpu.memory_space<semaphore_mem>>, %arg10: memref<!tpu.dma_semaphore, #tpu.memory_space<semaphore_mem>>, %arg11: memref<!tpu.dma_semaphore, #tpu.memory_space<semaphore_mem>>, %arg12: memref<!tpu.dma_semaphore, #tpu.memory_space<semaphore_mem>>, %arg13: memref<!tpu.dma_semaphore, #tpu.memory_space<semaphore_mem>>, %arg14: memref<!tpu.dma_semaphore, #tpu.memory_space<semaphore_mem>>) attributes {dimension_semantics = [#tpu.dimension_semantics<core_parallel>, #tpu.dimension_semantics<subcore_parallel>], iteration_bounds = array<i64: 2, 16>, scalar_prefetch = 0 : i64, scratch_operands = 10 : i64, tpu.core_type = #tpu.core_type<sc_vector_subcore>, window_params = [{transform_indices = #map}, {transform_indices = #map1}, {transform_indices = #map2}]} {
    %mul3A = arith.constant 2 : i32
    %mul3A_0 = arith.muli %arg1, %mul3A : i32
    %add3A = arith.addi %mul3A_0, %arg0 : i32
    %mul3A_1 = arith.constant 25600 : i32
    %mul3A_2 = arith.muli %add3A, %mul3A_1 : i32
    %mul3A_3 = arith.constant 512 : i32
    %mul3A_4 = arith.muli %add3A, %mul3A_3 : i32
    "tpu.region"() ({
      %run_scoped3A = tpu.sem_alloc : memref<!tpu.dma_semaphore, #tpu.memory_space<semaphore_mem>>
      %dma_start3A_783 = tpu.memref_slice %arg2[%mul3A_2] : memref<819200xi32, #tpu.memory_space<hbm>> -> memref<25600xi32, #tpu.memory_space<hbm>>
      %dma_start3A_784 = tpu.memref_slice %arg2[%mul3A_2] : memref<819200xi32, #tpu.memory_space<hbm>> -> memref<25600xi32, #tpu.memory_space<hbm>>
      tpu.enqueue_dma source(%dma_start3A_784 : memref<25600xi32, #tpu.memory_space<hbm>>) target(%arg5 : memref<25600xi32, #tpu.memory_space<vmem>>) target_semaphore(%run_scoped3A : memref<!tpu.dma_semaphore, #tpu.memory_space<semaphore_mem>>)
      %dma_wait3A_785 = tpu.memref_slice %arg2[%mul3A_2] : memref<819200xi32, #tpu.memory_space<hbm>> -> memref<25600xi32, #tpu.memory_space<hbm>>
      %dma_wait3A_786 = tpu.memref_slice %arg2[%mul3A_2] : memref<819200xi32, #tpu.memory_space<hbm>> -> memref<25600xi32, #tpu.memory_space<hbm>>
      tpu.wait_dma2 semaphore(%run_scoped3A : memref<!tpu.dma_semaphore, #tpu.memory_space<semaphore_mem>>) src(%dma_wait3A_786 : memref<25600xi32, #tpu.memory_space<hbm>>) dst(%arg5 : memref<25600xi32, #tpu.memory_space<vmem>>)
      tpu.yield
    }) : () -> ()
    %dma_start3A = arith.constant 0 : i32
    %dma_start3A_5 = arith.constant 0 : i32
    %dma_start3A_6 = arith.constant 0 : i32
    %dma_start3A_7 = tpu.memref_slice %arg6[%dma_start3A, %dma_start3A_5, %dma_start3A_6] : memref<4x400x64xf32, #tpu.memory_space<vmem>> -> memref<1x400x64xf32, #tpu.memory_space<vmem>>
    %dma_start3A_8 = tpu.memref_squeeze %dma_start3A_7 : memref<1x400x64xf32, #tpu.memory_space<vmem>> -> memref<400x64xf32, #tpu.memory_space<vmem>>
    %dma_start3A_9 = arith.constant 0 : i32
    %dma_start3A_10 = tpu.memref_slice %arg5[%dma_start3A_9] : memref<25600xi32, #tpu.memory_space<vmem>> -> memref<400xi32, #tpu.memory_space<vmem>>
    %dma_start3A_11 = arith.constant 0 : i32
    %dma_start3A_12 = arith.constant 0 : i32
    %dma_start3A_13 = tpu.memref_slice %arg3[%dma_start3A_11, %dma_start3A_12] : memref<1002x64xf32, #tpu.memory_space<hbm>> -> memref<1002x64xf32, #tpu.memory_space<hbm>>
    tpu.enqueue_indirect_dma source(%dma_start3A_13 : memref<1002x64xf32, #tpu.memory_space<hbm>>) target(%dma_start3A_8 : memref<400x64xf32, #tpu.memory_space<vmem>>) offsets(%dma_start3A_10 : memref<400xi32, #tpu.memory_space<vmem>>) semaphore(%arg7 : memref<!tpu.dma_semaphore, #tpu.memory_space<semaphore_mem>>)
    %dma_start3A_14 = arith.constant 1 : i32
    %dma_start3A_15 = arith.constant 0 : i32
    %dma_start3A_16 = arith.constant 0 : i32
    %dma_start3A_17 = tpu.memref_slice %arg6[%dma_start3A_14, %dma_start3A_15, %dma_start3A_16] : memref<4x400x64xf32, #tpu.memory_space<vmem>> -> memref<1x400x64xf32, #tpu.memory_space<vmem>>
    %dma_start3A_18 = tpu.memref_squeeze %dma_start3A_17 : memref<1x400x64xf32, #tpu.memory_space<vmem>> -> memref<400x64xf32, #tpu.memory_space<vmem>>
    %dma_start3A_19 = arith.constant 400 : i32
    %dma_start3A_20 = tpu.memref_slice %arg5[%dma_start3A_19] : memref<25600xi32, #tpu.memory_space<vmem>> -> memref<400xi32, #tpu.memory_space<vmem>>
    %dma_start3A_21 = arith.constant 0 : i32
    %dma_start3A_22 = arith.constant 0 : i32
    %dma_start3A_23 = tpu.memref_slice %arg3[%dma_start3A_21, %dma_start3A_22] : memref<1002x64xf32, #tpu.memory_space<hbm>> -> memref<1002x64xf32, #tpu.memory_space<hbm>>
    tpu.enqueue_indirect_dma source(%dma_start3A_23 : memref<1002x64xf32, #tpu.memory_space<hbm>>) target(%dma_start3A_18 : memref<400x64xf32, #tpu.memory_space<vmem>>) offsets(%dma_start3A_20 : memref<400xi32, #tpu.memory_space<vmem>>) semaphore(%arg8 : memref<!tpu.dma_semaphore, #tpu.memory_space<semaphore_mem>>)
    %dma_start3A_24 = arith.constant 2 : i32
    %dma_start3A_25 = arith.constant 0 : i32
    %dma_start3A_26 = arith.constant 0 : i32
    %dma_start3A_27 = tpu.memref_slice %arg6[%dma_start3A_24, %dma_start3A_25, %dma_start3A_26] : memref<4x400x64xf32, #tpu.memory_space<vmem>> -> memref<1x400x64xf32, #tpu.memory_space<vmem>>
    %dma_start3A_28 = tpu.memref_squeeze %dma_start3A_27 : memref<1x400x64xf32, #tpu.memory_space<vmem>> -> memref<400x64xf32, #tpu.memory_space<vmem>>
    %dma_start3A_29 = arith.constant 800 : i32
    %dma_start3A_30 = tpu.memref_slice %arg5[%dma_start3A_29] : memref<25600xi32, #tpu.memory_space<vmem>> -> memref<400xi32, #tpu.memory_space<vmem>>
    %dma_start3A_31 = arith.constant 0 : i32
    %dma_start3A_32 = arith.constant 0 : i32
    %dma_start3A_33 = tpu.memref_slice %arg3[%dma_start3A_31, %dma_start3A_32] : memref<1002x64xf32, #tpu.memory_space<hbm>> -> memref<1002x64xf32, #tpu.memory_space<hbm>>
    tpu.enqueue_indirect_dma source(%dma_start3A_33 : memref<1002x64xf32, #tpu.memory_space<hbm>>) target(%dma_start3A_28 : memref<400x64xf32, #tpu.memory_space<vmem>>) offsets(%dma_start3A_30 : memref<400xi32, #tpu.memory_space<vmem>>) semaphore(%arg9 : memref<!tpu.dma_semaphore, #tpu.memory_space<semaphore_mem>>)
    %dma_start3A_34 = arith.constant 3 : i32
    %dma_start3A_35 = arith.constant 0 : i32
    %dma_start3A_36 = arith.constant 0 : i32
    %dma_start3A_37 = tpu.memref_slice %arg6[%dma_start3A_34, %dma_start3A_35, %dma_start3A_36] : memref<4x400x64xf32, #tpu.memory_space<vmem>> -> memref<1x400x64xf32, #tpu.memory_space<vmem>>
    %dma_start3A_38 = tpu.memref_squeeze %dma_start3A_37 : memref<1x400x64xf32, #tpu.memory_space<vmem>> -> memref<400x64xf32, #tpu.memory_space<vmem>>
    %dma_start3A_39 = arith.constant 1200 : i32
    %dma_start3A_40 = tpu.memref_slice %arg5[%dma_start3A_39] : memref<25600xi32, #tpu.memory_space<vmem>> -> memref<400xi32, #tpu.memory_space<vmem>>
    %dma_start3A_41 = arith.constant 0 : i32
    %dma_start3A_42 = arith.constant 0 : i32
    %dma_start3A_43 = tpu.memref_slice %arg3[%dma_start3A_41, %dma_start3A_42] : memref<1002x64xf32, #tpu.memory_space<hbm>> -> memref<1002x64xf32, #tpu.memory_space<hbm>>
    tpu.enqueue_indirect_dma source(%dma_start3A_43 : memref<1002x64xf32, #tpu.memory_space<hbm>>) target(%dma_start3A_38 : memref<400x64xf32, #tpu.memory_space<vmem>>) offsets(%dma_start3A_40 : memref<400xi32, #tpu.memory_space<vmem>>) semaphore(%arg10 : memref<!tpu.dma_semaphore, #tpu.memory_space<semaphore_mem>>)
    %scan3A = arith.constant 0 : i32
    %scan3A_44 = arith.constant 16 : i32
    %scan3A_45 = arith.addi %scan3A, %scan3A_44 : i32
    %scan3A_46 = arith.constant 1 : i32
    scf.for %scan3A_783 = %scan3A to %scan3A_45 step %scan3A_46  : i32 {
      %mul3A_784 = arith.constant 4 : i32
      %mul3A_785 = arith.muli %scan3A_783, %mul3A_784 : i32
      %add3A_786 = arith.constant 0 : i32
      %add3A_787 = arith.addi %add3A_786, %mul3A_785 : i32
      %add3A_788 = arith.constant 0 : i32
      %add3A_789 = arith.addi %add3A_787, %add3A_788 : i32
      %dma_wait3A_790 = arith.constant 0 : i32
      %dma_wait3A_791 = arith.constant 0 : i32
      %dma_wait3A_792 = arith.constant 0 : i32
      %dma_wait3A_793 = tpu.memref_slice %arg6[%dma_wait3A_790, %dma_wait3A_791, %dma_wait3A_792] : memref<4x400x64xf32, #tpu.memory_space<vmem>> -> memref<1x400x64xf32, #tpu.memory_space<vmem>>
      %dma_wait3A_794 = tpu.memref_squeeze %dma_wait3A_793 : memref<1x400x64xf32, #tpu.memory_space<vmem>> -> memref<400x64xf32, #tpu.memory_space<vmem>>
      %dma_wait3A_795 = arith.constant 0 : i32
      %dma_wait3A_796 = tpu.memref_slice %arg5[%dma_wait3A_795] : memref<25600xi32, #tpu.memory_space<vmem>> -> memref<400xi32, #tpu.memory_space<vmem>>
      %dma_wait3A_797 = arith.constant 0 : i32
      %dma_wait3A_798 = arith.constant 0 : i32
      %dma_wait3A_799 = tpu.memref_slice %arg3[%dma_wait3A_797, %dma_wait3A_798] : memref<1002x64xf32, #tpu.memory_space<hbm>> -> memref<1002x64xf32, #tpu.memory_space<hbm>>
      tpu.wait_indirect_dma semaphore(%arg7 : memref<!tpu.dma_semaphore, #tpu.memory_space<semaphore_mem>>) src(%dma_wait3A_799 : memref<1002x64xf32, #tpu.memory_space<hbm>>) dst(%dma_wait3A_794 : memref<400x64xf32, #tpu.memory_space<vmem>>)
      %mul3A_800 = arith.constant 8 : i32
      %mul3A_801 = arith.muli %add3A_789, %mul3A_800 : i32
      %add3A_802 = arith.addi %mul3A_4, %mul3A_801 : i32
      %add3A_803 = arith.constant 0 : i32
      %add3A_804 = arith.addi %add3A_802, %add3A_803 : i32
      %dma_start3A_805 = arith.constant 0 : i32
      %dma_start3A_806 = arith.constant 0 : i32
      %dma_start3A_807 = arith.constant 0 : i32
      %dma_start3A_808 = tpu.memref_slice %arg6[%dma_start3A_805, %dma_start3A_806, %dma_start3A_807] : memref<4x400x64xf32, #tpu.memory_space<vmem>> -> memref<1x400x64xf32, #tpu.memory_space<vmem>>
      %dma_start3A_809 = tpu.memref_squeeze %dma_start3A_808 : memref<1x400x64xf32, #tpu.memory_space<vmem>> -> memref<400x64xf32, #tpu.memory_space<vmem>>
      %dma_start3A_810 = arith.constant 0 : i32
      %dma_start3A_811 = arith.constant 0 : i32
      %dma_start3A_812 = tpu.memref_slice %dma_start3A_809[%dma_start3A_810, %dma_start3A_811] : memref<400x64xf32, #tpu.memory_space<vmem>> -> memref<50x64xf32, #tpu.memory_space<vmem>>
      %dma_start3A_813 = arith.constant 0 : i32
      %dma_start3A_814 = arith.constant 0 : i32
      %dma_start3A_815 = tpu.memref_slice %arg4[%add3A_804, %dma_start3A_813, %dma_start3A_814] : memref<16384x50x64xf32, #tpu.memory_space<hbm>> -> memref<1x50x64xf32, #tpu.memory_space<hbm>>
      %dma_start3A_816 = tpu.memref_squeeze %dma_start3A_815 : memref<1x50x64xf32, #tpu.memory_space<hbm>> -> memref<50x64xf32, #tpu.memory_space<hbm>>
      %dma_start3A_817 = arith.constant 0 : i32
      %dma_start3A_818 = arith.constant 0 : i32
      %dma_start3A_819 = tpu.memref_slice %arg4[%add3A_804, %dma_start3A_817, %dma_start3A_818] : memref<16384x50x64xf32, #tpu.memory_space<hbm>> -> memref<1x50x64xf32, #tpu.memory_space<hbm>>
      %dma_start3A_820 = tpu.memref_squeeze %dma_start3A_819 : memref<1x50x64xf32, #tpu.memory_space<hbm>> -> memref<50x64xf32, #tpu.memory_space<hbm>>
      %dma_start3A_821 = arith.constant 0 : i32
      %dma_start3A_822 = arith.constant 0 : i32
      %dma_start3A_823 = tpu.memref_slice %arg6[%dma_start3A_805, %dma_start3A_821, %dma_start3A_822] : memref<4x400x64xf32, #tpu.memory_space<vmem>> -> memref<1x400x64xf32, #tpu.memory_space<vmem>>
      %dma_start3A_824 = tpu.memref_squeeze %dma_start3A_823 : memref<1x400x64xf32, #tpu.memory_space<vmem>> -> memref<400x64xf32, #tpu.memory_space<vmem>>
      %dma_start3A_825 = arith.constant 0 : i32
      %dma_start3A_826 = arith.constant 0 : i32
      %dma_start3A_827 = tpu.memref_slice %dma_start3A_824[%dma_start3A_825, %dma_start3A_826] : memref<400x64xf32, #tpu.memory_space<vmem>> -> memref<50x64xf32, #tpu.memory_space<vmem>>
      tpu.enqueue_dma source(%dma_start3A_827 : memref<50x64xf32, #tpu.memory_space<vmem>>) target(%dma_start3A_820 : memref<50x64xf32, #tpu.memory_space<hbm>>) target_semaphore(%arg11 : memref<!tpu.dma_semaphore, #tpu.memory_space<semaphore_mem>>)
      %mul3A_828 = arith.constant 8 : i32
      %mul3A_829 = arith.muli %add3A_789, %mul3A_828 : i32
      %add3A_830 = arith.addi %mul3A_4, %mul3A_829 : i32
      %add3A_831 = arith.constant 1 : i32
      %add3A_832 = arith.addi %add3A_830, %add3A_831 : i32
      %dma_start3A_833 = arith.constant 0 : i32
      %dma_start3A_834 = arith.constant 0 : i32
      %dma_start3A_835 = arith.constant 0 : i32
      %dma_start3A_836 = tpu.memref_slice %arg6[%dma_start3A_833, %dma_start3A_834, %dma_start3A_835] : memref<4x400x64xf32, #tpu.memory_space<vmem>> -> memref<1x400x64xf32, #tpu.memory_space<vmem>>
      %dma_start3A_837 = tpu.memref_squeeze %dma_start3A_836 : memref<1x400x64xf32, #tpu.memory_space<vmem>> -> memref<400x64xf32, #tpu.memory_space<vmem>>
      %dma_start3A_838 = arith.constant 50 : i32
      %dma_start3A_839 = arith.constant 0 : i32
      %dma_start3A_840 = tpu.memref_slice %dma_start3A_837[%dma_start3A_838, %dma_start3A_839] : memref<400x64xf32, #tpu.memory_space<vmem>> -> memref<50x64xf32, #tpu.memory_space<vmem>>
      %dma_start3A_841 = arith.constant 0 : i32
      %dma_start3A_842 = arith.constant 0 : i32
      %dma_start3A_843 = tpu.memref_slice %arg4[%add3A_832, %dma_start3A_841, %dma_start3A_842] : memref<16384x50x64xf32, #tpu.memory_space<hbm>> -> memref<1x50x64xf32, #tpu.memory_space<hbm>>
      %dma_start3A_844 = tpu.memref_squeeze %dma_start3A_843 : memref<1x50x64xf32, #tpu.memory_space<hbm>> -> memref<50x64xf32, #tpu.memory_space<hbm>>
      %dma_start3A_845 = arith.constant 0 : i32
      %dma_start3A_846 = arith.constant 0 : i32
      %dma_start3A_847 = tpu.memref_slice %arg4[%add3A_832, %dma_start3A_845, %dma_start3A_846] : memref<16384x50x64xf32, #tpu.memory_space<hbm>> -> memref<1x50x64xf32, #tpu.memory_space<hbm>>
      %dma_start3A_848 = tpu.memref_squeeze %dma_start3A_847 : memref<1x50x64xf32, #tpu.memory_space<hbm>> -> memref<50x64xf32, #tpu.memory_space<hbm>>
      %dma_start3A_849 = arith.constant 0 : i32
      %dma_start3A_850 = arith.constant 0 : i32
      %dma_start3A_851 = tpu.memref_slice %arg6[%dma_start3A_833, %dma_start3A_849, %dma_start3A_850] : memref<4x400x64xf32, #tpu.memory_space<vmem>> -> memref<1x400x64xf32, #tpu.memory_space<vmem>>
      %dma_start3A_852 = tpu.memref_squeeze %dma_start3A_851 : memref<1x400x64xf32, #tpu.memory_space<vmem>> -> memref<400x64xf32, #tpu.memory_space<vmem>>
      %dma_start3A_853 = arith.constant 50 : i32
      %dma_start3A_854 = arith.constant 0 : i32
      %dma_start3A_855 = tpu.memref_slice %dma_start3A_852[%dma_start3A_853, %dma_start3A_854] : memref<400x64xf32, #tpu.memory_space<vmem>> -> memref<50x64xf32, #tpu.memory_space<vmem>>
      tpu.enqueue_dma source(%dma_start3A_855 : memref<50x64xf32, #tpu.memory_space<vmem>>) target(%dma_start3A_848 : memref<50x64xf32, #tpu.memory_space<hbm>>) target_semaphore(%arg11 : memref<!tpu.dma_semaphore, #tpu.memory_space<semaphore_mem>>)
      %mul3A_856 = arith.constant 8 : i32
      %mul3A_857 = arith.muli %add3A_789, %mul3A_856 : i32
      %add3A_858 = arith.addi %mul3A_4, %mul3A_857 : i32
      %add3A_859 = arith.constant 2 : i32
      %add3A_860 = arith.addi %add3A_858, %add3A_859 : i32
      %dma_start3A_861 = arith.constant 0 : i32
      %dma_start3A_862 = arith.constant 0 : i32
      %dma_start3A_863 = arith.constant 0 : i32
      %dma_start3A_864 = tpu.memref_slice %arg6[%dma_start3A_861, %dma_start3A_862, %dma_start3A_863] : memref<4x400x64xf32, #tpu.memory_space<vmem>> -> memref<1x400x64xf32, #tpu.memory_space<vmem>>
      %dma_start3A_865 = tpu.memref_squeeze %dma_start3A_864 : memref<1x400x64xf32, #tpu.memory_space<vmem>> -> memref<400x64xf32, #tpu.memory_space<vmem>>
      %dma_start3A_866 = arith.constant 100 : i32
      %dma_start3A_867 = arith.constant 0 : i32
      %dma_start3A_868 = tpu.memref_slice %dma_start3A_865[%dma_start3A_866, %dma_start3A_867] : memref<400x64xf32, #tpu.memory_space<vmem>> -> memref<50x64xf32, #tpu.memory_space<vmem>>
      %dma_start3A_869 = arith.constant 0 : i32
      %dma_start3A_870 = arith.constant 0 : i32
      %dma_start3A_871 = tpu.memref_slice %arg4[%add3A_860, %dma_start3A_869, %dma_start3A_870] : memref<16384x50x64xf32, #tpu.memory_space<hbm>> -> memref<1x50x64xf32, #tpu.memory_space<hbm>>
      %dma_start3A_872 = tpu.memref_squeeze %dma_start3A_871 : memref<1x50x64xf32, #tpu.memory_space<hbm>> -> memref<50x64xf32, #tpu.memory_space<hbm>>
      %dma_start3A_873 = arith.constant 0 : i32
      %dma_start3A_874 = arith.constant 0 : i32
      %dma_start3A_875 = tpu.memref_slice %arg4[%add3A_860, %dma_start3A_873, %dma_start3A_874] : memref<16384x50x64xf32, #tpu.memory_space<hbm>> -> memref<1x50x64xf32, #tpu.memory_space<hbm>>
      %dma_start3A_876 = tpu.memref_squeeze %dma_start3A_875 : memref<1x50x64xf32, #tpu.memory_space<hbm>> -> memref<50x64xf32, #tpu.memory_space<hbm>>
      %dma_start3A_877 = arith.constant 0 : i32
      %dma_start3A_878 = arith.constant 0 : i32
      %dma_start3A_879 = tpu.memref_slice %arg6[%dma_start3A_861, %dma_start3A_877, %dma_start3A_878] : memref<4x400x64xf32, #tpu.memory_space<vmem>> -> memref<1x400x64xf32, #tpu.memory_space<vmem>>
      %dma_start3A_880 = tpu.memref_squeeze %dma_start3A_879 : memref<1x400x64xf32, #tpu.memory_space<vmem>> -> memref<400x64xf32, #tpu.memory_space<vmem>>
      %dma_start3A_881 = arith.constant 100 : i32
      %dma_start3A_882 = arith.constant 0 : i32
      %dma_start3A_883 = tpu.memref_slice %dma_start3A_880[%dma_start3A_881, %dma_start3A_882] : memref<400x64xf32, #tpu.memory_space<vmem>> -> memref<50x64xf32, #tpu.memory_space<vmem>>
      tpu.enqueue_dma source(%dma_start3A_883 : memref<50x64xf32, #tpu.memory_space<vmem>>) target(%dma_start3A_876 : memref<50x64xf32, #tpu.memory_space<hbm>>) target_semaphore(%arg11 : memref<!tpu.dma_semaphore, #tpu.memory_space<semaphore_mem>>)
      %mul3A_884 = arith.constant 8 : i32
      %mul3A_885 = arith.muli %add3A_789, %mul3A_884 : i32
      %add3A_886 = arith.addi %mul3A_4, %mul3A_885 : i32
      %add3A_887 = arith.constant 3 : i32
      %add3A_888 = arith.addi %add3A_886, %add3A_887 : i32
      %dma_start3A_889 = arith.constant 0 : i32
      %dma_start3A_890 = arith.constant 0 : i32
      %dma_start3A_891 = arith.constant 0 : i32
      %dma_start3A_892 = tpu.memref_slice %arg6[%dma_start3A_889, %dma_start3A_890, %dma_start3A_891] : memref<4x400x64xf32, #tpu.memory_space<vmem>> -> memref<1x400x64xf32, #tpu.memory_space<vmem>>
      %dma_start3A_893 = tpu.memref_squeeze %dma_start3A_892 : memref<1x400x64xf32, #tpu.memory_space<vmem>> -> memref<400x64xf32, #tpu.memory_space<vmem>>
      %dma_start3A_894 = arith.constant 150 : i32
      %dma_start3A_895 = arith.constant 0 : i32
      %dma_start3A_896 = tpu.memref_slice %dma_start3A_893[%dma_start3A_894, %dma_start3A_895] : memref<400x64xf32, #tpu.memory_space<vmem>> -> memref<50x64xf32, #tpu.memory_space<vmem>>
      %dma_start3A_897 = arith.constant 0 : i32
      %dma_start3A_898 = arith.constant 0 : i32
      %dma_start3A_899 = tpu.memref_slice %arg4[%add3A_888, %dma_start3A_897, %dma_start3A_898] : memref<16384x50x64xf32, #tpu.memory_space<hbm>> -> memref<1x50x64xf32, #tpu.memory_space<hbm>>
      %dma_start3A_900 = tpu.memref_squeeze %dma_start3A_899 : memref<1x50x64xf32, #tpu.memory_space<hbm>> -> memref<50x64xf32, #tpu.memory_space<hbm>>
      %dma_start3A_901 = arith.constant 0 : i32
      %dma_start3A_902 = arith.constant 0 : i32
      %dma_start3A_903 = tpu.memref_slice %arg4[%add3A_888, %dma_start3A_901, %dma_start3A_902] : memref<16384x50x64xf32, #tpu.memory_space<hbm>> -> memref<1x50x64xf32, #tpu.memory_space<hbm>>
      %dma_start3A_904 = tpu.memref_squeeze %dma_start3A_903 : memref<1x50x64xf32, #tpu.memory_space<hbm>> -> memref<50x64xf32, #tpu.memory_space<hbm>>
      %dma_start3A_905 = arith.constant 0 : i32
      %dma_start3A_906 = arith.constant 0 : i32
      %dma_start3A_907 = tpu.memref_slice %arg6[%dma_start3A_889, %dma_start3A_905, %dma_start3A_906] : memref<4x400x64xf32, #tpu.memory_space<vmem>> -> memref<1x400x64xf32, #tpu.memory_space<vmem>>
      %dma_start3A_908 = tpu.memref_squeeze %dma_start3A_907 : memref<1x400x64xf32, #tpu.memory_space<vmem>> -> memref<400x64xf32, #tpu.memory_space<vmem>>
      %dma_start3A_909 = arith.constant 150 : i32
      %dma_start3A_910 = arith.constant 0 : i32
      %dma_start3A_911 = tpu.memref_slice %dma_start3A_908[%dma_start3A_909, %dma_start3A_910] : memref<400x64xf32, #tpu.memory_space<vmem>> -> memref<50x64xf32, #tpu.memory_space<vmem>>
      tpu.enqueue_dma source(%dma_start3A_911 : memref<50x64xf32, #tpu.memory_space<vmem>>) target(%dma_start3A_904 : memref<50x64xf32, #tpu.memory_space<hbm>>) target_semaphore(%arg11 : memref<!tpu.dma_semaphore, #tpu.memory_space<semaphore_mem>>)
      %mul3A_912 = arith.constant 8 : i32
      %mul3A_913 = arith.muli %add3A_789, %mul3A_912 : i32
      %add3A_914 = arith.addi %mul3A_4, %mul3A_913 : i32
      %add3A_915 = arith.constant 4 : i32
      %add3A_916 = arith.addi %add3A_914, %add3A_915 : i32
      %dma_start3A_917 = arith.constant 0 : i32
      %dma_start3A_918 = arith.constant 0 : i32
      %dma_start3A_919 = arith.constant 0 : i32
      %dma_start3A_920 = tpu.memref_slice %arg6[%dma_start3A_917, %dma_start3A_918, %dma_start3A_919] : memref<4x400x64xf32, #tpu.memory_space<vmem>> -> memref<1x400x64xf32, #tpu.memory_space<vmem>>
      %dma_start3A_921 = tpu.memref_squeeze %dma_start3A_920 : memref<1x400x64xf32, #tpu.memory_space<vmem>> -> memref<400x64xf32, #tpu.memory_space<vmem>>
      %dma_start3A_922 = arith.constant 200 : i32
      %dma_start3A_923 = arith.constant 0 : i32
      %dma_start3A_924 = tpu.memref_slice %dma_start3A_921[%dma_start3A_922, %dma_start3A_923] : memref<400x64xf32, #tpu.memory_space<vmem>> -> memref<50x64xf32, #tpu.memory_space<vmem>>
      %dma_start3A_925 = arith.constant 0 : i32
      %dma_start3A_926 = arith.constant 0 : i32
      %dma_start3A_927 = tpu.memref_slice %arg4[%add3A_916, %dma_start3A_925, %dma_start3A_926] : memref<16384x50x64xf32, #tpu.memory_space<hbm>> -> memref<1x50x64xf32, #tpu.memory_space<hbm>>
      %dma_start3A_928 = tpu.memref_squeeze %dma_start3A_927 : memref<1x50x64xf32, #tpu.memory_space<hbm>> -> memref<50x64xf32, #tpu.memory_space<hbm>>
      %dma_start3A_929 = arith.constant 0 : i32
      %dma_start3A_930 = arith.constant 0 : i32
      %dma_start3A_931 = tpu.memref_slice %arg4[%add3A_916, %dma_start3A_929, %dma_start3A_930] : memref<16384x50x64xf32, #tpu.memory_space<hbm>> -> memref<1x50x64xf32, #tpu.memory_space<hbm>>
      %dma_start3A_932 = tpu.memref_squeeze %dma_start3A_931 : memref<1x50x64xf32, #tpu.memory_space<hbm>> -> memref<50x64xf32, #tpu.memory_space<hbm>>
      %dma_start3A_933 = arith.constant 0 : i32
      %dma_start3A_934 = arith.constant 0 : i32
      %dma_start3A_935 = tpu.memref_slice %arg6[%dma_start3A_917, %dma_start3A_933, %dma_start3A_934] : memref<4x400x64xf32, #tpu.memory_space<vmem>> -> memref<1x400x64xf32, #tpu.memory_space<vmem>>
      %dma_start3A_936 = tpu.memref_squeeze %dma_start3A_935 : memref<1x400x64xf32, #tpu.memory_space<vmem>> -> memref<400x64xf32, #tpu.memory_space<vmem>>
      %dma_start3A_937 = arith.constant 200 : i32
      %dma_start3A_938 = arith.constant 0 : i32
      %dma_start3A_939 = tpu.memref_slice %dma_start3A_936[%dma_start3A_937, %dma_start3A_938] : memref<400x64xf32, #tpu.memory_space<vmem>> -> memref<50x64xf32, #tpu.memory_space<vmem>>
      tpu.enqueue_dma source(%dma_start3A_939 : memref<50x64xf32, #tpu.memory_space<vmem>>) target(%dma_start3A_932 : memref<50x64xf32, #tpu.memory_space<hbm>>) target_semaphore(%arg11 : memref<!tpu.dma_semaphore, #tpu.memory_space<semaphore_mem>>)
      %mul3A_940 = arith.constant 8 : i32
      %mul3A_941 = arith.muli %add3A_789, %mul3A_940 : i32
      %add3A_942 = arith.addi %mul3A_4, %mul3A_941 : i32
      %add3A_943 = arith.constant 5 : i32
      %add3A_944 = arith.addi %add3A_942, %add3A_943 : i32
      %dma_start3A_945 = arith.constant 0 : i32
      %dma_start3A_946 = arith.constant 0 : i32
      %dma_start3A_947 = arith.constant 0 : i32
      %dma_start3A_948 = tpu.memref_slice %arg6[%dma_start3A_945, %dma_start3A_946, %dma_start3A_947] : memref<4x400x64xf32, #tpu.memory_space<vmem>> -> memref<1x400x64xf32, #tpu.memory_space<vmem>>
      %dma_start3A_949 = tpu.memref_squeeze %dma_start3A_948 : memref<1x400x64xf32, #tpu.memory_space<vmem>> -> memref<400x64xf32, #tpu.memory_space<vmem>>
      %dma_start3A_950 = arith.constant 250 : i32
      %dma_start3A_951 = arith.constant 0 : i32
      %dma_start3A_952 = tpu.memref_slice %dma_start3A_949[%dma_start3A_950, %dma_start3A_951] : memref<400x64xf32, #tpu.memory_space<vmem>> -> memref<50x64xf32, #tpu.memory_space<vmem>>
      %dma_start3A_953 = arith.constant 0 : i32
      %dma_start3A_954 = arith.constant 0 : i32
      %dma_start3A_955 = tpu.memref_slice %arg4[%add3A_944, %dma_start3A_953, %dma_start3A_954] : memref<16384x50x64xf32, #tpu.memory_space<hbm>> -> memref<1x50x64xf32, #tpu.memory_space<hbm>>
      %dma_start3A_956 = tpu.memref_squeeze %dma_start3A_955 : memref<1x50x64xf32, #tpu.memory_space<hbm>> -> memref<50x64xf32, #tpu.memory_space<hbm>>
      %dma_start3A_957 = arith.constant 0 : i32
      %dma_start3A_958 = arith.constant 0 : i32
      %dma_start3A_959 = tpu.memref_slice %arg4[%add3A_944, %dma_start3A_957, %dma_start3A_958] : memref<16384x50x64xf32, #tpu.memory_space<hbm>> -> memref<1x50x64xf32, #tpu.memory_space<hbm>>
      %dma_start3A_960 = tpu.memref_squeeze %dma_start3A_959 : memref<1x50x64xf32, #tpu.memory_space<hbm>> -> memref<50x64xf32, #tpu.memory_space<hbm>>
      %dma_start3A_961 = arith.constant 0 : i32
      %dma_start3A_962 = arith.constant 0 : i32
      %dma_start3A_963 = tpu.memref_slice %arg6[%dma_start3A_945, %dma_start3A_961, %dma_start3A_962] : memref<4x400x64xf32, #tpu.memory_space<vmem>> -> memref<1x400x64xf32, #tpu.memory_space<vmem>>
      %dma_start3A_964 = tpu.memref_squeeze %dma_start3A_963 : memref<1x400x64xf32, #tpu.memory_space<vmem>> -> memref<400x64xf32, #tpu.memory_space<vmem>>
      %dma_start3A_965 = arith.constant 250 : i32
      %dma_start3A_966 = arith.constant 0 : i32
      %dma_start3A_967 = tpu.memref_slice %dma_start3A_964[%dma_start3A_965, %dma_start3A_966] : memref<400x64xf32, #tpu.memory_space<vmem>> -> memref<50x64xf32, #tpu.memory_space<vmem>>
      tpu.enqueue_dma source(%dma_start3A_967 : memref<50x64xf32, #tpu.memory_space<vmem>>) target(%dma_start3A_960 : memref<50x64xf32, #tpu.memory_space<hbm>>) target_semaphore(%arg11 : memref<!tpu.dma_semaphore, #tpu.memory_space<semaphore_mem>>)
      %mul3A_968 = arith.constant 8 : i32
      %mul3A_969 = arith.muli %add3A_789, %mul3A_968 : i32
      %add3A_970 = arith.addi %mul3A_4, %mul3A_969 : i32
      %add3A_971 = arith.constant 6 : i32
      %add3A_972 = arith.addi %add3A_970, %add3A_971 : i32
      %dma_start3A_973 = arith.constant 0 : i32
      %dma_start3A_974 = arith.constant 0 : i32
      %dma_start3A_975 = arith.constant 0 : i32
      %dma_start3A_976 = tpu.memref_slice %arg6[%dma_start3A_973, %dma_start3A_974, %dma_start3A_975] : memref<4x400x64xf32, #tpu.memory_space<vmem>> -> memref<1x400x64xf32, #tpu.memory_space<vmem>>
      %dma_start3A_977 = tpu.memref_squeeze %dma_start3A_976 : memref<1x400x64xf32, #tpu.memory_space<vmem>> -> memref<400x64xf32, #tpu.memory_space<vmem>>
      %dma_start3A_978 = arith.constant 300 : i32
      %dma_start3A_979 = arith.constant 0 : i32
      %dma_start3A_980 = tpu.memref_slice %dma_start3A_977[%dma_start3A_978, %dma_start3A_979] : memref<400x64xf32, #tpu.memory_space<vmem>> -> memref<50x64xf32, #tpu.memory_space<vmem>>
      %dma_start3A_981 = arith.constant 0 : i32
      %dma_start3A_982 = arith.constant 0 : i32
      %dma_start3A_983 = tpu.memref_slice %arg4[%add3A_972, %dma_start3A_981, %dma_start3A_982] : memref<16384x50x64xf32, #tpu.memory_space<hbm>> -> memref<1x50x64xf32, #tpu.memory_space<hbm>>
      %dma_start3A_984 = tpu.memref_squeeze %dma_start3A_983 : memref<1x50x64xf32, #tpu.memory_space<hbm>> -> memref<50x64xf32, #tpu.memory_space<hbm>>
      %dma_start3A_985 = arith.constant 0 : i32
      %dma_start3A_986 = arith.constant 0 : i32
      %dma_start3A_987 = tpu.memref_slice %arg4[%add3A_972, %dma_start3A_985, %dma_start3A_986] : memref<16384x50x64xf32, #tpu.memory_space<hbm>> -> memref<1x50x64xf32, #tpu.memory_space<hbm>>
      %dma_start3A_988 = tpu.memref_squeeze %dma_start3A_987 : memref<1x50x64xf32, #tpu.memory_space<hbm>> -> memref<50x64xf32, #tpu.memory_space<hbm>>
      %dma_start3A_989 = arith.constant 0 : i32
      %dma_start3A_990 = arith.constant 0 : i32
      %dma_start3A_991 = tpu.memref_slice %arg6[%dma_start3A_973, %dma_start3A_989, %dma_start3A_990] : memref<4x400x64xf32, #tpu.memory_space<vmem>> -> memref<1x400x64xf32, #tpu.memory_space<vmem>>
      %dma_start3A_992 = tpu.memref_squeeze %dma_start3A_991 : memref<1x400x64xf32, #tpu.memory_space<vmem>> -> memref<400x64xf32, #tpu.memory_space<vmem>>
      %dma_start3A_993 = arith.constant 300 : i32
      %dma_start3A_994 = arith.constant 0 : i32
      %dma_start3A_995 = tpu.memref_slice %dma_start3A_992[%dma_start3A_993, %dma_start3A_994] : memref<400x64xf32, #tpu.memory_space<vmem>> -> memref<50x64xf32, #tpu.memory_space<vmem>>
      tpu.enqueue_dma source(%dma_start3A_995 : memref<50x64xf32, #tpu.memory_space<vmem>>) target(%dma_start3A_988 : memref<50x64xf32, #tpu.memory_space<hbm>>) target_semaphore(%arg11 : memref<!tpu.dma_semaphore, #tpu.memory_space<semaphore_mem>>)
      %mul3A_996 = arith.constant 8 : i32
      %mul3A_997 = arith.muli %add3A_789, %mul3A_996 : i32
      %add3A_998 = arith.addi %mul3A_4, %mul3A_997 : i32
      %add3A_999 = arith.constant 7 : i32
      %add3A_1000 = arith.addi %add3A_998, %add3A_999 : i32
      %dma_start3A_1001 = arith.constant 0 : i32
      %dma_start3A_1002 = arith.constant 0 : i32
      %dma_start3A_1003 = arith.constant 0 : i32
      %dma_start3A_1004 = tpu.memref_slice %arg6[%dma_start3A_1001, %dma_start3A_1002, %dma_start3A_1003] : memref<4x400x64xf32, #tpu.memory_space<vmem>> -> memref<1x400x64xf32, #tpu.memory_space<vmem>>
      %dma_start3A_1005 = tpu.memref_squeeze %dma_start3A_1004 : memref<1x400x64xf32, #tpu.memory_space<vmem>> -> memref<400x64xf32, #tpu.memory_space<vmem>>
      %dma_start3A_1006 = arith.constant 350 : i32
      %dma_start3A_1007 = arith.constant 0 : i32
      %dma_start3A_1008 = tpu.memref_slice %dma_start3A_1005[%dma_start3A_1006, %dma_start3A_1007] : memref<400x64xf32, #tpu.memory_space<vmem>> -> memref<50x64xf32, #tpu.memory_space<vmem>>
      %dma_start3A_1009 = arith.constant 0 : i32
      %dma_start3A_1010 = arith.constant 0 : i32
      %dma_start3A_1011 = tpu.memref_slice %arg4[%add3A_1000, %dma_start3A_1009, %dma_start3A_1010] : memref<16384x50x64xf32, #tpu.memory_space<hbm>> -> memref<1x50x64xf32, #tpu.memory_space<hbm>>
      %dma_start3A_1012 = tpu.memref_squeeze %dma_start3A_1011 : memref<1x50x64xf32, #tpu.memory_space<hbm>> -> memref<50x64xf32, #tpu.memory_space<hbm>>
      %dma_start3A_1013 = arith.constant 0 : i32
      %dma_start3A_1014 = arith.constant 0 : i32
      %dma_start3A_1015 = tpu.memref_slice %arg4[%add3A_1000, %dma_start3A_1013, %dma_start3A_1014] : memref<16384x50x64xf32, #tpu.memory_space<hbm>> -> memref<1x50x64xf32, #tpu.memory_space<hbm>>
      %dma_start3A_1016 = tpu.memref_squeeze %dma_start3A_1015 : memref<1x50x64xf32, #tpu.memory_space<hbm>> -> memref<50x64xf32, #tpu.memory_space<hbm>>
      %dma_start3A_1017 = arith.constant 0 : i32
      %dma_start3A_1018 = arith.constant 0 : i32
      %dma_start3A_1019 = tpu.memref_slice %arg6[%dma_start3A_1001, %dma_start3A_1017, %dma_start3A_1018] : memref<4x400x64xf32, #tpu.memory_space<vmem>> -> memref<1x400x64xf32, #tpu.memory_space<vmem>>
      %dma_start3A_1020 = tpu.memref_squeeze %dma_start3A_1019 : memref<1x400x64xf32, #tpu.memory_space<vmem>> -> memref<400x64xf32, #tpu.memory_space<vmem>>
      %dma_start3A_1021 = arith.constant 350 : i32
      %dma_start3A_1022 = arith.constant 0 : i32
      %dma_start3A_1023 = tpu.memref_slice %dma_start3A_1020[%dma_start3A_1021, %dma_start3A_1022] : memref<400x64xf32, #tpu.memory_space<vmem>> -> memref<50x64xf32, #tpu.memory_space<vmem>>
      tpu.enqueue_dma source(%dma_start3A_1023 : memref<50x64xf32, #tpu.memory_space<vmem>>) target(%dma_start3A_1016 : memref<50x64xf32, #tpu.memory_space<hbm>>) target_semaphore(%arg11 : memref<!tpu.dma_semaphore, #tpu.memory_space<semaphore_mem>>)
      %sub3A = arith.constant 1 : i32
      %sub3A_1024 = arith.subi %add3A_789, %sub3A : i32
      %add3A_1025 = arith.constant 4 : i32
      %add3A_1026 = arith.addi %sub3A_1024, %add3A_1025 : i32
      %ge3A = arith.constant 1 : i32
      %ge3A_1027 = arith.cmpi sge, %add3A_789, %ge3A : i32
      %lt3A = arith.constant 64 : i32
      %lt3A_1028 = arith.cmpi slt, %add3A_1026, %lt3A : i32
      %and3A = arith.andi %ge3A_1027, %lt3A_1028 : i1
      %convert_element_type3A = arith.extui %and3A : i1 to i32
      %cond3A = arith.constant 0 : i32
      %cond3A_1029 = arith.cmpi ne, %convert_element_type3A, %cond3A : i32
      scf.if %cond3A_1029 {
        %dma_wait3A_1774 = arith.constant 3 : i32
        %dma_wait3A_1775 = arith.constant 0 : i32
        %dma_wait3A_1776 = arith.constant 0 : i32
        %dma_wait3A_1777 = tpu.memref_slice %arg6[%dma_wait3A_1774, %dma_wait3A_1775, %dma_wait3A_1776] : memref<4x400x64xf32, #tpu.memory_space<vmem>> -> memref<1x400x64xf32, #tpu.memory_space<vmem>>
        %dma_wait3A_1778 = tpu.memref_squeeze %dma_wait3A_1777 : memref<1x400x64xf32, #tpu.memory_space<vmem>> -> memref<400x64xf32, #tpu.memory_space<vmem>>
        %dma_wait3A_1779 = arith.constant 0 : i32
        %dma_wait3A_1780 = arith.constant 0 : i32
        %dma_wait3A_1781 = tpu.memref_slice %dma_wait3A_1778[%dma_wait3A_1779, %dma_wait3A_1780] : memref<400x64xf32, #tpu.memory_space<vmem>> -> memref<50x64xf32, #tpu.memory_space<vmem>>
        %dma_wait3A_1782 = arith.constant 0 : i32
        %dma_wait3A_1783 = arith.constant 0 : i32
        %dma_wait3A_1784 = tpu.memref_slice %arg4[%mul3A_4, %dma_wait3A_1782, %dma_wait3A_1783] : memref<16384x50x64xf32, #tpu.memory_space<hbm>> -> memref<1x50x64xf32, #tpu.memory_space<hbm>>
        %dma_wait3A_1785 = tpu.memref_squeeze %dma_wait3A_1784 : memref<1x50x64xf32, #tpu.memory_space<hbm>> -> memref<50x64xf32, #tpu.memory_space<hbm>>
        %dma_wait3A_1786 = arith.constant 0 : i32
        %dma_wait3A_1787 = arith.constant 0 : i32
        %dma_wait3A_1788 = tpu.memref_slice %arg4[%mul3A_4, %dma_wait3A_1786, %dma_wait3A_1787] : memref<16384x50x64xf32, #tpu.memory_space<hbm>> -> memref<1x50x64xf32, #tpu.memory_space<hbm>>
        %dma_wait3A_1789 = tpu.memref_squeeze %dma_wait3A_1788 : memref<1x50x64xf32, #tpu.memory_space<hbm>> -> memref<50x64xf32, #tpu.memory_space<hbm>>
        %dma_wait3A_1790 = arith.constant 0 : i32
        %dma_wait3A_1791 = arith.constant 0 : i32
        %dma_wait3A_1792 = tpu.memref_slice %arg6[%dma_wait3A_1774, %dma_wait3A_1790, %dma_wait3A_1791] : memref<4x400x64xf32, #tpu.memory_space<vmem>> -> memref<1x400x64xf32, #tpu.memory_space<vmem>>
        %dma_wait3A_1793 = tpu.memref_squeeze %dma_wait3A_1792 : memref<1x400x64xf32, #tpu.memory_space<vmem>> -> memref<400x64xf32, #tpu.memory_space<vmem>>
        %dma_wait3A_1794 = arith.constant 0 : i32
        %dma_wait3A_1795 = arith.constant 0 : i32
        %dma_wait3A_1796 = tpu.memref_slice %dma_wait3A_1793[%dma_wait3A_1794, %dma_wait3A_1795] : memref<400x64xf32, #tpu.memory_space<vmem>> -> memref<50x64xf32, #tpu.memory_space<vmem>>
        tpu.wait_dma2 semaphore(%arg14 : memref<!tpu.dma_semaphore, #tpu.memory_space<semaphore_mem>>) src(%dma_wait3A_1796 : memref<50x64xf32, #tpu.memory_space<vmem>>) dst(%dma_wait3A_1789 : memref<50x64xf32, #tpu.memory_space<hbm>>)
        %dma_wait3A_1797 = arith.constant 3 : i32
        %dma_wait3A_1798 = arith.constant 0 : i32
        %dma_wait3A_1799 = arith.constant 0 : i32
        %dma_wait3A_1800 = tpu.memref_slice %arg6[%dma_wait3A_1797, %dma_wait3A_1798, %dma_wait3A_1799] : memref<4x400x64xf32, #tpu.memory_space<vmem>> -> memref<1x400x64xf32, #tpu.memory_space<vmem>>
        %dma_wait3A_1801 = tpu.memref_squeeze %dma_wait3A_1800 : memref<1x400x64xf32, #tpu.memory_space<vmem>> -> memref<400x64xf32, #tpu.memory_space<vmem>>
        %dma_wait3A_1802 = arith.constant 50 : i32
        %dma_wait3A_1803 = arith.constant 0 : i32
        %dma_wait3A_1804 = tpu.memref_slice %dma_wait3A_1801[%dma_wait3A_1802, %dma_wait3A_1803] : memref<400x64xf32, #tpu.memory_space<vmem>> -> memref<50x64xf32, #tpu.memory_space<vmem>>
        %dma_wait3A_1805 = arith.constant 0 : i32
        %dma_wait3A_1806 = arith.constant 0 : i32
        %dma_wait3A_1807 = tpu.memref_slice %arg4[%mul3A_4, %dma_wait3A_1805, %dma_wait3A_1806] : memref<16384x50x64xf32, #tpu.memory_space<hbm>> -> memref<1x50x64xf32, #tpu.memory_space<hbm>>
        %dma_wait3A_1808 = tpu.memref_squeeze %dma_wait3A_1807 : memref<1x50x64xf32, #tpu.memory_space<hbm>> -> memref<50x64xf32, #tpu.memory_space<hbm>>
        %dma_wait3A_1809 = arith.constant 0 : i32
        %dma_wait3A_1810 = arith.constant 0 : i32
        %dma_wait3A_1811 = tpu.memref_slice %arg4[%mul3A_4, %dma_wait3A_1809, %dma_wait3A_1810] : memref<16384x50x64xf32, #tpu.memory_space<hbm>> -> memref<1x50x64xf32, #tpu.memory_space<hbm>>
        %dma_wait3A_1812 = tpu.memref_squeeze %dma_wait3A_1811 : memref<1x50x64xf32, #tpu.memory_space<hbm>> -> memref<50x64xf32, #tpu.memory_space<hbm>>
        %dma_wait3A_1813 = arith.constant 0 : i32
        %dma_wait3A_1814 = arith.constant 0 : i32
        %dma_wait3A_1815 = tpu.memref_slice %arg6[%dma_wait3A_1797, %dma_wait3A_1813, %dma_wait3A_1814] : memref<4x400x64xf32, #tpu.memory_space<vmem>> -> memref<1x400x64xf32, #tpu.memory_space<vmem>>
        %dma_wait3A_1816 = tpu.memref_squeeze %dma_wait3A_1815 : memref<1x400x64xf32, #tpu.memory_space<vmem>> -> memref<400x64xf32, #tpu.memory_space<vmem>>
        %dma_wait3A_1817 = arith.constant 50 : i32
        %dma_wait3A_1818 = arith.constant 0 : i32
        %dma_wait3A_1819 = tpu.memref_slice %dma_wait3A_1816[%dma_wait3A_1817, %dma_wait3A_1818] : memref<400x64xf32, #tpu.memory_space<vmem>> -> memref<50x64xf32, #tpu.memory_space<vmem>>
        tpu.wait_dma2 semaphore(%arg14 : memref<!tpu.dma_semaphore, #tpu.memory_space<semaphore_mem>>) src(%dma_wait3A_1819 : memref<50x64xf32, #tpu.memory_space<vmem>>) dst(%dma_wait3A_1812 : memref<50x64xf32, #tpu.memory_space<hbm>>)
        %dma_wait3A_1820 = arith.constant 3 : i32
        %dma_wait3A_1821 = arith.constant 0 : i32
        %dma_wait3A_1822 = arith.constant 0 : i32
        %dma_wait3A_1823 = tpu.memref_slice %arg6[%dma_wait3A_1820, %dma_wait3A_1821, %dma_wait3A_1822] : memref<4x400x64xf32, #tpu.memory_space<vmem>> -> memref<1x400x64xf32, #tpu.memory_space<vmem>>
        %dma_wait3A_1824 = tpu.memref_squeeze %dma_wait3A_1823 : memref<1x400x64xf32, #tpu.memory_space<vmem>> -> memref<400x64xf32, #tpu.memory_space<vmem>>
        %dma_wait3A_1825 = arith.constant 100 : i32
        %dma_wait3A_1826 = arith.constant 0 : i32
        %dma_wait3A_1827 = tpu.memref_slice %dma_wait3A_1824[%dma_wait3A_1825, %dma_wait3A_1826] : memref<400x64xf32, #tpu.memory_space<vmem>> -> memref<50x64xf32, #tpu.memory_space<vmem>>
        %dma_wait3A_1828 = arith.constant 0 : i32
        %dma_wait3A_1829 = arith.constant 0 : i32
        %dma_wait3A_1830 = tpu.memref_slice %arg4[%mul3A_4, %dma_wait3A_1828, %dma_wait3A_1829] : memref<16384x50x64xf32, #tpu.memory_space<hbm>> -> memref<1x50x64xf32, #tpu.memory_space<hbm>>
        %dma_wait3A_1831 = tpu.memref_squeeze %dma_wait3A_1830 : memref<1x50x64xf32, #tpu.memory_space<hbm>> -> memref<50x64xf32, #tpu.memory_space<hbm>>
        %dma_wait3A_1832 = arith.constant 0 : i32
        %dma_wait3A_1833 = arith.constant 0 : i32
        %dma_wait3A_1834 = tpu.memref_slice %arg4[%mul3A_4, %dma_wait3A_1832, %dma_wait3A_1833] : memref<16384x50x64xf32, #tpu.memory_space<hbm>> -> memref<1x50x64xf32, #tpu.memory_space<hbm>>
        %dma_wait3A_1835 = tpu.memref_squeeze %dma_wait3A_1834 : memref<1x50x64xf32, #tpu.memory_space<hbm>> -> memref<50x64xf32, #tpu.memory_space<hbm>>
        %dma_wait3A_1836 = arith.constant 0 : i32
        %dma_wait3A_1837 = arith.constant 0 : i32
        %dma_wait3A_1838 = tpu.memref_slice %arg6[%dma_wait3A_1820, %dma_wait3A_1836, %dma_wait3A_1837] : memref<4x400x64xf32, #tpu.memory_space<vmem>> -> memref<1x400x64xf32, #tpu.memory_space<vmem>>
        %dma_wait3A_1839 = tpu.memref_squeeze %dma_wait3A_1838 : memref<1x400x64xf32, #tpu.memory_space<vmem>> -> memref<400x64xf32, #tpu.memory_space<vmem>>
        %dma_wait3A_1840 = arith.constant 100 : i32
        %dma_wait3A_1841 = arith.constant 0 : i32
        %dma_wait3A_1842 = tpu.memref_slice %dma_wait3A_1839[%dma_wait3A_1840, %dma_wait3A_1841] : memref<400x64xf32, #tpu.memory_space<vmem>> -> memref<50x64xf32, #tpu.memory_space<vmem>>
        tpu.wait_dma2 semaphore(%arg14 : memref<!tpu.dma_semaphore, #tpu.memory_space<semaphore_mem>>) src(%dma_wait3A_1842 : memref<50x64xf32, #tpu.memory_space<vmem>>) dst(%dma_wait3A_1835 : memref<50x64xf32, #tpu.memory_space<hbm>>)
        %dma_wait3A_1843 = arith.constant 3 : i32
        %dma_wait3A_1844 = arith.constant 0 : i32
        %dma_wait3A_1845 = arith.constant 0 : i32
        %dma_wait3A_1846 = tpu.memref_slice %arg6[%dma_wait3A_1843, %dma_wait3A_1844, %dma_wait3A_1845] : memref<4x400x64xf32, #tpu.memory_space<vmem>> -> memref<1x400x64xf32, #tpu.memory_space<vmem>>
        %dma_wait3A_1847 = tpu.memref_squeeze %dma_wait3A_1846 : memref<1x400x64xf32, #tpu.memory_space<vmem>> -> memref<400x64xf32, #tpu.memory_space<vmem>>
        %dma_wait3A_1848 = arith.constant 150 : i32
        %dma_wait3A_1849 = arith.constant 0 : i32
        %dma_wait3A_1850 = tpu.memref_slice %dma_wait3A_1847[%dma_wait3A_1848, %dma_wait3A_1849] : memref<400x64xf32, #tpu.memory_space<vmem>> -> memref<50x64xf32, #tpu.memory_space<vmem>>
        %dma_wait3A_1851 = arith.constant 0 : i32
        %dma_wait3A_1852 = arith.constant 0 : i32
        %dma_wait3A_1853 = tpu.memref_slice %arg4[%mul3A_4, %dma_wait3A_1851, %dma_wait3A_1852] : memref<16384x50x64xf32, #tpu.memory_space<hbm>> -> memref<1x50x64xf32, #tpu.memory_space<hbm>>
        %dma_wait3A_1854 = tpu.memref_squeeze %dma_wait3A_1853 : memref<1x50x64xf32, #tpu.memory_space<hbm>> -> memref<50x64xf32, #tpu.memory_space<hbm>>
        %dma_wait3A_1855 = arith.constant 0 : i32
        %dma_wait3A_1856 = arith.constant 0 : i32
        %dma_wait3A_1857 = tpu.memref_slice %arg4[%mul3A_4, %dma_wait3A_1855, %dma_wait3A_1856] : memref<16384x50x64xf32, #tpu.memory_space<hbm>> -> memref<1x50x64xf32, #tpu.memory_space<hbm>>
        %dma_wait3A_1858 = tpu.memref_squeeze %dma_wait3A_1857 : memref<1x50x64xf32, #tpu.memory_space<hbm>> -> memref<50x64xf32, #tpu.memory_space<hbm>>
        %dma_wait3A_1859 = arith.constant 0 : i32
        %dma_wait3A_1860 = arith.constant 0 : i32
        %dma_wait3A_1861 = tpu.memref_slice %arg6[%dma_wait3A_1843, %dma_wait3A_1859, %dma_wait3A_1860] : memref<4x400x64xf32, #tpu.memory_space<vmem>> -> memref<1x400x64xf32, #tpu.memory_space<vmem>>
        %dma_wait3A_1862 = tpu.memref_squeeze %dma_wait3A_1861 : memref<1x400x64xf32, #tpu.memory_space<vmem>> -> memref<400x64xf32, #tpu.memory_space<vmem>>
        %dma_wait3A_1863 = arith.constant 150 : i32
        %dma_wait3A_1864 = arith.constant 0 : i32
        %dma_wait3A_1865 = tpu.memref_slice %dma_wait3A_1862[%dma_wait3A_1863, %dma_wait3A_1864] : memref<400x64xf32, #tpu.memory_space<vmem>> -> memref<50x64xf32, #tpu.memory_space<vmem>>
        tpu.wait_dma2 semaphore(%arg14 : memref<!tpu.dma_semaphore, #tpu.memory_space<semaphore_mem>>) src(%dma_wait3A_1865 : memref<50x64xf32, #tpu.memory_space<vmem>>) dst(%dma_wait3A_1858 : memref<50x64xf32, #tpu.memory_space<hbm>>)
        %dma_wait3A_1866 = arith.constant 3 : i32
        %dma_wait3A_1867 = arith.constant 0 : i32
        %dma_wait3A_1868 = arith.constant 0 : i32
        %dma_wait3A_1869 = tpu.memref_slice %arg6[%dma_wait3A_1866, %dma_wait3A_1867, %dma_wait3A_1868] : memref<4x400x64xf32, #tpu.memory_space<vmem>> -> memref<1x400x64xf32, #tpu.memory_space<vmem>>
        %dma_wait3A_1870 = tpu.memref_squeeze %dma_wait3A_1869 : memref<1x400x64xf32, #tpu.memory_space<vmem>> -> memref<400x64xf32, #tpu.memory_space<vmem>>
        %dma_wait3A_1871 = arith.constant 200 : i32
        %dma_wait3A_1872 = arith.constant 0 : i32
        %dma_wait3A_1873 = tpu.memref_slice %dma_wait3A_1870[%dma_wait3A_1871, %dma_wait3A_1872] : memref<400x64xf32, #tpu.memory_space<vmem>> -> memref<50x64xf32, #tpu.memory_space<vmem>>
        %dma_wait3A_1874 = arith.constant 0 : i32
        %dma_wait3A_1875 = arith.constant 0 : i32
        %dma_wait3A_1876 = tpu.memref_slice %arg4[%mul3A_4, %dma_wait3A_1874, %dma_wait3A_1875] : memref<16384x50x64xf32, #tpu.memory_space<hbm>> -> memref<1x50x64xf32, #tpu.memory_space<hbm>>
        %dma_wait3A_1877 = tpu.memref_squeeze %dma_wait3A_1876 : memref<1x50x64xf32, #tpu.memory_space<hbm>> -> memref<50x64xf32, #tpu.memory_space<hbm>>
        %dma_wait3A_1878 = arith.constant 0 : i32
        %dma_wait3A_1879 = arith.constant 0 : i32
        %dma_wait3A_1880 = tpu.memref_slice %arg4[%mul3A_4, %dma_wait3A_1878, %dma_wait3A_1879] : memref<16384x50x64xf32, #tpu.memory_space<hbm>> -> memref<1x50x64xf32, #tpu.memory_space<hbm>>
        %dma_wait3A_1881 = tpu.memref_squeeze %dma_wait3A_1880 : memref<1x50x64xf32, #tpu.memory_space<hbm>> -> memref<50x64xf32, #tpu.memory_space<hbm>>
        %dma_wait3A_1882 = arith.constant 0 : i32
        %dma_wait3A_1883 = arith.constant 0 : i32
        %dma_wait3A_1884 = tpu.memref_slice %arg6[%dma_wait3A_1866, %dma_wait3A_1882, %dma_wait3A_1883] : memref<4x400x64xf32, #tpu.memory_space<vmem>> -> memref<1x400x64xf32, #tpu.memory_space<vmem>>
        %dma_wait3A_1885 = tpu.memref_squeeze %dma_wait3A_1884 : memref<1x400x64xf32, #tpu.memory_space<vmem>> -> memref<400x64xf32, #tpu.memory_space<vmem>>
        %dma_wait3A_1886 = arith.constant 200 : i32
        %dma_wait3A_1887 = arith.constant 0 : i32
        %dma_wait3A_1888 = tpu.memref_slice %dma_wait3A_1885[%dma_wait3A_1886, %dma_wait3A_1887] : memref<400x64xf32, #tpu.memory_space<vmem>> -> memref<50x64xf32, #tpu.memory_space<vmem>>
        tpu.wait_dma2 semaphore(%arg14 : memref<!tpu.dma_semaphore, #tpu.memory_space<semaphore_mem>>) src(%dma_wait3A_1888 : memref<50x64xf32, #tpu.memory_space<vmem>>) dst(%dma_wait3A_1881 : memref<50x64xf32, #tpu.memory_space<hbm>>)
        %dma_wait3A_1889 = arith.constant 3 : i32
        %dma_wait3A_1890 = arith.constant 0 : i32
        %dma_wait3A_1891 = arith.constant 0 : i32
        %dma_wait3A_1892 = tpu.memref_slice %arg6[%dma_wait3A_1889, %dma_wait3A_1890, %dma_wait3A_1891] : memref<4x400x64xf32, #tpu.memory_space<vmem>> -> memref<1x400x64xf32, #tpu.memory_space<vmem>>
        %dma_wait3A_1893 = tpu.memref_squeeze %dma_wait3A_1892 : memref<1x400x64xf32, #tpu.memory_space<vmem>> -> memref<400x64xf32, #tpu.memory_space<vmem>>
        %dma_wait3A_1894 = arith.constant 250 : i32
        %dma_wait3A_1895 = arith.constant 0 : i32
        %dma_wait3A_1896 = tpu.memref_slice %dma_wait3A_1893[%dma_wait3A_1894, %dma_wait3A_1895] : memref<400x64xf32, #tpu.memory_space<vmem>> -> memref<50x64xf32, #tpu.memory_space<vmem>>
        %dma_wait3A_1897 = arith.constant 0 : i32
        %dma_wait3A_1898 = arith.constant 0 : i32
        %dma_wait3A_1899 = tpu.memref_slice %arg4[%mul3A_4, %dma_wait3A_1897, %dma_wait3A_1898] : memref<16384x50x64xf32, #tpu.memory_space<hbm>> -> memref<1x50x64xf32, #tpu.memory_space<hbm>>
        %dma_wait3A_1900 = tpu.memref_squeeze %dma_wait3A_1899 : memref<1x50x64xf32, #tpu.memory_space<hbm>> -> memref<50x64xf32, #tpu.memory_space<hbm>>
        %dma_wait3A_1901 = arith.constant 0 : i32
        %dma_wait3A_1902 = arith.constant 0 : i32
        %dma_wait3A_1903 = tpu.memref_slice %arg4[%mul3A_4, %dma_wait3A_1901, %dma_wait3A_1902] : memref<16384x50x64xf32, #tpu.memory_space<hbm>> -> memref<1x50x64xf32, #tpu.memory_space<hbm>>
        %dma_wait3A_1904 = tpu.memref_squeeze %dma_wait3A_1903 : memref<1x50x64xf32, #tpu.memory_space<hbm>> -> memref<50x64xf32, #tpu.memory_space<hbm>>
        %dma_wait3A_1905 = arith.constant 0 : i32
        %dma_wait3A_1906 = arith.constant 0 : i32
        %dma_wait3A_1907 = tpu.memref_slice %arg6[%dma_wait3A_1889, %dma_wait3A_1905, %dma_wait3A_1906] : memref<4x400x64xf32, #tpu.memory_space<vmem>> -> memref<1x400x64xf32, #tpu.memory_space<vmem>>
        %dma_wait3A_1908 = tpu.memref_squeeze %dma_wait3A_1907 : memref<1x400x64xf32, #tpu.memory_space<vmem>> -> memref<400x64xf32, #tpu.memory_space<vmem>>
        %dma_wait3A_1909 = arith.constant 250 : i32
        %dma_wait3A_1910 = arith.constant 0 : i32
        %dma_wait3A_1911 = tpu.memref_slice %dma_wait3A_1908[%dma_wait3A_1909, %dma_wait3A_1910] : memref<400x64xf32, #tpu.memory_space<vmem>> -> memref<50x64xf32, #tpu.memory_space<vmem>>
        tpu.wait_dma2 semaphore(%arg14 : memref<!tpu.dma_semaphore, #tpu.memory_space<semaphore_mem>>) src(%dma_wait3A_1911 : memref<50x64xf32, #tpu.memory_space<vmem>>) dst(%dma_wait3A_1904 : memref<50x64xf32, #tpu.memory_space<hbm>>)
        %dma_wait3A_1912 = arith.constant 3 : i32
        %dma_wait3A_1913 = arith.constant 0 : i32
        %dma_wait3A_1914 = arith.constant 0 : i32
        %dma_wait3A_1915 = tpu.memref_slice %arg6[%dma_wait3A_1912, %dma_wait3A_1913, %dma_wait3A_1914] : memref<4x400x64xf32, #tpu.memory_space<vmem>> -> memref<1x400x64xf32, #tpu.memory_space<vmem>>
        %dma_wait3A_1916 = tpu.memref_squeeze %dma_wait3A_1915 : memref<1x400x64xf32, #tpu.memory_space<vmem>> -> memref<400x64xf32, #tpu.memory_space<vmem>>
        %dma_wait3A_1917 = arith.constant 300 : i32
        %dma_wait3A_1918 = arith.constant 0 : i32
        %dma_wait3A_1919 = tpu.memref_slice %dma_wait3A_1916[%dma_wait3A_1917, %dma_wait3A_1918] : memref<400x64xf32, #tpu.memory_space<vmem>> -> memref<50x64xf32, #tpu.memory_space<vmem>>
        %dma_wait3A_1920 = arith.constant 0 : i32
        %dma_wait3A_1921 = arith.constant 0 : i32
        %dma_wait3A_1922 = tpu.memref_slice %arg4[%mul3A_4, %dma_wait3A_1920, %dma_wait3A_1921] : memref<16384x50x64xf32, #tpu.memory_space<hbm>> -> memref<1x50x64xf32, #tpu.memory_space<hbm>>
        %dma_wait3A_1923 = tpu.memref_squeeze %dma_wait3A_1922 : memref<1x50x64xf32, #tpu.memory_space<hbm>> -> memref<50x64xf32, #tpu.memory_space<hbm>>
        %dma_wait3A_1924 = arith.constant 0 : i32
        %dma_wait3A_1925 = arith.constant 0 : i32
        %dma_wait3A_1926 = tpu.memref_slice %arg4[%mul3A_4, %dma_wait3A_1924, %dma_wait3A_1925] : memref<16384x50x64xf32, #tpu.memory_space<hbm>> -> memref<1x50x64xf32, #tpu.memory_space<hbm>>
        %dma_wait3A_1927 = tpu.memref_squeeze %dma_wait3A_1926 : memref<1x50x64xf32, #tpu.memory_space<hbm>> -> memref<50x64xf32, #tpu.memory_space<hbm>>
        %dma_wait3A_1928 = arith.constant 0 : i32
        %dma_wait3A_1929 = arith.constant 0 : i32
        %dma_wait3A_1930 = tpu.memref_slice %arg6[%dma_wait3A_1912, %dma_wait3A_1928, %dma_wait3A_1929] : memref<4x400x64xf32, #tpu.memory_space<vmem>> -> memref<1x400x64xf32, #tpu.memory_space<vmem>>
        %dma_wait3A_1931 = tpu.memref_squeeze %dma_wait3A_1930 : memref<1x400x64xf32, #tpu.memory_space<vmem>> -> memref<400x64xf32, #tpu.memory_space<vmem>>
        %dma_wait3A_1932 = arith.constant 300 : i32
        %dma_wait3A_1933 = arith.constant 0 : i32
        %dma_wait3A_1934 = tpu.memref_slice %dma_wait3A_1931[%dma_wait3A_1932, %dma_wait3A_1933] : memref<400x64xf32, #tpu.memory_space<vmem>> -> memref<50x64xf32, #tpu.memory_space<vmem>>
        tpu.wait_dma2 semaphore(%arg14 : memref<!tpu.dma_semaphore, #tpu.memory_space<semaphore_mem>>) src(%dma_wait3A_1934 : memref<50x64xf32, #tpu.memory_space<vmem>>) dst(%dma_wait3A_1927 : memref<50x64xf32, #tpu.memory_space<hbm>>)
        %dma_wait3A_1935 = arith.constant 3 : i32
        %dma_wait3A_1936 = arith.constant 0 : i32
        %dma_wait3A_1937 = arith.constant 0 : i32
        %dma_wait3A_1938 = tpu.memref_slice %arg6[%dma_wait3A_1935, %dma_wait3A_1936, %dma_wait3A_1937] : memref<4x400x64xf32, #tpu.memory_space<vmem>> -> memref<1x400x64xf32, #tpu.memory_space<vmem>>
        %dma_wait3A_1939 = tpu.memref_squeeze %dma_wait3A_1938 : memref<1x400x64xf32, #tpu.memory_space<vmem>> -> memref<400x64xf32, #tpu.memory_space<vmem>>
        %dma_wait3A_1940 = arith.constant 350 : i32
        %dma_wait3A_1941 = arith.constant 0 : i32
        %dma_wait3A_1942 = tpu.memref_slice %dma_wait3A_1939[%dma_wait3A_1940, %dma_wait3A_1941] : memref<400x64xf32, #tpu.memory_space<vmem>> -> memref<50x64xf32, #tpu.memory_space<vmem>>
        %dma_wait3A_1943 = arith.constant 0 : i32
        %dma_wait3A_1944 = arith.constant 0 : i32
        %dma_wait3A_1945 = tpu.memref_slice %arg4[%mul3A_4, %dma_wait3A_1943, %dma_wait3A_1944] : memref<16384x50x64xf32, #tpu.memory_space<hbm>> -> memref<1x50x64xf32, #tpu.memory_space<hbm>>
        %dma_wait3A_1946 = tpu.memref_squeeze %dma_wait3A_1945 : memref<1x50x64xf32, #tpu.memory_space<hbm>> -> memref<50x64xf32, #tpu.memory_space<hbm>>
        %dma_wait3A_1947 = arith.constant 0 : i32
        %dma_wait3A_1948 = arith.constant 0 : i32
        %dma_wait3A_1949 = tpu.memref_slice %arg4[%mul3A_4, %dma_wait3A_1947, %dma_wait3A_1948] : memref<16384x50x64xf32, #tpu.memory_space<hbm>> -> memref<1x50x64xf32, #tpu.memory_space<hbm>>
        %dma_wait3A_1950 = tpu.memref_squeeze %dma_wait3A_1949 : memref<1x50x64xf32, #tpu.memory_space<hbm>> -> memref<50x64xf32, #tpu.memory_space<hbm>>
        %dma_wait3A_1951 = arith.constant 0 : i32
        %dma_wait3A_1952 = arith.constant 0 : i32
        %dma_wait3A_1953 = tpu.memref_slice %arg6[%dma_wait3A_1935, %dma_wait3A_1951, %dma_wait3A_1952] : memref<4x400x64xf32, #tpu.memory_space<vmem>> -> memref<1x400x64xf32, #tpu.memory_space<vmem>>
        %dma_wait3A_1954 = tpu.memref_squeeze %dma_wait3A_1953 : memref<1x400x64xf32, #tpu.memory_space<vmem>> -> memref<400x64xf32, #tpu.memory_space<vmem>>
        %dma_wait3A_1955 = arith.constant 350 : i32
        %dma_wait3A_1956 = arith.constant 0 : i32
        %dma_wait3A_1957 = tpu.memref_slice %dma_wait3A_1954[%dma_wait3A_1955, %dma_wait3A_1956] : memref<400x64xf32, #tpu.memory_space<vmem>> -> memref<50x64xf32, #tpu.memory_space<vmem>>
        tpu.wait_dma2 semaphore(%arg14 : memref<!tpu.dma_semaphore, #tpu.memory_space<semaphore_mem>>) src(%dma_wait3A_1957 : memref<50x64xf32, #tpu.memory_space<vmem>>) dst(%dma_wait3A_1950 : memref<50x64xf32, #tpu.memory_space<hbm>>)
        %mul3A_1958 = arith.constant 400 : i32
        %mul3A_1959 = arith.muli %add3A_1026, %mul3A_1958 : i32
        %dma_start3A_1960 = arith.constant 3 : i32
        %dma_start3A_1961 = arith.constant 0 : i32
        %dma_start3A_1962 = arith.constant 0 : i32
        %dma_start3A_1963 = tpu.memref_slice %arg6[%dma_start3A_1960, %dma_start3A_1961, %dma_start3A_1962] : memref<4x400x64xf32, #tpu.memory_space<vmem>> -> memref<1x400x64xf32, #tpu.memory_space<vmem>>
        %dma_start3A_1964 = tpu.memref_squeeze %dma_start3A_1963 : memref<1x400x64xf32, #tpu.memory_space<vmem>> -> memref<400x64xf32, #tpu.memory_space<vmem>>
        %dma_start3A_1965 = tpu.memref_slice %arg5[%mul3A_1959] : memref<25600xi32, #tpu.memory_space<vmem>> -> memref<400xi32, #tpu.memory_space<vmem>>
        %dma_start3A_1966 = arith.constant 0 : i32
        %dma_start3A_1967 = arith.constant 0 : i32
        %dma_start3A_1968 = tpu.memref_slice %arg3[%dma_start3A_1966, %dma_start3A_1967] : memref<1002x64xf32, #tpu.memory_space<hbm>> -> memref<1002x64xf32, #tpu.memory_space<hbm>>
        tpu.enqueue_indirect_dma source(%dma_start3A_1968 : memref<1002x64xf32, #tpu.memory_space<hbm>>) target(%dma_start3A_1964 : memref<400x64xf32, #tpu.memory_space<vmem>>) offsets(%dma_start3A_1965 : memref<400xi32, #tpu.memory_space<vmem>>) semaphore(%arg10 : memref<!tpu.dma_semaphore, #tpu.memory_space<semaphore_mem>>)
      } else {
      }
      %add3A_1030 = arith.constant 1 : i32
      %add3A_1031 = arith.addi %add3A_787, %add3A_1030 : i32
      %dma_wait3A_1032 = arith.constant 1 : i32
      %dma_wait3A_1033 = arith.constant 0 : i32
      %dma_wait3A_1034 = arith.constant 0 : i32
      %dma_wait3A_1035 = tpu.memref_slice %arg6[%dma_wait3A_1032, %dma_wait3A_1033, %dma_wait3A_1034] : memref<4x400x64xf32, #tpu.memory_space<vmem>> -> memref<1x400x64xf32, #tpu.memory_space<vmem>>
      %dma_wait3A_1036 = tpu.memref_squeeze %dma_wait3A_1035 : memref<1x400x64xf32, #tpu.memory_space<vmem>> -> memref<400x64xf32, #tpu.memory_space<vmem>>
      %dma_wait3A_1037 = arith.constant 0 : i32
      %dma_wait3A_1038 = tpu.memref_slice %arg5[%dma_wait3A_1037] : memref<25600xi32, #tpu.memory_space<vmem>> -> memref<400xi32, #tpu.memory_space<vmem>>
      %dma_wait3A_1039 = arith.constant 0 : i32
      %dma_wait3A_1040 = arith.constant 0 : i32
      %dma_wait3A_1041 = tpu.memref_slice %arg3[%dma_wait3A_1039, %dma_wait3A_1040] : memref<1002x64xf32, #tpu.memory_space<hbm>> -> memref<1002x64xf32, #tpu.memory_space<hbm>>
      tpu.wait_indirect_dma semaphore(%arg8 : memref<!tpu.dma_semaphore, #tpu.memory_space<semaphore_mem>>) src(%dma_wait3A_1041 : memref<1002x64xf32, #tpu.memory_space<hbm>>) dst(%dma_wait3A_1036 : memref<400x64xf32, #tpu.memory_space<vmem>>)
      %mul3A_1042 = arith.constant 8 : i32
      %mul3A_1043 = arith.muli %add3A_1031, %mul3A_1042 : i32
      %add3A_1044 = arith.addi %mul3A_4, %mul3A_1043 : i32
      %add3A_1045 = arith.constant 0 : i32
      %add3A_1046 = arith.addi %add3A_1044, %add3A_1045 : i32
      %dma_start3A_1047 = arith.constant 1 : i32
      %dma_start3A_1048 = arith.constant 0 : i32
      %dma_start3A_1049 = arith.constant 0 : i32
      %dma_start3A_1050 = tpu.memref_slice %arg6[%dma_start3A_1047, %dma_start3A_1048, %dma_start3A_1049] : memref<4x400x64xf32, #tpu.memory_space<vmem>> -> memref<1x400x64xf32, #tpu.memory_space<vmem>>
      %dma_start3A_1051 = tpu.memref_squeeze %dma_start3A_1050 : memref<1x400x64xf32, #tpu.memory_space<vmem>> -> memref<400x64xf32, #tpu.memory_space<vmem>>
      %dma_start3A_1052 = arith.constant 0 : i32
      %dma_start3A_1053 = arith.constant 0 : i32
      %dma_start3A_1054 = tpu.memref_slice %dma_start3A_1051[%dma_start3A_1052, %dma_start3A_1053] : memref<400x64xf32, #tpu.memory_space<vmem>> -> memref<50x64xf32, #tpu.memory_space<vmem>>
      %dma_start3A_1055 = arith.constant 0 : i32
      %dma_start3A_1056 = arith.constant 0 : i32
      %dma_start3A_1057 = tpu.memref_slice %arg4[%add3A_1046, %dma_start3A_1055, %dma_start3A_1056] : memref<16384x50x64xf32, #tpu.memory_space<hbm>> -> memref<1x50x64xf32, #tpu.memory_space<hbm>>
      %dma_start3A_1058 = tpu.memref_squeeze %dma_start3A_1057 : memref<1x50x64xf32, #tpu.memory_space<hbm>> -> memref<50x64xf32, #tpu.memory_space<hbm>>
      %dma_start3A_1059 = arith.constant 0 : i32
      %dma_start3A_1060 = arith.constant 0 : i32
      %dma_start3A_1061 = tpu.memref_slice %arg4[%add3A_1046, %dma_start3A_1059, %dma_start3A_1060] : memref<16384x50x64xf32, #tpu.memory_space<hbm>> -> memref<1x50x64xf32, #tpu.memory_space<hbm>>
      %dma_start3A_1062 = tpu.memref_squeeze %dma_start3A_1061 : memref<1x50x64xf32, #tpu.memory_space<hbm>> -> memref<50x64xf32, #tpu.memory_space<hbm>>
      %dma_start3A_1063 = arith.constant 0 : i32
      %dma_start3A_1064 = arith.constant 0 : i32
      %dma_start3A_1065 = tpu.memref_slice %arg6[%dma_start3A_1047, %dma_start3A_1063, %dma_start3A_1064] : memref<4x400x64xf32, #tpu.memory_space<vmem>> -> memref<1x400x64xf32, #tpu.memory_space<vmem>>
      %dma_start3A_1066 = tpu.memref_squeeze %dma_start3A_1065 : memref<1x400x64xf32, #tpu.memory_space<vmem>> -> memref<400x64xf32, #tpu.memory_space<vmem>>
      %dma_start3A_1067 = arith.constant 0 : i32
      %dma_start3A_1068 = arith.constant 0 : i32
      %dma_start3A_1069 = tpu.memref_slice %dma_start3A_1066[%dma_start3A_1067, %dma_start3A_1068] : memref<400x64xf32, #tpu.memory_space<vmem>> -> memref<50x64xf32, #tpu.memory_space<vmem>>
      tpu.enqueue_dma source(%dma_start3A_1069 : memref<50x64xf32, #tpu.memory_space<vmem>>) target(%dma_start3A_1062 : memref<50x64xf32, #tpu.memory_space<hbm>>) target_semaphore(%arg12 : memref<!tpu.dma_semaphore, #tpu.memory_space<semaphore_mem>>)
      %mul3A_1070 = arith.constant 8 : i32
      %mul3A_1071 = arith.muli %add3A_1031, %mul3A_1070 : i32
      %add3A_1072 = arith.addi %mul3A_4, %mul3A_1071 : i32
      %add3A_1073 = arith.constant 1 : i32
      %add3A_1074 = arith.addi %add3A_1072, %add3A_1073 : i32
      %dma_start3A_1075 = arith.constant 1 : i32
      %dma_start3A_1076 = arith.constant 0 : i32
      %dma_start3A_1077 = arith.constant 0 : i32
      %dma_start3A_1078 = tpu.memref_slice %arg6[%dma_start3A_1075, %dma_start3A_1076, %dma_start3A_1077] : memref<4x400x64xf32, #tpu.memory_space<vmem>> -> memref<1x400x64xf32, #tpu.memory_space<vmem>>
      %dma_start3A_1079 = tpu.memref_squeeze %dma_start3A_1078 : memref<1x400x64xf32, #tpu.memory_space<vmem>> -> memref<400x64xf32, #tpu.memory_space<vmem>>
      %dma_start3A_1080 = arith.constant 50 : i32
      %dma_start3A_1081 = arith.constant 0 : i32
      %dma_start3A_1082 = tpu.memref_slice %dma_start3A_1079[%dma_start3A_1080, %dma_start3A_1081] : memref<400x64xf32, #tpu.memory_space<vmem>> -> memref<50x64xf32, #tpu.memory_space<vmem>>
      %dma_start3A_1083 = arith.constant 0 : i32
      %dma_start3A_1084 = arith.constant 0 : i32
      %dma_start3A_1085 = tpu.memref_slice %arg4[%add3A_1074, %dma_start3A_1083, %dma_start3A_1084] : memref<16384x50x64xf32, #tpu.memory_space<hbm>> -> memref<1x50x64xf32, #tpu.memory_space<hbm>>
      %dma_start3A_1086 = tpu.memref_squeeze %dma_start3A_1085 : memref<1x50x64xf32, #tpu.memory_space<hbm>> -> memref<50x64xf32, #tpu.memory_space<hbm>>
      %dma_start3A_1087 = arith.constant 0 : i32
      %dma_start3A_1088 = arith.constant 0 : i32
      %dma_start3A_1089 = tpu.memref_slice %arg4[%add3A_1074, %dma_start3A_1087, %dma_start3A_1088] : memref<16384x50x64xf32, #tpu.memory_space<hbm>> -> memref<1x50x64xf32, #tpu.memory_space<hbm>>
      %dma_start3A_1090 = tpu.memref_squeeze %dma_start3A_1089 : memref<1x50x64xf32, #tpu.memory_space<hbm>> -> memref<50x64xf32, #tpu.memory_space<hbm>>
      %dma_start3A_1091 = arith.constant 0 : i32
      %dma_start3A_1092 = arith.constant 0 : i32
      %dma_start3A_1093 = tpu.memref_slice %arg6[%dma_start3A_1075, %dma_start3A_1091, %dma_start3A_1092] : memref<4x400x64xf32, #tpu.memory_space<vmem>> -> memref<1x400x64xf32, #tpu.memory_space<vmem>>
      %dma_start3A_1094 = tpu.memref_squeeze %dma_start3A_1093 : memref<1x400x64xf32, #tpu.memory_space<vmem>> -> memref<400x64xf32, #tpu.memory_space<vmem>>
      %dma_start3A_1095 = arith.constant 50 : i32
      %dma_start3A_1096 = arith.constant 0 : i32
      %dma_start3A_1097 = tpu.memref_slice %dma_start3A_1094[%dma_start3A_1095, %dma_start3A_1096] : memref<400x64xf32, #tpu.memory_space<vmem>> -> memref<50x64xf32, #tpu.memory_space<vmem>>
      tpu.enqueue_dma source(%dma_start3A_1097 : memref<50x64xf32, #tpu.memory_space<vmem>>) target(%dma_start3A_1090 : memref<50x64xf32, #tpu.memory_space<hbm>>) target_semaphore(%arg12 : memref<!tpu.dma_semaphore, #tpu.memory_space<semaphore_mem>>)
      %mul3A_1098 = arith.constant 8 : i32
      %mul3A_1099 = arith.muli %add3A_1031, %mul3A_1098 : i32
      %add3A_1100 = arith.addi %mul3A_4, %mul3A_1099 : i32
      %add3A_1101 = arith.constant 2 : i32
      %add3A_1102 = arith.addi %add3A_1100, %add3A_1101 : i32
      %dma_start3A_1103 = arith.constant 1 : i32
      %dma_start3A_1104 = arith.constant 0 : i32
      %dma_start3A_1105 = arith.constant 0 : i32
      %dma_start3A_1106 = tpu.memref_slice %arg6[%dma_start3A_1103, %dma_start3A_1104, %dma_start3A_1105] : memref<4x400x64xf32, #tpu.memory_space<vmem>> -> memref<1x400x64xf32, #tpu.memory_space<vmem>>
      %dma_start3A_1107 = tpu.memref_squeeze %dma_start3A_1106 : memref<1x400x64xf32, #tpu.memory_space<vmem>> -> memref<400x64xf32, #tpu.memory_space<vmem>>
      %dma_start3A_1108 = arith.constant 100 : i32
      %dma_start3A_1109 = arith.constant 0 : i32
      %dma_start3A_1110 = tpu.memref_slice %dma_start3A_1107[%dma_start3A_1108, %dma_start3A_1109] : memref<400x64xf32, #tpu.memory_space<vmem>> -> memref<50x64xf32, #tpu.memory_space<vmem>>
      %dma_start3A_1111 = arith.constant 0 : i32
      %dma_start3A_1112 = arith.constant 0 : i32
      %dma_start3A_1113 = tpu.memref_slice %arg4[%add3A_1102, %dma_start3A_1111, %dma_start3A_1112] : memref<16384x50x64xf32, #tpu.memory_space<hbm>> -> memref<1x50x64xf32, #tpu.memory_space<hbm>>
      %dma_start3A_1114 = tpu.memref_squeeze %dma_start3A_1113 : memref<1x50x64xf32, #tpu.memory_space<hbm>> -> memref<50x64xf32, #tpu.memory_space<hbm>>
      %dma_start3A_1115 = arith.constant 0 : i32
      %dma_start3A_1116 = arith.constant 0 : i32
      %dma_start3A_1117 = tpu.memref_slice %arg4[%add3A_1102, %dma_start3A_1115, %dma_start3A_1116] : memref<16384x50x64xf32, #tpu.memory_space<hbm>> -> memref<1x50x64xf32, #tpu.memory_space<hbm>>
      %dma_start3A_1118 = tpu.memref_squeeze %dma_start3A_1117 : memref<1x50x64xf32, #tpu.memory_space<hbm>> -> memref<50x64xf32, #tpu.memory_space<hbm>>
      %dma_start3A_1119 = arith.constant 0 : i32
      %dma_start3A_1120 = arith.constant 0 : i32
      %dma_start3A_1121 = tpu.memref_slice %arg6[%dma_start3A_1103, %dma_start3A_1119, %dma_start3A_1120] : memref<4x400x64xf32, #tpu.memory_space<vmem>> -> memref<1x400x64xf32, #tpu.memory_space<vmem>>
      %dma_start3A_1122 = tpu.memref_squeeze %dma_start3A_1121 : memref<1x400x64xf32, #tpu.memory_space<vmem>> -> memref<400x64xf32, #tpu.memory_space<vmem>>
      %dma_start3A_1123 = arith.constant 100 : i32
      %dma_start3A_1124 = arith.constant 0 : i32
      %dma_start3A_1125 = tpu.memref_slice %dma_start3A_1122[%dma_start3A_1123, %dma_start3A_1124] : memref<400x64xf32, #tpu.memory_space<vmem>> -> memref<50x64xf32, #tpu.memory_space<vmem>>
      tpu.enqueue_dma source(%dma_start3A_1125 : memref<50x64xf32, #tpu.memory_space<vmem>>) target(%dma_start3A_1118 : memref<50x64xf32, #tpu.memory_space<hbm>>) target_semaphore(%arg12 : memref<!tpu.dma_semaphore, #tpu.memory_space<semaphore_mem>>)
      %mul3A_1126 = arith.constant 8 : i32
      %mul3A_1127 = arith.muli %add3A_1031, %mul3A_1126 : i32
      %add3A_1128 = arith.addi %mul3A_4, %mul3A_1127 : i32
      %add3A_1129 = arith.constant 3 : i32
      %add3A_1130 = arith.addi %add3A_1128, %add3A_1129 : i32
      %dma_start3A_1131 = arith.constant 1 : i32
      %dma_start3A_1132 = arith.constant 0 : i32
      %dma_start3A_1133 = arith.constant 0 : i32
      %dma_start3A_1134 = tpu.memref_slice %arg6[%dma_start3A_1131, %dma_start3A_1132, %dma_start3A_1133] : memref<4x400x64xf32, #tpu.memory_space<vmem>> -> memref<1x400x64xf32, #tpu.memory_space<vmem>>
      %dma_start3A_1135 = tpu.memref_squeeze %dma_start3A_1134 : memref<1x400x64xf32, #tpu.memory_space<vmem>> -> memref<400x64xf32, #tpu.memory_space<vmem>>
      %dma_start3A_1136 = arith.constant 150 : i32
      %dma_start3A_1137 = arith.constant 0 : i32
      %dma_start3A_1138 = tpu.memref_slice %dma_start3A_1135[%dma_start3A_1136, %dma_start3A_1137] : memref<400x64xf32, #tpu.memory_space<vmem>> -> memref<50x64xf32, #tpu.memory_space<vmem>>
      %dma_start3A_1139 = arith.constant 0 : i32
      %dma_start3A_1140 = arith.constant 0 : i32
      %dma_start3A_1141 = tpu.memref_slice %arg4[%add3A_1130, %dma_start3A_1139, %dma_start3A_1140] : memref<16384x50x64xf32, #tpu.memory_space<hbm>> -> memref<1x50x64xf32, #tpu.memory_space<hbm>>
      %dma_start3A_1142 = tpu.memref_squeeze %dma_start3A_1141 : memref<1x50x64xf32, #tpu.memory_space<hbm>> -> memref<50x64xf32, #tpu.memory_space<hbm>>
      %dma_start3A_1143 = arith.constant 0 : i32
      %dma_start3A_1144 = arith.constant 0 : i32
      %dma_start3A_1145 = tpu.memref_slice %arg4[%add3A_1130, %dma_start3A_1143, %dma_start3A_1144] : memref<16384x50x64xf32, #tpu.memory_space<hbm>> -> memref<1x50x64xf32, #tpu.memory_space<hbm>>
      %dma_start3A_1146 = tpu.memref_squeeze %dma_start3A_1145 : memref<1x50x64xf32, #tpu.memory_space<hbm>> -> memref<50x64xf32, #tpu.memory_space<hbm>>
      %dma_start3A_1147 = arith.constant 0 : i32
      %dma_start3A_1148 = arith.constant 0 : i32
      %dma_start3A_1149 = tpu.memref_slice %arg6[%dma_start3A_1131, %dma_start3A_1147, %dma_start3A_1148] : memref<4x400x64xf32, #tpu.memory_space<vmem>> -> memref<1x400x64xf32, #tpu.memory_space<vmem>>
      %dma_start3A_1150 = tpu.memref_squeeze %dma_start3A_1149 : memref<1x400x64xf32, #tpu.memory_space<vmem>> -> memref<400x64xf32, #tpu.memory_space<vmem>>
      %dma_start3A_1151 = arith.constant 150 : i32
      %dma_start3A_1152 = arith.constant 0 : i32
      %dma_start3A_1153 = tpu.memref_slice %dma_start3A_1150[%dma_start3A_1151, %dma_start3A_1152] : memref<400x64xf32, #tpu.memory_space<vmem>> -> memref<50x64xf32, #tpu.memory_space<vmem>>
      tpu.enqueue_dma source(%dma_start3A_1153 : memref<50x64xf32, #tpu.memory_space<vmem>>) target(%dma_start3A_1146 : memref<50x64xf32, #tpu.memory_space<hbm>>) target_semaphore(%arg12 : memref<!tpu.dma_semaphore, #tpu.memory_space<semaphore_mem>>)
      %mul3A_1154 = arith.constant 8 : i32
      %mul3A_1155 = arith.muli %add3A_1031, %mul3A_1154 : i32
      %add3A_1156 = arith.addi %mul3A_4, %mul3A_1155 : i32
      %add3A_1157 = arith.constant 4 : i32
      %add3A_1158 = arith.addi %add3A_1156, %add3A_1157 : i32
      %dma_start3A_1159 = arith.constant 1 : i32
      %dma_start3A_1160 = arith.constant 0 : i32
      %dma_start3A_1161 = arith.constant 0 : i32
      %dma_start3A_1162 = tpu.memref_slice %arg6[%dma_start3A_1159, %dma_start3A_1160, %dma_start3A_1161] : memref<4x400x64xf32, #tpu.memory_space<vmem>> -> memref<1x400x64xf32, #tpu.memory_space<vmem>>
      %dma_start3A_1163 = tpu.memref_squeeze %dma_start3A_1162 : memref<1x400x64xf32, #tpu.memory_space<vmem>> -> memref<400x64xf32, #tpu.memory_space<vmem>>
      %dma_start3A_1164 = arith.constant 200 : i32
      %dma_start3A_1165 = arith.constant 0 : i32
      %dma_start3A_1166 = tpu.memref_slice %dma_start3A_1163[%dma_start3A_1164, %dma_start3A_1165] : memref<400x64xf32, #tpu.memory_space<vmem>> -> memref<50x64xf32, #tpu.memory_space<vmem>>
      %dma_start3A_1167 = arith.constant 0 : i32
      %dma_start3A_1168 = arith.constant 0 : i32
      %dma_start3A_1169 = tpu.memref_slice %arg4[%add3A_1158, %dma_start3A_1167, %dma_start3A_1168] : memref<16384x50x64xf32, #tpu.memory_space<hbm>> -> memref<1x50x64xf32, #tpu.memory_space<hbm>>
      %dma_start3A_1170 = tpu.memref_squeeze %dma_start3A_1169 : memref<1x50x64xf32, #tpu.memory_space<hbm>> -> memref<50x64xf32, #tpu.memory_space<hbm>>
      %dma_start3A_1171 = arith.constant 0 : i32
      %dma_start3A_1172 = arith.constant 0 : i32
      %dma_start3A_1173 = tpu.memref_slice %arg4[%add3A_1158, %dma_start3A_1171, %dma_start3A_1172] : memref<16384x50x64xf32, #tpu.memory_space<hbm>> -> memref<1x50x64xf32, #tpu.memory_space<hbm>>
      %dma_start3A_1174 = tpu.memref_squeeze %dma_start3A_1173 : memref<1x50x64xf32, #tpu.memory_space<hbm>> -> memref<50x64xf32, #tpu.memory_space<hbm>>
      %dma_start3A_1175 = arith.constant 0 : i32
      %dma_start3A_1176 = arith.constant 0 : i32
      %dma_start3A_1177 = tpu.memref_slice %arg6[%dma_start3A_1159, %dma_start3A_1175, %dma_start3A_1176] : memref<4x400x64xf32, #tpu.memory_space<vmem>> -> memref<1x400x64xf32, #tpu.memory_space<vmem>>
      %dma_start3A_1178 = tpu.memref_squeeze %dma_start3A_1177 : memref<1x400x64xf32, #tpu.memory_space<vmem>> -> memref<400x64xf32, #tpu.memory_space<vmem>>
      %dma_start3A_1179 = arith.constant 200 : i32
      %dma_start3A_1180 = arith.constant 0 : i32
      %dma_start3A_1181 = tpu.memref_slice %dma_start3A_1178[%dma_start3A_1179, %dma_start3A_1180] : memref<400x64xf32, #tpu.memory_space<vmem>> -> memref<50x64xf32, #tpu.memory_space<vmem>>
      tpu.enqueue_dma source(%dma_start3A_1181 : memref<50x64xf32, #tpu.memory_space<vmem>>) target(%dma_start3A_1174 : memref<50x64xf32, #tpu.memory_space<hbm>>) target_semaphore(%arg12 : memref<!tpu.dma_semaphore, #tpu.memory_space<semaphore_mem>>)
      %mul3A_1182 = arith.constant 8 : i32
      %mul3A_1183 = arith.muli %add3A_1031, %mul3A_1182 : i32
      %add3A_1184 = arith.addi %mul3A_4, %mul3A_1183 : i32
      %add3A_1185 = arith.constant 5 : i32
      %add3A_1186 = arith.addi %add3A_1184, %add3A_1185 : i32
      %dma_start3A_1187 = arith.constant 1 : i32
      %dma_start3A_1188 = arith.constant 0 : i32
      %dma_start3A_1189 = arith.constant 0 : i32
      %dma_start3A_1190 = tpu.memref_slice %arg6[%dma_start3A_1187, %dma_start3A_1188, %dma_start3A_1189] : memref<4x400x64xf32, #tpu.memory_space<vmem>> -> memref<1x400x64xf32, #tpu.memory_space<vmem>>
      %dma_start3A_1191 = tpu.memref_squeeze %dma_start3A_1190 : memref<1x400x64xf32, #tpu.memory_space<vmem>> -> memref<400x64xf32, #tpu.memory_space<vmem>>
      %dma_start3A_1192 = arith.constant 250 : i32
      %dma_start3A_1193 = arith.constant 0 : i32
      %dma_start3A_1194 = tpu.memref_slice %dma_start3A_1191[%dma_start3A_1192, %dma_start3A_1193] : memref<400x64xf32, #tpu.memory_space<vmem>> -> memref<50x64xf32, #tpu.memory_space<vmem>>
      %dma_start3A_1195 = arith.constant 0 : i32
      %dma_start3A_1196 = arith.constant 0 : i32
      %dma_start3A_1197 = tpu.memref_slice %arg4[%add3A_1186, %dma_start3A_1195, %dma_start3A_1196] : memref<16384x50x64xf32, #tpu.memory_space<hbm>> -> memref<1x50x64xf32, #tpu.memory_space<hbm>>
      %dma_start3A_1198 = tpu.memref_squeeze %dma_start3A_1197 : memref<1x50x64xf32, #tpu.memory_space<hbm>> -> memref<50x64xf32, #tpu.memory_space<hbm>>
      %dma_start3A_1199 = arith.constant 0 : i32
      %dma_start3A_1200 = arith.constant 0 : i32
      %dma_start3A_1201 = tpu.memref_slice %arg4[%add3A_1186, %dma_start3A_1199, %dma_start3A_1200] : memref<16384x50x64xf32, #tpu.memory_space<hbm>> -> memref<1x50x64xf32, #tpu.memory_space<hbm>>
      %dma_start3A_1202 = tpu.memref_squeeze %dma_start3A_1201 : memref<1x50x64xf32, #tpu.memory_space<hbm>> -> memref<50x64xf32, #tpu.memory_space<hbm>>
      %dma_start3A_1203 = arith.constant 0 : i32
      %dma_start3A_1204 = arith.constant 0 : i32
      %dma_start3A_1205 = tpu.memref_slice %arg6[%dma_start3A_1187, %dma_start3A_1203, %dma_start3A_1204] : memref<4x400x64xf32, #tpu.memory_space<vmem>> -> memref<1x400x64xf32, #tpu.memory_space<vmem>>
      %dma_start3A_1206 = tpu.memref_squeeze %dma_start3A_1205 : memref<1x400x64xf32, #tpu.memory_space<vmem>> -> memref<400x64xf32, #tpu.memory_space<vmem>>
      %dma_start3A_1207 = arith.constant 250 : i32
      %dma_start3A_1208 = arith.constant 0 : i32
      %dma_start3A_1209 = tpu.memref_slice %dma_start3A_1206[%dma_start3A_1207, %dma_start3A_1208] : memref<400x64xf32, #tpu.memory_space<vmem>> -> memref<50x64xf32, #tpu.memory_space<vmem>>
      tpu.enqueue_dma source(%dma_start3A_1209 : memref<50x64xf32, #tpu.memory_space<vmem>>) target(%dma_start3A_1202 : memref<50x64xf32, #tpu.memory_space<hbm>>) target_semaphore(%arg12 : memref<!tpu.dma_semaphore, #tpu.memory_space<semaphore_mem>>)
      %mul3A_1210 = arith.constant 8 : i32
      %mul3A_1211 = arith.muli %add3A_1031, %mul3A_1210 : i32
      %add3A_1212 = arith.addi %mul3A_4, %mul3A_1211 : i32
      %add3A_1213 = arith.constant 6 : i32
      %add3A_1214 = arith.addi %add3A_1212, %add3A_1213 : i32
      %dma_start3A_1215 = arith.constant 1 : i32
      %dma_start3A_1216 = arith.constant 0 : i32
      %dma_start3A_1217 = arith.constant 0 : i32
      %dma_start3A_1218 = tpu.memref_slice %arg6[%dma_start3A_1215, %dma_start3A_1216, %dma_start3A_1217] : memref<4x400x64xf32, #tpu.memory_space<vmem>> -> memref<1x400x64xf32, #tpu.memory_space<vmem>>
      %dma_start3A_1219 = tpu.memref_squeeze %dma_start3A_1218 : memref<1x400x64xf32, #tpu.memory_space<vmem>> -> memref<400x64xf32, #tpu.memory_space<vmem>>
      %dma_start3A_1220 = arith.constant 300 : i32
      %dma_start3A_1221 = arith.constant 0 : i32
      %dma_start3A_1222 = tpu.memref_slice %dma_start3A_1219[%dma_start3A_1220, %dma_start3A_1221] : memref<400x64xf32, #tpu.memory_space<vmem>> -> memref<50x64xf32, #tpu.memory_space<vmem>>
      %dma_start3A_1223 = arith.constant 0 : i32
      %dma_start3A_1224 = arith.constant 0 : i32
      %dma_start3A_1225 = tpu.memref_slice %arg4[%add3A_1214, %dma_start3A_1223, %dma_start3A_1224] : memref<16384x50x64xf32, #tpu.memory_space<hbm>> -> memref<1x50x64xf32, #tpu.memory_space<hbm>>
      %dma_start3A_1226 = tpu.memref_squeeze %dma_start3A_1225 : memref<1x50x64xf32, #tpu.memory_space<hbm>> -> memref<50x64xf32, #tpu.memory_space<hbm>>
      %dma_start3A_1227 = arith.constant 0 : i32
      %dma_start3A_1228 = arith.constant 0 : i32
      %dma_start3A_1229 = tpu.memref_slice %arg4[%add3A_1214, %dma_start3A_1227, %dma_start3A_1228] : memref<16384x50x64xf32, #tpu.memory_space<hbm>> -> memref<1x50x64xf32, #tpu.memory_space<hbm>>
      %dma_start3A_1230 = tpu.memref_squeeze %dma_start3A_1229 : memref<1x50x64xf32, #tpu.memory_space<hbm>> -> memref<50x64xf32, #tpu.memory_space<hbm>>
      %dma_start3A_1231 = arith.constant 0 : i32
      %dma_start3A_1232 = arith.constant 0 : i32
      %dma_start3A_1233 = tpu.memref_slice %arg6[%dma_start3A_1215, %dma_start3A_1231, %dma_start3A_1232] : memref<4x400x64xf32, #tpu.memory_space<vmem>> -> memref<1x400x64xf32, #tpu.memory_space<vmem>>
      %dma_start3A_1234 = tpu.memref_squeeze %dma_start3A_1233 : memref<1x400x64xf32, #tpu.memory_space<vmem>> -> memref<400x64xf32, #tpu.memory_space<vmem>>
      %dma_start3A_1235 = arith.constant 300 : i32
      %dma_start3A_1236 = arith.constant 0 : i32
      %dma_start3A_1237 = tpu.memref_slice %dma_start3A_1234[%dma_start3A_1235, %dma_start3A_1236] : memref<400x64xf32, #tpu.memory_space<vmem>> -> memref<50x64xf32, #tpu.memory_space<vmem>>
      tpu.enqueue_dma source(%dma_start3A_1237 : memref<50x64xf32, #tpu.memory_space<vmem>>) target(%dma_start3A_1230 : memref<50x64xf32, #tpu.memory_space<hbm>>) target_semaphore(%arg12 : memref<!tpu.dma_semaphore, #tpu.memory_space<semaphore_mem>>)
      %mul3A_1238 = arith.constant 8 : i32
      %mul3A_1239 = arith.muli %add3A_1031, %mul3A_1238 : i32
      %add3A_1240 = arith.addi %mul3A_4, %mul3A_1239 : i32
      %add3A_1241 = arith.constant 7 : i32
      %add3A_1242 = arith.addi %add3A_1240, %add3A_1241 : i32
      %dma_start3A_1243 = arith.constant 1 : i32
      %dma_start3A_1244 = arith.constant 0 : i32
      %dma_start3A_1245 = arith.constant 0 : i32
      %dma_start3A_1246 = tpu.memref_slice %arg6[%dma_start3A_1243, %dma_start3A_1244, %dma_start3A_1245] : memref<4x400x64xf32, #tpu.memory_space<vmem>> -> memref<1x400x64xf32, #tpu.memory_space<vmem>>
      %dma_start3A_1247 = tpu.memref_squeeze %dma_start3A_1246 : memref<1x400x64xf32, #tpu.memory_space<vmem>> -> memref<400x64xf32, #tpu.memory_space<vmem>>
      %dma_start3A_1248 = arith.constant 350 : i32
      %dma_start3A_1249 = arith.constant 0 : i32
      %dma_start3A_1250 = tpu.memref_slice %dma_start3A_1247[%dma_start3A_1248, %dma_start3A_1249] : memref<400x64xf32, #tpu.memory_space<vmem>> -> memref<50x64xf32, #tpu.memory_space<vmem>>
      %dma_start3A_1251 = arith.constant 0 : i32
      %dma_start3A_1252 = arith.constant 0 : i32
      %dma_start3A_1253 = tpu.memref_slice %arg4[%add3A_1242, %dma_start3A_1251, %dma_start3A_1252] : memref<16384x50x64xf32, #tpu.memory_space<hbm>> -> memref<1x50x64xf32, #tpu.memory_space<hbm>>
      %dma_start3A_1254 = tpu.memref_squeeze %dma_start3A_1253 : memref<1x50x64xf32, #tpu.memory_space<hbm>> -> memref<50x64xf32, #tpu.memory_space<hbm>>
      %dma_start3A_1255 = arith.constant 0 : i32
      %dma_start3A_1256 = arith.constant 0 : i32
      %dma_start3A_1257 = tpu.memref_slice %arg4[%add3A_1242, %dma_start3A_1255, %dma_start3A_1256] : memref<16384x50x64xf32, #tpu.memory_space<hbm>> -> memref<1x50x64xf32, #tpu.memory_space<hbm>>
      %dma_start3A_1258 = tpu.memref_squeeze %dma_start3A_1257 : memref<1x50x64xf32, #tpu.memory_space<hbm>> -> memref<50x64xf32, #tpu.memory_space<hbm>>
      %dma_start3A_1259 = arith.constant 0 : i32
      %dma_start3A_1260 = arith.constant 0 : i32
      %dma_start3A_1261 = tpu.memref_slice %arg6[%dma_start3A_1243, %dma_start3A_1259, %dma_start3A_1260] : memref<4x400x64xf32, #tpu.memory_space<vmem>> -> memref<1x400x64xf32, #tpu.memory_space<vmem>>
      %dma_start3A_1262 = tpu.memref_squeeze %dma_start3A_1261 : memref<1x400x64xf32, #tpu.memory_space<vmem>> -> memref<400x64xf32, #tpu.memory_space<vmem>>
      %dma_start3A_1263 = arith.constant 350 : i32
      %dma_start3A_1264 = arith.constant 0 : i32
      %dma_start3A_1265 = tpu.memref_slice %dma_start3A_1262[%dma_start3A_1263, %dma_start3A_1264] : memref<400x64xf32, #tpu.memory_space<vmem>> -> memref<50x64xf32, #tpu.memory_space<vmem>>
      tpu.enqueue_dma source(%dma_start3A_1265 : memref<50x64xf32, #tpu.memory_space<vmem>>) target(%dma_start3A_1258 : memref<50x64xf32, #tpu.memory_space<hbm>>) target_semaphore(%arg12 : memref<!tpu.dma_semaphore, #tpu.memory_space<semaphore_mem>>)
      %sub3A_1266 = arith.constant 1 : i32
      %sub3A_1267 = arith.subi %add3A_1031, %sub3A_1266 : i32
      %add3A_1268 = arith.constant 4 : i32
      %add3A_1269 = arith.addi %sub3A_1267, %add3A_1268 : i32
      %ge3A_1270 = arith.constant 1 : i32
      %ge3A_1271 = arith.cmpi sge, %add3A_1031, %ge3A_1270 : i32
      %lt3A_1272 = arith.constant 64 : i32
      %lt3A_1273 = arith.cmpi slt, %add3A_1269, %lt3A_1272 : i32
      %and3A_1274 = arith.andi %ge3A_1271, %lt3A_1273 : i1
      %convert_element_type3A_1275 = arith.extui %and3A_1274 : i1 to i32
      %cond3A_1276 = arith.constant 0 : i32
      %cond3A_1277 = arith.cmpi ne, %convert_element_type3A_1275, %cond3A_1276 : i32
      scf.if %cond3A_1277 {
        %dma_wait3A_1774 = arith.constant 0 : i32
        %dma_wait3A_1775 = arith.constant 0 : i32
        %dma_wait3A_1776 = arith.constant 0 : i32
        %dma_wait3A_1777 = tpu.memref_slice %arg6[%dma_wait3A_1774, %dma_wait3A_1775, %dma_wait3A_1776] : memref<4x400x64xf32, #tpu.memory_space<vmem>> -> memref<1x400x64xf32, #tpu.memory_space<vmem>>
        %dma_wait3A_1778 = tpu.memref_squeeze %dma_wait3A_1777 : memref<1x400x64xf32, #tpu.memory_space<vmem>> -> memref<400x64xf32, #tpu.memory_space<vmem>>
        %dma_wait3A_1779 = arith.constant 0 : i32
        %dma_wait3A_1780 = arith.constant 0 : i32
        %dma_wait3A_1781 = tpu.memref_slice %dma_wait3A_1778[%dma_wait3A_1779, %dma_wait3A_1780] : memref<400x64xf32, #tpu.memory_space<vmem>> -> memref<50x64xf32, #tpu.memory_space<vmem>>
        %dma_wait3A_1782 = arith.constant 0 : i32
        %dma_wait3A_1783 = arith.constant 0 : i32
        %dma_wait3A_1784 = tpu.memref_slice %arg4[%mul3A_4, %dma_wait3A_1782, %dma_wait3A_1783] : memref<16384x50x64xf32, #tpu.memory_space<hbm>> -> memref<1x50x64xf32, #tpu.memory_space<hbm>>
        %dma_wait3A_1785 = tpu.memref_squeeze %dma_wait3A_1784 : memref<1x50x64xf32, #tpu.memory_space<hbm>> -> memref<50x64xf32, #tpu.memory_space<hbm>>
        %dma_wait3A_1786 = arith.constant 0 : i32
        %dma_wait3A_1787 = arith.constant 0 : i32
        %dma_wait3A_1788 = tpu.memref_slice %arg4[%mul3A_4, %dma_wait3A_1786, %dma_wait3A_1787] : memref<16384x50x64xf32, #tpu.memory_space<hbm>> -> memref<1x50x64xf32, #tpu.memory_space<hbm>>
        %dma_wait3A_1789 = tpu.memref_squeeze %dma_wait3A_1788 : memref<1x50x64xf32, #tpu.memory_space<hbm>> -> memref<50x64xf32, #tpu.memory_space<hbm>>
        %dma_wait3A_1790 = arith.constant 0 : i32
        %dma_wait3A_1791 = arith.constant 0 : i32
        %dma_wait3A_1792 = tpu.memref_slice %arg6[%dma_wait3A_1774, %dma_wait3A_1790, %dma_wait3A_1791] : memref<4x400x64xf32, #tpu.memory_space<vmem>> -> memref<1x400x64xf32, #tpu.memory_space<vmem>>
        %dma_wait3A_1793 = tpu.memref_squeeze %dma_wait3A_1792 : memref<1x400x64xf32, #tpu.memory_space<vmem>> -> memref<400x64xf32, #tpu.memory_space<vmem>>
        %dma_wait3A_1794 = arith.constant 0 : i32
        %dma_wait3A_1795 = arith.constant 0 : i32
        %dma_wait3A_1796 = tpu.memref_slice %dma_wait3A_1793[%dma_wait3A_1794, %dma_wait3A_1795] : memref<400x64xf32, #tpu.memory_space<vmem>> -> memref<50x64xf32, #tpu.memory_space<vmem>>
        tpu.wait_dma2 semaphore(%arg11 : memref<!tpu.dma_semaphore, #tpu.memory_space<semaphore_mem>>) src(%dma_wait3A_1796 : memref<50x64xf32, #tpu.memory_space<vmem>>) dst(%dma_wait3A_1789 : memref<50x64xf32, #tpu.memory_space<hbm>>)
        %dma_wait3A_1797 = arith.constant 0 : i32
        %dma_wait3A_1798 = arith.constant 0 : i32
        %dma_wait3A_1799 = arith.constant 0 : i32
        %dma_wait3A_1800 = tpu.memref_slice %arg6[%dma_wait3A_1797, %dma_wait3A_1798, %dma_wait3A_1799] : memref<4x400x64xf32, #tpu.memory_space<vmem>> -> memref<1x400x64xf32, #tpu.memory_space<vmem>>
        %dma_wait3A_1801 = tpu.memref_squeeze %dma_wait3A_1800 : memref<1x400x64xf32, #tpu.memory_space<vmem>> -> memref<400x64xf32, #tpu.memory_space<vmem>>
        %dma_wait3A_1802 = arith.constant 50 : i32
        %dma_wait3A_1803 = arith.constant 0 : i32
        %dma_wait3A_1804 = tpu.memref_slice %dma_wait3A_1801[%dma_wait3A_1802, %dma_wait3A_1803] : memref<400x64xf32, #tpu.memory_space<vmem>> -> memref<50x64xf32, #tpu.memory_space<vmem>>
        %dma_wait3A_1805 = arith.constant 0 : i32
        %dma_wait3A_1806 = arith.constant 0 : i32
        %dma_wait3A_1807 = tpu.memref_slice %arg4[%mul3A_4, %dma_wait3A_1805, %dma_wait3A_1806] : memref<16384x50x64xf32, #tpu.memory_space<hbm>> -> memref<1x50x64xf32, #tpu.memory_space<hbm>>
        %dma_wait3A_1808 = tpu.memref_squeeze %dma_wait3A_1807 : memref<1x50x64xf32, #tpu.memory_space<hbm>> -> memref<50x64xf32, #tpu.memory_space<hbm>>
        %dma_wait3A_1809 = arith.constant 0 : i32
        %dma_wait3A_1810 = arith.constant 0 : i32
        %dma_wait3A_1811 = tpu.memref_slice %arg4[%mul3A_4, %dma_wait3A_1809, %dma_wait3A_1810] : memref<16384x50x64xf32, #tpu.memory_space<hbm>> -> memref<1x50x64xf32, #tpu.memory_space<hbm>>
        %dma_wait3A_1812 = tpu.memref_squeeze %dma_wait3A_1811 : memref<1x50x64xf32, #tpu.memory_space<hbm>> -> memref<50x64xf32, #tpu.memory_space<hbm>>
        %dma_wait3A_1813 = arith.constant 0 : i32
        %dma_wait3A_1814 = arith.constant 0 : i32
        %dma_wait3A_1815 = tpu.memref_slice %arg6[%dma_wait3A_1797, %dma_wait3A_1813, %dma_wait3A_1814] : memref<4x400x64xf32, #tpu.memory_space<vmem>> -> memref<1x400x64xf32, #tpu.memory_space<vmem>>
        %dma_wait3A_1816 = tpu.memref_squeeze %dma_wait3A_1815 : memref<1x400x64xf32, #tpu.memory_space<vmem>> -> memref<400x64xf32, #tpu.memory_space<vmem>>
        %dma_wait3A_1817 = arith.constant 50 : i32
        %dma_wait3A_1818 = arith.constant 0 : i32
        %dma_wait3A_1819 = tpu.memref_slice %dma_wait3A_1816[%dma_wait3A_1817, %dma_wait3A_1818] : memref<400x64xf32, #tpu.memory_space<vmem>> -> memref<50x64xf32, #tpu.memory_space<vmem>>
        tpu.wait_dma2 semaphore(%arg11 : memref<!tpu.dma_semaphore, #tpu.memory_space<semaphore_mem>>) src(%dma_wait3A_1819 : memref<50x64xf32, #tpu.memory_space<vmem>>) dst(%dma_wait3A_1812 : memref<50x64xf32, #tpu.memory_space<hbm>>)
        %dma_wait3A_1820 = arith.constant 0 : i32
        %dma_wait3A_1821 = arith.constant 0 : i32
        %dma_wait3A_1822 = arith.constant 0 : i32
        %dma_wait3A_1823 = tpu.memref_slice %arg6[%dma_wait3A_1820, %dma_wait3A_1821, %dma_wait3A_1822] : memref<4x400x64xf32, #tpu.memory_space<vmem>> -> memref<1x400x64xf32, #tpu.memory_space<vmem>>
        %dma_wait3A_1824 = tpu.memref_squeeze %dma_wait3A_1823 : memref<1x400x64xf32, #tpu.memory_space<vmem>> -> memref<400x64xf32, #tpu.memory_space<vmem>>
        %dma_wait3A_1825 = arith.constant 100 : i32
        %dma_wait3A_1826 = arith.constant 0 : i32
        %dma_wait3A_1827 = tpu.memref_slice %dma_wait3A_1824[%dma_wait3A_1825, %dma_wait3A_1826] : memref<400x64xf32, #tpu.memory_space<vmem>> -> memref<50x64xf32, #tpu.memory_space<vmem>>
        %dma_wait3A_1828 = arith.constant 0 : i32
        %dma_wait3A_1829 = arith.constant 0 : i32
        %dma_wait3A_1830 = tpu.memref_slice %arg4[%mul3A_4, %dma_wait3A_1828, %dma_wait3A_1829] : memref<16384x50x64xf32, #tpu.memory_space<hbm>> -> memref<1x50x64xf32, #tpu.memory_space<hbm>>
        %dma_wait3A_1831 = tpu.memref_squeeze %dma_wait3A_1830 : memref<1x50x64xf32, #tpu.memory_space<hbm>> -> memref<50x64xf32, #tpu.memory_space<hbm>>
        %dma_wait3A_1832 = arith.constant 0 : i32
        %dma_wait3A_1833 = arith.constant 0 : i32
        %dma_wait3A_1834 = tpu.memref_slice %arg4[%mul3A_4, %dma_wait3A_1832, %dma_wait3A_1833] : memref<16384x50x64xf32, #tpu.memory_space<hbm>> -> memref<1x50x64xf32, #tpu.memory_space<hbm>>
        %dma_wait3A_1835 = tpu.memref_squeeze %dma_wait3A_1834 : memref<1x50x64xf32, #tpu.memory_space<hbm>> -> memref<50x64xf32, #tpu.memory_space<hbm>>
        %dma_wait3A_1836 = arith.constant 0 : i32
        %dma_wait3A_1837 = arith.constant 0 : i32
        %dma_wait3A_1838 = tpu.memref_slice %arg6[%dma_wait3A_1820, %dma_wait3A_1836, %dma_wait3A_1837] : memref<4x400x64xf32, #tpu.memory_space<vmem>> -> memref<1x400x64xf32, #tpu.memory_space<vmem>>
        %dma_wait3A_1839 = tpu.memref_squeeze %dma_wait3A_1838 : memref<1x400x64xf32, #tpu.memory_space<vmem>> -> memref<400x64xf32, #tpu.memory_space<vmem>>
        %dma_wait3A_1840 = arith.constant 100 : i32
        %dma_wait3A_1841 = arith.constant 0 : i32
        %dma_wait3A_1842 = tpu.memref_slice %dma_wait3A_1839[%dma_wait3A_1840, %dma_wait3A_1841] : memref<400x64xf32, #tpu.memory_space<vmem>> -> memref<50x64xf32, #tpu.memory_space<vmem>>
        tpu.wait_dma2 semaphore(%arg11 : memref<!tpu.dma_semaphore, #tpu.memory_space<semaphore_mem>>) src(%dma_wait3A_1842 : memref<50x64xf32, #tpu.memory_space<vmem>>) dst(%dma_wait3A_1835 : memref<50x64xf32, #tpu.memory_space<hbm>>)
        %dma_wait3A_1843 = arith.constant 0 : i32
        %dma_wait3A_1844 = arith.constant 0 : i32
        %dma_wait3A_1845 = arith.constant 0 : i32
        %dma_wait3A_1846 = tpu.memref_slice %arg6[%dma_wait3A_1843, %dma_wait3A_1844, %dma_wait3A_1845] : memref<4x400x64xf32, #tpu.memory_space<vmem>> -> memref<1x400x64xf32, #tpu.memory_space<vmem>>
        %dma_wait3A_1847 = tpu.memref_squeeze %dma_wait3A_1846 : memref<1x400x64xf32, #tpu.memory_space<vmem>> -> memref<400x64xf32, #tpu.memory_space<vmem>>
        %dma_wait3A_1848 = arith.constant 150 : i32
        %dma_wait3A_1849 = arith.constant 0 : i32
        %dma_wait3A_1850 = tpu.memref_slice %dma_wait3A_1847[%dma_wait3A_1848, %dma_wait3A_1849] : memref<400x64xf32, #tpu.memory_space<vmem>> -> memref<50x64xf32, #tpu.memory_space<vmem>>
        %dma_wait3A_1851 = arith.constant 0 : i32
        %dma_wait3A_1852 = arith.constant 0 : i32
        %dma_wait3A_1853 = tpu.memref_slice %arg4[%mul3A_4, %dma_wait3A_1851, %dma_wait3A_1852] : memref<16384x50x64xf32, #tpu.memory_space<hbm>> -> memref<1x50x64xf32, #tpu.memory_space<hbm>>
        %dma_wait3A_1854 = tpu.memref_squeeze %dma_wait3A_1853 : memref<1x50x64xf32, #tpu.memory_space<hbm>> -> memref<50x64xf32, #tpu.memory_space<hbm>>
        %dma_wait3A_1855 = arith.constant 0 : i32
        %dma_wait3A_1856 = arith.constant 0 : i32
        %dma_wait3A_1857 = tpu.memref_slice %arg4[%mul3A_4, %dma_wait3A_1855, %dma_wait3A_1856] : memref<16384x50x64xf32, #tpu.memory_space<hbm>> -> memref<1x50x64xf32, #tpu.memory_space<hbm>>
        %dma_wait3A_1858 = tpu.memref_squeeze %dma_wait3A_1857 : memref<1x50x64xf32, #tpu.memory_space<hbm>> -> memref<50x64xf32, #tpu.memory_space<hbm>>
        %dma_wait3A_1859 = arith.constant 0 : i32
        %dma_wait3A_1860 = arith.constant 0 : i32
        %dma_wait3A_1861 = tpu.memref_slice %arg6[%dma_wait3A_1843, %dma_wait3A_1859, %dma_wait3A_1860] : memref<4x400x64xf32, #tpu.memory_space<vmem>> -> memref<1x400x64xf32, #tpu.memory_space<vmem>>
        %dma_wait3A_1862 = tpu.memref_squeeze %dma_wait3A_1861 : memref<1x400x64xf32, #tpu.memory_space<vmem>> -> memref<400x64xf32, #tpu.memory_space<vmem>>
        %dma_wait3A_1863 = arith.constant 150 : i32
        %dma_wait3A_1864 = arith.constant 0 : i32
        %dma_wait3A_1865 = tpu.memref_slice %dma_wait3A_1862[%dma_wait3A_1863, %dma_wait3A_1864] : memref<400x64xf32, #tpu.memory_space<vmem>> -> memref<50x64xf32, #tpu.memory_space<vmem>>
        tpu.wait_dma2 semaphore(%arg11 : memref<!tpu.dma_semaphore, #tpu.memory_space<semaphore_mem>>) src(%dma_wait3A_1865 : memref<50x64xf32, #tpu.memory_space<vmem>>) dst(%dma_wait3A_1858 : memref<50x64xf32, #tpu.memory_space<hbm>>)
        %dma_wait3A_1866 = arith.constant 0 : i32
        %dma_wait3A_1867 = arith.constant 0 : i32
        %dma_wait3A_1868 = arith.constant 0 : i32
        %dma_wait3A_1869 = tpu.memref_slice %arg6[%dma_wait3A_1866, %dma_wait3A_1867, %dma_wait3A_1868] : memref<4x400x64xf32, #tpu.memory_space<vmem>> -> memref<1x400x64xf32, #tpu.memory_space<vmem>>
        %dma_wait3A_1870 = tpu.memref_squeeze %dma_wait3A_1869 : memref<1x400x64xf32, #tpu.memory_space<vmem>> -> memref<400x64xf32, #tpu.memory_space<vmem>>
        %dma_wait3A_1871 = arith.constant 200 : i32
        %dma_wait3A_1872 = arith.constant 0 : i32
        %dma_wait3A_1873 = tpu.memref_slice %dma_wait3A_1870[%dma_wait3A_1871, %dma_wait3A_1872] : memref<400x64xf32, #tpu.memory_space<vmem>> -> memref<50x64xf32, #tpu.memory_space<vmem>>
        %dma_wait3A_1874 = arith.constant 0 : i32
        %dma_wait3A_1875 = arith.constant 0 : i32
        %dma_wait3A_1876 = tpu.memref_slice %arg4[%mul3A_4, %dma_wait3A_1874, %dma_wait3A_1875] : memref<16384x50x64xf32, #tpu.memory_space<hbm>> -> memref<1x50x64xf32, #tpu.memory_space<hbm>>
        %dma_wait3A_1877 = tpu.memref_squeeze %dma_wait3A_1876 : memref<1x50x64xf32, #tpu.memory_space<hbm>> -> memref<50x64xf32, #tpu.memory_space<hbm>>
        %dma_wait3A_1878 = arith.constant 0 : i32
        %dma_wait3A_1879 = arith.constant 0 : i32
        %dma_wait3A_1880 = tpu.memref_slice %arg4[%mul3A_4, %dma_wait3A_1878, %dma_wait3A_1879] : memref<16384x50x64xf32, #tpu.memory_space<hbm>> -> memref<1x50x64xf32, #tpu.memory_space<hbm>>
        %dma_wait3A_1881 = tpu.memref_squeeze %dma_wait3A_1880 : memref<1x50x64xf32, #tpu.memory_space<hbm>> -> memref<50x64xf32, #tpu.memory_space<hbm>>
        %dma_wait3A_1882 = arith.constant 0 : i32
        %dma_wait3A_1883 = arith.constant 0 : i32
        %dma_wait3A_1884 = tpu.memref_slice %arg6[%dma_wait3A_1866, %dma_wait3A_1882, %dma_wait3A_1883] : memref<4x400x64xf32, #tpu.memory_space<vmem>> -> memref<1x400x64xf32, #tpu.memory_space<vmem>>
        %dma_wait3A_1885 = tpu.memref_squeeze %dma_wait3A_1884 : memref<1x400x64xf32, #tpu.memory_space<vmem>> -> memref<400x64xf32, #tpu.memory_space<vmem>>
        %dma_wait3A_1886 = arith.constant 200 : i32
        %dma_wait3A_1887 = arith.constant 0 : i32
        %dma_wait3A_1888 = tpu.memref_slice %dma_wait3A_1885[%dma_wait3A_1886, %dma_wait3A_1887] : memref<400x64xf32, #tpu.memory_space<vmem>> -> memref<50x64xf32, #tpu.memory_space<vmem>>
        tpu.wait_dma2 semaphore(%arg11 : memref<!tpu.dma_semaphore, #tpu.memory_space<semaphore_mem>>) src(%dma_wait3A_1888 : memref<50x64xf32, #tpu.memory_space<vmem>>) dst(%dma_wait3A_1881 : memref<50x64xf32, #tpu.memory_space<hbm>>)
        %dma_wait3A_1889 = arith.constant 0 : i32
        %dma_wait3A_1890 = arith.constant 0 : i32
        %dma_wait3A_1891 = arith.constant 0 : i32
        %dma_wait3A_1892 = tpu.memref_slice %arg6[%dma_wait3A_1889, %dma_wait3A_1890, %dma_wait3A_1891] : memref<4x400x64xf32, #tpu.memory_space<vmem>> -> memref<1x400x64xf32, #tpu.memory_space<vmem>>
        %dma_wait3A_1893 = tpu.memref_squeeze %dma_wait3A_1892 : memref<1x400x64xf32, #tpu.memory_space<vmem>> -> memref<400x64xf32, #tpu.memory_space<vmem>>
        %dma_wait3A_1894 = arith.constant 250 : i32
        %dma_wait3A_1895 = arith.constant 0 : i32
        %dma_wait3A_1896 = tpu.memref_slice %dma_wait3A_1893[%dma_wait3A_1894, %dma_wait3A_1895] : memref<400x64xf32, #tpu.memory_space<vmem>> -> memref<50x64xf32, #tpu.memory_space<vmem>>
        %dma_wait3A_1897 = arith.constant 0 : i32
        %dma_wait3A_1898 = arith.constant 0 : i32
        %dma_wait3A_1899 = tpu.memref_slice %arg4[%mul3A_4, %dma_wait3A_1897, %dma_wait3A_1898] : memref<16384x50x64xf32, #tpu.memory_space<hbm>> -> memref<1x50x64xf32, #tpu.memory_space<hbm>>
        %dma_wait3A_1900 = tpu.memref_squeeze %dma_wait3A_1899 : memref<1x50x64xf32, #tpu.memory_space<hbm>> -> memref<50x64xf32, #tpu.memory_space<hbm>>
        %dma_wait3A_1901 = arith.constant 0 : i32
        %dma_wait3A_1902 = arith.constant 0 : i32
        %dma_wait3A_1903 = tpu.memref_slice %arg4[%mul3A_4, %dma_wait3A_1901, %dma_wait3A_1902] : memref<16384x50x64xf32, #tpu.memory_space<hbm>> -> memref<1x50x64xf32, #tpu.memory_space<hbm>>
        %dma_wait3A_1904 = tpu.memref_squeeze %dma_wait3A_1903 : memref<1x50x64xf32, #tpu.memory_space<hbm>> -> memref<50x64xf32, #tpu.memory_space<hbm>>
        %dma_wait3A_1905 = arith.constant 0 : i32
        %dma_wait3A_1906 = arith.constant 0 : i32
        %dma_wait3A_1907 = tpu.memref_slice %arg6[%dma_wait3A_1889, %dma_wait3A_1905, %dma_wait3A_1906] : memref<4x400x64xf32, #tpu.memory_space<vmem>> -> memref<1x400x64xf32, #tpu.memory_space<vmem>>
        %dma_wait3A_1908 = tpu.memref_squeeze %dma_wait3A_1907 : memref<1x400x64xf32, #tpu.memory_space<vmem>> -> memref<400x64xf32, #tpu.memory_space<vmem>>
        %dma_wait3A_1909 = arith.constant 250 : i32
        %dma_wait3A_1910 = arith.constant 0 : i32
        %dma_wait3A_1911 = tpu.memref_slice %dma_wait3A_1908[%dma_wait3A_1909, %dma_wait3A_1910] : memref<400x64xf32, #tpu.memory_space<vmem>> -> memref<50x64xf32, #tpu.memory_space<vmem>>
        tpu.wait_dma2 semaphore(%arg11 : memref<!tpu.dma_semaphore, #tpu.memory_space<semaphore_mem>>) src(%dma_wait3A_1911 : memref<50x64xf32, #tpu.memory_space<vmem>>) dst(%dma_wait3A_1904 : memref<50x64xf32, #tpu.memory_space<hbm>>)
        %dma_wait3A_1912 = arith.constant 0 : i32
        %dma_wait3A_1913 = arith.constant 0 : i32
        %dma_wait3A_1914 = arith.constant 0 : i32
        %dma_wait3A_1915 = tpu.memref_slice %arg6[%dma_wait3A_1912, %dma_wait3A_1913, %dma_wait3A_1914] : memref<4x400x64xf32, #tpu.memory_space<vmem>> -> memref<1x400x64xf32, #tpu.memory_space<vmem>>
        %dma_wait3A_1916 = tpu.memref_squeeze %dma_wait3A_1915 : memref<1x400x64xf32, #tpu.memory_space<vmem>> -> memref<400x64xf32, #tpu.memory_space<vmem>>
        %dma_wait3A_1917 = arith.constant 300 : i32
        %dma_wait3A_1918 = arith.constant 0 : i32
        %dma_wait3A_1919 = tpu.memref_slice %dma_wait3A_1916[%dma_wait3A_1917, %dma_wait3A_1918] : memref<400x64xf32, #tpu.memory_space<vmem>> -> memref<50x64xf32, #tpu.memory_space<vmem>>
        %dma_wait3A_1920 = arith.constant 0 : i32
        %dma_wait3A_1921 = arith.constant 0 : i32
        %dma_wait3A_1922 = tpu.memref_slice %arg4[%mul3A_4, %dma_wait3A_1920, %dma_wait3A_1921] : memref<16384x50x64xf32, #tpu.memory_space<hbm>> -> memref<1x50x64xf32, #tpu.memory_space<hbm>>
        %dma_wait3A_1923 = tpu.memref_squeeze %dma_wait3A_1922 : memref<1x50x64xf32, #tpu.memory_space<hbm>> -> memref<50x64xf32, #tpu.memory_space<hbm>>
        %dma_wait3A_1924 = arith.constant 0 : i32
        %dma_wait3A_1925 = arith.constant 0 : i32
        %dma_wait3A_1926 = tpu.memref_slice %arg4[%mul3A_4, %dma_wait3A_1924, %dma_wait3A_1925] : memref<16384x50x64xf32, #tpu.memory_space<hbm>> -> memref<1x50x64xf32, #tpu.memory_space<hbm>>
        %dma_wait3A_1927 = tpu.memref_squeeze %dma_wait3A_1926 : memref<1x50x64xf32, #tpu.memory_space<hbm>> -> memref<50x64xf32, #tpu.memory_space<hbm>>
        %dma_wait3A_1928 = arith.constant 0 : i32
        %dma_wait3A_1929 = arith.constant 0 : i32
        %dma_wait3A_1930 = tpu.memref_slice %arg6[%dma_wait3A_1912, %dma_wait3A_1928, %dma_wait3A_1929] : memref<4x400x64xf32, #tpu.memory_space<vmem>> -> memref<1x400x64xf32, #tpu.memory_space<vmem>>
        %dma_wait3A_1931 = tpu.memref_squeeze %dma_wait3A_1930 : memref<1x400x64xf32, #tpu.memory_space<vmem>> -> memref<400x64xf32, #tpu.memory_space<vmem>>
        %dma_wait3A_1932 = arith.constant 300 : i32
        %dma_wait3A_1933 = arith.constant 0 : i32
        %dma_wait3A_1934 = tpu.memref_slice %dma_wait3A_1931[%dma_wait3A_1932, %dma_wait3A_1933] : memref<400x64xf32, #tpu.memory_space<vmem>> -> memref<50x64xf32, #tpu.memory_space<vmem>>
        tpu.wait_dma2 semaphore(%arg11 : memref<!tpu.dma_semaphore, #tpu.memory_space<semaphore_mem>>) src(%dma_wait3A_1934 : memref<50x64xf32, #tpu.memory_space<vmem>>) dst(%dma_wait3A_1927 : memref<50x64xf32, #tpu.memory_space<hbm>>)
        %dma_wait3A_1935 = arith.constant 0 : i32
        %dma_wait3A_1936 = arith.constant 0 : i32
        %dma_wait3A_1937 = arith.constant 0 : i32
        %dma_wait3A_1938 = tpu.memref_slice %arg6[%dma_wait3A_1935, %dma_wait3A_1936, %dma_wait3A_1937] : memref<4x400x64xf32, #tpu.memory_space<vmem>> -> memref<1x400x64xf32, #tpu.memory_space<vmem>>
        %dma_wait3A_1939 = tpu.memref_squeeze %dma_wait3A_1938 : memref<1x400x64xf32, #tpu.memory_space<vmem>> -> memref<400x64xf32, #tpu.memory_space<vmem>>
        %dma_wait3A_1940 = arith.constant 350 : i32
        %dma_wait3A_1941 = arith.constant 0 : i32
        %dma_wait3A_1942 = tpu.memref_slice %dma_wait3A_1939[%dma_wait3A_1940, %dma_wait3A_1941] : memref<400x64xf32, #tpu.memory_space<vmem>> -> memref<50x64xf32, #tpu.memory_space<vmem>>
        %dma_wait3A_1943 = arith.constant 0 : i32
        %dma_wait3A_1944 = arith.constant 0 : i32
        %dma_wait3A_1945 = tpu.memref_slice %arg4[%mul3A_4, %dma_wait3A_1943, %dma_wait3A_1944] : memref<16384x50x64xf32, #tpu.memory_space<hbm>> -> memref<1x50x64xf32, #tpu.memory_space<hbm>>
        %dma_wait3A_1946 = tpu.memref_squeeze %dma_wait3A_1945 : memref<1x50x64xf32, #tpu.memory_space<hbm>> -> memref<50x64xf32, #tpu.memory_space<hbm>>
        %dma_wait3A_1947 = arith.constant 0 : i32
        %dma_wait3A_1948 = arith.constant 0 : i32
        %dma_wait3A_1949 = tpu.memref_slice %arg4[%mul3A_4, %dma_wait3A_1947, %dma_wait3A_1948] : memref<16384x50x64xf32, #tpu.memory_space<hbm>> -> memref<1x50x64xf32, #tpu.memory_space<hbm>>
        %dma_wait3A_1950 = tpu.memref_squeeze %dma_wait3A_1949 : memref<1x50x64xf32, #tpu.memory_space<hbm>> -> memref<50x64xf32, #tpu.memory_space<hbm>>
        %dma_wait3A_1951 = arith.constant 0 : i32
        %dma_wait3A_1952 = arith.constant 0 : i32
        %dma_wait3A_1953 = tpu.memref_slice %arg6[%dma_wait3A_1935, %dma_wait3A_1951, %dma_wait3A_1952] : memref<4x400x64xf32, #tpu.memory_space<vmem>> -> memref<1x400x64xf32, #tpu.memory_space<vmem>>
        %dma_wait3A_1954 = tpu.memref_squeeze %dma_wait3A_1953 : memref<1x400x64xf32, #tpu.memory_space<vmem>> -> memref<400x64xf32, #tpu.memory_space<vmem>>
        %dma_wait3A_1955 = arith.constant 350 : i32
        %dma_wait3A_1956 = arith.constant 0 : i32
        %dma_wait3A_1957 = tpu.memref_slice %dma_wait3A_1954[%dma_wait3A_1955, %dma_wait3A_1956] : memref<400x64xf32, #tpu.memory_space<vmem>> -> memref<50x64xf32, #tpu.memory_space<vmem>>
        tpu.wait_dma2 semaphore(%arg11 : memref<!tpu.dma_semaphore, #tpu.memory_space<semaphore_mem>>) src(%dma_wait3A_1957 : memref<50x64xf32, #tpu.memory_space<vmem>>) dst(%dma_wait3A_1950 : memref<50x64xf32, #tpu.memory_space<hbm>>)
        %mul3A_1958 = arith.constant 400 : i32
        %mul3A_1959 = arith.muli %add3A_1269, %mul3A_1958 : i32
        %dma_start3A_1960 = arith.constant 0 : i32
        %dma_start3A_1961 = arith.constant 0 : i32
        %dma_start3A_1962 = arith.constant 0 : i32
        %dma_start3A_1963 = tpu.memref_slice %arg6[%dma_start3A_1960, %dma_start3A_1961, %dma_start3A_1962] : memref<4x400x64xf32, #tpu.memory_space<vmem>> -> memref<1x400x64xf32, #tpu.memory_space<vmem>>
        %dma_start3A_1964 = tpu.memref_squeeze %dma_start3A_1963 : memref<1x400x64xf32, #tpu.memory_space<vmem>> -> memref<400x64xf32, #tpu.memory_space<vmem>>
        %dma_start3A_1965 = tpu.memref_slice %arg5[%mul3A_1959] : memref<25600xi32, #tpu.memory_space<vmem>> -> memref<400xi32, #tpu.memory_space<vmem>>
        %dma_start3A_1966 = arith.constant 0 : i32
        %dma_start3A_1967 = arith.constant 0 : i32
        %dma_start3A_1968 = tpu.memref_slice %arg3[%dma_start3A_1966, %dma_start3A_1967] : memref<1002x64xf32, #tpu.memory_space<hbm>> -> memref<1002x64xf32, #tpu.memory_space<hbm>>
        tpu.enqueue_indirect_dma source(%dma_start3A_1968 : memref<1002x64xf32, #tpu.memory_space<hbm>>) target(%dma_start3A_1964 : memref<400x64xf32, #tpu.memory_space<vmem>>) offsets(%dma_start3A_1965 : memref<400xi32, #tpu.memory_space<vmem>>) semaphore(%arg7 : memref<!tpu.dma_semaphore, #tpu.memory_space<semaphore_mem>>)
      } else {
      }
      %add3A_1278 = arith.constant 2 : i32
      %add3A_1279 = arith.addi %add3A_787, %add3A_1278 : i32
      %dma_wait3A_1280 = arith.constant 2 : i32
      %dma_wait3A_1281 = arith.constant 0 : i32
      %dma_wait3A_1282 = arith.constant 0 : i32
      %dma_wait3A_1283 = tpu.memref_slice %arg6[%dma_wait3A_1280, %dma_wait3A_1281, %dma_wait3A_1282] : memref<4x400x64xf32, #tpu.memory_space<vmem>> -> memref<1x400x64xf32, #tpu.memory_space<vmem>>
      %dma_wait3A_1284 = tpu.memref_squeeze %dma_wait3A_1283 : memref<1x400x64xf32, #tpu.memory_space<vmem>> -> memref<400x64xf32, #tpu.memory_space<vmem>>
      %dma_wait3A_1285 = arith.constant 0 : i32
      %dma_wait3A_1286 = tpu.memref_slice %arg5[%dma_wait3A_1285] : memref<25600xi32, #tpu.memory_space<vmem>> -> memref<400xi32, #tpu.memory_space<vmem>>
      %dma_wait3A_1287 = arith.constant 0 : i32
      %dma_wait3A_1288 = arith.constant 0 : i32
      %dma_wait3A_1289 = tpu.memref_slice %arg3[%dma_wait3A_1287, %dma_wait3A_1288] : memref<1002x64xf32, #tpu.memory_space<hbm>> -> memref<1002x64xf32, #tpu.memory_space<hbm>>
      tpu.wait_indirect_dma semaphore(%arg9 : memref<!tpu.dma_semaphore, #tpu.memory_space<semaphore_mem>>) src(%dma_wait3A_1289 : memref<1002x64xf32, #tpu.memory_space<hbm>>) dst(%dma_wait3A_1284 : memref<400x64xf32, #tpu.memory_space<vmem>>)
      %mul3A_1290 = arith.constant 8 : i32
      %mul3A_1291 = arith.muli %add3A_1279, %mul3A_1290 : i32
      %add3A_1292 = arith.addi %mul3A_4, %mul3A_1291 : i32
      %add3A_1293 = arith.constant 0 : i32
      %add3A_1294 = arith.addi %add3A_1292, %add3A_1293 : i32
      %dma_start3A_1295 = arith.constant 2 : i32
      %dma_start3A_1296 = arith.constant 0 : i32
      %dma_start3A_1297 = arith.constant 0 : i32
      %dma_start3A_1298 = tpu.memref_slice %arg6[%dma_start3A_1295, %dma_start3A_1296, %dma_start3A_1297] : memref<4x400x64xf32, #tpu.memory_space<vmem>> -> memref<1x400x64xf32, #tpu.memory_space<vmem>>
      %dma_start3A_1299 = tpu.memref_squeeze %dma_start3A_1298 : memref<1x400x64xf32, #tpu.memory_space<vmem>> -> memref<400x64xf32, #tpu.memory_space<vmem>>
      %dma_start3A_1300 = arith.constant 0 : i32
      %dma_start3A_1301 = arith.constant 0 : i32
      %dma_start3A_1302 = tpu.memref_slice %dma_start3A_1299[%dma_start3A_1300, %dma_start3A_1301] : memref<400x64xf32, #tpu.memory_space<vmem>> -> memref<50x64xf32, #tpu.memory_space<vmem>>
      %dma_start3A_1303 = arith.constant 0 : i32
      %dma_start3A_1304 = arith.constant 0 : i32
      %dma_start3A_1305 = tpu.memref_slice %arg4[%add3A_1294, %dma_start3A_1303, %dma_start3A_1304] : memref<16384x50x64xf32, #tpu.memory_space<hbm>> -> memref<1x50x64xf32, #tpu.memory_space<hbm>>
      %dma_start3A_1306 = tpu.memref_squeeze %dma_start3A_1305 : memref<1x50x64xf32, #tpu.memory_space<hbm>> -> memref<50x64xf32, #tpu.memory_space<hbm>>
      %dma_start3A_1307 = arith.constant 0 : i32
      %dma_start3A_1308 = arith.constant 0 : i32
      %dma_start3A_1309 = tpu.memref_slice %arg4[%add3A_1294, %dma_start3A_1307, %dma_start3A_1308] : memref<16384x50x64xf32, #tpu.memory_space<hbm>> -> memref<1x50x64xf32, #tpu.memory_space<hbm>>
      %dma_start3A_1310 = tpu.memref_squeeze %dma_start3A_1309 : memref<1x50x64xf32, #tpu.memory_space<hbm>> -> memref<50x64xf32, #tpu.memory_space<hbm>>
      %dma_start3A_1311 = arith.constant 0 : i32
      %dma_start3A_1312 = arith.constant 0 : i32
      %dma_start3A_1313 = tpu.memref_slice %arg6[%dma_start3A_1295, %dma_start3A_1311, %dma_start3A_1312] : memref<4x400x64xf32, #tpu.memory_space<vmem>> -> memref<1x400x64xf32, #tpu.memory_space<vmem>>
      %dma_start3A_1314 = tpu.memref_squeeze %dma_start3A_1313 : memref<1x400x64xf32, #tpu.memory_space<vmem>> -> memref<400x64xf32, #tpu.memory_space<vmem>>
      %dma_start3A_1315 = arith.constant 0 : i32
      %dma_start3A_1316 = arith.constant 0 : i32
      %dma_start3A_1317 = tpu.memref_slice %dma_start3A_1314[%dma_start3A_1315, %dma_start3A_1316] : memref<400x64xf32, #tpu.memory_space<vmem>> -> memref<50x64xf32, #tpu.memory_space<vmem>>
      tpu.enqueue_dma source(%dma_start3A_1317 : memref<50x64xf32, #tpu.memory_space<vmem>>) target(%dma_start3A_1310 : memref<50x64xf32, #tpu.memory_space<hbm>>) target_semaphore(%arg13 : memref<!tpu.dma_semaphore, #tpu.memory_space<semaphore_mem>>)
      %mul3A_1318 = arith.constant 8 : i32
      %mul3A_1319 = arith.muli %add3A_1279, %mul3A_1318 : i32
      %add3A_1320 = arith.addi %mul3A_4, %mul3A_1319 : i32
      %add3A_1321 = arith.constant 1 : i32
      %add3A_1322 = arith.addi %add3A_1320, %add3A_1321 : i32
      %dma_start3A_1323 = arith.constant 2 : i32
      %dma_start3A_1324 = arith.constant 0 : i32
      %dma_start3A_1325 = arith.constant 0 : i32
      %dma_start3A_1326 = tpu.memref_slice %arg6[%dma_start3A_1323, %dma_start3A_1324, %dma_start3A_1325] : memref<4x400x64xf32, #tpu.memory_space<vmem>> -> memref<1x400x64xf32, #tpu.memory_space<vmem>>
      %dma_start3A_1327 = tpu.memref_squeeze %dma_start3A_1326 : memref<1x400x64xf32, #tpu.memory_space<vmem>> -> memref<400x64xf32, #tpu.memory_space<vmem>>
      %dma_start3A_1328 = arith.constant 50 : i32
      %dma_start3A_1329 = arith.constant 0 : i32
      %dma_start3A_1330 = tpu.memref_slice %dma_start3A_1327[%dma_start3A_1328, %dma_start3A_1329] : memref<400x64xf32, #tpu.memory_space<vmem>> -> memref<50x64xf32, #tpu.memory_space<vmem>>
      %dma_start3A_1331 = arith.constant 0 : i32
      %dma_start3A_1332 = arith.constant 0 : i32
      %dma_start3A_1333 = tpu.memref_slice %arg4[%add3A_1322, %dma_start3A_1331, %dma_start3A_1332] : memref<16384x50x64xf32, #tpu.memory_space<hbm>> -> memref<1x50x64xf32, #tpu.memory_space<hbm>>
      %dma_start3A_1334 = tpu.memref_squeeze %dma_start3A_1333 : memref<1x50x64xf32, #tpu.memory_space<hbm>> -> memref<50x64xf32, #tpu.memory_space<hbm>>
      %dma_start3A_1335 = arith.constant 0 : i32
      %dma_start3A_1336 = arith.constant 0 : i32
      %dma_start3A_1337 = tpu.memref_slice %arg4[%add3A_1322, %dma_start3A_1335, %dma_start3A_1336] : memref<16384x50x64xf32, #tpu.memory_space<hbm>> -> memref<1x50x64xf32, #tpu.memory_space<hbm>>
      %dma_start3A_1338 = tpu.memref_squeeze %dma_start3A_1337 : memref<1x50x64xf32, #tpu.memory_space<hbm>> -> memref<50x64xf32, #tpu.memory_space<hbm>>
      %dma_start3A_1339 = arith.constant 0 : i32
      %dma_start3A_1340 = arith.constant 0 : i32
      %dma_start3A_1341 = tpu.memref_slice %arg6[%dma_start3A_1323, %dma_start3A_1339, %dma_start3A_1340] : memref<4x400x64xf32, #tpu.memory_space<vmem>> -> memref<1x400x64xf32, #tpu.memory_space<vmem>>
      %dma_start3A_1342 = tpu.memref_squeeze %dma_start3A_1341 : memref<1x400x64xf32, #tpu.memory_space<vmem>> -> memref<400x64xf32, #tpu.memory_space<vmem>>
      %dma_start3A_1343 = arith.constant 50 : i32
      %dma_start3A_1344 = arith.constant 0 : i32
      %dma_start3A_1345 = tpu.memref_slice %dma_start3A_1342[%dma_start3A_1343, %dma_start3A_1344] : memref<400x64xf32, #tpu.memory_space<vmem>> -> memref<50x64xf32, #tpu.memory_space<vmem>>
      tpu.enqueue_dma source(%dma_start3A_1345 : memref<50x64xf32, #tpu.memory_space<vmem>>) target(%dma_start3A_1338 : memref<50x64xf32, #tpu.memory_space<hbm>>) target_semaphore(%arg13 : memref<!tpu.dma_semaphore, #tpu.memory_space<semaphore_mem>>)
      %mul3A_1346 = arith.constant 8 : i32
      %mul3A_1347 = arith.muli %add3A_1279, %mul3A_1346 : i32
      %add3A_1348 = arith.addi %mul3A_4, %mul3A_1347 : i32
      %add3A_1349 = arith.constant 2 : i32
      %add3A_1350 = arith.addi %add3A_1348, %add3A_1349 : i32
      %dma_start3A_1351 = arith.constant 2 : i32
      %dma_start3A_1352 = arith.constant 0 : i32
      %dma_start3A_1353 = arith.constant 0 : i32
      %dma_start3A_1354 = tpu.memref_slice %arg6[%dma_start3A_1351, %dma_start3A_1352, %dma_start3A_1353] : memref<4x400x64xf32, #tpu.memory_space<vmem>> -> memref<1x400x64xf32, #tpu.memory_space<vmem>>
      %dma_start3A_1355 = tpu.memref_squeeze %dma_start3A_1354 : memref<1x400x64xf32, #tpu.memory_space<vmem>> -> memref<400x64xf32, #tpu.memory_space<vmem>>
      %dma_start3A_1356 = arith.constant 100 : i32
      %dma_start3A_1357 = arith.constant 0 : i32
      %dma_start3A_1358 = tpu.memref_slice %dma_start3A_1355[%dma_start3A_1356, %dma_start3A_1357] : memref<400x64xf32, #tpu.memory_space<vmem>> -> memref<50x64xf32, #tpu.memory_space<vmem>>
      %dma_start3A_1359 = arith.constant 0 : i32
      %dma_start3A_1360 = arith.constant 0 : i32
      %dma_start3A_1361 = tpu.memref_slice %arg4[%add3A_1350, %dma_start3A_1359, %dma_start3A_1360] : memref<16384x50x64xf32, #tpu.memory_space<hbm>> -> memref<1x50x64xf32, #tpu.memory_space<hbm>>
      %dma_start3A_1362 = tpu.memref_squeeze %dma_start3A_1361 : memref<1x50x64xf32, #tpu.memory_space<hbm>> -> memref<50x64xf32, #tpu.memory_space<hbm>>
      %dma_start3A_1363 = arith.constant 0 : i32
      %dma_start3A_1364 = arith.constant 0 : i32
      %dma_start3A_1365 = tpu.memref_slice %arg4[%add3A_1350, %dma_start3A_1363, %dma_start3A_1364] : memref<16384x50x64xf32, #tpu.memory_space<hbm>> -> memref<1x50x64xf32, #tpu.memory_space<hbm>>
      %dma_start3A_1366 = tpu.memref_squeeze %dma_start3A_1365 : memref<1x50x64xf32, #tpu.memory_space<hbm>> -> memref<50x64xf32, #tpu.memory_space<hbm>>
      %dma_start3A_1367 = arith.constant 0 : i32
      %dma_start3A_1368 = arith.constant 0 : i32
      %dma_start3A_1369 = tpu.memref_slice %arg6[%dma_start3A_1351, %dma_start3A_1367, %dma_start3A_1368] : memref<4x400x64xf32, #tpu.memory_space<vmem>> -> memref<1x400x64xf32, #tpu.memory_space<vmem>>
      %dma_start3A_1370 = tpu.memref_squeeze %dma_start3A_1369 : memref<1x400x64xf32, #tpu.memory_space<vmem>> -> memref<400x64xf32, #tpu.memory_space<vmem>>
      %dma_start3A_1371 = arith.constant 100 : i32
      %dma_start3A_1372 = arith.constant 0 : i32
      %dma_start3A_1373 = tpu.memref_slice %dma_start3A_1370[%dma_start3A_1371, %dma_start3A_1372] : memref<400x64xf32, #tpu.memory_space<vmem>> -> memref<50x64xf32, #tpu.memory_space<vmem>>
      tpu.enqueue_dma source(%dma_start3A_1373 : memref<50x64xf32, #tpu.memory_space<vmem>>) target(%dma_start3A_1366 : memref<50x64xf32, #tpu.memory_space<hbm>>) target_semaphore(%arg13 : memref<!tpu.dma_semaphore, #tpu.memory_space<semaphore_mem>>)
      %mul3A_1374 = arith.constant 8 : i32
      %mul3A_1375 = arith.muli %add3A_1279, %mul3A_1374 : i32
      %add3A_1376 = arith.addi %mul3A_4, %mul3A_1375 : i32
      %add3A_1377 = arith.constant 3 : i32
      %add3A_1378 = arith.addi %add3A_1376, %add3A_1377 : i32
      %dma_start3A_1379 = arith.constant 2 : i32
      %dma_start3A_1380 = arith.constant 0 : i32
      %dma_start3A_1381 = arith.constant 0 : i32
      %dma_start3A_1382 = tpu.memref_slice %arg6[%dma_start3A_1379, %dma_start3A_1380, %dma_start3A_1381] : memref<4x400x64xf32, #tpu.memory_space<vmem>> -> memref<1x400x64xf32, #tpu.memory_space<vmem>>
      %dma_start3A_1383 = tpu.memref_squeeze %dma_start3A_1382 : memref<1x400x64xf32, #tpu.memory_space<vmem>> -> memref<400x64xf32, #tpu.memory_space<vmem>>
      %dma_start3A_1384 = arith.constant 150 : i32
      %dma_start3A_1385 = arith.constant 0 : i32
      %dma_start3A_1386 = tpu.memref_slice %dma_start3A_1383[%dma_start3A_1384, %dma_start3A_1385] : memref<400x64xf32, #tpu.memory_space<vmem>> -> memref<50x64xf32, #tpu.memory_space<vmem>>
      %dma_start3A_1387 = arith.constant 0 : i32
      %dma_start3A_1388 = arith.constant 0 : i32
      %dma_start3A_1389 = tpu.memref_slice %arg4[%add3A_1378, %dma_start3A_1387, %dma_start3A_1388] : memref<16384x50x64xf32, #tpu.memory_space<hbm>> -> memref<1x50x64xf32, #tpu.memory_space<hbm>>
      %dma_start3A_1390 = tpu.memref_squeeze %dma_start3A_1389 : memref<1x50x64xf32, #tpu.memory_space<hbm>> -> memref<50x64xf32, #tpu.memory_space<hbm>>
      %dma_start3A_1391 = arith.constant 0 : i32
      %dma_start3A_1392 = arith.constant 0 : i32
      %dma_start3A_1393 = tpu.memref_slice %arg4[%add3A_1378, %dma_start3A_1391, %dma_start3A_1392] : memref<16384x50x64xf32, #tpu.memory_space<hbm>> -> memref<1x50x64xf32, #tpu.memory_space<hbm>>
      %dma_start3A_1394 = tpu.memref_squeeze %dma_start3A_1393 : memref<1x50x64xf32, #tpu.memory_space<hbm>> -> memref<50x64xf32, #tpu.memory_space<hbm>>
      %dma_start3A_1395 = arith.constant 0 : i32
      %dma_start3A_1396 = arith.constant 0 : i32
      %dma_start3A_1397 = tpu.memref_slice %arg6[%dma_start3A_1379, %dma_start3A_1395, %dma_start3A_1396] : memref<4x400x64xf32, #tpu.memory_space<vmem>> -> memref<1x400x64xf32, #tpu.memory_space<vmem>>
      %dma_start3A_1398 = tpu.memref_squeeze %dma_start3A_1397 : memref<1x400x64xf32, #tpu.memory_space<vmem>> -> memref<400x64xf32, #tpu.memory_space<vmem>>
      %dma_start3A_1399 = arith.constant 150 : i32
      %dma_start3A_1400 = arith.constant 0 : i32
      %dma_start3A_1401 = tpu.memref_slice %dma_start3A_1398[%dma_start3A_1399, %dma_start3A_1400] : memref<400x64xf32, #tpu.memory_space<vmem>> -> memref<50x64xf32, #tpu.memory_space<vmem>>
      tpu.enqueue_dma source(%dma_start3A_1401 : memref<50x64xf32, #tpu.memory_space<vmem>>) target(%dma_start3A_1394 : memref<50x64xf32, #tpu.memory_space<hbm>>) target_semaphore(%arg13 : memref<!tpu.dma_semaphore, #tpu.memory_space<semaphore_mem>>)
      %mul3A_1402 = arith.constant 8 : i32
      %mul3A_1403 = arith.muli %add3A_1279, %mul3A_1402 : i32
      %add3A_1404 = arith.addi %mul3A_4, %mul3A_1403 : i32
      %add3A_1405 = arith.constant 4 : i32
      %add3A_1406 = arith.addi %add3A_1404, %add3A_1405 : i32
      %dma_start3A_1407 = arith.constant 2 : i32
      %dma_start3A_1408 = arith.constant 0 : i32
      %dma_start3A_1409 = arith.constant 0 : i32
      %dma_start3A_1410 = tpu.memref_slice %arg6[%dma_start3A_1407, %dma_start3A_1408, %dma_start3A_1409] : memref<4x400x64xf32, #tpu.memory_space<vmem>> -> memref<1x400x64xf32, #tpu.memory_space<vmem>>
      %dma_start3A_1411 = tpu.memref_squeeze %dma_start3A_1410 : memref<1x400x64xf32, #tpu.memory_space<vmem>> -> memref<400x64xf32, #tpu.memory_space<vmem>>
      %dma_start3A_1412 = arith.constant 200 : i32
      %dma_start3A_1413 = arith.constant 0 : i32
      %dma_start3A_1414 = tpu.memref_slice %dma_start3A_1411[%dma_start3A_1412, %dma_start3A_1413] : memref<400x64xf32, #tpu.memory_space<vmem>> -> memref<50x64xf32, #tpu.memory_space<vmem>>
      %dma_start3A_1415 = arith.constant 0 : i32
      %dma_start3A_1416 = arith.constant 0 : i32
      %dma_start3A_1417 = tpu.memref_slice %arg4[%add3A_1406, %dma_start3A_1415, %dma_start3A_1416] : memref<16384x50x64xf32, #tpu.memory_space<hbm>> -> memref<1x50x64xf32, #tpu.memory_space<hbm>>
      %dma_start3A_1418 = tpu.memref_squeeze %dma_start3A_1417 : memref<1x50x64xf32, #tpu.memory_space<hbm>> -> memref<50x64xf32, #tpu.memory_space<hbm>>
      %dma_start3A_1419 = arith.constant 0 : i32
      %dma_start3A_1420 = arith.constant 0 : i32
      %dma_start3A_1421 = tpu.memref_slice %arg4[%add3A_1406, %dma_start3A_1419, %dma_start3A_1420] : memref<16384x50x64xf32, #tpu.memory_space<hbm>> -> memref<1x50x64xf32, #tpu.memory_space<hbm>>
      %dma_start3A_1422 = tpu.memref_squeeze %dma_start3A_1421 : memref<1x50x64xf32, #tpu.memory_space<hbm>> -> memref<50x64xf32, #tpu.memory_space<hbm>>
      %dma_start3A_1423 = arith.constant 0 : i32
      %dma_start3A_1424 = arith.constant 0 : i32
      %dma_start3A_1425 = tpu.memref_slice %arg6[%dma_start3A_1407, %dma_start3A_1423, %dma_start3A_1424] : memref<4x400x64xf32, #tpu.memory_space<vmem>> -> memref<1x400x64xf32, #tpu.memory_space<vmem>>
      %dma_start3A_1426 = tpu.memref_squeeze %dma_start3A_1425 : memref<1x400x64xf32, #tpu.memory_space<vmem>> -> memref<400x64xf32, #tpu.memory_space<vmem>>
      %dma_start3A_1427 = arith.constant 200 : i32
      %dma_start3A_1428 = arith.constant 0 : i32
      %dma_start3A_1429 = tpu.memref_slice %dma_start3A_1426[%dma_start3A_1427, %dma_start3A_1428] : memref<400x64xf32, #tpu.memory_space<vmem>> -> memref<50x64xf32, #tpu.memory_space<vmem>>
      tpu.enqueue_dma source(%dma_start3A_1429 : memref<50x64xf32, #tpu.memory_space<vmem>>) target(%dma_start3A_1422 : memref<50x64xf32, #tpu.memory_space<hbm>>) target_semaphore(%arg13 : memref<!tpu.dma_semaphore, #tpu.memory_space<semaphore_mem>>)
      %mul3A_1430 = arith.constant 8 : i32
      %mul3A_1431 = arith.muli %add3A_1279, %mul3A_1430 : i32
      %add3A_1432 = arith.addi %mul3A_4, %mul3A_1431 : i32
      %add3A_1433 = arith.constant 5 : i32
      %add3A_1434 = arith.addi %add3A_1432, %add3A_1433 : i32
      %dma_start3A_1435 = arith.constant 2 : i32
      %dma_start3A_1436 = arith.constant 0 : i32
      %dma_start3A_1437 = arith.constant 0 : i32
      %dma_start3A_1438 = tpu.memref_slice %arg6[%dma_start3A_1435, %dma_start3A_1436, %dma_start3A_1437] : memref<4x400x64xf32, #tpu.memory_space<vmem>> -> memref<1x400x64xf32, #tpu.memory_space<vmem>>
      %dma_start3A_1439 = tpu.memref_squeeze %dma_start3A_1438 : memref<1x400x64xf32, #tpu.memory_space<vmem>> -> memref<400x64xf32, #tpu.memory_space<vmem>>
      %dma_start3A_1440 = arith.constant 250 : i32
      %dma_start3A_1441 = arith.constant 0 : i32
      %dma_start3A_1442 = tpu.memref_slice %dma_start3A_1439[%dma_start3A_1440, %dma_start3A_1441] : memref<400x64xf32, #tpu.memory_space<vmem>> -> memref<50x64xf32, #tpu.memory_space<vmem>>
      %dma_start3A_1443 = arith.constant 0 : i32
      %dma_start3A_1444 = arith.constant 0 : i32
      %dma_start3A_1445 = tpu.memref_slice %arg4[%add3A_1434, %dma_start3A_1443, %dma_start3A_1444] : memref<16384x50x64xf32, #tpu.memory_space<hbm>> -> memref<1x50x64xf32, #tpu.memory_space<hbm>>
      %dma_start3A_1446 = tpu.memref_squeeze %dma_start3A_1445 : memref<1x50x64xf32, #tpu.memory_space<hbm>> -> memref<50x64xf32, #tpu.memory_space<hbm>>
      %dma_start3A_1447 = arith.constant 0 : i32
      %dma_start3A_1448 = arith.constant 0 : i32
      %dma_start3A_1449 = tpu.memref_slice %arg4[%add3A_1434, %dma_start3A_1447, %dma_start3A_1448] : memref<16384x50x64xf32, #tpu.memory_space<hbm>> -> memref<1x50x64xf32, #tpu.memory_space<hbm>>
      %dma_start3A_1450 = tpu.memref_squeeze %dma_start3A_1449 : memref<1x50x64xf32, #tpu.memory_space<hbm>> -> memref<50x64xf32, #tpu.memory_space<hbm>>
      %dma_start3A_1451 = arith.constant 0 : i32
      %dma_start3A_1452 = arith.constant 0 : i32
      %dma_start3A_1453 = tpu.memref_slice %arg6[%dma_start3A_1435, %dma_start3A_1451, %dma_start3A_1452] : memref<4x400x64xf32, #tpu.memory_space<vmem>> -> memref<1x400x64xf32, #tpu.memory_space<vmem>>
      %dma_start3A_1454 = tpu.memref_squeeze %dma_start3A_1453 : memref<1x400x64xf32, #tpu.memory_space<vmem>> -> memref<400x64xf32, #tpu.memory_space<vmem>>
      %dma_start3A_1455 = arith.constant 250 : i32
      %dma_start3A_1456 = arith.constant 0 : i32
      %dma_start3A_1457 = tpu.memref_slice %dma_start3A_1454[%dma_start3A_1455, %dma_start3A_1456] : memref<400x64xf32, #tpu.memory_space<vmem>> -> memref<50x64xf32, #tpu.memory_space<vmem>>
      tpu.enqueue_dma source(%dma_start3A_1457 : memref<50x64xf32, #tpu.memory_space<vmem>>) target(%dma_start3A_1450 : memref<50x64xf32, #tpu.memory_space<hbm>>) target_semaphore(%arg13 : memref<!tpu.dma_semaphore, #tpu.memory_space<semaphore_mem>>)
      %mul3A_1458 = arith.constant 8 : i32
      %mul3A_1459 = arith.muli %add3A_1279, %mul3A_1458 : i32
      %add3A_1460 = arith.addi %mul3A_4, %mul3A_1459 : i32
      %add3A_1461 = arith.constant 6 : i32
      %add3A_1462 = arith.addi %add3A_1460, %add3A_1461 : i32
      %dma_start3A_1463 = arith.constant 2 : i32
      %dma_start3A_1464 = arith.constant 0 : i32
      %dma_start3A_1465 = arith.constant 0 : i32
      %dma_start3A_1466 = tpu.memref_slice %arg6[%dma_start3A_1463, %dma_start3A_1464, %dma_start3A_1465] : memref<4x400x64xf32, #tpu.memory_space<vmem>> -> memref<1x400x64xf32, #tpu.memory_space<vmem>>
      %dma_start3A_1467 = tpu.memref_squeeze %dma_start3A_1466 : memref<1x400x64xf32, #tpu.memory_space<vmem>> -> memref<400x64xf32, #tpu.memory_space<vmem>>
      %dma_start3A_1468 = arith.constant 300 : i32
      %dma_start3A_1469 = arith.constant 0 : i32
      %dma_start3A_1470 = tpu.memref_slice %dma_start3A_1467[%dma_start3A_1468, %dma_start3A_1469] : memref<400x64xf32, #tpu.memory_space<vmem>> -> memref<50x64xf32, #tpu.memory_space<vmem>>
      %dma_start3A_1471 = arith.constant 0 : i32
      %dma_start3A_1472 = arith.constant 0 : i32
      %dma_start3A_1473 = tpu.memref_slice %arg4[%add3A_1462, %dma_start3A_1471, %dma_start3A_1472] : memref<16384x50x64xf32, #tpu.memory_space<hbm>> -> memref<1x50x64xf32, #tpu.memory_space<hbm>>
      %dma_start3A_1474 = tpu.memref_squeeze %dma_start3A_1473 : memref<1x50x64xf32, #tpu.memory_space<hbm>> -> memref<50x64xf32, #tpu.memory_space<hbm>>
      %dma_start3A_1475 = arith.constant 0 : i32
      %dma_start3A_1476 = arith.constant 0 : i32
      %dma_start3A_1477 = tpu.memref_slice %arg4[%add3A_1462, %dma_start3A_1475, %dma_start3A_1476] : memref<16384x50x64xf32, #tpu.memory_space<hbm>> -> memref<1x50x64xf32, #tpu.memory_space<hbm>>
      %dma_start3A_1478 = tpu.memref_squeeze %dma_start3A_1477 : memref<1x50x64xf32, #tpu.memory_space<hbm>> -> memref<50x64xf32, #tpu.memory_space<hbm>>
      %dma_start3A_1479 = arith.constant 0 : i32
      %dma_start3A_1480 = arith.constant 0 : i32
      %dma_start3A_1481 = tpu.memref_slice %arg6[%dma_start3A_1463, %dma_start3A_1479, %dma_start3A_1480] : memref<4x400x64xf32, #tpu.memory_space<vmem>> -> memref<1x400x64xf32, #tpu.memory_space<vmem>>
      %dma_start3A_1482 = tpu.memref_squeeze %dma_start3A_1481 : memref<1x400x64xf32, #tpu.memory_space<vmem>> -> memref<400x64xf32, #tpu.memory_space<vmem>>
      %dma_start3A_1483 = arith.constant 300 : i32
      %dma_start3A_1484 = arith.constant 0 : i32
      %dma_start3A_1485 = tpu.memref_slice %dma_start3A_1482[%dma_start3A_1483, %dma_start3A_1484] : memref<400x64xf32, #tpu.memory_space<vmem>> -> memref<50x64xf32, #tpu.memory_space<vmem>>
      tpu.enqueue_dma source(%dma_start3A_1485 : memref<50x64xf32, #tpu.memory_space<vmem>>) target(%dma_start3A_1478 : memref<50x64xf32, #tpu.memory_space<hbm>>) target_semaphore(%arg13 : memref<!tpu.dma_semaphore, #tpu.memory_space<semaphore_mem>>)
      %mul3A_1486 = arith.constant 8 : i32
      %mul3A_1487 = arith.muli %add3A_1279, %mul3A_1486 : i32
      %add3A_1488 = arith.addi %mul3A_4, %mul3A_1487 : i32
      %add3A_1489 = arith.constant 7 : i32
      %add3A_1490 = arith.addi %add3A_1488, %add3A_1489 : i32
      %dma_start3A_1491 = arith.constant 2 : i32
      %dma_start3A_1492 = arith.constant 0 : i32
      %dma_start3A_1493 = arith.constant 0 : i32
      %dma_start3A_1494 = tpu.memref_slice %arg6[%dma_start3A_1491, %dma_start3A_1492, %dma_start3A_1493] : memref<4x400x64xf32, #tpu.memory_space<vmem>> -> memref<1x400x64xf32, #tpu.memory_space<vmem>>
      %dma_start3A_1495 = tpu.memref_squeeze %dma_start3A_1494 : memref<1x400x64xf32, #tpu.memory_space<vmem>> -> memref<400x64xf32, #tpu.memory_space<vmem>>
      %dma_start3A_1496 = arith.constant 350 : i32
      %dma_start3A_1497 = arith.constant 0 : i32
      %dma_start3A_1498 = tpu.memref_slice %dma_start3A_1495[%dma_start3A_1496, %dma_start3A_1497] : memref<400x64xf32, #tpu.memory_space<vmem>> -> memref<50x64xf32, #tpu.memory_space<vmem>>
      %dma_start3A_1499 = arith.constant 0 : i32
      %dma_start3A_1500 = arith.constant 0 : i32
      %dma_start3A_1501 = tpu.memref_slice %arg4[%add3A_1490, %dma_start3A_1499, %dma_start3A_1500] : memref<16384x50x64xf32, #tpu.memory_space<hbm>> -> memref<1x50x64xf32, #tpu.memory_space<hbm>>
      %dma_start3A_1502 = tpu.memref_squeeze %dma_start3A_1501 : memref<1x50x64xf32, #tpu.memory_space<hbm>> -> memref<50x64xf32, #tpu.memory_space<hbm>>
      %dma_start3A_1503 = arith.constant 0 : i32
      %dma_start3A_1504 = arith.constant 0 : i32
      %dma_start3A_1505 = tpu.memref_slice %arg4[%add3A_1490, %dma_start3A_1503, %dma_start3A_1504] : memref<16384x50x64xf32, #tpu.memory_space<hbm>> -> memref<1x50x64xf32, #tpu.memory_space<hbm>>
      %dma_start3A_1506 = tpu.memref_squeeze %dma_start3A_1505 : memref<1x50x64xf32, #tpu.memory_space<hbm>> -> memref<50x64xf32, #tpu.memory_space<hbm>>
      %dma_start3A_1507 = arith.constant 0 : i32
      %dma_start3A_1508 = arith.constant 0 : i32
      %dma_start3A_1509 = tpu.memref_slice %arg6[%dma_start3A_1491, %dma_start3A_1507, %dma_start3A_1508] : memref<4x400x64xf32, #tpu.memory_space<vmem>> -> memref<1x400x64xf32, #tpu.memory_space<vmem>>
      %dma_start3A_1510 = tpu.memref_squeeze %dma_start3A_1509 : memref<1x400x64xf32, #tpu.memory_space<vmem>> -> memref<400x64xf32, #tpu.memory_space<vmem>>
      %dma_start3A_1511 = arith.constant 350 : i32
      %dma_start3A_1512 = arith.constant 0 : i32
      %dma_start3A_1513 = tpu.memref_slice %dma_start3A_1510[%dma_start3A_1511, %dma_start3A_1512] : memref<400x64xf32, #tpu.memory_space<vmem>> -> memref<50x64xf32, #tpu.memory_space<vmem>>
      tpu.enqueue_dma source(%dma_start3A_1513 : memref<50x64xf32, #tpu.memory_space<vmem>>) target(%dma_start3A_1506 : memref<50x64xf32, #tpu.memory_space<hbm>>) target_semaphore(%arg13 : memref<!tpu.dma_semaphore, #tpu.memory_space<semaphore_mem>>)
      %sub3A_1514 = arith.constant 1 : i32
      %sub3A_1515 = arith.subi %add3A_1279, %sub3A_1514 : i32
      %add3A_1516 = arith.constant 4 : i32
      %add3A_1517 = arith.addi %sub3A_1515, %add3A_1516 : i32
      %ge3A_1518 = arith.constant 1 : i32
      %ge3A_1519 = arith.cmpi sge, %add3A_1279, %ge3A_1518 : i32
      %lt3A_1520 = arith.constant 64 : i32
      %lt3A_1521 = arith.cmpi slt, %add3A_1517, %lt3A_1520 : i32
      %and3A_1522 = arith.andi %ge3A_1519, %lt3A_1521 : i1
      %convert_element_type3A_1523 = arith.extui %and3A_1522 : i1 to i32
      %cond3A_1524 = arith.constant 0 : i32
      %cond3A_1525 = arith.cmpi ne, %convert_element_type3A_1523, %cond3A_1524 : i32
      scf.if %cond3A_1525 {
        %dma_wait3A_1774 = arith.constant 1 : i32
        %dma_wait3A_1775 = arith.constant 0 : i32
        %dma_wait3A_1776 = arith.constant 0 : i32
        %dma_wait3A_1777 = tpu.memref_slice %arg6[%dma_wait3A_1774, %dma_wait3A_1775, %dma_wait3A_1776] : memref<4x400x64xf32, #tpu.memory_space<vmem>> -> memref<1x400x64xf32, #tpu.memory_space<vmem>>
        %dma_wait3A_1778 = tpu.memref_squeeze %dma_wait3A_1777 : memref<1x400x64xf32, #tpu.memory_space<vmem>> -> memref<400x64xf32, #tpu.memory_space<vmem>>
        %dma_wait3A_1779 = arith.constant 0 : i32
        %dma_wait3A_1780 = arith.constant 0 : i32
        %dma_wait3A_1781 = tpu.memref_slice %dma_wait3A_1778[%dma_wait3A_1779, %dma_wait3A_1780] : memref<400x64xf32, #tpu.memory_space<vmem>> -> memref<50x64xf32, #tpu.memory_space<vmem>>
        %dma_wait3A_1782 = arith.constant 0 : i32
        %dma_wait3A_1783 = arith.constant 0 : i32
        %dma_wait3A_1784 = tpu.memref_slice %arg4[%mul3A_4, %dma_wait3A_1782, %dma_wait3A_1783] : memref<16384x50x64xf32, #tpu.memory_space<hbm>> -> memref<1x50x64xf32, #tpu.memory_space<hbm>>
        %dma_wait3A_1785 = tpu.memref_squeeze %dma_wait3A_1784 : memref<1x50x64xf32, #tpu.memory_space<hbm>> -> memref<50x64xf32, #tpu.memory_space<hbm>>
        %dma_wait3A_1786 = arith.constant 0 : i32
        %dma_wait3A_1787 = arith.constant 0 : i32
        %dma_wait3A_1788 = tpu.memref_slice %arg4[%mul3A_4, %dma_wait3A_1786, %dma_wait3A_1787] : memref<16384x50x64xf32, #tpu.memory_space<hbm>> -> memref<1x50x64xf32, #tpu.memory_space<hbm>>
        %dma_wait3A_1789 = tpu.memref_squeeze %dma_wait3A_1788 : memref<1x50x64xf32, #tpu.memory_space<hbm>> -> memref<50x64xf32, #tpu.memory_space<hbm>>
        %dma_wait3A_1790 = arith.constant 0 : i32
        %dma_wait3A_1791 = arith.constant 0 : i32
        %dma_wait3A_1792 = tpu.memref_slice %arg6[%dma_wait3A_1774, %dma_wait3A_1790, %dma_wait3A_1791] : memref<4x400x64xf32, #tpu.memory_space<vmem>> -> memref<1x400x64xf32, #tpu.memory_space<vmem>>
        %dma_wait3A_1793 = tpu.memref_squeeze %dma_wait3A_1792 : memref<1x400x64xf32, #tpu.memory_space<vmem>> -> memref<400x64xf32, #tpu.memory_space<vmem>>
        %dma_wait3A_1794 = arith.constant 0 : i32
        %dma_wait3A_1795 = arith.constant 0 : i32
        %dma_wait3A_1796 = tpu.memref_slice %dma_wait3A_1793[%dma_wait3A_1794, %dma_wait3A_1795] : memref<400x64xf32, #tpu.memory_space<vmem>> -> memref<50x64xf32, #tpu.memory_space<vmem>>
        tpu.wait_dma2 semaphore(%arg12 : memref<!tpu.dma_semaphore, #tpu.memory_space<semaphore_mem>>) src(%dma_wait3A_1796 : memref<50x64xf32, #tpu.memory_space<vmem>>) dst(%dma_wait3A_1789 : memref<50x64xf32, #tpu.memory_space<hbm>>)
        %dma_wait3A_1797 = arith.constant 1 : i32
        %dma_wait3A_1798 = arith.constant 0 : i32
        %dma_wait3A_1799 = arith.constant 0 : i32
        %dma_wait3A_1800 = tpu.memref_slice %arg6[%dma_wait3A_1797, %dma_wait3A_1798, %dma_wait3A_1799] : memref<4x400x64xf32, #tpu.memory_space<vmem>> -> memref<1x400x64xf32, #tpu.memory_space<vmem>>
        %dma_wait3A_1801 = tpu.memref_squeeze %dma_wait3A_1800 : memref<1x400x64xf32, #tpu.memory_space<vmem>> -> memref<400x64xf32, #tpu.memory_space<vmem>>
        %dma_wait3A_1802 = arith.constant 50 : i32
        %dma_wait3A_1803 = arith.constant 0 : i32
        %dma_wait3A_1804 = tpu.memref_slice %dma_wait3A_1801[%dma_wait3A_1802, %dma_wait3A_1803] : memref<400x64xf32, #tpu.memory_space<vmem>> -> memref<50x64xf32, #tpu.memory_space<vmem>>
        %dma_wait3A_1805 = arith.constant 0 : i32
        %dma_wait3A_1806 = arith.constant 0 : i32
        %dma_wait3A_1807 = tpu.memref_slice %arg4[%mul3A_4, %dma_wait3A_1805, %dma_wait3A_1806] : memref<16384x50x64xf32, #tpu.memory_space<hbm>> -> memref<1x50x64xf32, #tpu.memory_space<hbm>>
        %dma_wait3A_1808 = tpu.memref_squeeze %dma_wait3A_1807 : memref<1x50x64xf32, #tpu.memory_space<hbm>> -> memref<50x64xf32, #tpu.memory_space<hbm>>
        %dma_wait3A_1809 = arith.constant 0 : i32
        %dma_wait3A_1810 = arith.constant 0 : i32
        %dma_wait3A_1811 = tpu.memref_slice %arg4[%mul3A_4, %dma_wait3A_1809, %dma_wait3A_1810] : memref<16384x50x64xf32, #tpu.memory_space<hbm>> -> memref<1x50x64xf32, #tpu.memory_space<hbm>>
        %dma_wait3A_1812 = tpu.memref_squeeze %dma_wait3A_1811 : memref<1x50x64xf32, #tpu.memory_space<hbm>> -> memref<50x64xf32, #tpu.memory_space<hbm>>
        %dma_wait3A_1813 = arith.constant 0 : i32
        %dma_wait3A_1814 = arith.constant 0 : i32
        %dma_wait3A_1815 = tpu.memref_slice %arg6[%dma_wait3A_1797, %dma_wait3A_1813, %dma_wait3A_1814] : memref<4x400x64xf32, #tpu.memory_space<vmem>> -> memref<1x400x64xf32, #tpu.memory_space<vmem>>
        %dma_wait3A_1816 = tpu.memref_squeeze %dma_wait3A_1815 : memref<1x400x64xf32, #tpu.memory_space<vmem>> -> memref<400x64xf32, #tpu.memory_space<vmem>>
        %dma_wait3A_1817 = arith.constant 50 : i32
        %dma_wait3A_1818 = arith.constant 0 : i32
        %dma_wait3A_1819 = tpu.memref_slice %dma_wait3A_1816[%dma_wait3A_1817, %dma_wait3A_1818] : memref<400x64xf32, #tpu.memory_space<vmem>> -> memref<50x64xf32, #tpu.memory_space<vmem>>
        tpu.wait_dma2 semaphore(%arg12 : memref<!tpu.dma_semaphore, #tpu.memory_space<semaphore_mem>>) src(%dma_wait3A_1819 : memref<50x64xf32, #tpu.memory_space<vmem>>) dst(%dma_wait3A_1812 : memref<50x64xf32, #tpu.memory_space<hbm>>)
        %dma_wait3A_1820 = arith.constant 1 : i32
        %dma_wait3A_1821 = arith.constant 0 : i32
        %dma_wait3A_1822 = arith.constant 0 : i32
        %dma_wait3A_1823 = tpu.memref_slice %arg6[%dma_wait3A_1820, %dma_wait3A_1821, %dma_wait3A_1822] : memref<4x400x64xf32, #tpu.memory_space<vmem>> -> memref<1x400x64xf32, #tpu.memory_space<vmem>>
        %dma_wait3A_1824 = tpu.memref_squeeze %dma_wait3A_1823 : memref<1x400x64xf32, #tpu.memory_space<vmem>> -> memref<400x64xf32, #tpu.memory_space<vmem>>
        %dma_wait3A_1825 = arith.constant 100 : i32
        %dma_wait3A_1826 = arith.constant 0 : i32
        %dma_wait3A_1827 = tpu.memref_slice %dma_wait3A_1824[%dma_wait3A_1825, %dma_wait3A_1826] : memref<400x64xf32, #tpu.memory_space<vmem>> -> memref<50x64xf32, #tpu.memory_space<vmem>>
        %dma_wait3A_1828 = arith.constant 0 : i32
        %dma_wait3A_1829 = arith.constant 0 : i32
        %dma_wait3A_1830 = tpu.memref_slice %arg4[%mul3A_4, %dma_wait3A_1828, %dma_wait3A_1829] : memref<16384x50x64xf32, #tpu.memory_space<hbm>> -> memref<1x50x64xf32, #tpu.memory_space<hbm>>
        %dma_wait3A_1831 = tpu.memref_squeeze %dma_wait3A_1830 : memref<1x50x64xf32, #tpu.memory_space<hbm>> -> memref<50x64xf32, #tpu.memory_space<hbm>>
        %dma_wait3A_1832 = arith.constant 0 : i32
        %dma_wait3A_1833 = arith.constant 0 : i32
        %dma_wait3A_1834 = tpu.memref_slice %arg4[%mul3A_4, %dma_wait3A_1832, %dma_wait3A_1833] : memref<16384x50x64xf32, #tpu.memory_space<hbm>> -> memref<1x50x64xf32, #tpu.memory_space<hbm>>
        %dma_wait3A_1835 = tpu.memref_squeeze %dma_wait3A_1834 : memref<1x50x64xf32, #tpu.memory_space<hbm>> -> memref<50x64xf32, #tpu.memory_space<hbm>>
        %dma_wait3A_1836 = arith.constant 0 : i32
        %dma_wait3A_1837 = arith.constant 0 : i32
        %dma_wait3A_1838 = tpu.memref_slice %arg6[%dma_wait3A_1820, %dma_wait3A_1836, %dma_wait3A_1837] : memref<4x400x64xf32, #tpu.memory_space<vmem>> -> memref<1x400x64xf32, #tpu.memory_space<vmem>>
        %dma_wait3A_1839 = tpu.memref_squeeze %dma_wait3A_1838 : memref<1x400x64xf32, #tpu.memory_space<vmem>> -> memref<400x64xf32, #tpu.memory_space<vmem>>
        %dma_wait3A_1840 = arith.constant 100 : i32
        %dma_wait3A_1841 = arith.constant 0 : i32
        %dma_wait3A_1842 = tpu.memref_slice %dma_wait3A_1839[%dma_wait3A_1840, %dma_wait3A_1841] : memref<400x64xf32, #tpu.memory_space<vmem>> -> memref<50x64xf32, #tpu.memory_space<vmem>>
        tpu.wait_dma2 semaphore(%arg12 : memref<!tpu.dma_semaphore, #tpu.memory_space<semaphore_mem>>) src(%dma_wait3A_1842 : memref<50x64xf32, #tpu.memory_space<vmem>>) dst(%dma_wait3A_1835 : memref<50x64xf32, #tpu.memory_space<hbm>>)
        %dma_wait3A_1843 = arith.constant 1 : i32
        %dma_wait3A_1844 = arith.constant 0 : i32
        %dma_wait3A_1845 = arith.constant 0 : i32
        %dma_wait3A_1846 = tpu.memref_slice %arg6[%dma_wait3A_1843, %dma_wait3A_1844, %dma_wait3A_1845] : memref<4x400x64xf32, #tpu.memory_space<vmem>> -> memref<1x400x64xf32, #tpu.memory_space<vmem>>
        %dma_wait3A_1847 = tpu.memref_squeeze %dma_wait3A_1846 : memref<1x400x64xf32, #tpu.memory_space<vmem>> -> memref<400x64xf32, #tpu.memory_space<vmem>>
        %dma_wait3A_1848 = arith.constant 150 : i32
        %dma_wait3A_1849 = arith.constant 0 : i32
        %dma_wait3A_1850 = tpu.memref_slice %dma_wait3A_1847[%dma_wait3A_1848, %dma_wait3A_1849] : memref<400x64xf32, #tpu.memory_space<vmem>> -> memref<50x64xf32, #tpu.memory_space<vmem>>
        %dma_wait3A_1851 = arith.constant 0 : i32
        %dma_wait3A_1852 = arith.constant 0 : i32
        %dma_wait3A_1853 = tpu.memref_slice %arg4[%mul3A_4, %dma_wait3A_1851, %dma_wait3A_1852] : memref<16384x50x64xf32, #tpu.memory_space<hbm>> -> memref<1x50x64xf32, #tpu.memory_space<hbm>>
        %dma_wait3A_1854 = tpu.memref_squeeze %dma_wait3A_1853 : memref<1x50x64xf32, #tpu.memory_space<hbm>> -> memref<50x64xf32, #tpu.memory_space<hbm>>
        %dma_wait3A_1855 = arith.constant 0 : i32
        %dma_wait3A_1856 = arith.constant 0 : i32
        %dma_wait3A_1857 = tpu.memref_slice %arg4[%mul3A_4, %dma_wait3A_1855, %dma_wait3A_1856] : memref<16384x50x64xf32, #tpu.memory_space<hbm>> -> memref<1x50x64xf32, #tpu.memory_space<hbm>>
        %dma_wait3A_1858 = tpu.memref_squeeze %dma_wait3A_1857 : memref<1x50x64xf32, #tpu.memory_space<hbm>> -> memref<50x64xf32, #tpu.memory_space<hbm>>
        %dma_wait3A_1859 = arith.constant 0 : i32
        %dma_wait3A_1860 = arith.constant 0 : i32
        %dma_wait3A_1861 = tpu.memref_slice %arg6[%dma_wait3A_1843, %dma_wait3A_1859, %dma_wait3A_1860] : memref<4x400x64xf32, #tpu.memory_space<vmem>> -> memref<1x400x64xf32, #tpu.memory_space<vmem>>
        %dma_wait3A_1862 = tpu.memref_squeeze %dma_wait3A_1861 : memref<1x400x64xf32, #tpu.memory_space<vmem>> -> memref<400x64xf32, #tpu.memory_space<vmem>>
        %dma_wait3A_1863 = arith.constant 150 : i32
        %dma_wait3A_1864 = arith.constant 0 : i32
        %dma_wait3A_1865 = tpu.memref_slice %dma_wait3A_1862[%dma_wait3A_1863, %dma_wait3A_1864] : memref<400x64xf32, #tpu.memory_space<vmem>> -> memref<50x64xf32, #tpu.memory_space<vmem>>
        tpu.wait_dma2 semaphore(%arg12 : memref<!tpu.dma_semaphore, #tpu.memory_space<semaphore_mem>>) src(%dma_wait3A_1865 : memref<50x64xf32, #tpu.memory_space<vmem>>) dst(%dma_wait3A_1858 : memref<50x64xf32, #tpu.memory_space<hbm>>)
        %dma_wait3A_1866 = arith.constant 1 : i32
        %dma_wait3A_1867 = arith.constant 0 : i32
        %dma_wait3A_1868 = arith.constant 0 : i32
        %dma_wait3A_1869 = tpu.memref_slice %arg6[%dma_wait3A_1866, %dma_wait3A_1867, %dma_wait3A_1868] : memref<4x400x64xf32, #tpu.memory_space<vmem>> -> memref<1x400x64xf32, #tpu.memory_space<vmem>>
        %dma_wait3A_1870 = tpu.memref_squeeze %dma_wait3A_1869 : memref<1x400x64xf32, #tpu.memory_space<vmem>> -> memref<400x64xf32, #tpu.memory_space<vmem>>
        %dma_wait3A_1871 = arith.constant 200 : i32
        %dma_wait3A_1872 = arith.constant 0 : i32
        %dma_wait3A_1873 = tpu.memref_slice %dma_wait3A_1870[%dma_wait3A_1871, %dma_wait3A_1872] : memref<400x64xf32, #tpu.memory_space<vmem>> -> memref<50x64xf32, #tpu.memory_space<vmem>>
        %dma_wait3A_1874 = arith.constant 0 : i32
        %dma_wait3A_1875 = arith.constant 0 : i32
        %dma_wait3A_1876 = tpu.memref_slice %arg4[%mul3A_4, %dma_wait3A_1874, %dma_wait3A_1875] : memref<16384x50x64xf32, #tpu.memory_space<hbm>> -> memref<1x50x64xf32, #tpu.memory_space<hbm>>
        %dma_wait3A_1877 = tpu.memref_squeeze %dma_wait3A_1876 : memref<1x50x64xf32, #tpu.memory_space<hbm>> -> memref<50x64xf32, #tpu.memory_space<hbm>>
        %dma_wait3A_1878 = arith.constant 0 : i32
        %dma_wait3A_1879 = arith.constant 0 : i32
        %dma_wait3A_1880 = tpu.memref_slice %arg4[%mul3A_4, %dma_wait3A_1878, %dma_wait3A_1879] : memref<16384x50x64xf32, #tpu.memory_space<hbm>> -> memref<1x50x64xf32, #tpu.memory_space<hbm>>
        %dma_wait3A_1881 = tpu.memref_squeeze %dma_wait3A_1880 : memref<1x50x64xf32, #tpu.memory_space<hbm>> -> memref<50x64xf32, #tpu.memory_space<hbm>>
        %dma_wait3A_1882 = arith.constant 0 : i32
        %dma_wait3A_1883 = arith.constant 0 : i32
        %dma_wait3A_1884 = tpu.memref_slice %arg6[%dma_wait3A_1866, %dma_wait3A_1882, %dma_wait3A_1883] : memref<4x400x64xf32, #tpu.memory_space<vmem>> -> memref<1x400x64xf32, #tpu.memory_space<vmem>>
        %dma_wait3A_1885 = tpu.memref_squeeze %dma_wait3A_1884 : memref<1x400x64xf32, #tpu.memory_space<vmem>> -> memref<400x64xf32, #tpu.memory_space<vmem>>
        %dma_wait3A_1886 = arith.constant 200 : i32
        %dma_wait3A_1887 = arith.constant 0 : i32
        %dma_wait3A_1888 = tpu.memref_slice %dma_wait3A_1885[%dma_wait3A_1886, %dma_wait3A_1887] : memref<400x64xf32, #tpu.memory_space<vmem>> -> memref<50x64xf32, #tpu.memory_space<vmem>>
        tpu.wait_dma2 semaphore(%arg12 : memref<!tpu.dma_semaphore, #tpu.memory_space<semaphore_mem>>) src(%dma_wait3A_1888 : memref<50x64xf32, #tpu.memory_space<vmem>>) dst(%dma_wait3A_1881 : memref<50x64xf32, #tpu.memory_space<hbm>>)
        %dma_wait3A_1889 = arith.constant 1 : i32
        %dma_wait3A_1890 = arith.constant 0 : i32
        %dma_wait3A_1891 = arith.constant 0 : i32
        %dma_wait3A_1892 = tpu.memref_slice %arg6[%dma_wait3A_1889, %dma_wait3A_1890, %dma_wait3A_1891] : memref<4x400x64xf32, #tpu.memory_space<vmem>> -> memref<1x400x64xf32, #tpu.memory_space<vmem>>
        %dma_wait3A_1893 = tpu.memref_squeeze %dma_wait3A_1892 : memref<1x400x64xf32, #tpu.memory_space<vmem>> -> memref<400x64xf32, #tpu.memory_space<vmem>>
        %dma_wait3A_1894 = arith.constant 250 : i32
        %dma_wait3A_1895 = arith.constant 0 : i32
        %dma_wait3A_1896 = tpu.memref_slice %dma_wait3A_1893[%dma_wait3A_1894, %dma_wait3A_1895] : memref<400x64xf32, #tpu.memory_space<vmem>> -> memref<50x64xf32, #tpu.memory_space<vmem>>
        %dma_wait3A_1897 = arith.constant 0 : i32
        %dma_wait3A_1898 = arith.constant 0 : i32
        %dma_wait3A_1899 = tpu.memref_slice %arg4[%mul3A_4, %dma_wait3A_1897, %dma_wait3A_1898] : memref<16384x50x64xf32, #tpu.memory_space<hbm>> -> memref<1x50x64xf32, #tpu.memory_space<hbm>>
        %dma_wait3A_1900 = tpu.memref_squeeze %dma_wait3A_1899 : memref<1x50x64xf32, #tpu.memory_space<hbm>> -> memref<50x64xf32, #tpu.memory_space<hbm>>
        %dma_wait3A_1901 = arith.constant 0 : i32
        %dma_wait3A_1902 = arith.constant 0 : i32
        %dma_wait3A_1903 = tpu.memref_slice %arg4[%mul3A_4, %dma_wait3A_1901, %dma_wait3A_1902] : memref<16384x50x64xf32, #tpu.memory_space<hbm>> -> memref<1x50x64xf32, #tpu.memory_space<hbm>>
        %dma_wait3A_1904 = tpu.memref_squeeze %dma_wait3A_1903 : memref<1x50x64xf32, #tpu.memory_space<hbm>> -> memref<50x64xf32, #tpu.memory_space<hbm>>
        %dma_wait3A_1905 = arith.constant 0 : i32
        %dma_wait3A_1906 = arith.constant 0 : i32
        %dma_wait3A_1907 = tpu.memref_slice %arg6[%dma_wait3A_1889, %dma_wait3A_1905, %dma_wait3A_1906] : memref<4x400x64xf32, #tpu.memory_space<vmem>> -> memref<1x400x64xf32, #tpu.memory_space<vmem>>
        %dma_wait3A_1908 = tpu.memref_squeeze %dma_wait3A_1907 : memref<1x400x64xf32, #tpu.memory_space<vmem>> -> memref<400x64xf32, #tpu.memory_space<vmem>>
        %dma_wait3A_1909 = arith.constant 250 : i32
        %dma_wait3A_1910 = arith.constant 0 : i32
        %dma_wait3A_1911 = tpu.memref_slice %dma_wait3A_1908[%dma_wait3A_1909, %dma_wait3A_1910] : memref<400x64xf32, #tpu.memory_space<vmem>> -> memref<50x64xf32, #tpu.memory_space<vmem>>
        tpu.wait_dma2 semaphore(%arg12 : memref<!tpu.dma_semaphore, #tpu.memory_space<semaphore_mem>>) src(%dma_wait3A_1911 : memref<50x64xf32, #tpu.memory_space<vmem>>) dst(%dma_wait3A_1904 : memref<50x64xf32, #tpu.memory_space<hbm>>)
        %dma_wait3A_1912 = arith.constant 1 : i32
        %dma_wait3A_1913 = arith.constant 0 : i32
        %dma_wait3A_1914 = arith.constant 0 : i32
        %dma_wait3A_1915 = tpu.memref_slice %arg6[%dma_wait3A_1912, %dma_wait3A_1913, %dma_wait3A_1914] : memref<4x400x64xf32, #tpu.memory_space<vmem>> -> memref<1x400x64xf32, #tpu.memory_space<vmem>>
        %dma_wait3A_1916 = tpu.memref_squeeze %dma_wait3A_1915 : memref<1x400x64xf32, #tpu.memory_space<vmem>> -> memref<400x64xf32, #tpu.memory_space<vmem>>
        %dma_wait3A_1917 = arith.constant 300 : i32
        %dma_wait3A_1918 = arith.constant 0 : i32
        %dma_wait3A_1919 = tpu.memref_slice %dma_wait3A_1916[%dma_wait3A_1917, %dma_wait3A_1918] : memref<400x64xf32, #tpu.memory_space<vmem>> -> memref<50x64xf32, #tpu.memory_space<vmem>>
        %dma_wait3A_1920 = arith.constant 0 : i32
        %dma_wait3A_1921 = arith.constant 0 : i32
        %dma_wait3A_1922 = tpu.memref_slice %arg4[%mul3A_4, %dma_wait3A_1920, %dma_wait3A_1921] : memref<16384x50x64xf32, #tpu.memory_space<hbm>> -> memref<1x50x64xf32, #tpu.memory_space<hbm>>
        %dma_wait3A_1923 = tpu.memref_squeeze %dma_wait3A_1922 : memref<1x50x64xf32, #tpu.memory_space<hbm>> -> memref<50x64xf32, #tpu.memory_space<hbm>>
        %dma_wait3A_1924 = arith.constant 0 : i32
        %dma_wait3A_1925 = arith.constant 0 : i32
        %dma_wait3A_1926 = tpu.memref_slice %arg4[%mul3A_4, %dma_wait3A_1924, %dma_wait3A_1925] : memref<16384x50x64xf32, #tpu.memory_space<hbm>> -> memref<1x50x64xf32, #tpu.memory_space<hbm>>
        %dma_wait3A_1927 = tpu.memref_squeeze %dma_wait3A_1926 : memref<1x50x64xf32, #tpu.memory_space<hbm>> -> memref<50x64xf32, #tpu.memory_space<hbm>>
        %dma_wait3A_1928 = arith.constant 0 : i32
        %dma_wait3A_1929 = arith.constant 0 : i32
        %dma_wait3A_1930 = tpu.memref_slice %arg6[%dma_wait3A_1912, %dma_wait3A_1928, %dma_wait3A_1929] : memref<4x400x64xf32, #tpu.memory_space<vmem>> -> memref<1x400x64xf32, #tpu.memory_space<vmem>>
        %dma_wait3A_1931 = tpu.memref_squeeze %dma_wait3A_1930 : memref<1x400x64xf32, #tpu.memory_space<vmem>> -> memref<400x64xf32, #tpu.memory_space<vmem>>
        %dma_wait3A_1932 = arith.constant 300 : i32
        %dma_wait3A_1933 = arith.constant 0 : i32
        %dma_wait3A_1934 = tpu.memref_slice %dma_wait3A_1931[%dma_wait3A_1932, %dma_wait3A_1933] : memref<400x64xf32, #tpu.memory_space<vmem>> -> memref<50x64xf32, #tpu.memory_space<vmem>>
        tpu.wait_dma2 semaphore(%arg12 : memref<!tpu.dma_semaphore, #tpu.memory_space<semaphore_mem>>) src(%dma_wait3A_1934 : memref<50x64xf32, #tpu.memory_space<vmem>>) dst(%dma_wait3A_1927 : memref<50x64xf32, #tpu.memory_space<hbm>>)
        %dma_wait3A_1935 = arith.constant 1 : i32
        %dma_wait3A_1936 = arith.constant 0 : i32
        %dma_wait3A_1937 = arith.constant 0 : i32
        %dma_wait3A_1938 = tpu.memref_slice %arg6[%dma_wait3A_1935, %dma_wait3A_1936, %dma_wait3A_1937] : memref<4x400x64xf32, #tpu.memory_space<vmem>> -> memref<1x400x64xf32, #tpu.memory_space<vmem>>
        %dma_wait3A_1939 = tpu.memref_squeeze %dma_wait3A_1938 : memref<1x400x64xf32, #tpu.memory_space<vmem>> -> memref<400x64xf32, #tpu.memory_space<vmem>>
        %dma_wait3A_1940 = arith.constant 350 : i32
        %dma_wait3A_1941 = arith.constant 0 : i32
        %dma_wait3A_1942 = tpu.memref_slice %dma_wait3A_1939[%dma_wait3A_1940, %dma_wait3A_1941] : memref<400x64xf32, #tpu.memory_space<vmem>> -> memref<50x64xf32, #tpu.memory_space<vmem>>
        %dma_wait3A_1943 = arith.constant 0 : i32
        %dma_wait3A_1944 = arith.constant 0 : i32
        %dma_wait3A_1945 = tpu.memref_slice %arg4[%mul3A_4, %dma_wait3A_1943, %dma_wait3A_1944] : memref<16384x50x64xf32, #tpu.memory_space<hbm>> -> memref<1x50x64xf32, #tpu.memory_space<hbm>>
        %dma_wait3A_1946 = tpu.memref_squeeze %dma_wait3A_1945 : memref<1x50x64xf32, #tpu.memory_space<hbm>> -> memref<50x64xf32, #tpu.memory_space<hbm>>
        %dma_wait3A_1947 = arith.constant 0 : i32
        %dma_wait3A_1948 = arith.constant 0 : i32
        %dma_wait3A_1949 = tpu.memref_slice %arg4[%mul3A_4, %dma_wait3A_1947, %dma_wait3A_1948] : memref<16384x50x64xf32, #tpu.memory_space<hbm>> -> memref<1x50x64xf32, #tpu.memory_space<hbm>>
        %dma_wait3A_1950 = tpu.memref_squeeze %dma_wait3A_1949 : memref<1x50x64xf32, #tpu.memory_space<hbm>> -> memref<50x64xf32, #tpu.memory_space<hbm>>
        %dma_wait3A_1951 = arith.constant 0 : i32
        %dma_wait3A_1952 = arith.constant 0 : i32
        %dma_wait3A_1953 = tpu.memref_slice %arg6[%dma_wait3A_1935, %dma_wait3A_1951, %dma_wait3A_1952] : memref<4x400x64xf32, #tpu.memory_space<vmem>> -> memref<1x400x64xf32, #tpu.memory_space<vmem>>
        %dma_wait3A_1954 = tpu.memref_squeeze %dma_wait3A_1953 : memref<1x400x64xf32, #tpu.memory_space<vmem>> -> memref<400x64xf32, #tpu.memory_space<vmem>>
        %dma_wait3A_1955 = arith.constant 350 : i32
        %dma_wait3A_1956 = arith.constant 0 : i32
        %dma_wait3A_1957 = tpu.memref_slice %dma_wait3A_1954[%dma_wait3A_1955, %dma_wait3A_1956] : memref<400x64xf32, #tpu.memory_space<vmem>> -> memref<50x64xf32, #tpu.memory_space<vmem>>
        tpu.wait_dma2 semaphore(%arg12 : memref<!tpu.dma_semaphore, #tpu.memory_space<semaphore_mem>>) src(%dma_wait3A_1957 : memref<50x64xf32, #tpu.memory_space<vmem>>) dst(%dma_wait3A_1950 : memref<50x64xf32, #tpu.memory_space<hbm>>)
        %mul3A_1958 = arith.constant 400 : i32
        %mul3A_1959 = arith.muli %add3A_1517, %mul3A_1958 : i32
        %dma_start3A_1960 = arith.constant 1 : i32
        %dma_start3A_1961 = arith.constant 0 : i32
        %dma_start3A_1962 = arith.constant 0 : i32
        %dma_start3A_1963 = tpu.memref_slice %arg6[%dma_start3A_1960, %dma_start3A_1961, %dma_start3A_1962] : memref<4x400x64xf32, #tpu.memory_space<vmem>> -> memref<1x400x64xf32, #tpu.memory_space<vmem>>
        %dma_start3A_1964 = tpu.memref_squeeze %dma_start3A_1963 : memref<1x400x64xf32, #tpu.memory_space<vmem>> -> memref<400x64xf32, #tpu.memory_space<vmem>>
        %dma_start3A_1965 = tpu.memref_slice %arg5[%mul3A_1959] : memref<25600xi32, #tpu.memory_space<vmem>> -> memref<400xi32, #tpu.memory_space<vmem>>
        %dma_start3A_1966 = arith.constant 0 : i32
        %dma_start3A_1967 = arith.constant 0 : i32
        %dma_start3A_1968 = tpu.memref_slice %arg3[%dma_start3A_1966, %dma_start3A_1967] : memref<1002x64xf32, #tpu.memory_space<hbm>> -> memref<1002x64xf32, #tpu.memory_space<hbm>>
        tpu.enqueue_indirect_dma source(%dma_start3A_1968 : memref<1002x64xf32, #tpu.memory_space<hbm>>) target(%dma_start3A_1964 : memref<400x64xf32, #tpu.memory_space<vmem>>) offsets(%dma_start3A_1965 : memref<400xi32, #tpu.memory_space<vmem>>) semaphore(%arg8 : memref<!tpu.dma_semaphore, #tpu.memory_space<semaphore_mem>>)
      } else {
      }
      %add3A_1526 = arith.constant 3 : i32
      %add3A_1527 = arith.addi %add3A_787, %add3A_1526 : i32
      %dma_wait3A_1528 = arith.constant 3 : i32
      %dma_wait3A_1529 = arith.constant 0 : i32
      %dma_wait3A_1530 = arith.constant 0 : i32
      %dma_wait3A_1531 = tpu.memref_slice %arg6[%dma_wait3A_1528, %dma_wait3A_1529, %dma_wait3A_1530] : memref<4x400x64xf32, #tpu.memory_space<vmem>> -> memref<1x400x64xf32, #tpu.memory_space<vmem>>
      %dma_wait3A_1532 = tpu.memref_squeeze %dma_wait3A_1531 : memref<1x400x64xf32, #tpu.memory_space<vmem>> -> memref<400x64xf32, #tpu.memory_space<vmem>>
      %dma_wait3A_1533 = arith.constant 0 : i32
      %dma_wait3A_1534 = tpu.memref_slice %arg5[%dma_wait3A_1533] : memref<25600xi32, #tpu.memory_space<vmem>> -> memref<400xi32, #tpu.memory_space<vmem>>
      %dma_wait3A_1535 = arith.constant 0 : i32
      %dma_wait3A_1536 = arith.constant 0 : i32
      %dma_wait3A_1537 = tpu.memref_slice %arg3[%dma_wait3A_1535, %dma_wait3A_1536] : memref<1002x64xf32, #tpu.memory_space<hbm>> -> memref<1002x64xf32, #tpu.memory_space<hbm>>
      tpu.wait_indirect_dma semaphore(%arg10 : memref<!tpu.dma_semaphore, #tpu.memory_space<semaphore_mem>>) src(%dma_wait3A_1537 : memref<1002x64xf32, #tpu.memory_space<hbm>>) dst(%dma_wait3A_1532 : memref<400x64xf32, #tpu.memory_space<vmem>>)
      %mul3A_1538 = arith.constant 8 : i32
      %mul3A_1539 = arith.muli %add3A_1527, %mul3A_1538 : i32
      %add3A_1540 = arith.addi %mul3A_4, %mul3A_1539 : i32
      %add3A_1541 = arith.constant 0 : i32
      %add3A_1542 = arith.addi %add3A_1540, %add3A_1541 : i32
      %dma_start3A_1543 = arith.constant 3 : i32
      %dma_start3A_1544 = arith.constant 0 : i32
      %dma_start3A_1545 = arith.constant 0 : i32
      %dma_start3A_1546 = tpu.memref_slice %arg6[%dma_start3A_1543, %dma_start3A_1544, %dma_start3A_1545] : memref<4x400x64xf32, #tpu.memory_space<vmem>> -> memref<1x400x64xf32, #tpu.memory_space<vmem>>
      %dma_start3A_1547 = tpu.memref_squeeze %dma_start3A_1546 : memref<1x400x64xf32, #tpu.memory_space<vmem>> -> memref<400x64xf32, #tpu.memory_space<vmem>>
      %dma_start3A_1548 = arith.constant 0 : i32
      %dma_start3A_1549 = arith.constant 0 : i32
      %dma_start3A_1550 = tpu.memref_slice %dma_start3A_1547[%dma_start3A_1548, %dma_start3A_1549] : memref<400x64xf32, #tpu.memory_space<vmem>> -> memref<50x64xf32, #tpu.memory_space<vmem>>
      %dma_start3A_1551 = arith.constant 0 : i32
      %dma_start3A_1552 = arith.constant 0 : i32
      %dma_start3A_1553 = tpu.memref_slice %arg4[%add3A_1542, %dma_start3A_1551, %dma_start3A_1552] : memref<16384x50x64xf32, #tpu.memory_space<hbm>> -> memref<1x50x64xf32, #tpu.memory_space<hbm>>
      %dma_start3A_1554 = tpu.memref_squeeze %dma_start3A_1553 : memref<1x50x64xf32, #tpu.memory_space<hbm>> -> memref<50x64xf32, #tpu.memory_space<hbm>>
      %dma_start3A_1555 = arith.constant 0 : i32
      %dma_start3A_1556 = arith.constant 0 : i32
      %dma_start3A_1557 = tpu.memref_slice %arg4[%add3A_1542, %dma_start3A_1555, %dma_start3A_1556] : memref<16384x50x64xf32, #tpu.memory_space<hbm>> -> memref<1x50x64xf32, #tpu.memory_space<hbm>>
      %dma_start3A_1558 = tpu.memref_squeeze %dma_start3A_1557 : memref<1x50x64xf32, #tpu.memory_space<hbm>> -> memref<50x64xf32, #tpu.memory_space<hbm>>
      %dma_start3A_1559 = arith.constant 0 : i32
      %dma_start3A_1560 = arith.constant 0 : i32
      %dma_start3A_1561 = tpu.memref_slice %arg6[%dma_start3A_1543, %dma_start3A_1559, %dma_start3A_1560] : memref<4x400x64xf32, #tpu.memory_space<vmem>> -> memref<1x400x64xf32, #tpu.memory_space<vmem>>
      %dma_start3A_1562 = tpu.memref_squeeze %dma_start3A_1561 : memref<1x400x64xf32, #tpu.memory_space<vmem>> -> memref<400x64xf32, #tpu.memory_space<vmem>>
      %dma_start3A_1563 = arith.constant 0 : i32
      %dma_start3A_1564 = arith.constant 0 : i32
      %dma_start3A_1565 = tpu.memref_slice %dma_start3A_1562[%dma_start3A_1563, %dma_start3A_1564] : memref<400x64xf32, #tpu.memory_space<vmem>> -> memref<50x64xf32, #tpu.memory_space<vmem>>
      tpu.enqueue_dma source(%dma_start3A_1565 : memref<50x64xf32, #tpu.memory_space<vmem>>) target(%dma_start3A_1558 : memref<50x64xf32, #tpu.memory_space<hbm>>) target_semaphore(%arg14 : memref<!tpu.dma_semaphore, #tpu.memory_space<semaphore_mem>>)
      %mul3A_1566 = arith.constant 8 : i32
      %mul3A_1567 = arith.muli %add3A_1527, %mul3A_1566 : i32
      %add3A_1568 = arith.addi %mul3A_4, %mul3A_1567 : i32
      %add3A_1569 = arith.constant 1 : i32
      %add3A_1570 = arith.addi %add3A_1568, %add3A_1569 : i32
      %dma_start3A_1571 = arith.constant 3 : i32
      %dma_start3A_1572 = arith.constant 0 : i32
      %dma_start3A_1573 = arith.constant 0 : i32
      %dma_start3A_1574 = tpu.memref_slice %arg6[%dma_start3A_1571, %dma_start3A_1572, %dma_start3A_1573] : memref<4x400x64xf32, #tpu.memory_space<vmem>> -> memref<1x400x64xf32, #tpu.memory_space<vmem>>
      %dma_start3A_1575 = tpu.memref_squeeze %dma_start3A_1574 : memref<1x400x64xf32, #tpu.memory_space<vmem>> -> memref<400x64xf32, #tpu.memory_space<vmem>>
      %dma_start3A_1576 = arith.constant 50 : i32
      %dma_start3A_1577 = arith.constant 0 : i32
      %dma_start3A_1578 = tpu.memref_slice %dma_start3A_1575[%dma_start3A_1576, %dma_start3A_1577] : memref<400x64xf32, #tpu.memory_space<vmem>> -> memref<50x64xf32, #tpu.memory_space<vmem>>
      %dma_start3A_1579 = arith.constant 0 : i32
      %dma_start3A_1580 = arith.constant 0 : i32
      %dma_start3A_1581 = tpu.memref_slice %arg4[%add3A_1570, %dma_start3A_1579, %dma_start3A_1580] : memref<16384x50x64xf32, #tpu.memory_space<hbm>> -> memref<1x50x64xf32, #tpu.memory_space<hbm>>
      %dma_start3A_1582 = tpu.memref_squeeze %dma_start3A_1581 : memref<1x50x64xf32, #tpu.memory_space<hbm>> -> memref<50x64xf32, #tpu.memory_space<hbm>>
      %dma_start3A_1583 = arith.constant 0 : i32
      %dma_start3A_1584 = arith.constant 0 : i32
      %dma_start3A_1585 = tpu.memref_slice %arg4[%add3A_1570, %dma_start3A_1583, %dma_start3A_1584] : memref<16384x50x64xf32, #tpu.memory_space<hbm>> -> memref<1x50x64xf32, #tpu.memory_space<hbm>>
      %dma_start3A_1586 = tpu.memref_squeeze %dma_start3A_1585 : memref<1x50x64xf32, #tpu.memory_space<hbm>> -> memref<50x64xf32, #tpu.memory_space<hbm>>
      %dma_start3A_1587 = arith.constant 0 : i32
      %dma_start3A_1588 = arith.constant 0 : i32
      %dma_start3A_1589 = tpu.memref_slice %arg6[%dma_start3A_1571, %dma_start3A_1587, %dma_start3A_1588] : memref<4x400x64xf32, #tpu.memory_space<vmem>> -> memref<1x400x64xf32, #tpu.memory_space<vmem>>
      %dma_start3A_1590 = tpu.memref_squeeze %dma_start3A_1589 : memref<1x400x64xf32, #tpu.memory_space<vmem>> -> memref<400x64xf32, #tpu.memory_space<vmem>>
      %dma_start3A_1591 = arith.constant 50 : i32
      %dma_start3A_1592 = arith.constant 0 : i32
      %dma_start3A_1593 = tpu.memref_slice %dma_start3A_1590[%dma_start3A_1591, %dma_start3A_1592] : memref<400x64xf32, #tpu.memory_space<vmem>> -> memref<50x64xf32, #tpu.memory_space<vmem>>
      tpu.enqueue_dma source(%dma_start3A_1593 : memref<50x64xf32, #tpu.memory_space<vmem>>) target(%dma_start3A_1586 : memref<50x64xf32, #tpu.memory_space<hbm>>) target_semaphore(%arg14 : memref<!tpu.dma_semaphore, #tpu.memory_space<semaphore_mem>>)
      %mul3A_1594 = arith.constant 8 : i32
      %mul3A_1595 = arith.muli %add3A_1527, %mul3A_1594 : i32
      %add3A_1596 = arith.addi %mul3A_4, %mul3A_1595 : i32
      %add3A_1597 = arith.constant 2 : i32
      %add3A_1598 = arith.addi %add3A_1596, %add3A_1597 : i32
      %dma_start3A_1599 = arith.constant 3 : i32
      %dma_start3A_1600 = arith.constant 0 : i32
      %dma_start3A_1601 = arith.constant 0 : i32
      %dma_start3A_1602 = tpu.memref_slice %arg6[%dma_start3A_1599, %dma_start3A_1600, %dma_start3A_1601] : memref<4x400x64xf32, #tpu.memory_space<vmem>> -> memref<1x400x64xf32, #tpu.memory_space<vmem>>
      %dma_start3A_1603 = tpu.memref_squeeze %dma_start3A_1602 : memref<1x400x64xf32, #tpu.memory_space<vmem>> -> memref<400x64xf32, #tpu.memory_space<vmem>>
      %dma_start3A_1604 = arith.constant 100 : i32
      %dma_start3A_1605 = arith.constant 0 : i32
      %dma_start3A_1606 = tpu.memref_slice %dma_start3A_1603[%dma_start3A_1604, %dma_start3A_1605] : memref<400x64xf32, #tpu.memory_space<vmem>> -> memref<50x64xf32, #tpu.memory_space<vmem>>
      %dma_start3A_1607 = arith.constant 0 : i32
      %dma_start3A_1608 = arith.constant 0 : i32
      %dma_start3A_1609 = tpu.memref_slice %arg4[%add3A_1598, %dma_start3A_1607, %dma_start3A_1608] : memref<16384x50x64xf32, #tpu.memory_space<hbm>> -> memref<1x50x64xf32, #tpu.memory_space<hbm>>
      %dma_start3A_1610 = tpu.memref_squeeze %dma_start3A_1609 : memref<1x50x64xf32, #tpu.memory_space<hbm>> -> memref<50x64xf32, #tpu.memory_space<hbm>>
      %dma_start3A_1611 = arith.constant 0 : i32
      %dma_start3A_1612 = arith.constant 0 : i32
      %dma_start3A_1613 = tpu.memref_slice %arg4[%add3A_1598, %dma_start3A_1611, %dma_start3A_1612] : memref<16384x50x64xf32, #tpu.memory_space<hbm>> -> memref<1x50x64xf32, #tpu.memory_space<hbm>>
      %dma_start3A_1614 = tpu.memref_squeeze %dma_start3A_1613 : memref<1x50x64xf32, #tpu.memory_space<hbm>> -> memref<50x64xf32, #tpu.memory_space<hbm>>
      %dma_start3A_1615 = arith.constant 0 : i32
      %dma_start3A_1616 = arith.constant 0 : i32
      %dma_start3A_1617 = tpu.memref_slice %arg6[%dma_start3A_1599, %dma_start3A_1615, %dma_start3A_1616] : memref<4x400x64xf32, #tpu.memory_space<vmem>> -> memref<1x400x64xf32, #tpu.memory_space<vmem>>
      %dma_start3A_1618 = tpu.memref_squeeze %dma_start3A_1617 : memref<1x400x64xf32, #tpu.memory_space<vmem>> -> memref<400x64xf32, #tpu.memory_space<vmem>>
      %dma_start3A_1619 = arith.constant 100 : i32
      %dma_start3A_1620 = arith.constant 0 : i32
      %dma_start3A_1621 = tpu.memref_slice %dma_start3A_1618[%dma_start3A_1619, %dma_start3A_1620] : memref<400x64xf32, #tpu.memory_space<vmem>> -> memref<50x64xf32, #tpu.memory_space<vmem>>
      tpu.enqueue_dma source(%dma_start3A_1621 : memref<50x64xf32, #tpu.memory_space<vmem>>) target(%dma_start3A_1614 : memref<50x64xf32, #tpu.memory_space<hbm>>) target_semaphore(%arg14 : memref<!tpu.dma_semaphore, #tpu.memory_space<semaphore_mem>>)
      %mul3A_1622 = arith.constant 8 : i32
      %mul3A_1623 = arith.muli %add3A_1527, %mul3A_1622 : i32
      %add3A_1624 = arith.addi %mul3A_4, %mul3A_1623 : i32
      %add3A_1625 = arith.constant 3 : i32
      %add3A_1626 = arith.addi %add3A_1624, %add3A_1625 : i32
      %dma_start3A_1627 = arith.constant 3 : i32
      %dma_start3A_1628 = arith.constant 0 : i32
      %dma_start3A_1629 = arith.constant 0 : i32
      %dma_start3A_1630 = tpu.memref_slice %arg6[%dma_start3A_1627, %dma_start3A_1628, %dma_start3A_1629] : memref<4x400x64xf32, #tpu.memory_space<vmem>> -> memref<1x400x64xf32, #tpu.memory_space<vmem>>
      %dma_start3A_1631 = tpu.memref_squeeze %dma_start3A_1630 : memref<1x400x64xf32, #tpu.memory_space<vmem>> -> memref<400x64xf32, #tpu.memory_space<vmem>>
      %dma_start3A_1632 = arith.constant 150 : i32
      %dma_start3A_1633 = arith.constant 0 : i32
      %dma_start3A_1634 = tpu.memref_slice %dma_start3A_1631[%dma_start3A_1632, %dma_start3A_1633] : memref<400x64xf32, #tpu.memory_space<vmem>> -> memref<50x64xf32, #tpu.memory_space<vmem>>
      %dma_start3A_1635 = arith.constant 0 : i32
      %dma_start3A_1636 = arith.constant 0 : i32
      %dma_start3A_1637 = tpu.memref_slice %arg4[%add3A_1626, %dma_start3A_1635, %dma_start3A_1636] : memref<16384x50x64xf32, #tpu.memory_space<hbm>> -> memref<1x50x64xf32, #tpu.memory_space<hbm>>
      %dma_start3A_1638 = tpu.memref_squeeze %dma_start3A_1637 : memref<1x50x64xf32, #tpu.memory_space<hbm>> -> memref<50x64xf32, #tpu.memory_space<hbm>>
      %dma_start3A_1639 = arith.constant 0 : i32
      %dma_start3A_1640 = arith.constant 0 : i32
      %dma_start3A_1641 = tpu.memref_slice %arg4[%add3A_1626, %dma_start3A_1639, %dma_start3A_1640] : memref<16384x50x64xf32, #tpu.memory_space<hbm>> -> memref<1x50x64xf32, #tpu.memory_space<hbm>>
      %dma_start3A_1642 = tpu.memref_squeeze %dma_start3A_1641 : memref<1x50x64xf32, #tpu.memory_space<hbm>> -> memref<50x64xf32, #tpu.memory_space<hbm>>
      %dma_start3A_1643 = arith.constant 0 : i32
      %dma_start3A_1644 = arith.constant 0 : i32
      %dma_start3A_1645 = tpu.memref_slice %arg6[%dma_start3A_1627, %dma_start3A_1643, %dma_start3A_1644] : memref<4x400x64xf32, #tpu.memory_space<vmem>> -> memref<1x400x64xf32, #tpu.memory_space<vmem>>
      %dma_start3A_1646 = tpu.memref_squeeze %dma_start3A_1645 : memref<1x400x64xf32, #tpu.memory_space<vmem>> -> memref<400x64xf32, #tpu.memory_space<vmem>>
      %dma_start3A_1647 = arith.constant 150 : i32
      %dma_start3A_1648 = arith.constant 0 : i32
      %dma_start3A_1649 = tpu.memref_slice %dma_start3A_1646[%dma_start3A_1647, %dma_start3A_1648] : memref<400x64xf32, #tpu.memory_space<vmem>> -> memref<50x64xf32, #tpu.memory_space<vmem>>
      tpu.enqueue_dma source(%dma_start3A_1649 : memref<50x64xf32, #tpu.memory_space<vmem>>) target(%dma_start3A_1642 : memref<50x64xf32, #tpu.memory_space<hbm>>) target_semaphore(%arg14 : memref<!tpu.dma_semaphore, #tpu.memory_space<semaphore_mem>>)
      %mul3A_1650 = arith.constant 8 : i32
      %mul3A_1651 = arith.muli %add3A_1527, %mul3A_1650 : i32
      %add3A_1652 = arith.addi %mul3A_4, %mul3A_1651 : i32
      %add3A_1653 = arith.constant 4 : i32
      %add3A_1654 = arith.addi %add3A_1652, %add3A_1653 : i32
      %dma_start3A_1655 = arith.constant 3 : i32
      %dma_start3A_1656 = arith.constant 0 : i32
      %dma_start3A_1657 = arith.constant 0 : i32
      %dma_start3A_1658 = tpu.memref_slice %arg6[%dma_start3A_1655, %dma_start3A_1656, %dma_start3A_1657] : memref<4x400x64xf32, #tpu.memory_space<vmem>> -> memref<1x400x64xf32, #tpu.memory_space<vmem>>
      %dma_start3A_1659 = tpu.memref_squeeze %dma_start3A_1658 : memref<1x400x64xf32, #tpu.memory_space<vmem>> -> memref<400x64xf32, #tpu.memory_space<vmem>>
      %dma_start3A_1660 = arith.constant 200 : i32
      %dma_start3A_1661 = arith.constant 0 : i32
      %dma_start3A_1662 = tpu.memref_slice %dma_start3A_1659[%dma_start3A_1660, %dma_start3A_1661] : memref<400x64xf32, #tpu.memory_space<vmem>> -> memref<50x64xf32, #tpu.memory_space<vmem>>
      %dma_start3A_1663 = arith.constant 0 : i32
      %dma_start3A_1664 = arith.constant 0 : i32
      %dma_start3A_1665 = tpu.memref_slice %arg4[%add3A_1654, %dma_start3A_1663, %dma_start3A_1664] : memref<16384x50x64xf32, #tpu.memory_space<hbm>> -> memref<1x50x64xf32, #tpu.memory_space<hbm>>
      %dma_start3A_1666 = tpu.memref_squeeze %dma_start3A_1665 : memref<1x50x64xf32, #tpu.memory_space<hbm>> -> memref<50x64xf32, #tpu.memory_space<hbm>>
      %dma_start3A_1667 = arith.constant 0 : i32
      %dma_start3A_1668 = arith.constant 0 : i32
      %dma_start3A_1669 = tpu.memref_slice %arg4[%add3A_1654, %dma_start3A_1667, %dma_start3A_1668] : memref<16384x50x64xf32, #tpu.memory_space<hbm>> -> memref<1x50x64xf32, #tpu.memory_space<hbm>>
      %dma_start3A_1670 = tpu.memref_squeeze %dma_start3A_1669 : memref<1x50x64xf32, #tpu.memory_space<hbm>> -> memref<50x64xf32, #tpu.memory_space<hbm>>
      %dma_start3A_1671 = arith.constant 0 : i32
      %dma_start3A_1672 = arith.constant 0 : i32
      %dma_start3A_1673 = tpu.memref_slice %arg6[%dma_start3A_1655, %dma_start3A_1671, %dma_start3A_1672] : memref<4x400x64xf32, #tpu.memory_space<vmem>> -> memref<1x400x64xf32, #tpu.memory_space<vmem>>
      %dma_start3A_1674 = tpu.memref_squeeze %dma_start3A_1673 : memref<1x400x64xf32, #tpu.memory_space<vmem>> -> memref<400x64xf32, #tpu.memory_space<vmem>>
      %dma_start3A_1675 = arith.constant 200 : i32
      %dma_start3A_1676 = arith.constant 0 : i32
      %dma_start3A_1677 = tpu.memref_slice %dma_start3A_1674[%dma_start3A_1675, %dma_start3A_1676] : memref<400x64xf32, #tpu.memory_space<vmem>> -> memref<50x64xf32, #tpu.memory_space<vmem>>
      tpu.enqueue_dma source(%dma_start3A_1677 : memref<50x64xf32, #tpu.memory_space<vmem>>) target(%dma_start3A_1670 : memref<50x64xf32, #tpu.memory_space<hbm>>) target_semaphore(%arg14 : memref<!tpu.dma_semaphore, #tpu.memory_space<semaphore_mem>>)
      %mul3A_1678 = arith.constant 8 : i32
      %mul3A_1679 = arith.muli %add3A_1527, %mul3A_1678 : i32
      %add3A_1680 = arith.addi %mul3A_4, %mul3A_1679 : i32
      %add3A_1681 = arith.constant 5 : i32
      %add3A_1682 = arith.addi %add3A_1680, %add3A_1681 : i32
      %dma_start3A_1683 = arith.constant 3 : i32
      %dma_start3A_1684 = arith.constant 0 : i32
      %dma_start3A_1685 = arith.constant 0 : i32
      %dma_start3A_1686 = tpu.memref_slice %arg6[%dma_start3A_1683, %dma_start3A_1684, %dma_start3A_1685] : memref<4x400x64xf32, #tpu.memory_space<vmem>> -> memref<1x400x64xf32, #tpu.memory_space<vmem>>
      %dma_start3A_1687 = tpu.memref_squeeze %dma_start3A_1686 : memref<1x400x64xf32, #tpu.memory_space<vmem>> -> memref<400x64xf32, #tpu.memory_space<vmem>>
      %dma_start3A_1688 = arith.constant 250 : i32
      %dma_start3A_1689 = arith.constant 0 : i32
      %dma_start3A_1690 = tpu.memref_slice %dma_start3A_1687[%dma_start3A_1688, %dma_start3A_1689] : memref<400x64xf32, #tpu.memory_space<vmem>> -> memref<50x64xf32, #tpu.memory_space<vmem>>
      %dma_start3A_1691 = arith.constant 0 : i32
      %dma_start3A_1692 = arith.constant 0 : i32
      %dma_start3A_1693 = tpu.memref_slice %arg4[%add3A_1682, %dma_start3A_1691, %dma_start3A_1692] : memref<16384x50x64xf32, #tpu.memory_space<hbm>> -> memref<1x50x64xf32, #tpu.memory_space<hbm>>
      %dma_start3A_1694 = tpu.memref_squeeze %dma_start3A_1693 : memref<1x50x64xf32, #tpu.memory_space<hbm>> -> memref<50x64xf32, #tpu.memory_space<hbm>>
      %dma_start3A_1695 = arith.constant 0 : i32
      %dma_start3A_1696 = arith.constant 0 : i32
      %dma_start3A_1697 = tpu.memref_slice %arg4[%add3A_1682, %dma_start3A_1695, %dma_start3A_1696] : memref<16384x50x64xf32, #tpu.memory_space<hbm>> -> memref<1x50x64xf32, #tpu.memory_space<hbm>>
      %dma_start3A_1698 = tpu.memref_squeeze %dma_start3A_1697 : memref<1x50x64xf32, #tpu.memory_space<hbm>> -> memref<50x64xf32, #tpu.memory_space<hbm>>
      %dma_start3A_1699 = arith.constant 0 : i32
      %dma_start3A_1700 = arith.constant 0 : i32
      %dma_start3A_1701 = tpu.memref_slice %arg6[%dma_start3A_1683, %dma_start3A_1699, %dma_start3A_1700] : memref<4x400x64xf32, #tpu.memory_space<vmem>> -> memref<1x400x64xf32, #tpu.memory_space<vmem>>
      %dma_start3A_1702 = tpu.memref_squeeze %dma_start3A_1701 : memref<1x400x64xf32, #tpu.memory_space<vmem>> -> memref<400x64xf32, #tpu.memory_space<vmem>>
      %dma_start3A_1703 = arith.constant 250 : i32
      %dma_start3A_1704 = arith.constant 0 : i32
      %dma_start3A_1705 = tpu.memref_slice %dma_start3A_1702[%dma_start3A_1703, %dma_start3A_1704] : memref<400x64xf32, #tpu.memory_space<vmem>> -> memref<50x64xf32, #tpu.memory_space<vmem>>
      tpu.enqueue_dma source(%dma_start3A_1705 : memref<50x64xf32, #tpu.memory_space<vmem>>) target(%dma_start3A_1698 : memref<50x64xf32, #tpu.memory_space<hbm>>) target_semaphore(%arg14 : memref<!tpu.dma_semaphore, #tpu.memory_space<semaphore_mem>>)
      %mul3A_1706 = arith.constant 8 : i32
      %mul3A_1707 = arith.muli %add3A_1527, %mul3A_1706 : i32
      %add3A_1708 = arith.addi %mul3A_4, %mul3A_1707 : i32
      %add3A_1709 = arith.constant 6 : i32
      %add3A_1710 = arith.addi %add3A_1708, %add3A_1709 : i32
      %dma_start3A_1711 = arith.constant 3 : i32
      %dma_start3A_1712 = arith.constant 0 : i32
      %dma_start3A_1713 = arith.constant 0 : i32
      %dma_start3A_1714 = tpu.memref_slice %arg6[%dma_start3A_1711, %dma_start3A_1712, %dma_start3A_1713] : memref<4x400x64xf32, #tpu.memory_space<vmem>> -> memref<1x400x64xf32, #tpu.memory_space<vmem>>
      %dma_start3A_1715 = tpu.memref_squeeze %dma_start3A_1714 : memref<1x400x64xf32, #tpu.memory_space<vmem>> -> memref<400x64xf32, #tpu.memory_space<vmem>>
      %dma_start3A_1716 = arith.constant 300 : i32
      %dma_start3A_1717 = arith.constant 0 : i32
      %dma_start3A_1718 = tpu.memref_slice %dma_start3A_1715[%dma_start3A_1716, %dma_start3A_1717] : memref<400x64xf32, #tpu.memory_space<vmem>> -> memref<50x64xf32, #tpu.memory_space<vmem>>
      %dma_start3A_1719 = arith.constant 0 : i32
      %dma_start3A_1720 = arith.constant 0 : i32
      %dma_start3A_1721 = tpu.memref_slice %arg4[%add3A_1710, %dma_start3A_1719, %dma_start3A_1720] : memref<16384x50x64xf32, #tpu.memory_space<hbm>> -> memref<1x50x64xf32, #tpu.memory_space<hbm>>
      %dma_start3A_1722 = tpu.memref_squeeze %dma_start3A_1721 : memref<1x50x64xf32, #tpu.memory_space<hbm>> -> memref<50x64xf32, #tpu.memory_space<hbm>>
      %dma_start3A_1723 = arith.constant 0 : i32
      %dma_start3A_1724 = arith.constant 0 : i32
      %dma_start3A_1725 = tpu.memref_slice %arg4[%add3A_1710, %dma_start3A_1723, %dma_start3A_1724] : memref<16384x50x64xf32, #tpu.memory_space<hbm>> -> memref<1x50x64xf32, #tpu.memory_space<hbm>>
      %dma_start3A_1726 = tpu.memref_squeeze %dma_start3A_1725 : memref<1x50x64xf32, #tpu.memory_space<hbm>> -> memref<50x64xf32, #tpu.memory_space<hbm>>
      %dma_start3A_1727 = arith.constant 0 : i32
      %dma_start3A_1728 = arith.constant 0 : i32
      %dma_start3A_1729 = tpu.memref_slice %arg6[%dma_start3A_1711, %dma_start3A_1727, %dma_start3A_1728] : memref<4x400x64xf32, #tpu.memory_space<vmem>> -> memref<1x400x64xf32, #tpu.memory_space<vmem>>
      %dma_start3A_1730 = tpu.memref_squeeze %dma_start3A_1729 : memref<1x400x64xf32, #tpu.memory_space<vmem>> -> memref<400x64xf32, #tpu.memory_space<vmem>>
      %dma_start3A_1731 = arith.constant 300 : i32
      %dma_start3A_1732 = arith.constant 0 : i32
      %dma_start3A_1733 = tpu.memref_slice %dma_start3A_1730[%dma_start3A_1731, %dma_start3A_1732] : memref<400x64xf32, #tpu.memory_space<vmem>> -> memref<50x64xf32, #tpu.memory_space<vmem>>
      tpu.enqueue_dma source(%dma_start3A_1733 : memref<50x64xf32, #tpu.memory_space<vmem>>) target(%dma_start3A_1726 : memref<50x64xf32, #tpu.memory_space<hbm>>) target_semaphore(%arg14 : memref<!tpu.dma_semaphore, #tpu.memory_space<semaphore_mem>>)
      %mul3A_1734 = arith.constant 8 : i32
      %mul3A_1735 = arith.muli %add3A_1527, %mul3A_1734 : i32
      %add3A_1736 = arith.addi %mul3A_4, %mul3A_1735 : i32
      %add3A_1737 = arith.constant 7 : i32
      %add3A_1738 = arith.addi %add3A_1736, %add3A_1737 : i32
      %dma_start3A_1739 = arith.constant 3 : i32
      %dma_start3A_1740 = arith.constant 0 : i32
      %dma_start3A_1741 = arith.constant 0 : i32
      %dma_start3A_1742 = tpu.memref_slice %arg6[%dma_start3A_1739, %dma_start3A_1740, %dma_start3A_1741] : memref<4x400x64xf32, #tpu.memory_space<vmem>> -> memref<1x400x64xf32, #tpu.memory_space<vmem>>
      %dma_start3A_1743 = tpu.memref_squeeze %dma_start3A_1742 : memref<1x400x64xf32, #tpu.memory_space<vmem>> -> memref<400x64xf32, #tpu.memory_space<vmem>>
      %dma_start3A_1744 = arith.constant 350 : i32
      %dma_start3A_1745 = arith.constant 0 : i32
      %dma_start3A_1746 = tpu.memref_slice %dma_start3A_1743[%dma_start3A_1744, %dma_start3A_1745] : memref<400x64xf32, #tpu.memory_space<vmem>> -> memref<50x64xf32, #tpu.memory_space<vmem>>
      %dma_start3A_1747 = arith.constant 0 : i32
      %dma_start3A_1748 = arith.constant 0 : i32
      %dma_start3A_1749 = tpu.memref_slice %arg4[%add3A_1738, %dma_start3A_1747, %dma_start3A_1748] : memref<16384x50x64xf32, #tpu.memory_space<hbm>> -> memref<1x50x64xf32, #tpu.memory_space<hbm>>
      %dma_start3A_1750 = tpu.memref_squeeze %dma_start3A_1749 : memref<1x50x64xf32, #tpu.memory_space<hbm>> -> memref<50x64xf32, #tpu.memory_space<hbm>>
      %dma_start3A_1751 = arith.constant 0 : i32
      %dma_start3A_1752 = arith.constant 0 : i32
      %dma_start3A_1753 = tpu.memref_slice %arg4[%add3A_1738, %dma_start3A_1751, %dma_start3A_1752] : memref<16384x50x64xf32, #tpu.memory_space<hbm>> -> memref<1x50x64xf32, #tpu.memory_space<hbm>>
      %dma_start3A_1754 = tpu.memref_squeeze %dma_start3A_1753 : memref<1x50x64xf32, #tpu.memory_space<hbm>> -> memref<50x64xf32, #tpu.memory_space<hbm>>
      %dma_start3A_1755 = arith.constant 0 : i32
      %dma_start3A_1756 = arith.constant 0 : i32
      %dma_start3A_1757 = tpu.memref_slice %arg6[%dma_start3A_1739, %dma_start3A_1755, %dma_start3A_1756] : memref<4x400x64xf32, #tpu.memory_space<vmem>> -> memref<1x400x64xf32, #tpu.memory_space<vmem>>
      %dma_start3A_1758 = tpu.memref_squeeze %dma_start3A_1757 : memref<1x400x64xf32, #tpu.memory_space<vmem>> -> memref<400x64xf32, #tpu.memory_space<vmem>>
      %dma_start3A_1759 = arith.constant 350 : i32
      %dma_start3A_1760 = arith.constant 0 : i32
      %dma_start3A_1761 = tpu.memref_slice %dma_start3A_1758[%dma_start3A_1759, %dma_start3A_1760] : memref<400x64xf32, #tpu.memory_space<vmem>> -> memref<50x64xf32, #tpu.memory_space<vmem>>
      tpu.enqueue_dma source(%dma_start3A_1761 : memref<50x64xf32, #tpu.memory_space<vmem>>) target(%dma_start3A_1754 : memref<50x64xf32, #tpu.memory_space<hbm>>) target_semaphore(%arg14 : memref<!tpu.dma_semaphore, #tpu.memory_space<semaphore_mem>>)
      %sub3A_1762 = arith.constant 1 : i32
      %sub3A_1763 = arith.subi %add3A_1527, %sub3A_1762 : i32
      %add3A_1764 = arith.constant 4 : i32
      %add3A_1765 = arith.addi %sub3A_1763, %add3A_1764 : i32
      %ge3A_1766 = arith.constant 1 : i32
      %ge3A_1767 = arith.cmpi sge, %add3A_1527, %ge3A_1766 : i32
      %lt3A_1768 = arith.constant 64 : i32
      %lt3A_1769 = arith.cmpi slt, %add3A_1765, %lt3A_1768 : i32
      %and3A_1770 = arith.andi %ge3A_1767, %lt3A_1769 : i1
      %convert_element_type3A_1771 = arith.extui %and3A_1770 : i1 to i32
      %cond3A_1772 = arith.constant 0 : i32
      %cond3A_1773 = arith.cmpi ne, %convert_element_type3A_1771, %cond3A_1772 : i32
      scf.if %cond3A_1773 {
        %dma_wait3A_1774 = arith.constant 2 : i32
        %dma_wait3A_1775 = arith.constant 0 : i32
        %dma_wait3A_1776 = arith.constant 0 : i32
        %dma_wait3A_1777 = tpu.memref_slice %arg6[%dma_wait3A_1774, %dma_wait3A_1775, %dma_wait3A_1776] : memref<4x400x64xf32, #tpu.memory_space<vmem>> -> memref<1x400x64xf32, #tpu.memory_space<vmem>>
        %dma_wait3A_1778 = tpu.memref_squeeze %dma_wait3A_1777 : memref<1x400x64xf32, #tpu.memory_space<vmem>> -> memref<400x64xf32, #tpu.memory_space<vmem>>
        %dma_wait3A_1779 = arith.constant 0 : i32
        %dma_wait3A_1780 = arith.constant 0 : i32
        %dma_wait3A_1781 = tpu.memref_slice %dma_wait3A_1778[%dma_wait3A_1779, %dma_wait3A_1780] : memref<400x64xf32, #tpu.memory_space<vmem>> -> memref<50x64xf32, #tpu.memory_space<vmem>>
        %dma_wait3A_1782 = arith.constant 0 : i32
        %dma_wait3A_1783 = arith.constant 0 : i32
        %dma_wait3A_1784 = tpu.memref_slice %arg4[%mul3A_4, %dma_wait3A_1782, %dma_wait3A_1783] : memref<16384x50x64xf32, #tpu.memory_space<hbm>> -> memref<1x50x64xf32, #tpu.memory_space<hbm>>
        %dma_wait3A_1785 = tpu.memref_squeeze %dma_wait3A_1784 : memref<1x50x64xf32, #tpu.memory_space<hbm>> -> memref<50x64xf32, #tpu.memory_space<hbm>>
        %dma_wait3A_1786 = arith.constant 0 : i32
        %dma_wait3A_1787 = arith.constant 0 : i32
        %dma_wait3A_1788 = tpu.memref_slice %arg4[%mul3A_4, %dma_wait3A_1786, %dma_wait3A_1787] : memref<16384x50x64xf32, #tpu.memory_space<hbm>> -> memref<1x50x64xf32, #tpu.memory_space<hbm>>
        %dma_wait3A_1789 = tpu.memref_squeeze %dma_wait3A_1788 : memref<1x50x64xf32, #tpu.memory_space<hbm>> -> memref<50x64xf32, #tpu.memory_space<hbm>>
        %dma_wait3A_1790 = arith.constant 0 : i32
        %dma_wait3A_1791 = arith.constant 0 : i32
        %dma_wait3A_1792 = tpu.memref_slice %arg6[%dma_wait3A_1774, %dma_wait3A_1790, %dma_wait3A_1791] : memref<4x400x64xf32, #tpu.memory_space<vmem>> -> memref<1x400x64xf32, #tpu.memory_space<vmem>>
        %dma_wait3A_1793 = tpu.memref_squeeze %dma_wait3A_1792 : memref<1x400x64xf32, #tpu.memory_space<vmem>> -> memref<400x64xf32, #tpu.memory_space<vmem>>
        %dma_wait3A_1794 = arith.constant 0 : i32
        %dma_wait3A_1795 = arith.constant 0 : i32
        %dma_wait3A_1796 = tpu.memref_slice %dma_wait3A_1793[%dma_wait3A_1794, %dma_wait3A_1795] : memref<400x64xf32, #tpu.memory_space<vmem>> -> memref<50x64xf32, #tpu.memory_space<vmem>>
        tpu.wait_dma2 semaphore(%arg13 : memref<!tpu.dma_semaphore, #tpu.memory_space<semaphore_mem>>) src(%dma_wait3A_1796 : memref<50x64xf32, #tpu.memory_space<vmem>>) dst(%dma_wait3A_1789 : memref<50x64xf32, #tpu.memory_space<hbm>>)
        %dma_wait3A_1797 = arith.constant 2 : i32
        %dma_wait3A_1798 = arith.constant 0 : i32
        %dma_wait3A_1799 = arith.constant 0 : i32
        %dma_wait3A_1800 = tpu.memref_slice %arg6[%dma_wait3A_1797, %dma_wait3A_1798, %dma_wait3A_1799] : memref<4x400x64xf32, #tpu.memory_space<vmem>> -> memref<1x400x64xf32, #tpu.memory_space<vmem>>
        %dma_wait3A_1801 = tpu.memref_squeeze %dma_wait3A_1800 : memref<1x400x64xf32, #tpu.memory_space<vmem>> -> memref<400x64xf32, #tpu.memory_space<vmem>>
        %dma_wait3A_1802 = arith.constant 50 : i32
        %dma_wait3A_1803 = arith.constant 0 : i32
        %dma_wait3A_1804 = tpu.memref_slice %dma_wait3A_1801[%dma_wait3A_1802, %dma_wait3A_1803] : memref<400x64xf32, #tpu.memory_space<vmem>> -> memref<50x64xf32, #tpu.memory_space<vmem>>
        %dma_wait3A_1805 = arith.constant 0 : i32
        %dma_wait3A_1806 = arith.constant 0 : i32
        %dma_wait3A_1807 = tpu.memref_slice %arg4[%mul3A_4, %dma_wait3A_1805, %dma_wait3A_1806] : memref<16384x50x64xf32, #tpu.memory_space<hbm>> -> memref<1x50x64xf32, #tpu.memory_space<hbm>>
        %dma_wait3A_1808 = tpu.memref_squeeze %dma_wait3A_1807 : memref<1x50x64xf32, #tpu.memory_space<hbm>> -> memref<50x64xf32, #tpu.memory_space<hbm>>
        %dma_wait3A_1809 = arith.constant 0 : i32
        %dma_wait3A_1810 = arith.constant 0 : i32
        %dma_wait3A_1811 = tpu.memref_slice %arg4[%mul3A_4, %dma_wait3A_1809, %dma_wait3A_1810] : memref<16384x50x64xf32, #tpu.memory_space<hbm>> -> memref<1x50x64xf32, #tpu.memory_space<hbm>>
        %dma_wait3A_1812 = tpu.memref_squeeze %dma_wait3A_1811 : memref<1x50x64xf32, #tpu.memory_space<hbm>> -> memref<50x64xf32, #tpu.memory_space<hbm>>
        %dma_wait3A_1813 = arith.constant 0 : i32
        %dma_wait3A_1814 = arith.constant 0 : i32
        %dma_wait3A_1815 = tpu.memref_slice %arg6[%dma_wait3A_1797, %dma_wait3A_1813, %dma_wait3A_1814] : memref<4x400x64xf32, #tpu.memory_space<vmem>> -> memref<1x400x64xf32, #tpu.memory_space<vmem>>
        %dma_wait3A_1816 = tpu.memref_squeeze %dma_wait3A_1815 : memref<1x400x64xf32, #tpu.memory_space<vmem>> -> memref<400x64xf32, #tpu.memory_space<vmem>>
        %dma_wait3A_1817 = arith.constant 50 : i32
        %dma_wait3A_1818 = arith.constant 0 : i32
        %dma_wait3A_1819 = tpu.memref_slice %dma_wait3A_1816[%dma_wait3A_1817, %dma_wait3A_1818] : memref<400x64xf32, #tpu.memory_space<vmem>> -> memref<50x64xf32, #tpu.memory_space<vmem>>
        tpu.wait_dma2 semaphore(%arg13 : memref<!tpu.dma_semaphore, #tpu.memory_space<semaphore_mem>>) src(%dma_wait3A_1819 : memref<50x64xf32, #tpu.memory_space<vmem>>) dst(%dma_wait3A_1812 : memref<50x64xf32, #tpu.memory_space<hbm>>)
        %dma_wait3A_1820 = arith.constant 2 : i32
        %dma_wait3A_1821 = arith.constant 0 : i32
        %dma_wait3A_1822 = arith.constant 0 : i32
        %dma_wait3A_1823 = tpu.memref_slice %arg6[%dma_wait3A_1820, %dma_wait3A_1821, %dma_wait3A_1822] : memref<4x400x64xf32, #tpu.memory_space<vmem>> -> memref<1x400x64xf32, #tpu.memory_space<vmem>>
        %dma_wait3A_1824 = tpu.memref_squeeze %dma_wait3A_1823 : memref<1x400x64xf32, #tpu.memory_space<vmem>> -> memref<400x64xf32, #tpu.memory_space<vmem>>
        %dma_wait3A_1825 = arith.constant 100 : i32
        %dma_wait3A_1826 = arith.constant 0 : i32
        %dma_wait3A_1827 = tpu.memref_slice %dma_wait3A_1824[%dma_wait3A_1825, %dma_wait3A_1826] : memref<400x64xf32, #tpu.memory_space<vmem>> -> memref<50x64xf32, #tpu.memory_space<vmem>>
        %dma_wait3A_1828 = arith.constant 0 : i32
        %dma_wait3A_1829 = arith.constant 0 : i32
        %dma_wait3A_1830 = tpu.memref_slice %arg4[%mul3A_4, %dma_wait3A_1828, %dma_wait3A_1829] : memref<16384x50x64xf32, #tpu.memory_space<hbm>> -> memref<1x50x64xf32, #tpu.memory_space<hbm>>
        %dma_wait3A_1831 = tpu.memref_squeeze %dma_wait3A_1830 : memref<1x50x64xf32, #tpu.memory_space<hbm>> -> memref<50x64xf32, #tpu.memory_space<hbm>>
        %dma_wait3A_1832 = arith.constant 0 : i32
        %dma_wait3A_1833 = arith.constant 0 : i32
        %dma_wait3A_1834 = tpu.memref_slice %arg4[%mul3A_4, %dma_wait3A_1832, %dma_wait3A_1833] : memref<16384x50x64xf32, #tpu.memory_space<hbm>> -> memref<1x50x64xf32, #tpu.memory_space<hbm>>
        %dma_wait3A_1835 = tpu.memref_squeeze %dma_wait3A_1834 : memref<1x50x64xf32, #tpu.memory_space<hbm>> -> memref<50x64xf32, #tpu.memory_space<hbm>>
        %dma_wait3A_1836 = arith.constant 0 : i32
        %dma_wait3A_1837 = arith.constant 0 : i32
        %dma_wait3A_1838 = tpu.memref_slice %arg6[%dma_wait3A_1820, %dma_wait3A_1836, %dma_wait3A_1837] : memref<4x400x64xf32, #tpu.memory_space<vmem>> -> memref<1x400x64xf32, #tpu.memory_space<vmem>>
        %dma_wait3A_1839 = tpu.memref_squeeze %dma_wait3A_1838 : memref<1x400x64xf32, #tpu.memory_space<vmem>> -> memref<400x64xf32, #tpu.memory_space<vmem>>
        %dma_wait3A_1840 = arith.constant 100 : i32
        %dma_wait3A_1841 = arith.constant 0 : i32
        %dma_wait3A_1842 = tpu.memref_slice %dma_wait3A_1839[%dma_wait3A_1840, %dma_wait3A_1841] : memref<400x64xf32, #tpu.memory_space<vmem>> -> memref<50x64xf32, #tpu.memory_space<vmem>>
        tpu.wait_dma2 semaphore(%arg13 : memref<!tpu.dma_semaphore, #tpu.memory_space<semaphore_mem>>) src(%dma_wait3A_1842 : memref<50x64xf32, #tpu.memory_space<vmem>>) dst(%dma_wait3A_1835 : memref<50x64xf32, #tpu.memory_space<hbm>>)
        %dma_wait3A_1843 = arith.constant 2 : i32
        %dma_wait3A_1844 = arith.constant 0 : i32
        %dma_wait3A_1845 = arith.constant 0 : i32
        %dma_wait3A_1846 = tpu.memref_slice %arg6[%dma_wait3A_1843, %dma_wait3A_1844, %dma_wait3A_1845] : memref<4x400x64xf32, #tpu.memory_space<vmem>> -> memref<1x400x64xf32, #tpu.memory_space<vmem>>
        %dma_wait3A_1847 = tpu.memref_squeeze %dma_wait3A_1846 : memref<1x400x64xf32, #tpu.memory_space<vmem>> -> memref<400x64xf32, #tpu.memory_space<vmem>>
        %dma_wait3A_1848 = arith.constant 150 : i32
        %dma_wait3A_1849 = arith.constant 0 : i32
        %dma_wait3A_1850 = tpu.memref_slice %dma_wait3A_1847[%dma_wait3A_1848, %dma_wait3A_1849] : memref<400x64xf32, #tpu.memory_space<vmem>> -> memref<50x64xf32, #tpu.memory_space<vmem>>
        %dma_wait3A_1851 = arith.constant 0 : i32
        %dma_wait3A_1852 = arith.constant 0 : i32
        %dma_wait3A_1853 = tpu.memref_slice %arg4[%mul3A_4, %dma_wait3A_1851, %dma_wait3A_1852] : memref<16384x50x64xf32, #tpu.memory_space<hbm>> -> memref<1x50x64xf32, #tpu.memory_space<hbm>>
        %dma_wait3A_1854 = tpu.memref_squeeze %dma_wait3A_1853 : memref<1x50x64xf32, #tpu.memory_space<hbm>> -> memref<50x64xf32, #tpu.memory_space<hbm>>
        %dma_wait3A_1855 = arith.constant 0 : i32
        %dma_wait3A_1856 = arith.constant 0 : i32
        %dma_wait3A_1857 = tpu.memref_slice %arg4[%mul3A_4, %dma_wait3A_1855, %dma_wait3A_1856] : memref<16384x50x64xf32, #tpu.memory_space<hbm>> -> memref<1x50x64xf32, #tpu.memory_space<hbm>>
        %dma_wait3A_1858 = tpu.memref_squeeze %dma_wait3A_1857 : memref<1x50x64xf32, #tpu.memory_space<hbm>> -> memref<50x64xf32, #tpu.memory_space<hbm>>
        %dma_wait3A_1859 = arith.constant 0 : i32
        %dma_wait3A_1860 = arith.constant 0 : i32
        %dma_wait3A_1861 = tpu.memref_slice %arg6[%dma_wait3A_1843, %dma_wait3A_1859, %dma_wait3A_1860] : memref<4x400x64xf32, #tpu.memory_space<vmem>> -> memref<1x400x64xf32, #tpu.memory_space<vmem>>
        %dma_wait3A_1862 = tpu.memref_squeeze %dma_wait3A_1861 : memref<1x400x64xf32, #tpu.memory_space<vmem>> -> memref<400x64xf32, #tpu.memory_space<vmem>>
        %dma_wait3A_1863 = arith.constant 150 : i32
        %dma_wait3A_1864 = arith.constant 0 : i32
        %dma_wait3A_1865 = tpu.memref_slice %dma_wait3A_1862[%dma_wait3A_1863, %dma_wait3A_1864] : memref<400x64xf32, #tpu.memory_space<vmem>> -> memref<50x64xf32, #tpu.memory_space<vmem>>
        tpu.wait_dma2 semaphore(%arg13 : memref<!tpu.dma_semaphore, #tpu.memory_space<semaphore_mem>>) src(%dma_wait3A_1865 : memref<50x64xf32, #tpu.memory_space<vmem>>) dst(%dma_wait3A_1858 : memref<50x64xf32, #tpu.memory_space<hbm>>)
        %dma_wait3A_1866 = arith.constant 2 : i32
        %dma_wait3A_1867 = arith.constant 0 : i32
        %dma_wait3A_1868 = arith.constant 0 : i32
        %dma_wait3A_1869 = tpu.memref_slice %arg6[%dma_wait3A_1866, %dma_wait3A_1867, %dma_wait3A_1868] : memref<4x400x64xf32, #tpu.memory_space<vmem>> -> memref<1x400x64xf32, #tpu.memory_space<vmem>>
        %dma_wait3A_1870 = tpu.memref_squeeze %dma_wait3A_1869 : memref<1x400x64xf32, #tpu.memory_space<vmem>> -> memref<400x64xf32, #tpu.memory_space<vmem>>
        %dma_wait3A_1871 = arith.constant 200 : i32
        %dma_wait3A_1872 = arith.constant 0 : i32
        %dma_wait3A_1873 = tpu.memref_slice %dma_wait3A_1870[%dma_wait3A_1871, %dma_wait3A_1872] : memref<400x64xf32, #tpu.memory_space<vmem>> -> memref<50x64xf32, #tpu.memory_space<vmem>>
        %dma_wait3A_1874 = arith.constant 0 : i32
        %dma_wait3A_1875 = arith.constant 0 : i32
        %dma_wait3A_1876 = tpu.memref_slice %arg4[%mul3A_4, %dma_wait3A_1874, %dma_wait3A_1875] : memref<16384x50x64xf32, #tpu.memory_space<hbm>> -> memref<1x50x64xf32, #tpu.memory_space<hbm>>
        %dma_wait3A_1877 = tpu.memref_squeeze %dma_wait3A_1876 : memref<1x50x64xf32, #tpu.memory_space<hbm>> -> memref<50x64xf32, #tpu.memory_space<hbm>>
        %dma_wait3A_1878 = arith.constant 0 : i32
        %dma_wait3A_1879 = arith.constant 0 : i32
        %dma_wait3A_1880 = tpu.memref_slice %arg4[%mul3A_4, %dma_wait3A_1878, %dma_wait3A_1879] : memref<16384x50x64xf32, #tpu.memory_space<hbm>> -> memref<1x50x64xf32, #tpu.memory_space<hbm>>
        %dma_wait3A_1881 = tpu.memref_squeeze %dma_wait3A_1880 : memref<1x50x64xf32, #tpu.memory_space<hbm>> -> memref<50x64xf32, #tpu.memory_space<hbm>>
        %dma_wait3A_1882 = arith.constant 0 : i32
        %dma_wait3A_1883 = arith.constant 0 : i32
        %dma_wait3A_1884 = tpu.memref_slice %arg6[%dma_wait3A_1866, %dma_wait3A_1882, %dma_wait3A_1883] : memref<4x400x64xf32, #tpu.memory_space<vmem>> -> memref<1x400x64xf32, #tpu.memory_space<vmem>>
        %dma_wait3A_1885 = tpu.memref_squeeze %dma_wait3A_1884 : memref<1x400x64xf32, #tpu.memory_space<vmem>> -> memref<400x64xf32, #tpu.memory_space<vmem>>
        %dma_wait3A_1886 = arith.constant 200 : i32
        %dma_wait3A_1887 = arith.constant 0 : i32
        %dma_wait3A_1888 = tpu.memref_slice %dma_wait3A_1885[%dma_wait3A_1886, %dma_wait3A_1887] : memref<400x64xf32, #tpu.memory_space<vmem>> -> memref<50x64xf32, #tpu.memory_space<vmem>>
        tpu.wait_dma2 semaphore(%arg13 : memref<!tpu.dma_semaphore, #tpu.memory_space<semaphore_mem>>) src(%dma_wait3A_1888 : memref<50x64xf32, #tpu.memory_space<vmem>>) dst(%dma_wait3A_1881 : memref<50x64xf32, #tpu.memory_space<hbm>>)
        %dma_wait3A_1889 = arith.constant 2 : i32
        %dma_wait3A_1890 = arith.constant 0 : i32
        %dma_wait3A_1891 = arith.constant 0 : i32
        %dma_wait3A_1892 = tpu.memref_slice %arg6[%dma_wait3A_1889, %dma_wait3A_1890, %dma_wait3A_1891] : memref<4x400x64xf32, #tpu.memory_space<vmem>> -> memref<1x400x64xf32, #tpu.memory_space<vmem>>
        %dma_wait3A_1893 = tpu.memref_squeeze %dma_wait3A_1892 : memref<1x400x64xf32, #tpu.memory_space<vmem>> -> memref<400x64xf32, #tpu.memory_space<vmem>>
        %dma_wait3A_1894 = arith.constant 250 : i32
        %dma_wait3A_1895 = arith.constant 0 : i32
        %dma_wait3A_1896 = tpu.memref_slice %dma_wait3A_1893[%dma_wait3A_1894, %dma_wait3A_1895] : memref<400x64xf32, #tpu.memory_space<vmem>> -> memref<50x64xf32, #tpu.memory_space<vmem>>
        %dma_wait3A_1897 = arith.constant 0 : i32
        %dma_wait3A_1898 = arith.constant 0 : i32
        %dma_wait3A_1899 = tpu.memref_slice %arg4[%mul3A_4, %dma_wait3A_1897, %dma_wait3A_1898] : memref<16384x50x64xf32, #tpu.memory_space<hbm>> -> memref<1x50x64xf32, #tpu.memory_space<hbm>>
        %dma_wait3A_1900 = tpu.memref_squeeze %dma_wait3A_1899 : memref<1x50x64xf32, #tpu.memory_space<hbm>> -> memref<50x64xf32, #tpu.memory_space<hbm>>
        %dma_wait3A_1901 = arith.constant 0 : i32
        %dma_wait3A_1902 = arith.constant 0 : i32
        %dma_wait3A_1903 = tpu.memref_slice %arg4[%mul3A_4, %dma_wait3A_1901, %dma_wait3A_1902] : memref<16384x50x64xf32, #tpu.memory_space<hbm>> -> memref<1x50x64xf32, #tpu.memory_space<hbm>>
        %dma_wait3A_1904 = tpu.memref_squeeze %dma_wait3A_1903 : memref<1x50x64xf32, #tpu.memory_space<hbm>> -> memref<50x64xf32, #tpu.memory_space<hbm>>
        %dma_wait3A_1905 = arith.constant 0 : i32
        %dma_wait3A_1906 = arith.constant 0 : i32
        %dma_wait3A_1907 = tpu.memref_slice %arg6[%dma_wait3A_1889, %dma_wait3A_1905, %dma_wait3A_1906] : memref<4x400x64xf32, #tpu.memory_space<vmem>> -> memref<1x400x64xf32, #tpu.memory_space<vmem>>
        %dma_wait3A_1908 = tpu.memref_squeeze %dma_wait3A_1907 : memref<1x400x64xf32, #tpu.memory_space<vmem>> -> memref<400x64xf32, #tpu.memory_space<vmem>>
        %dma_wait3A_1909 = arith.constant 250 : i32
        %dma_wait3A_1910 = arith.constant 0 : i32
        %dma_wait3A_1911 = tpu.memref_slice %dma_wait3A_1908[%dma_wait3A_1909, %dma_wait3A_1910] : memref<400x64xf32, #tpu.memory_space<vmem>> -> memref<50x64xf32, #tpu.memory_space<vmem>>
        tpu.wait_dma2 semaphore(%arg13 : memref<!tpu.dma_semaphore, #tpu.memory_space<semaphore_mem>>) src(%dma_wait3A_1911 : memref<50x64xf32, #tpu.memory_space<vmem>>) dst(%dma_wait3A_1904 : memref<50x64xf32, #tpu.memory_space<hbm>>)
        %dma_wait3A_1912 = arith.constant 2 : i32
        %dma_wait3A_1913 = arith.constant 0 : i32
        %dma_wait3A_1914 = arith.constant 0 : i32
        %dma_wait3A_1915 = tpu.memref_slice %arg6[%dma_wait3A_1912, %dma_wait3A_1913, %dma_wait3A_1914] : memref<4x400x64xf32, #tpu.memory_space<vmem>> -> memref<1x400x64xf32, #tpu.memory_space<vmem>>
        %dma_wait3A_1916 = tpu.memref_squeeze %dma_wait3A_1915 : memref<1x400x64xf32, #tpu.memory_space<vmem>> -> memref<400x64xf32, #tpu.memory_space<vmem>>
        %dma_wait3A_1917 = arith.constant 300 : i32
        %dma_wait3A_1918 = arith.constant 0 : i32
        %dma_wait3A_1919 = tpu.memref_slice %dma_wait3A_1916[%dma_wait3A_1917, %dma_wait3A_1918] : memref<400x64xf32, #tpu.memory_space<vmem>> -> memref<50x64xf32, #tpu.memory_space<vmem>>
        %dma_wait3A_1920 = arith.constant 0 : i32
        %dma_wait3A_1921 = arith.constant 0 : i32
        %dma_wait3A_1922 = tpu.memref_slice %arg4[%mul3A_4, %dma_wait3A_1920, %dma_wait3A_1921] : memref<16384x50x64xf32, #tpu.memory_space<hbm>> -> memref<1x50x64xf32, #tpu.memory_space<hbm>>
        %dma_wait3A_1923 = tpu.memref_squeeze %dma_wait3A_1922 : memref<1x50x64xf32, #tpu.memory_space<hbm>> -> memref<50x64xf32, #tpu.memory_space<hbm>>
        %dma_wait3A_1924 = arith.constant 0 : i32
        %dma_wait3A_1925 = arith.constant 0 : i32
        %dma_wait3A_1926 = tpu.memref_slice %arg4[%mul3A_4, %dma_wait3A_1924, %dma_wait3A_1925] : memref<16384x50x64xf32, #tpu.memory_space<hbm>> -> memref<1x50x64xf32, #tpu.memory_space<hbm>>
        %dma_wait3A_1927 = tpu.memref_squeeze %dma_wait3A_1926 : memref<1x50x64xf32, #tpu.memory_space<hbm>> -> memref<50x64xf32, #tpu.memory_space<hbm>>
        %dma_wait3A_1928 = arith.constant 0 : i32
        %dma_wait3A_1929 = arith.constant 0 : i32
        %dma_wait3A_1930 = tpu.memref_slice %arg6[%dma_wait3A_1912, %dma_wait3A_1928, %dma_wait3A_1929] : memref<4x400x64xf32, #tpu.memory_space<vmem>> -> memref<1x400x64xf32, #tpu.memory_space<vmem>>
        %dma_wait3A_1931 = tpu.memref_squeeze %dma_wait3A_1930 : memref<1x400x64xf32, #tpu.memory_space<vmem>> -> memref<400x64xf32, #tpu.memory_space<vmem>>
        %dma_wait3A_1932 = arith.constant 300 : i32
        %dma_wait3A_1933 = arith.constant 0 : i32
        %dma_wait3A_1934 = tpu.memref_slice %dma_wait3A_1931[%dma_wait3A_1932, %dma_wait3A_1933] : memref<400x64xf32, #tpu.memory_space<vmem>> -> memref<50x64xf32, #tpu.memory_space<vmem>>
        tpu.wait_dma2 semaphore(%arg13 : memref<!tpu.dma_semaphore, #tpu.memory_space<semaphore_mem>>) src(%dma_wait3A_1934 : memref<50x64xf32, #tpu.memory_space<vmem>>) dst(%dma_wait3A_1927 : memref<50x64xf32, #tpu.memory_space<hbm>>)
        %dma_wait3A_1935 = arith.constant 2 : i32
        %dma_wait3A_1936 = arith.constant 0 : i32
        %dma_wait3A_1937 = arith.constant 0 : i32
        %dma_wait3A_1938 = tpu.memref_slice %arg6[%dma_wait3A_1935, %dma_wait3A_1936, %dma_wait3A_1937] : memref<4x400x64xf32, #tpu.memory_space<vmem>> -> memref<1x400x64xf32, #tpu.memory_space<vmem>>
        %dma_wait3A_1939 = tpu.memref_squeeze %dma_wait3A_1938 : memref<1x400x64xf32, #tpu.memory_space<vmem>> -> memref<400x64xf32, #tpu.memory_space<vmem>>
        %dma_wait3A_1940 = arith.constant 350 : i32
        %dma_wait3A_1941 = arith.constant 0 : i32
        %dma_wait3A_1942 = tpu.memref_slice %dma_wait3A_1939[%dma_wait3A_1940, %dma_wait3A_1941] : memref<400x64xf32, #tpu.memory_space<vmem>> -> memref<50x64xf32, #tpu.memory_space<vmem>>
        %dma_wait3A_1943 = arith.constant 0 : i32
        %dma_wait3A_1944 = arith.constant 0 : i32
        %dma_wait3A_1945 = tpu.memref_slice %arg4[%mul3A_4, %dma_wait3A_1943, %dma_wait3A_1944] : memref<16384x50x64xf32, #tpu.memory_space<hbm>> -> memref<1x50x64xf32, #tpu.memory_space<hbm>>
        %dma_wait3A_1946 = tpu.memref_squeeze %dma_wait3A_1945 : memref<1x50x64xf32, #tpu.memory_space<hbm>> -> memref<50x64xf32, #tpu.memory_space<hbm>>
        %dma_wait3A_1947 = arith.constant 0 : i32
        %dma_wait3A_1948 = arith.constant 0 : i32
        %dma_wait3A_1949 = tpu.memref_slice %arg4[%mul3A_4, %dma_wait3A_1947, %dma_wait3A_1948] : memref<16384x50x64xf32, #tpu.memory_space<hbm>> -> memref<1x50x64xf32, #tpu.memory_space<hbm>>
        %dma_wait3A_1950 = tpu.memref_squeeze %dma_wait3A_1949 : memref<1x50x64xf32, #tpu.memory_space<hbm>> -> memref<50x64xf32, #tpu.memory_space<hbm>>
        %dma_wait3A_1951 = arith.constant 0 : i32
        %dma_wait3A_1952 = arith.constant 0 : i32
        %dma_wait3A_1953 = tpu.memref_slice %arg6[%dma_wait3A_1935, %dma_wait3A_1951, %dma_wait3A_1952] : memref<4x400x64xf32, #tpu.memory_space<vmem>> -> memref<1x400x64xf32, #tpu.memory_space<vmem>>
        %dma_wait3A_1954 = tpu.memref_squeeze %dma_wait3A_1953 : memref<1x400x64xf32, #tpu.memory_space<vmem>> -> memref<400x64xf32, #tpu.memory_space<vmem>>
        %dma_wait3A_1955 = arith.constant 350 : i32
        %dma_wait3A_1956 = arith.constant 0 : i32
        %dma_wait3A_1957 = tpu.memref_slice %dma_wait3A_1954[%dma_wait3A_1955, %dma_wait3A_1956] : memref<400x64xf32, #tpu.memory_space<vmem>> -> memref<50x64xf32, #tpu.memory_space<vmem>>
        tpu.wait_dma2 semaphore(%arg13 : memref<!tpu.dma_semaphore, #tpu.memory_space<semaphore_mem>>) src(%dma_wait3A_1957 : memref<50x64xf32, #tpu.memory_space<vmem>>) dst(%dma_wait3A_1950 : memref<50x64xf32, #tpu.memory_space<hbm>>)
        %mul3A_1958 = arith.constant 400 : i32
        %mul3A_1959 = arith.muli %add3A_1765, %mul3A_1958 : i32
        %dma_start3A_1960 = arith.constant 2 : i32
        %dma_start3A_1961 = arith.constant 0 : i32
        %dma_start3A_1962 = arith.constant 0 : i32
        %dma_start3A_1963 = tpu.memref_slice %arg6[%dma_start3A_1960, %dma_start3A_1961, %dma_start3A_1962] : memref<4x400x64xf32, #tpu.memory_space<vmem>> -> memref<1x400x64xf32, #tpu.memory_space<vmem>>
        %dma_start3A_1964 = tpu.memref_squeeze %dma_start3A_1963 : memref<1x400x64xf32, #tpu.memory_space<vmem>> -> memref<400x64xf32, #tpu.memory_space<vmem>>
        %dma_start3A_1965 = tpu.memref_slice %arg5[%mul3A_1959] : memref<25600xi32, #tpu.memory_space<vmem>> -> memref<400xi32, #tpu.memory_space<vmem>>
        %dma_start3A_1966 = arith.constant 0 : i32
        %dma_start3A_1967 = arith.constant 0 : i32
        %dma_start3A_1968 = tpu.memref_slice %arg3[%dma_start3A_1966, %dma_start3A_1967] : memref<1002x64xf32, #tpu.memory_space<hbm>> -> memref<1002x64xf32, #tpu.memory_space<hbm>>
        tpu.enqueue_indirect_dma source(%dma_start3A_1968 : memref<1002x64xf32, #tpu.memory_space<hbm>>) target(%dma_start3A_1964 : memref<400x64xf32, #tpu.memory_space<vmem>>) offsets(%dma_start3A_1965 : memref<400xi32, #tpu.memory_space<vmem>>) semaphore(%arg9 : memref<!tpu.dma_semaphore, #tpu.memory_space<semaphore_mem>>)
      } else {
      }
    }
    %scan3A_47 = arith.constant 16 : i32
    %dma_wait3A = arith.constant 0 : i32
    %dma_wait3A_48 = arith.constant 0 : i32
    %dma_wait3A_49 = arith.constant 0 : i32
    %dma_wait3A_50 = tpu.memref_slice %arg6[%dma_wait3A, %dma_wait3A_48, %dma_wait3A_49] : memref<4x400x64xf32, #tpu.memory_space<vmem>> -> memref<1x400x64xf32, #tpu.memory_space<vmem>>
    %dma_wait3A_51 = tpu.memref_squeeze %dma_wait3A_50 : memref<1x400x64xf32, #tpu.memory_space<vmem>> -> memref<400x64xf32, #tpu.memory_space<vmem>>
    %dma_wait3A_52 = arith.constant 0 : i32
    %dma_wait3A_53 = arith.constant 0 : i32
    %dma_wait3A_54 = tpu.memref_slice %dma_wait3A_51[%dma_wait3A_52, %dma_wait3A_53] : memref<400x64xf32, #tpu.memory_space<vmem>> -> memref<50x64xf32, #tpu.memory_space<vmem>>
    %dma_wait3A_55 = arith.constant 0 : i32
    %dma_wait3A_56 = arith.constant 0 : i32
    %dma_wait3A_57 = tpu.memref_slice %arg4[%mul3A_4, %dma_wait3A_55, %dma_wait3A_56] : memref<16384x50x64xf32, #tpu.memory_space<hbm>> -> memref<1x50x64xf32, #tpu.memory_space<hbm>>
    %dma_wait3A_58 = tpu.memref_squeeze %dma_wait3A_57 : memref<1x50x64xf32, #tpu.memory_space<hbm>> -> memref<50x64xf32, #tpu.memory_space<hbm>>
    %dma_wait3A_59 = arith.constant 0 : i32
    %dma_wait3A_60 = arith.constant 0 : i32
    %dma_wait3A_61 = tpu.memref_slice %arg4[%mul3A_4, %dma_wait3A_59, %dma_wait3A_60] : memref<16384x50x64xf32, #tpu.memory_space<hbm>> -> memref<1x50x64xf32, #tpu.memory_space<hbm>>
    %dma_wait3A_62 = tpu.memref_squeeze %dma_wait3A_61 : memref<1x50x64xf32, #tpu.memory_space<hbm>> -> memref<50x64xf32, #tpu.memory_space<hbm>>
    %dma_wait3A_63 = arith.constant 0 : i32
    %dma_wait3A_64 = arith.constant 0 : i32
    %dma_wait3A_65 = tpu.memref_slice %arg6[%dma_wait3A, %dma_wait3A_63, %dma_wait3A_64] : memref<4x400x64xf32, #tpu.memory_space<vmem>> -> memref<1x400x64xf32, #tpu.memory_space<vmem>>
    %dma_wait3A_66 = tpu.memref_squeeze %dma_wait3A_65 : memref<1x400x64xf32, #tpu.memory_space<vmem>> -> memref<400x64xf32, #tpu.memory_space<vmem>>
    %dma_wait3A_67 = arith.constant 0 : i32
    %dma_wait3A_68 = arith.constant 0 : i32
    %dma_wait3A_69 = tpu.memref_slice %dma_wait3A_66[%dma_wait3A_67, %dma_wait3A_68] : memref<400x64xf32, #tpu.memory_space<vmem>> -> memref<50x64xf32, #tpu.memory_space<vmem>>
    tpu.wait_dma2 semaphore(%arg11 : memref<!tpu.dma_semaphore, #tpu.memory_space<semaphore_mem>>) src(%dma_wait3A_69 : memref<50x64xf32, #tpu.memory_space<vmem>>) dst(%dma_wait3A_62 : memref<50x64xf32, #tpu.memory_space<hbm>>)
    %dma_wait3A_70 = arith.constant 0 : i32
    %dma_wait3A_71 = arith.constant 0 : i32
    %dma_wait3A_72 = arith.constant 0 : i32
    %dma_wait3A_73 = tpu.memref_slice %arg6[%dma_wait3A_70, %dma_wait3A_71, %dma_wait3A_72] : memref<4x400x64xf32, #tpu.memory_space<vmem>> -> memref<1x400x64xf32, #tpu.memory_space<vmem>>
    %dma_wait3A_74 = tpu.memref_squeeze %dma_wait3A_73 : memref<1x400x64xf32, #tpu.memory_space<vmem>> -> memref<400x64xf32, #tpu.memory_space<vmem>>
    %dma_wait3A_75 = arith.constant 50 : i32
    %dma_wait3A_76 = arith.constant 0 : i32
    %dma_wait3A_77 = tpu.memref_slice %dma_wait3A_74[%dma_wait3A_75, %dma_wait3A_76] : memref<400x64xf32, #tpu.memory_space<vmem>> -> memref<50x64xf32, #tpu.memory_space<vmem>>
    %dma_wait3A_78 = arith.constant 0 : i32
    %dma_wait3A_79 = arith.constant 0 : i32
    %dma_wait3A_80 = tpu.memref_slice %arg4[%mul3A_4, %dma_wait3A_78, %dma_wait3A_79] : memref<16384x50x64xf32, #tpu.memory_space<hbm>> -> memref<1x50x64xf32, #tpu.memory_space<hbm>>
    %dma_wait3A_81 = tpu.memref_squeeze %dma_wait3A_80 : memref<1x50x64xf32, #tpu.memory_space<hbm>> -> memref<50x64xf32, #tpu.memory_space<hbm>>
    %dma_wait3A_82 = arith.constant 0 : i32
    %dma_wait3A_83 = arith.constant 0 : i32
    %dma_wait3A_84 = tpu.memref_slice %arg4[%mul3A_4, %dma_wait3A_82, %dma_wait3A_83] : memref<16384x50x64xf32, #tpu.memory_space<hbm>> -> memref<1x50x64xf32, #tpu.memory_space<hbm>>
    %dma_wait3A_85 = tpu.memref_squeeze %dma_wait3A_84 : memref<1x50x64xf32, #tpu.memory_space<hbm>> -> memref<50x64xf32, #tpu.memory_space<hbm>>
    %dma_wait3A_86 = arith.constant 0 : i32
    %dma_wait3A_87 = arith.constant 0 : i32
    %dma_wait3A_88 = tpu.memref_slice %arg6[%dma_wait3A_70, %dma_wait3A_86, %dma_wait3A_87] : memref<4x400x64xf32, #tpu.memory_space<vmem>> -> memref<1x400x64xf32, #tpu.memory_space<vmem>>
    %dma_wait3A_89 = tpu.memref_squeeze %dma_wait3A_88 : memref<1x400x64xf32, #tpu.memory_space<vmem>> -> memref<400x64xf32, #tpu.memory_space<vmem>>
    %dma_wait3A_90 = arith.constant 50 : i32
    %dma_wait3A_91 = arith.constant 0 : i32
    %dma_wait3A_92 = tpu.memref_slice %dma_wait3A_89[%dma_wait3A_90, %dma_wait3A_91] : memref<400x64xf32, #tpu.memory_space<vmem>> -> memref<50x64xf32, #tpu.memory_space<vmem>>
    tpu.wait_dma2 semaphore(%arg11 : memref<!tpu.dma_semaphore, #tpu.memory_space<semaphore_mem>>) src(%dma_wait3A_92 : memref<50x64xf32, #tpu.memory_space<vmem>>) dst(%dma_wait3A_85 : memref<50x64xf32, #tpu.memory_space<hbm>>)
    %dma_wait3A_93 = arith.constant 0 : i32
    %dma_wait3A_94 = arith.constant 0 : i32
    %dma_wait3A_95 = arith.constant 0 : i32
    %dma_wait3A_96 = tpu.memref_slice %arg6[%dma_wait3A_93, %dma_wait3A_94, %dma_wait3A_95] : memref<4x400x64xf32, #tpu.memory_space<vmem>> -> memref<1x400x64xf32, #tpu.memory_space<vmem>>
    %dma_wait3A_97 = tpu.memref_squeeze %dma_wait3A_96 : memref<1x400x64xf32, #tpu.memory_space<vmem>> -> memref<400x64xf32, #tpu.memory_space<vmem>>
    %dma_wait3A_98 = arith.constant 100 : i32
    %dma_wait3A_99 = arith.constant 0 : i32
    %dma_wait3A_100 = tpu.memref_slice %dma_wait3A_97[%dma_wait3A_98, %dma_wait3A_99] : memref<400x64xf32, #tpu.memory_space<vmem>> -> memref<50x64xf32, #tpu.memory_space<vmem>>
    %dma_wait3A_101 = arith.constant 0 : i32
    %dma_wait3A_102 = arith.constant 0 : i32
    %dma_wait3A_103 = tpu.memref_slice %arg4[%mul3A_4, %dma_wait3A_101, %dma_wait3A_102] : memref<16384x50x64xf32, #tpu.memory_space<hbm>> -> memref<1x50x64xf32, #tpu.memory_space<hbm>>
    %dma_wait3A_104 = tpu.memref_squeeze %dma_wait3A_103 : memref<1x50x64xf32, #tpu.memory_space<hbm>> -> memref<50x64xf32, #tpu.memory_space<hbm>>
    %dma_wait3A_105 = arith.constant 0 : i32
    %dma_wait3A_106 = arith.constant 0 : i32
    %dma_wait3A_107 = tpu.memref_slice %arg4[%mul3A_4, %dma_wait3A_105, %dma_wait3A_106] : memref<16384x50x64xf32, #tpu.memory_space<hbm>> -> memref<1x50x64xf32, #tpu.memory_space<hbm>>
    %dma_wait3A_108 = tpu.memref_squeeze %dma_wait3A_107 : memref<1x50x64xf32, #tpu.memory_space<hbm>> -> memref<50x64xf32, #tpu.memory_space<hbm>>
    %dma_wait3A_109 = arith.constant 0 : i32
    %dma_wait3A_110 = arith.constant 0 : i32
    %dma_wait3A_111 = tpu.memref_slice %arg6[%dma_wait3A_93, %dma_wait3A_109, %dma_wait3A_110] : memref<4x400x64xf32, #tpu.memory_space<vmem>> -> memref<1x400x64xf32, #tpu.memory_space<vmem>>
    %dma_wait3A_112 = tpu.memref_squeeze %dma_wait3A_111 : memref<1x400x64xf32, #tpu.memory_space<vmem>> -> memref<400x64xf32, #tpu.memory_space<vmem>>
    %dma_wait3A_113 = arith.constant 100 : i32
    %dma_wait3A_114 = arith.constant 0 : i32
    %dma_wait3A_115 = tpu.memref_slice %dma_wait3A_112[%dma_wait3A_113, %dma_wait3A_114] : memref<400x64xf32, #tpu.memory_space<vmem>> -> memref<50x64xf32, #tpu.memory_space<vmem>>
    tpu.wait_dma2 semaphore(%arg11 : memref<!tpu.dma_semaphore, #tpu.memory_space<semaphore_mem>>) src(%dma_wait3A_115 : memref<50x64xf32, #tpu.memory_space<vmem>>) dst(%dma_wait3A_108 : memref<50x64xf32, #tpu.memory_space<hbm>>)
    %dma_wait3A_116 = arith.constant 0 : i32
    %dma_wait3A_117 = arith.constant 0 : i32
    %dma_wait3A_118 = arith.constant 0 : i32
    %dma_wait3A_119 = tpu.memref_slice %arg6[%dma_wait3A_116, %dma_wait3A_117, %dma_wait3A_118] : memref<4x400x64xf32, #tpu.memory_space<vmem>> -> memref<1x400x64xf32, #tpu.memory_space<vmem>>
    %dma_wait3A_120 = tpu.memref_squeeze %dma_wait3A_119 : memref<1x400x64xf32, #tpu.memory_space<vmem>> -> memref<400x64xf32, #tpu.memory_space<vmem>>
    %dma_wait3A_121 = arith.constant 150 : i32
    %dma_wait3A_122 = arith.constant 0 : i32
    %dma_wait3A_123 = tpu.memref_slice %dma_wait3A_120[%dma_wait3A_121, %dma_wait3A_122] : memref<400x64xf32, #tpu.memory_space<vmem>> -> memref<50x64xf32, #tpu.memory_space<vmem>>
    %dma_wait3A_124 = arith.constant 0 : i32
    %dma_wait3A_125 = arith.constant 0 : i32
    %dma_wait3A_126 = tpu.memref_slice %arg4[%mul3A_4, %dma_wait3A_124, %dma_wait3A_125] : memref<16384x50x64xf32, #tpu.memory_space<hbm>> -> memref<1x50x64xf32, #tpu.memory_space<hbm>>
    %dma_wait3A_127 = tpu.memref_squeeze %dma_wait3A_126 : memref<1x50x64xf32, #tpu.memory_space<hbm>> -> memref<50x64xf32, #tpu.memory_space<hbm>>
    %dma_wait3A_128 = arith.constant 0 : i32
    %dma_wait3A_129 = arith.constant 0 : i32
    %dma_wait3A_130 = tpu.memref_slice %arg4[%mul3A_4, %dma_wait3A_128, %dma_wait3A_129] : memref<16384x50x64xf32, #tpu.memory_space<hbm>> -> memref<1x50x64xf32, #tpu.memory_space<hbm>>
    %dma_wait3A_131 = tpu.memref_squeeze %dma_wait3A_130 : memref<1x50x64xf32, #tpu.memory_space<hbm>> -> memref<50x64xf32, #tpu.memory_space<hbm>>
    %dma_wait3A_132 = arith.constant 0 : i32
    %dma_wait3A_133 = arith.constant 0 : i32
    %dma_wait3A_134 = tpu.memref_slice %arg6[%dma_wait3A_116, %dma_wait3A_132, %dma_wait3A_133] : memref<4x400x64xf32, #tpu.memory_space<vmem>> -> memref<1x400x64xf32, #tpu.memory_space<vmem>>
    %dma_wait3A_135 = tpu.memref_squeeze %dma_wait3A_134 : memref<1x400x64xf32, #tpu.memory_space<vmem>> -> memref<400x64xf32, #tpu.memory_space<vmem>>
    %dma_wait3A_136 = arith.constant 150 : i32
    %dma_wait3A_137 = arith.constant 0 : i32
    %dma_wait3A_138 = tpu.memref_slice %dma_wait3A_135[%dma_wait3A_136, %dma_wait3A_137] : memref<400x64xf32, #tpu.memory_space<vmem>> -> memref<50x64xf32, #tpu.memory_space<vmem>>
    tpu.wait_dma2 semaphore(%arg11 : memref<!tpu.dma_semaphore, #tpu.memory_space<semaphore_mem>>) src(%dma_wait3A_138 : memref<50x64xf32, #tpu.memory_space<vmem>>) dst(%dma_wait3A_131 : memref<50x64xf32, #tpu.memory_space<hbm>>)
    %dma_wait3A_139 = arith.constant 0 : i32
    %dma_wait3A_140 = arith.constant 0 : i32
    %dma_wait3A_141 = arith.constant 0 : i32
    %dma_wait3A_142 = tpu.memref_slice %arg6[%dma_wait3A_139, %dma_wait3A_140, %dma_wait3A_141] : memref<4x400x64xf32, #tpu.memory_space<vmem>> -> memref<1x400x64xf32, #tpu.memory_space<vmem>>
    %dma_wait3A_143 = tpu.memref_squeeze %dma_wait3A_142 : memref<1x400x64xf32, #tpu.memory_space<vmem>> -> memref<400x64xf32, #tpu.memory_space<vmem>>
    %dma_wait3A_144 = arith.constant 200 : i32
    %dma_wait3A_145 = arith.constant 0 : i32
    %dma_wait3A_146 = tpu.memref_slice %dma_wait3A_143[%dma_wait3A_144, %dma_wait3A_145] : memref<400x64xf32, #tpu.memory_space<vmem>> -> memref<50x64xf32, #tpu.memory_space<vmem>>
    %dma_wait3A_147 = arith.constant 0 : i32
    %dma_wait3A_148 = arith.constant 0 : i32
    %dma_wait3A_149 = tpu.memref_slice %arg4[%mul3A_4, %dma_wait3A_147, %dma_wait3A_148] : memref<16384x50x64xf32, #tpu.memory_space<hbm>> -> memref<1x50x64xf32, #tpu.memory_space<hbm>>
    %dma_wait3A_150 = tpu.memref_squeeze %dma_wait3A_149 : memref<1x50x64xf32, #tpu.memory_space<hbm>> -> memref<50x64xf32, #tpu.memory_space<hbm>>
    %dma_wait3A_151 = arith.constant 0 : i32
    %dma_wait3A_152 = arith.constant 0 : i32
    %dma_wait3A_153 = tpu.memref_slice %arg4[%mul3A_4, %dma_wait3A_151, %dma_wait3A_152] : memref<16384x50x64xf32, #tpu.memory_space<hbm>> -> memref<1x50x64xf32, #tpu.memory_space<hbm>>
    %dma_wait3A_154 = tpu.memref_squeeze %dma_wait3A_153 : memref<1x50x64xf32, #tpu.memory_space<hbm>> -> memref<50x64xf32, #tpu.memory_space<hbm>>
    %dma_wait3A_155 = arith.constant 0 : i32
    %dma_wait3A_156 = arith.constant 0 : i32
    %dma_wait3A_157 = tpu.memref_slice %arg6[%dma_wait3A_139, %dma_wait3A_155, %dma_wait3A_156] : memref<4x400x64xf32, #tpu.memory_space<vmem>> -> memref<1x400x64xf32, #tpu.memory_space<vmem>>
    %dma_wait3A_158 = tpu.memref_squeeze %dma_wait3A_157 : memref<1x400x64xf32, #tpu.memory_space<vmem>> -> memref<400x64xf32, #tpu.memory_space<vmem>>
    %dma_wait3A_159 = arith.constant 200 : i32
    %dma_wait3A_160 = arith.constant 0 : i32
    %dma_wait3A_161 = tpu.memref_slice %dma_wait3A_158[%dma_wait3A_159, %dma_wait3A_160] : memref<400x64xf32, #tpu.memory_space<vmem>> -> memref<50x64xf32, #tpu.memory_space<vmem>>
    tpu.wait_dma2 semaphore(%arg11 : memref<!tpu.dma_semaphore, #tpu.memory_space<semaphore_mem>>) src(%dma_wait3A_161 : memref<50x64xf32, #tpu.memory_space<vmem>>) dst(%dma_wait3A_154 : memref<50x64xf32, #tpu.memory_space<hbm>>)
    %dma_wait3A_162 = arith.constant 0 : i32
    %dma_wait3A_163 = arith.constant 0 : i32
    %dma_wait3A_164 = arith.constant 0 : i32
    %dma_wait3A_165 = tpu.memref_slice %arg6[%dma_wait3A_162, %dma_wait3A_163, %dma_wait3A_164] : memref<4x400x64xf32, #tpu.memory_space<vmem>> -> memref<1x400x64xf32, #tpu.memory_space<vmem>>
    %dma_wait3A_166 = tpu.memref_squeeze %dma_wait3A_165 : memref<1x400x64xf32, #tpu.memory_space<vmem>> -> memref<400x64xf32, #tpu.memory_space<vmem>>
    %dma_wait3A_167 = arith.constant 250 : i32
    %dma_wait3A_168 = arith.constant 0 : i32
    %dma_wait3A_169 = tpu.memref_slice %dma_wait3A_166[%dma_wait3A_167, %dma_wait3A_168] : memref<400x64xf32, #tpu.memory_space<vmem>> -> memref<50x64xf32, #tpu.memory_space<vmem>>
    %dma_wait3A_170 = arith.constant 0 : i32
    %dma_wait3A_171 = arith.constant 0 : i32
    %dma_wait3A_172 = tpu.memref_slice %arg4[%mul3A_4, %dma_wait3A_170, %dma_wait3A_171] : memref<16384x50x64xf32, #tpu.memory_space<hbm>> -> memref<1x50x64xf32, #tpu.memory_space<hbm>>
    %dma_wait3A_173 = tpu.memref_squeeze %dma_wait3A_172 : memref<1x50x64xf32, #tpu.memory_space<hbm>> -> memref<50x64xf32, #tpu.memory_space<hbm>>
    %dma_wait3A_174 = arith.constant 0 : i32
    %dma_wait3A_175 = arith.constant 0 : i32
    %dma_wait3A_176 = tpu.memref_slice %arg4[%mul3A_4, %dma_wait3A_174, %dma_wait3A_175] : memref<16384x50x64xf32, #tpu.memory_space<hbm>> -> memref<1x50x64xf32, #tpu.memory_space<hbm>>
    %dma_wait3A_177 = tpu.memref_squeeze %dma_wait3A_176 : memref<1x50x64xf32, #tpu.memory_space<hbm>> -> memref<50x64xf32, #tpu.memory_space<hbm>>
    %dma_wait3A_178 = arith.constant 0 : i32
    %dma_wait3A_179 = arith.constant 0 : i32
    %dma_wait3A_180 = tpu.memref_slice %arg6[%dma_wait3A_162, %dma_wait3A_178, %dma_wait3A_179] : memref<4x400x64xf32, #tpu.memory_space<vmem>> -> memref<1x400x64xf32, #tpu.memory_space<vmem>>
    %dma_wait3A_181 = tpu.memref_squeeze %dma_wait3A_180 : memref<1x400x64xf32, #tpu.memory_space<vmem>> -> memref<400x64xf32, #tpu.memory_space<vmem>>
    %dma_wait3A_182 = arith.constant 250 : i32
    %dma_wait3A_183 = arith.constant 0 : i32
    %dma_wait3A_184 = tpu.memref_slice %dma_wait3A_181[%dma_wait3A_182, %dma_wait3A_183] : memref<400x64xf32, #tpu.memory_space<vmem>> -> memref<50x64xf32, #tpu.memory_space<vmem>>
    tpu.wait_dma2 semaphore(%arg11 : memref<!tpu.dma_semaphore, #tpu.memory_space<semaphore_mem>>) src(%dma_wait3A_184 : memref<50x64xf32, #tpu.memory_space<vmem>>) dst(%dma_wait3A_177 : memref<50x64xf32, #tpu.memory_space<hbm>>)
    %dma_wait3A_185 = arith.constant 0 : i32
    %dma_wait3A_186 = arith.constant 0 : i32
    %dma_wait3A_187 = arith.constant 0 : i32
    %dma_wait3A_188 = tpu.memref_slice %arg6[%dma_wait3A_185, %dma_wait3A_186, %dma_wait3A_187] : memref<4x400x64xf32, #tpu.memory_space<vmem>> -> memref<1x400x64xf32, #tpu.memory_space<vmem>>
    %dma_wait3A_189 = tpu.memref_squeeze %dma_wait3A_188 : memref<1x400x64xf32, #tpu.memory_space<vmem>> -> memref<400x64xf32, #tpu.memory_space<vmem>>
    %dma_wait3A_190 = arith.constant 300 : i32
    %dma_wait3A_191 = arith.constant 0 : i32
    %dma_wait3A_192 = tpu.memref_slice %dma_wait3A_189[%dma_wait3A_190, %dma_wait3A_191] : memref<400x64xf32, #tpu.memory_space<vmem>> -> memref<50x64xf32, #tpu.memory_space<vmem>>
    %dma_wait3A_193 = arith.constant 0 : i32
    %dma_wait3A_194 = arith.constant 0 : i32
    %dma_wait3A_195 = tpu.memref_slice %arg4[%mul3A_4, %dma_wait3A_193, %dma_wait3A_194] : memref<16384x50x64xf32, #tpu.memory_space<hbm>> -> memref<1x50x64xf32, #tpu.memory_space<hbm>>
    %dma_wait3A_196 = tpu.memref_squeeze %dma_wait3A_195 : memref<1x50x64xf32, #tpu.memory_space<hbm>> -> memref<50x64xf32, #tpu.memory_space<hbm>>
    %dma_wait3A_197 = arith.constant 0 : i32
    %dma_wait3A_198 = arith.constant 0 : i32
    %dma_wait3A_199 = tpu.memref_slice %arg4[%mul3A_4, %dma_wait3A_197, %dma_wait3A_198] : memref<16384x50x64xf32, #tpu.memory_space<hbm>> -> memref<1x50x64xf32, #tpu.memory_space<hbm>>
    %dma_wait3A_200 = tpu.memref_squeeze %dma_wait3A_199 : memref<1x50x64xf32, #tpu.memory_space<hbm>> -> memref<50x64xf32, #tpu.memory_space<hbm>>
    %dma_wait3A_201 = arith.constant 0 : i32
    %dma_wait3A_202 = arith.constant 0 : i32
    %dma_wait3A_203 = tpu.memref_slice %arg6[%dma_wait3A_185, %dma_wait3A_201, %dma_wait3A_202] : memref<4x400x64xf32, #tpu.memory_space<vmem>> -> memref<1x400x64xf32, #tpu.memory_space<vmem>>
    %dma_wait3A_204 = tpu.memref_squeeze %dma_wait3A_203 : memref<1x400x64xf32, #tpu.memory_space<vmem>> -> memref<400x64xf32, #tpu.memory_space<vmem>>
    %dma_wait3A_205 = arith.constant 300 : i32
    %dma_wait3A_206 = arith.constant 0 : i32
    %dma_wait3A_207 = tpu.memref_slice %dma_wait3A_204[%dma_wait3A_205, %dma_wait3A_206] : memref<400x64xf32, #tpu.memory_space<vmem>> -> memref<50x64xf32, #tpu.memory_space<vmem>>
    tpu.wait_dma2 semaphore(%arg11 : memref<!tpu.dma_semaphore, #tpu.memory_space<semaphore_mem>>) src(%dma_wait3A_207 : memref<50x64xf32, #tpu.memory_space<vmem>>) dst(%dma_wait3A_200 : memref<50x64xf32, #tpu.memory_space<hbm>>)
    %dma_wait3A_208 = arith.constant 0 : i32
    %dma_wait3A_209 = arith.constant 0 : i32
    %dma_wait3A_210 = arith.constant 0 : i32
    %dma_wait3A_211 = tpu.memref_slice %arg6[%dma_wait3A_208, %dma_wait3A_209, %dma_wait3A_210] : memref<4x400x64xf32, #tpu.memory_space<vmem>> -> memref<1x400x64xf32, #tpu.memory_space<vmem>>
    %dma_wait3A_212 = tpu.memref_squeeze %dma_wait3A_211 : memref<1x400x64xf32, #tpu.memory_space<vmem>> -> memref<400x64xf32, #tpu.memory_space<vmem>>
    %dma_wait3A_213 = arith.constant 350 : i32
    %dma_wait3A_214 = arith.constant 0 : i32
    %dma_wait3A_215 = tpu.memref_slice %dma_wait3A_212[%dma_wait3A_213, %dma_wait3A_214] : memref<400x64xf32, #tpu.memory_space<vmem>> -> memref<50x64xf32, #tpu.memory_space<vmem>>
    %dma_wait3A_216 = arith.constant 0 : i32
    %dma_wait3A_217 = arith.constant 0 : i32
    %dma_wait3A_218 = tpu.memref_slice %arg4[%mul3A_4, %dma_wait3A_216, %dma_wait3A_217] : memref<16384x50x64xf32, #tpu.memory_space<hbm>> -> memref<1x50x64xf32, #tpu.memory_space<hbm>>
    %dma_wait3A_219 = tpu.memref_squeeze %dma_wait3A_218 : memref<1x50x64xf32, #tpu.memory_space<hbm>> -> memref<50x64xf32, #tpu.memory_space<hbm>>
    %dma_wait3A_220 = arith.constant 0 : i32
    %dma_wait3A_221 = arith.constant 0 : i32
    %dma_wait3A_222 = tpu.memref_slice %arg4[%mul3A_4, %dma_wait3A_220, %dma_wait3A_221] : memref<16384x50x64xf32, #tpu.memory_space<hbm>> -> memref<1x50x64xf32, #tpu.memory_space<hbm>>
    %dma_wait3A_223 = tpu.memref_squeeze %dma_wait3A_222 : memref<1x50x64xf32, #tpu.memory_space<hbm>> -> memref<50x64xf32, #tpu.memory_space<hbm>>
    %dma_wait3A_224 = arith.constant 0 : i32
    %dma_wait3A_225 = arith.constant 0 : i32
    %dma_wait3A_226 = tpu.memref_slice %arg6[%dma_wait3A_208, %dma_wait3A_224, %dma_wait3A_225] : memref<4x400x64xf32, #tpu.memory_space<vmem>> -> memref<1x400x64xf32, #tpu.memory_space<vmem>>
    %dma_wait3A_227 = tpu.memref_squeeze %dma_wait3A_226 : memref<1x400x64xf32, #tpu.memory_space<vmem>> -> memref<400x64xf32, #tpu.memory_space<vmem>>
    %dma_wait3A_228 = arith.constant 350 : i32
    %dma_wait3A_229 = arith.constant 0 : i32
    %dma_wait3A_230 = tpu.memref_slice %dma_wait3A_227[%dma_wait3A_228, %dma_wait3A_229] : memref<400x64xf32, #tpu.memory_space<vmem>> -> memref<50x64xf32, #tpu.memory_space<vmem>>
    tpu.wait_dma2 semaphore(%arg11 : memref<!tpu.dma_semaphore, #tpu.memory_space<semaphore_mem>>) src(%dma_wait3A_230 : memref<50x64xf32, #tpu.memory_space<vmem>>) dst(%dma_wait3A_223 : memref<50x64xf32, #tpu.memory_space<hbm>>)
    %dma_wait3A_231 = arith.constant 1 : i32
    %dma_wait3A_232 = arith.constant 0 : i32
    %dma_wait3A_233 = arith.constant 0 : i32
    %dma_wait3A_234 = tpu.memref_slice %arg6[%dma_wait3A_231, %dma_wait3A_232, %dma_wait3A_233] : memref<4x400x64xf32, #tpu.memory_space<vmem>> -> memref<1x400x64xf32, #tpu.memory_space<vmem>>
    %dma_wait3A_235 = tpu.memref_squeeze %dma_wait3A_234 : memref<1x400x64xf32, #tpu.memory_space<vmem>> -> memref<400x64xf32, #tpu.memory_space<vmem>>
    %dma_wait3A_236 = arith.constant 0 : i32
    %dma_wait3A_237 = arith.constant 0 : i32
    %dma_wait3A_238 = tpu.memref_slice %dma_wait3A_235[%dma_wait3A_236, %dma_wait3A_237] : memref<400x64xf32, #tpu.memory_space<vmem>> -> memref<50x64xf32, #tpu.memory_space<vmem>>
    %dma_wait3A_239 = arith.constant 0 : i32
    %dma_wait3A_240 = arith.constant 0 : i32
    %dma_wait3A_241 = tpu.memref_slice %arg4[%mul3A_4, %dma_wait3A_239, %dma_wait3A_240] : memref<16384x50x64xf32, #tpu.memory_space<hbm>> -> memref<1x50x64xf32, #tpu.memory_space<hbm>>
    %dma_wait3A_242 = tpu.memref_squeeze %dma_wait3A_241 : memref<1x50x64xf32, #tpu.memory_space<hbm>> -> memref<50x64xf32, #tpu.memory_space<hbm>>
    %dma_wait3A_243 = arith.constant 0 : i32
    %dma_wait3A_244 = arith.constant 0 : i32
    %dma_wait3A_245 = tpu.memref_slice %arg4[%mul3A_4, %dma_wait3A_243, %dma_wait3A_244] : memref<16384x50x64xf32, #tpu.memory_space<hbm>> -> memref<1x50x64xf32, #tpu.memory_space<hbm>>
    %dma_wait3A_246 = tpu.memref_squeeze %dma_wait3A_245 : memref<1x50x64xf32, #tpu.memory_space<hbm>> -> memref<50x64xf32, #tpu.memory_space<hbm>>
    %dma_wait3A_247 = arith.constant 0 : i32
    %dma_wait3A_248 = arith.constant 0 : i32
    %dma_wait3A_249 = tpu.memref_slice %arg6[%dma_wait3A_231, %dma_wait3A_247, %dma_wait3A_248] : memref<4x400x64xf32, #tpu.memory_space<vmem>> -> memref<1x400x64xf32, #tpu.memory_space<vmem>>
    %dma_wait3A_250 = tpu.memref_squeeze %dma_wait3A_249 : memref<1x400x64xf32, #tpu.memory_space<vmem>> -> memref<400x64xf32, #tpu.memory_space<vmem>>
    %dma_wait3A_251 = arith.constant 0 : i32
    %dma_wait3A_252 = arith.constant 0 : i32
    %dma_wait3A_253 = tpu.memref_slice %dma_wait3A_250[%dma_wait3A_251, %dma_wait3A_252] : memref<400x64xf32, #tpu.memory_space<vmem>> -> memref<50x64xf32, #tpu.memory_space<vmem>>
    tpu.wait_dma2 semaphore(%arg12 : memref<!tpu.dma_semaphore, #tpu.memory_space<semaphore_mem>>) src(%dma_wait3A_253 : memref<50x64xf32, #tpu.memory_space<vmem>>) dst(%dma_wait3A_246 : memref<50x64xf32, #tpu.memory_space<hbm>>)
    %dma_wait3A_254 = arith.constant 1 : i32
    %dma_wait3A_255 = arith.constant 0 : i32
    %dma_wait3A_256 = arith.constant 0 : i32
    %dma_wait3A_257 = tpu.memref_slice %arg6[%dma_wait3A_254, %dma_wait3A_255, %dma_wait3A_256] : memref<4x400x64xf32, #tpu.memory_space<vmem>> -> memref<1x400x64xf32, #tpu.memory_space<vmem>>
    %dma_wait3A_258 = tpu.memref_squeeze %dma_wait3A_257 : memref<1x400x64xf32, #tpu.memory_space<vmem>> -> memref<400x64xf32, #tpu.memory_space<vmem>>
    %dma_wait3A_259 = arith.constant 50 : i32
    %dma_wait3A_260 = arith.constant 0 : i32
    %dma_wait3A_261 = tpu.memref_slice %dma_wait3A_258[%dma_wait3A_259, %dma_wait3A_260] : memref<400x64xf32, #tpu.memory_space<vmem>> -> memref<50x64xf32, #tpu.memory_space<vmem>>
    %dma_wait3A_262 = arith.constant 0 : i32
    %dma_wait3A_263 = arith.constant 0 : i32
    %dma_wait3A_264 = tpu.memref_slice %arg4[%mul3A_4, %dma_wait3A_262, %dma_wait3A_263] : memref<16384x50x64xf32, #tpu.memory_space<hbm>> -> memref<1x50x64xf32, #tpu.memory_space<hbm>>
    %dma_wait3A_265 = tpu.memref_squeeze %dma_wait3A_264 : memref<1x50x64xf32, #tpu.memory_space<hbm>> -> memref<50x64xf32, #tpu.memory_space<hbm>>
    %dma_wait3A_266 = arith.constant 0 : i32
    %dma_wait3A_267 = arith.constant 0 : i32
    %dma_wait3A_268 = tpu.memref_slice %arg4[%mul3A_4, %dma_wait3A_266, %dma_wait3A_267] : memref<16384x50x64xf32, #tpu.memory_space<hbm>> -> memref<1x50x64xf32, #tpu.memory_space<hbm>>
    %dma_wait3A_269 = tpu.memref_squeeze %dma_wait3A_268 : memref<1x50x64xf32, #tpu.memory_space<hbm>> -> memref<50x64xf32, #tpu.memory_space<hbm>>
    %dma_wait3A_270 = arith.constant 0 : i32
    %dma_wait3A_271 = arith.constant 0 : i32
    %dma_wait3A_272 = tpu.memref_slice %arg6[%dma_wait3A_254, %dma_wait3A_270, %dma_wait3A_271] : memref<4x400x64xf32, #tpu.memory_space<vmem>> -> memref<1x400x64xf32, #tpu.memory_space<vmem>>
    %dma_wait3A_273 = tpu.memref_squeeze %dma_wait3A_272 : memref<1x400x64xf32, #tpu.memory_space<vmem>> -> memref<400x64xf32, #tpu.memory_space<vmem>>
    %dma_wait3A_274 = arith.constant 50 : i32
    %dma_wait3A_275 = arith.constant 0 : i32
    %dma_wait3A_276 = tpu.memref_slice %dma_wait3A_273[%dma_wait3A_274, %dma_wait3A_275] : memref<400x64xf32, #tpu.memory_space<vmem>> -> memref<50x64xf32, #tpu.memory_space<vmem>>
    tpu.wait_dma2 semaphore(%arg12 : memref<!tpu.dma_semaphore, #tpu.memory_space<semaphore_mem>>) src(%dma_wait3A_276 : memref<50x64xf32, #tpu.memory_space<vmem>>) dst(%dma_wait3A_269 : memref<50x64xf32, #tpu.memory_space<hbm>>)
    %dma_wait3A_277 = arith.constant 1 : i32
    %dma_wait3A_278 = arith.constant 0 : i32
    %dma_wait3A_279 = arith.constant 0 : i32
    %dma_wait3A_280 = tpu.memref_slice %arg6[%dma_wait3A_277, %dma_wait3A_278, %dma_wait3A_279] : memref<4x400x64xf32, #tpu.memory_space<vmem>> -> memref<1x400x64xf32, #tpu.memory_space<vmem>>
    %dma_wait3A_281 = tpu.memref_squeeze %dma_wait3A_280 : memref<1x400x64xf32, #tpu.memory_space<vmem>> -> memref<400x64xf32, #tpu.memory_space<vmem>>
    %dma_wait3A_282 = arith.constant 100 : i32
    %dma_wait3A_283 = arith.constant 0 : i32
    %dma_wait3A_284 = tpu.memref_slice %dma_wait3A_281[%dma_wait3A_282, %dma_wait3A_283] : memref<400x64xf32, #tpu.memory_space<vmem>> -> memref<50x64xf32, #tpu.memory_space<vmem>>
    %dma_wait3A_285 = arith.constant 0 : i32
    %dma_wait3A_286 = arith.constant 0 : i32
    %dma_wait3A_287 = tpu.memref_slice %arg4[%mul3A_4, %dma_wait3A_285, %dma_wait3A_286] : memref<16384x50x64xf32, #tpu.memory_space<hbm>> -> memref<1x50x64xf32, #tpu.memory_space<hbm>>
    %dma_wait3A_288 = tpu.memref_squeeze %dma_wait3A_287 : memref<1x50x64xf32, #tpu.memory_space<hbm>> -> memref<50x64xf32, #tpu.memory_space<hbm>>
    %dma_wait3A_289 = arith.constant 0 : i32
    %dma_wait3A_290 = arith.constant 0 : i32
    %dma_wait3A_291 = tpu.memref_slice %arg4[%mul3A_4, %dma_wait3A_289, %dma_wait3A_290] : memref<16384x50x64xf32, #tpu.memory_space<hbm>> -> memref<1x50x64xf32, #tpu.memory_space<hbm>>
    %dma_wait3A_292 = tpu.memref_squeeze %dma_wait3A_291 : memref<1x50x64xf32, #tpu.memory_space<hbm>> -> memref<50x64xf32, #tpu.memory_space<hbm>>
    %dma_wait3A_293 = arith.constant 0 : i32
    %dma_wait3A_294 = arith.constant 0 : i32
    %dma_wait3A_295 = tpu.memref_slice %arg6[%dma_wait3A_277, %dma_wait3A_293, %dma_wait3A_294] : memref<4x400x64xf32, #tpu.memory_space<vmem>> -> memref<1x400x64xf32, #tpu.memory_space<vmem>>
    %dma_wait3A_296 = tpu.memref_squeeze %dma_wait3A_295 : memref<1x400x64xf32, #tpu.memory_space<vmem>> -> memref<400x64xf32, #tpu.memory_space<vmem>>
    %dma_wait3A_297 = arith.constant 100 : i32
    %dma_wait3A_298 = arith.constant 0 : i32
    %dma_wait3A_299 = tpu.memref_slice %dma_wait3A_296[%dma_wait3A_297, %dma_wait3A_298] : memref<400x64xf32, #tpu.memory_space<vmem>> -> memref<50x64xf32, #tpu.memory_space<vmem>>
    tpu.wait_dma2 semaphore(%arg12 : memref<!tpu.dma_semaphore, #tpu.memory_space<semaphore_mem>>) src(%dma_wait3A_299 : memref<50x64xf32, #tpu.memory_space<vmem>>) dst(%dma_wait3A_292 : memref<50x64xf32, #tpu.memory_space<hbm>>)
    %dma_wait3A_300 = arith.constant 1 : i32
    %dma_wait3A_301 = arith.constant 0 : i32
    %dma_wait3A_302 = arith.constant 0 : i32
    %dma_wait3A_303 = tpu.memref_slice %arg6[%dma_wait3A_300, %dma_wait3A_301, %dma_wait3A_302] : memref<4x400x64xf32, #tpu.memory_space<vmem>> -> memref<1x400x64xf32, #tpu.memory_space<vmem>>
    %dma_wait3A_304 = tpu.memref_squeeze %dma_wait3A_303 : memref<1x400x64xf32, #tpu.memory_space<vmem>> -> memref<400x64xf32, #tpu.memory_space<vmem>>
    %dma_wait3A_305 = arith.constant 150 : i32
    %dma_wait3A_306 = arith.constant 0 : i32
    %dma_wait3A_307 = tpu.memref_slice %dma_wait3A_304[%dma_wait3A_305, %dma_wait3A_306] : memref<400x64xf32, #tpu.memory_space<vmem>> -> memref<50x64xf32, #tpu.memory_space<vmem>>
    %dma_wait3A_308 = arith.constant 0 : i32
    %dma_wait3A_309 = arith.constant 0 : i32
    %dma_wait3A_310 = tpu.memref_slice %arg4[%mul3A_4, %dma_wait3A_308, %dma_wait3A_309] : memref<16384x50x64xf32, #tpu.memory_space<hbm>> -> memref<1x50x64xf32, #tpu.memory_space<hbm>>
    %dma_wait3A_311 = tpu.memref_squeeze %dma_wait3A_310 : memref<1x50x64xf32, #tpu.memory_space<hbm>> -> memref<50x64xf32, #tpu.memory_space<hbm>>
    %dma_wait3A_312 = arith.constant 0 : i32
    %dma_wait3A_313 = arith.constant 0 : i32
    %dma_wait3A_314 = tpu.memref_slice %arg4[%mul3A_4, %dma_wait3A_312, %dma_wait3A_313] : memref<16384x50x64xf32, #tpu.memory_space<hbm>> -> memref<1x50x64xf32, #tpu.memory_space<hbm>>
    %dma_wait3A_315 = tpu.memref_squeeze %dma_wait3A_314 : memref<1x50x64xf32, #tpu.memory_space<hbm>> -> memref<50x64xf32, #tpu.memory_space<hbm>>
    %dma_wait3A_316 = arith.constant 0 : i32
    %dma_wait3A_317 = arith.constant 0 : i32
    %dma_wait3A_318 = tpu.memref_slice %arg6[%dma_wait3A_300, %dma_wait3A_316, %dma_wait3A_317] : memref<4x400x64xf32, #tpu.memory_space<vmem>> -> memref<1x400x64xf32, #tpu.memory_space<vmem>>
    %dma_wait3A_319 = tpu.memref_squeeze %dma_wait3A_318 : memref<1x400x64xf32, #tpu.memory_space<vmem>> -> memref<400x64xf32, #tpu.memory_space<vmem>>
    %dma_wait3A_320 = arith.constant 150 : i32
    %dma_wait3A_321 = arith.constant 0 : i32
    %dma_wait3A_322 = tpu.memref_slice %dma_wait3A_319[%dma_wait3A_320, %dma_wait3A_321] : memref<400x64xf32, #tpu.memory_space<vmem>> -> memref<50x64xf32, #tpu.memory_space<vmem>>
    tpu.wait_dma2 semaphore(%arg12 : memref<!tpu.dma_semaphore, #tpu.memory_space<semaphore_mem>>) src(%dma_wait3A_322 : memref<50x64xf32, #tpu.memory_space<vmem>>) dst(%dma_wait3A_315 : memref<50x64xf32, #tpu.memory_space<hbm>>)
    %dma_wait3A_323 = arith.constant 1 : i32
    %dma_wait3A_324 = arith.constant 0 : i32
    %dma_wait3A_325 = arith.constant 0 : i32
    %dma_wait3A_326 = tpu.memref_slice %arg6[%dma_wait3A_323, %dma_wait3A_324, %dma_wait3A_325] : memref<4x400x64xf32, #tpu.memory_space<vmem>> -> memref<1x400x64xf32, #tpu.memory_space<vmem>>
    %dma_wait3A_327 = tpu.memref_squeeze %dma_wait3A_326 : memref<1x400x64xf32, #tpu.memory_space<vmem>> -> memref<400x64xf32, #tpu.memory_space<vmem>>
    %dma_wait3A_328 = arith.constant 200 : i32
    %dma_wait3A_329 = arith.constant 0 : i32
    %dma_wait3A_330 = tpu.memref_slice %dma_wait3A_327[%dma_wait3A_328, %dma_wait3A_329] : memref<400x64xf32, #tpu.memory_space<vmem>> -> memref<50x64xf32, #tpu.memory_space<vmem>>
    %dma_wait3A_331 = arith.constant 0 : i32
    %dma_wait3A_332 = arith.constant 0 : i32
    %dma_wait3A_333 = tpu.memref_slice %arg4[%mul3A_4, %dma_wait3A_331, %dma_wait3A_332] : memref<16384x50x64xf32, #tpu.memory_space<hbm>> -> memref<1x50x64xf32, #tpu.memory_space<hbm>>
    %dma_wait3A_334 = tpu.memref_squeeze %dma_wait3A_333 : memref<1x50x64xf32, #tpu.memory_space<hbm>> -> memref<50x64xf32, #tpu.memory_space<hbm>>
    %dma_wait3A_335 = arith.constant 0 : i32
    %dma_wait3A_336 = arith.constant 0 : i32
    %dma_wait3A_337 = tpu.memref_slice %arg4[%mul3A_4, %dma_wait3A_335, %dma_wait3A_336] : memref<16384x50x64xf32, #tpu.memory_space<hbm>> -> memref<1x50x64xf32, #tpu.memory_space<hbm>>
    %dma_wait3A_338 = tpu.memref_squeeze %dma_wait3A_337 : memref<1x50x64xf32, #tpu.memory_space<hbm>> -> memref<50x64xf32, #tpu.memory_space<hbm>>
    %dma_wait3A_339 = arith.constant 0 : i32
    %dma_wait3A_340 = arith.constant 0 : i32
    %dma_wait3A_341 = tpu.memref_slice %arg6[%dma_wait3A_323, %dma_wait3A_339, %dma_wait3A_340] : memref<4x400x64xf32, #tpu.memory_space<vmem>> -> memref<1x400x64xf32, #tpu.memory_space<vmem>>
    %dma_wait3A_342 = tpu.memref_squeeze %dma_wait3A_341 : memref<1x400x64xf32, #tpu.memory_space<vmem>> -> memref<400x64xf32, #tpu.memory_space<vmem>>
    %dma_wait3A_343 = arith.constant 200 : i32
    %dma_wait3A_344 = arith.constant 0 : i32
    %dma_wait3A_345 = tpu.memref_slice %dma_wait3A_342[%dma_wait3A_343, %dma_wait3A_344] : memref<400x64xf32, #tpu.memory_space<vmem>> -> memref<50x64xf32, #tpu.memory_space<vmem>>
    tpu.wait_dma2 semaphore(%arg12 : memref<!tpu.dma_semaphore, #tpu.memory_space<semaphore_mem>>) src(%dma_wait3A_345 : memref<50x64xf32, #tpu.memory_space<vmem>>) dst(%dma_wait3A_338 : memref<50x64xf32, #tpu.memory_space<hbm>>)
    %dma_wait3A_346 = arith.constant 1 : i32
    %dma_wait3A_347 = arith.constant 0 : i32
    %dma_wait3A_348 = arith.constant 0 : i32
    %dma_wait3A_349 = tpu.memref_slice %arg6[%dma_wait3A_346, %dma_wait3A_347, %dma_wait3A_348] : memref<4x400x64xf32, #tpu.memory_space<vmem>> -> memref<1x400x64xf32, #tpu.memory_space<vmem>>
    %dma_wait3A_350 = tpu.memref_squeeze %dma_wait3A_349 : memref<1x400x64xf32, #tpu.memory_space<vmem>> -> memref<400x64xf32, #tpu.memory_space<vmem>>
    %dma_wait3A_351 = arith.constant 250 : i32
    %dma_wait3A_352 = arith.constant 0 : i32
    %dma_wait3A_353 = tpu.memref_slice %dma_wait3A_350[%dma_wait3A_351, %dma_wait3A_352] : memref<400x64xf32, #tpu.memory_space<vmem>> -> memref<50x64xf32, #tpu.memory_space<vmem>>
    %dma_wait3A_354 = arith.constant 0 : i32
    %dma_wait3A_355 = arith.constant 0 : i32
    %dma_wait3A_356 = tpu.memref_slice %arg4[%mul3A_4, %dma_wait3A_354, %dma_wait3A_355] : memref<16384x50x64xf32, #tpu.memory_space<hbm>> -> memref<1x50x64xf32, #tpu.memory_space<hbm>>
    %dma_wait3A_357 = tpu.memref_squeeze %dma_wait3A_356 : memref<1x50x64xf32, #tpu.memory_space<hbm>> -> memref<50x64xf32, #tpu.memory_space<hbm>>
    %dma_wait3A_358 = arith.constant 0 : i32
    %dma_wait3A_359 = arith.constant 0 : i32
    %dma_wait3A_360 = tpu.memref_slice %arg4[%mul3A_4, %dma_wait3A_358, %dma_wait3A_359] : memref<16384x50x64xf32, #tpu.memory_space<hbm>> -> memref<1x50x64xf32, #tpu.memory_space<hbm>>
    %dma_wait3A_361 = tpu.memref_squeeze %dma_wait3A_360 : memref<1x50x64xf32, #tpu.memory_space<hbm>> -> memref<50x64xf32, #tpu.memory_space<hbm>>
    %dma_wait3A_362 = arith.constant 0 : i32
    %dma_wait3A_363 = arith.constant 0 : i32
    %dma_wait3A_364 = tpu.memref_slice %arg6[%dma_wait3A_346, %dma_wait3A_362, %dma_wait3A_363] : memref<4x400x64xf32, #tpu.memory_space<vmem>> -> memref<1x400x64xf32, #tpu.memory_space<vmem>>
    %dma_wait3A_365 = tpu.memref_squeeze %dma_wait3A_364 : memref<1x400x64xf32, #tpu.memory_space<vmem>> -> memref<400x64xf32, #tpu.memory_space<vmem>>
    %dma_wait3A_366 = arith.constant 250 : i32
    %dma_wait3A_367 = arith.constant 0 : i32
    %dma_wait3A_368 = tpu.memref_slice %dma_wait3A_365[%dma_wait3A_366, %dma_wait3A_367] : memref<400x64xf32, #tpu.memory_space<vmem>> -> memref<50x64xf32, #tpu.memory_space<vmem>>
    tpu.wait_dma2 semaphore(%arg12 : memref<!tpu.dma_semaphore, #tpu.memory_space<semaphore_mem>>) src(%dma_wait3A_368 : memref<50x64xf32, #tpu.memory_space<vmem>>) dst(%dma_wait3A_361 : memref<50x64xf32, #tpu.memory_space<hbm>>)
    %dma_wait3A_369 = arith.constant 1 : i32
    %dma_wait3A_370 = arith.constant 0 : i32
    %dma_wait3A_371 = arith.constant 0 : i32
    %dma_wait3A_372 = tpu.memref_slice %arg6[%dma_wait3A_369, %dma_wait3A_370, %dma_wait3A_371] : memref<4x400x64xf32, #tpu.memory_space<vmem>> -> memref<1x400x64xf32, #tpu.memory_space<vmem>>
    %dma_wait3A_373 = tpu.memref_squeeze %dma_wait3A_372 : memref<1x400x64xf32, #tpu.memory_space<vmem>> -> memref<400x64xf32, #tpu.memory_space<vmem>>
    %dma_wait3A_374 = arith.constant 300 : i32
    %dma_wait3A_375 = arith.constant 0 : i32
    %dma_wait3A_376 = tpu.memref_slice %dma_wait3A_373[%dma_wait3A_374, %dma_wait3A_375] : memref<400x64xf32, #tpu.memory_space<vmem>> -> memref<50x64xf32, #tpu.memory_space<vmem>>
    %dma_wait3A_377 = arith.constant 0 : i32
    %dma_wait3A_378 = arith.constant 0 : i32
    %dma_wait3A_379 = tpu.memref_slice %arg4[%mul3A_4, %dma_wait3A_377, %dma_wait3A_378] : memref<16384x50x64xf32, #tpu.memory_space<hbm>> -> memref<1x50x64xf32, #tpu.memory_space<hbm>>
    %dma_wait3A_380 = tpu.memref_squeeze %dma_wait3A_379 : memref<1x50x64xf32, #tpu.memory_space<hbm>> -> memref<50x64xf32, #tpu.memory_space<hbm>>
    %dma_wait3A_381 = arith.constant 0 : i32
    %dma_wait3A_382 = arith.constant 0 : i32
    %dma_wait3A_383 = tpu.memref_slice %arg4[%mul3A_4, %dma_wait3A_381, %dma_wait3A_382] : memref<16384x50x64xf32, #tpu.memory_space<hbm>> -> memref<1x50x64xf32, #tpu.memory_space<hbm>>
    %dma_wait3A_384 = tpu.memref_squeeze %dma_wait3A_383 : memref<1x50x64xf32, #tpu.memory_space<hbm>> -> memref<50x64xf32, #tpu.memory_space<hbm>>
    %dma_wait3A_385 = arith.constant 0 : i32
    %dma_wait3A_386 = arith.constant 0 : i32
    %dma_wait3A_387 = tpu.memref_slice %arg6[%dma_wait3A_369, %dma_wait3A_385, %dma_wait3A_386] : memref<4x400x64xf32, #tpu.memory_space<vmem>> -> memref<1x400x64xf32, #tpu.memory_space<vmem>>
    %dma_wait3A_388 = tpu.memref_squeeze %dma_wait3A_387 : memref<1x400x64xf32, #tpu.memory_space<vmem>> -> memref<400x64xf32, #tpu.memory_space<vmem>>
    %dma_wait3A_389 = arith.constant 300 : i32
    %dma_wait3A_390 = arith.constant 0 : i32
    %dma_wait3A_391 = tpu.memref_slice %dma_wait3A_388[%dma_wait3A_389, %dma_wait3A_390] : memref<400x64xf32, #tpu.memory_space<vmem>> -> memref<50x64xf32, #tpu.memory_space<vmem>>
    tpu.wait_dma2 semaphore(%arg12 : memref<!tpu.dma_semaphore, #tpu.memory_space<semaphore_mem>>) src(%dma_wait3A_391 : memref<50x64xf32, #tpu.memory_space<vmem>>) dst(%dma_wait3A_384 : memref<50x64xf32, #tpu.memory_space<hbm>>)
    %dma_wait3A_392 = arith.constant 1 : i32
    %dma_wait3A_393 = arith.constant 0 : i32
    %dma_wait3A_394 = arith.constant 0 : i32
    %dma_wait3A_395 = tpu.memref_slice %arg6[%dma_wait3A_392, %dma_wait3A_393, %dma_wait3A_394] : memref<4x400x64xf32, #tpu.memory_space<vmem>> -> memref<1x400x64xf32, #tpu.memory_space<vmem>>
    %dma_wait3A_396 = tpu.memref_squeeze %dma_wait3A_395 : memref<1x400x64xf32, #tpu.memory_space<vmem>> -> memref<400x64xf32, #tpu.memory_space<vmem>>
    %dma_wait3A_397 = arith.constant 350 : i32
    %dma_wait3A_398 = arith.constant 0 : i32
    %dma_wait3A_399 = tpu.memref_slice %dma_wait3A_396[%dma_wait3A_397, %dma_wait3A_398] : memref<400x64xf32, #tpu.memory_space<vmem>> -> memref<50x64xf32, #tpu.memory_space<vmem>>
    %dma_wait3A_400 = arith.constant 0 : i32
    %dma_wait3A_401 = arith.constant 0 : i32
    %dma_wait3A_402 = tpu.memref_slice %arg4[%mul3A_4, %dma_wait3A_400, %dma_wait3A_401] : memref<16384x50x64xf32, #tpu.memory_space<hbm>> -> memref<1x50x64xf32, #tpu.memory_space<hbm>>
    %dma_wait3A_403 = tpu.memref_squeeze %dma_wait3A_402 : memref<1x50x64xf32, #tpu.memory_space<hbm>> -> memref<50x64xf32, #tpu.memory_space<hbm>>
    %dma_wait3A_404 = arith.constant 0 : i32
    %dma_wait3A_405 = arith.constant 0 : i32
    %dma_wait3A_406 = tpu.memref_slice %arg4[%mul3A_4, %dma_wait3A_404, %dma_wait3A_405] : memref<16384x50x64xf32, #tpu.memory_space<hbm>> -> memref<1x50x64xf32, #tpu.memory_space<hbm>>
    %dma_wait3A_407 = tpu.memref_squeeze %dma_wait3A_406 : memref<1x50x64xf32, #tpu.memory_space<hbm>> -> memref<50x64xf32, #tpu.memory_space<hbm>>
    %dma_wait3A_408 = arith.constant 0 : i32
    %dma_wait3A_409 = arith.constant 0 : i32
    %dma_wait3A_410 = tpu.memref_slice %arg6[%dma_wait3A_392, %dma_wait3A_408, %dma_wait3A_409] : memref<4x400x64xf32, #tpu.memory_space<vmem>> -> memref<1x400x64xf32, #tpu.memory_space<vmem>>
    %dma_wait3A_411 = tpu.memref_squeeze %dma_wait3A_410 : memref<1x400x64xf32, #tpu.memory_space<vmem>> -> memref<400x64xf32, #tpu.memory_space<vmem>>
    %dma_wait3A_412 = arith.constant 350 : i32
    %dma_wait3A_413 = arith.constant 0 : i32
    %dma_wait3A_414 = tpu.memref_slice %dma_wait3A_411[%dma_wait3A_412, %dma_wait3A_413] : memref<400x64xf32, #tpu.memory_space<vmem>> -> memref<50x64xf32, #tpu.memory_space<vmem>>
    tpu.wait_dma2 semaphore(%arg12 : memref<!tpu.dma_semaphore, #tpu.memory_space<semaphore_mem>>) src(%dma_wait3A_414 : memref<50x64xf32, #tpu.memory_space<vmem>>) dst(%dma_wait3A_407 : memref<50x64xf32, #tpu.memory_space<hbm>>)
    %dma_wait3A_415 = arith.constant 2 : i32
    %dma_wait3A_416 = arith.constant 0 : i32
    %dma_wait3A_417 = arith.constant 0 : i32
    %dma_wait3A_418 = tpu.memref_slice %arg6[%dma_wait3A_415, %dma_wait3A_416, %dma_wait3A_417] : memref<4x400x64xf32, #tpu.memory_space<vmem>> -> memref<1x400x64xf32, #tpu.memory_space<vmem>>
    %dma_wait3A_419 = tpu.memref_squeeze %dma_wait3A_418 : memref<1x400x64xf32, #tpu.memory_space<vmem>> -> memref<400x64xf32, #tpu.memory_space<vmem>>
    %dma_wait3A_420 = arith.constant 0 : i32
    %dma_wait3A_421 = arith.constant 0 : i32
    %dma_wait3A_422 = tpu.memref_slice %dma_wait3A_419[%dma_wait3A_420, %dma_wait3A_421] : memref<400x64xf32, #tpu.memory_space<vmem>> -> memref<50x64xf32, #tpu.memory_space<vmem>>
    %dma_wait3A_423 = arith.constant 0 : i32
    %dma_wait3A_424 = arith.constant 0 : i32
    %dma_wait3A_425 = tpu.memref_slice %arg4[%mul3A_4, %dma_wait3A_423, %dma_wait3A_424] : memref<16384x50x64xf32, #tpu.memory_space<hbm>> -> memref<1x50x64xf32, #tpu.memory_space<hbm>>
    %dma_wait3A_426 = tpu.memref_squeeze %dma_wait3A_425 : memref<1x50x64xf32, #tpu.memory_space<hbm>> -> memref<50x64xf32, #tpu.memory_space<hbm>>
    %dma_wait3A_427 = arith.constant 0 : i32
    %dma_wait3A_428 = arith.constant 0 : i32
    %dma_wait3A_429 = tpu.memref_slice %arg4[%mul3A_4, %dma_wait3A_427, %dma_wait3A_428] : memref<16384x50x64xf32, #tpu.memory_space<hbm>> -> memref<1x50x64xf32, #tpu.memory_space<hbm>>
    %dma_wait3A_430 = tpu.memref_squeeze %dma_wait3A_429 : memref<1x50x64xf32, #tpu.memory_space<hbm>> -> memref<50x64xf32, #tpu.memory_space<hbm>>
    %dma_wait3A_431 = arith.constant 0 : i32
    %dma_wait3A_432 = arith.constant 0 : i32
    %dma_wait3A_433 = tpu.memref_slice %arg6[%dma_wait3A_415, %dma_wait3A_431, %dma_wait3A_432] : memref<4x400x64xf32, #tpu.memory_space<vmem>> -> memref<1x400x64xf32, #tpu.memory_space<vmem>>
    %dma_wait3A_434 = tpu.memref_squeeze %dma_wait3A_433 : memref<1x400x64xf32, #tpu.memory_space<vmem>> -> memref<400x64xf32, #tpu.memory_space<vmem>>
    %dma_wait3A_435 = arith.constant 0 : i32
    %dma_wait3A_436 = arith.constant 0 : i32
    %dma_wait3A_437 = tpu.memref_slice %dma_wait3A_434[%dma_wait3A_435, %dma_wait3A_436] : memref<400x64xf32, #tpu.memory_space<vmem>> -> memref<50x64xf32, #tpu.memory_space<vmem>>
    tpu.wait_dma2 semaphore(%arg13 : memref<!tpu.dma_semaphore, #tpu.memory_space<semaphore_mem>>) src(%dma_wait3A_437 : memref<50x64xf32, #tpu.memory_space<vmem>>) dst(%dma_wait3A_430 : memref<50x64xf32, #tpu.memory_space<hbm>>)
    %dma_wait3A_438 = arith.constant 2 : i32
    %dma_wait3A_439 = arith.constant 0 : i32
    %dma_wait3A_440 = arith.constant 0 : i32
    %dma_wait3A_441 = tpu.memref_slice %arg6[%dma_wait3A_438, %dma_wait3A_439, %dma_wait3A_440] : memref<4x400x64xf32, #tpu.memory_space<vmem>> -> memref<1x400x64xf32, #tpu.memory_space<vmem>>
    %dma_wait3A_442 = tpu.memref_squeeze %dma_wait3A_441 : memref<1x400x64xf32, #tpu.memory_space<vmem>> -> memref<400x64xf32, #tpu.memory_space<vmem>>
    %dma_wait3A_443 = arith.constant 50 : i32
    %dma_wait3A_444 = arith.constant 0 : i32
    %dma_wait3A_445 = tpu.memref_slice %dma_wait3A_442[%dma_wait3A_443, %dma_wait3A_444] : memref<400x64xf32, #tpu.memory_space<vmem>> -> memref<50x64xf32, #tpu.memory_space<vmem>>
    %dma_wait3A_446 = arith.constant 0 : i32
    %dma_wait3A_447 = arith.constant 0 : i32
    %dma_wait3A_448 = tpu.memref_slice %arg4[%mul3A_4, %dma_wait3A_446, %dma_wait3A_447] : memref<16384x50x64xf32, #tpu.memory_space<hbm>> -> memref<1x50x64xf32, #tpu.memory_space<hbm>>
    %dma_wait3A_449 = tpu.memref_squeeze %dma_wait3A_448 : memref<1x50x64xf32, #tpu.memory_space<hbm>> -> memref<50x64xf32, #tpu.memory_space<hbm>>
    %dma_wait3A_450 = arith.constant 0 : i32
    %dma_wait3A_451 = arith.constant 0 : i32
    %dma_wait3A_452 = tpu.memref_slice %arg4[%mul3A_4, %dma_wait3A_450, %dma_wait3A_451] : memref<16384x50x64xf32, #tpu.memory_space<hbm>> -> memref<1x50x64xf32, #tpu.memory_space<hbm>>
    %dma_wait3A_453 = tpu.memref_squeeze %dma_wait3A_452 : memref<1x50x64xf32, #tpu.memory_space<hbm>> -> memref<50x64xf32, #tpu.memory_space<hbm>>
    %dma_wait3A_454 = arith.constant 0 : i32
    %dma_wait3A_455 = arith.constant 0 : i32
    %dma_wait3A_456 = tpu.memref_slice %arg6[%dma_wait3A_438, %dma_wait3A_454, %dma_wait3A_455] : memref<4x400x64xf32, #tpu.memory_space<vmem>> -> memref<1x400x64xf32, #tpu.memory_space<vmem>>
    %dma_wait3A_457 = tpu.memref_squeeze %dma_wait3A_456 : memref<1x400x64xf32, #tpu.memory_space<vmem>> -> memref<400x64xf32, #tpu.memory_space<vmem>>
    %dma_wait3A_458 = arith.constant 50 : i32
    %dma_wait3A_459 = arith.constant 0 : i32
    %dma_wait3A_460 = tpu.memref_slice %dma_wait3A_457[%dma_wait3A_458, %dma_wait3A_459] : memref<400x64xf32, #tpu.memory_space<vmem>> -> memref<50x64xf32, #tpu.memory_space<vmem>>
    tpu.wait_dma2 semaphore(%arg13 : memref<!tpu.dma_semaphore, #tpu.memory_space<semaphore_mem>>) src(%dma_wait3A_460 : memref<50x64xf32, #tpu.memory_space<vmem>>) dst(%dma_wait3A_453 : memref<50x64xf32, #tpu.memory_space<hbm>>)
    %dma_wait3A_461 = arith.constant 2 : i32
    %dma_wait3A_462 = arith.constant 0 : i32
    %dma_wait3A_463 = arith.constant 0 : i32
    %dma_wait3A_464 = tpu.memref_slice %arg6[%dma_wait3A_461, %dma_wait3A_462, %dma_wait3A_463] : memref<4x400x64xf32, #tpu.memory_space<vmem>> -> memref<1x400x64xf32, #tpu.memory_space<vmem>>
    %dma_wait3A_465 = tpu.memref_squeeze %dma_wait3A_464 : memref<1x400x64xf32, #tpu.memory_space<vmem>> -> memref<400x64xf32, #tpu.memory_space<vmem>>
    %dma_wait3A_466 = arith.constant 100 : i32
    %dma_wait3A_467 = arith.constant 0 : i32
    %dma_wait3A_468 = tpu.memref_slice %dma_wait3A_465[%dma_wait3A_466, %dma_wait3A_467] : memref<400x64xf32, #tpu.memory_space<vmem>> -> memref<50x64xf32, #tpu.memory_space<vmem>>
    %dma_wait3A_469 = arith.constant 0 : i32
    %dma_wait3A_470 = arith.constant 0 : i32
    %dma_wait3A_471 = tpu.memref_slice %arg4[%mul3A_4, %dma_wait3A_469, %dma_wait3A_470] : memref<16384x50x64xf32, #tpu.memory_space<hbm>> -> memref<1x50x64xf32, #tpu.memory_space<hbm>>
    %dma_wait3A_472 = tpu.memref_squeeze %dma_wait3A_471 : memref<1x50x64xf32, #tpu.memory_space<hbm>> -> memref<50x64xf32, #tpu.memory_space<hbm>>
    %dma_wait3A_473 = arith.constant 0 : i32
    %dma_wait3A_474 = arith.constant 0 : i32
    %dma_wait3A_475 = tpu.memref_slice %arg4[%mul3A_4, %dma_wait3A_473, %dma_wait3A_474] : memref<16384x50x64xf32, #tpu.memory_space<hbm>> -> memref<1x50x64xf32, #tpu.memory_space<hbm>>
    %dma_wait3A_476 = tpu.memref_squeeze %dma_wait3A_475 : memref<1x50x64xf32, #tpu.memory_space<hbm>> -> memref<50x64xf32, #tpu.memory_space<hbm>>
    %dma_wait3A_477 = arith.constant 0 : i32
    %dma_wait3A_478 = arith.constant 0 : i32
    %dma_wait3A_479 = tpu.memref_slice %arg6[%dma_wait3A_461, %dma_wait3A_477, %dma_wait3A_478] : memref<4x400x64xf32, #tpu.memory_space<vmem>> -> memref<1x400x64xf32, #tpu.memory_space<vmem>>
    %dma_wait3A_480 = tpu.memref_squeeze %dma_wait3A_479 : memref<1x400x64xf32, #tpu.memory_space<vmem>> -> memref<400x64xf32, #tpu.memory_space<vmem>>
    %dma_wait3A_481 = arith.constant 100 : i32
    %dma_wait3A_482 = arith.constant 0 : i32
    %dma_wait3A_483 = tpu.memref_slice %dma_wait3A_480[%dma_wait3A_481, %dma_wait3A_482] : memref<400x64xf32, #tpu.memory_space<vmem>> -> memref<50x64xf32, #tpu.memory_space<vmem>>
    tpu.wait_dma2 semaphore(%arg13 : memref<!tpu.dma_semaphore, #tpu.memory_space<semaphore_mem>>) src(%dma_wait3A_483 : memref<50x64xf32, #tpu.memory_space<vmem>>) dst(%dma_wait3A_476 : memref<50x64xf32, #tpu.memory_space<hbm>>)
    %dma_wait3A_484 = arith.constant 2 : i32
    %dma_wait3A_485 = arith.constant 0 : i32
    %dma_wait3A_486 = arith.constant 0 : i32
    %dma_wait3A_487 = tpu.memref_slice %arg6[%dma_wait3A_484, %dma_wait3A_485, %dma_wait3A_486] : memref<4x400x64xf32, #tpu.memory_space<vmem>> -> memref<1x400x64xf32, #tpu.memory_space<vmem>>
    %dma_wait3A_488 = tpu.memref_squeeze %dma_wait3A_487 : memref<1x400x64xf32, #tpu.memory_space<vmem>> -> memref<400x64xf32, #tpu.memory_space<vmem>>
    %dma_wait3A_489 = arith.constant 150 : i32
    %dma_wait3A_490 = arith.constant 0 : i32
    %dma_wait3A_491 = tpu.memref_slice %dma_wait3A_488[%dma_wait3A_489, %dma_wait3A_490] : memref<400x64xf32, #tpu.memory_space<vmem>> -> memref<50x64xf32, #tpu.memory_space<vmem>>
    %dma_wait3A_492 = arith.constant 0 : i32
    %dma_wait3A_493 = arith.constant 0 : i32
    %dma_wait3A_494 = tpu.memref_slice %arg4[%mul3A_4, %dma_wait3A_492, %dma_wait3A_493] : memref<16384x50x64xf32, #tpu.memory_space<hbm>> -> memref<1x50x64xf32, #tpu.memory_space<hbm>>
    %dma_wait3A_495 = tpu.memref_squeeze %dma_wait3A_494 : memref<1x50x64xf32, #tpu.memory_space<hbm>> -> memref<50x64xf32, #tpu.memory_space<hbm>>
    %dma_wait3A_496 = arith.constant 0 : i32
    %dma_wait3A_497 = arith.constant 0 : i32
    %dma_wait3A_498 = tpu.memref_slice %arg4[%mul3A_4, %dma_wait3A_496, %dma_wait3A_497] : memref<16384x50x64xf32, #tpu.memory_space<hbm>> -> memref<1x50x64xf32, #tpu.memory_space<hbm>>
    %dma_wait3A_499 = tpu.memref_squeeze %dma_wait3A_498 : memref<1x50x64xf32, #tpu.memory_space<hbm>> -> memref<50x64xf32, #tpu.memory_space<hbm>>
    %dma_wait3A_500 = arith.constant 0 : i32
    %dma_wait3A_501 = arith.constant 0 : i32
    %dma_wait3A_502 = tpu.memref_slice %arg6[%dma_wait3A_484, %dma_wait3A_500, %dma_wait3A_501] : memref<4x400x64xf32, #tpu.memory_space<vmem>> -> memref<1x400x64xf32, #tpu.memory_space<vmem>>
    %dma_wait3A_503 = tpu.memref_squeeze %dma_wait3A_502 : memref<1x400x64xf32, #tpu.memory_space<vmem>> -> memref<400x64xf32, #tpu.memory_space<vmem>>
    %dma_wait3A_504 = arith.constant 150 : i32
    %dma_wait3A_505 = arith.constant 0 : i32
    %dma_wait3A_506 = tpu.memref_slice %dma_wait3A_503[%dma_wait3A_504, %dma_wait3A_505] : memref<400x64xf32, #tpu.memory_space<vmem>> -> memref<50x64xf32, #tpu.memory_space<vmem>>
    tpu.wait_dma2 semaphore(%arg13 : memref<!tpu.dma_semaphore, #tpu.memory_space<semaphore_mem>>) src(%dma_wait3A_506 : memref<50x64xf32, #tpu.memory_space<vmem>>) dst(%dma_wait3A_499 : memref<50x64xf32, #tpu.memory_space<hbm>>)
    %dma_wait3A_507 = arith.constant 2 : i32
    %dma_wait3A_508 = arith.constant 0 : i32
    %dma_wait3A_509 = arith.constant 0 : i32
    %dma_wait3A_510 = tpu.memref_slice %arg6[%dma_wait3A_507, %dma_wait3A_508, %dma_wait3A_509] : memref<4x400x64xf32, #tpu.memory_space<vmem>> -> memref<1x400x64xf32, #tpu.memory_space<vmem>>
    %dma_wait3A_511 = tpu.memref_squeeze %dma_wait3A_510 : memref<1x400x64xf32, #tpu.memory_space<vmem>> -> memref<400x64xf32, #tpu.memory_space<vmem>>
    %dma_wait3A_512 = arith.constant 200 : i32
    %dma_wait3A_513 = arith.constant 0 : i32
    %dma_wait3A_514 = tpu.memref_slice %dma_wait3A_511[%dma_wait3A_512, %dma_wait3A_513] : memref<400x64xf32, #tpu.memory_space<vmem>> -> memref<50x64xf32, #tpu.memory_space<vmem>>
    %dma_wait3A_515 = arith.constant 0 : i32
    %dma_wait3A_516 = arith.constant 0 : i32
    %dma_wait3A_517 = tpu.memref_slice %arg4[%mul3A_4, %dma_wait3A_515, %dma_wait3A_516] : memref<16384x50x64xf32, #tpu.memory_space<hbm>> -> memref<1x50x64xf32, #tpu.memory_space<hbm>>
    %dma_wait3A_518 = tpu.memref_squeeze %dma_wait3A_517 : memref<1x50x64xf32, #tpu.memory_space<hbm>> -> memref<50x64xf32, #tpu.memory_space<hbm>>
    %dma_wait3A_519 = arith.constant 0 : i32
    %dma_wait3A_520 = arith.constant 0 : i32
    %dma_wait3A_521 = tpu.memref_slice %arg4[%mul3A_4, %dma_wait3A_519, %dma_wait3A_520] : memref<16384x50x64xf32, #tpu.memory_space<hbm>> -> memref<1x50x64xf32, #tpu.memory_space<hbm>>
    %dma_wait3A_522 = tpu.memref_squeeze %dma_wait3A_521 : memref<1x50x64xf32, #tpu.memory_space<hbm>> -> memref<50x64xf32, #tpu.memory_space<hbm>>
    %dma_wait3A_523 = arith.constant 0 : i32
    %dma_wait3A_524 = arith.constant 0 : i32
    %dma_wait3A_525 = tpu.memref_slice %arg6[%dma_wait3A_507, %dma_wait3A_523, %dma_wait3A_524] : memref<4x400x64xf32, #tpu.memory_space<vmem>> -> memref<1x400x64xf32, #tpu.memory_space<vmem>>
    %dma_wait3A_526 = tpu.memref_squeeze %dma_wait3A_525 : memref<1x400x64xf32, #tpu.memory_space<vmem>> -> memref<400x64xf32, #tpu.memory_space<vmem>>
    %dma_wait3A_527 = arith.constant 200 : i32
    %dma_wait3A_528 = arith.constant 0 : i32
    %dma_wait3A_529 = tpu.memref_slice %dma_wait3A_526[%dma_wait3A_527, %dma_wait3A_528] : memref<400x64xf32, #tpu.memory_space<vmem>> -> memref<50x64xf32, #tpu.memory_space<vmem>>
    tpu.wait_dma2 semaphore(%arg13 : memref<!tpu.dma_semaphore, #tpu.memory_space<semaphore_mem>>) src(%dma_wait3A_529 : memref<50x64xf32, #tpu.memory_space<vmem>>) dst(%dma_wait3A_522 : memref<50x64xf32, #tpu.memory_space<hbm>>)
    %dma_wait3A_530 = arith.constant 2 : i32
    %dma_wait3A_531 = arith.constant 0 : i32
    %dma_wait3A_532 = arith.constant 0 : i32
    %dma_wait3A_533 = tpu.memref_slice %arg6[%dma_wait3A_530, %dma_wait3A_531, %dma_wait3A_532] : memref<4x400x64xf32, #tpu.memory_space<vmem>> -> memref<1x400x64xf32, #tpu.memory_space<vmem>>
    %dma_wait3A_534 = tpu.memref_squeeze %dma_wait3A_533 : memref<1x400x64xf32, #tpu.memory_space<vmem>> -> memref<400x64xf32, #tpu.memory_space<vmem>>
    %dma_wait3A_535 = arith.constant 250 : i32
    %dma_wait3A_536 = arith.constant 0 : i32
    %dma_wait3A_537 = tpu.memref_slice %dma_wait3A_534[%dma_wait3A_535, %dma_wait3A_536] : memref<400x64xf32, #tpu.memory_space<vmem>> -> memref<50x64xf32, #tpu.memory_space<vmem>>
    %dma_wait3A_538 = arith.constant 0 : i32
    %dma_wait3A_539 = arith.constant 0 : i32
    %dma_wait3A_540 = tpu.memref_slice %arg4[%mul3A_4, %dma_wait3A_538, %dma_wait3A_539] : memref<16384x50x64xf32, #tpu.memory_space<hbm>> -> memref<1x50x64xf32, #tpu.memory_space<hbm>>
    %dma_wait3A_541 = tpu.memref_squeeze %dma_wait3A_540 : memref<1x50x64xf32, #tpu.memory_space<hbm>> -> memref<50x64xf32, #tpu.memory_space<hbm>>
    %dma_wait3A_542 = arith.constant 0 : i32
    %dma_wait3A_543 = arith.constant 0 : i32
    %dma_wait3A_544 = tpu.memref_slice %arg4[%mul3A_4, %dma_wait3A_542, %dma_wait3A_543] : memref<16384x50x64xf32, #tpu.memory_space<hbm>> -> memref<1x50x64xf32, #tpu.memory_space<hbm>>
    %dma_wait3A_545 = tpu.memref_squeeze %dma_wait3A_544 : memref<1x50x64xf32, #tpu.memory_space<hbm>> -> memref<50x64xf32, #tpu.memory_space<hbm>>
    %dma_wait3A_546 = arith.constant 0 : i32
    %dma_wait3A_547 = arith.constant 0 : i32
    %dma_wait3A_548 = tpu.memref_slice %arg6[%dma_wait3A_530, %dma_wait3A_546, %dma_wait3A_547] : memref<4x400x64xf32, #tpu.memory_space<vmem>> -> memref<1x400x64xf32, #tpu.memory_space<vmem>>
    %dma_wait3A_549 = tpu.memref_squeeze %dma_wait3A_548 : memref<1x400x64xf32, #tpu.memory_space<vmem>> -> memref<400x64xf32, #tpu.memory_space<vmem>>
    %dma_wait3A_550 = arith.constant 250 : i32
    %dma_wait3A_551 = arith.constant 0 : i32
    %dma_wait3A_552 = tpu.memref_slice %dma_wait3A_549[%dma_wait3A_550, %dma_wait3A_551] : memref<400x64xf32, #tpu.memory_space<vmem>> -> memref<50x64xf32, #tpu.memory_space<vmem>>
    tpu.wait_dma2 semaphore(%arg13 : memref<!tpu.dma_semaphore, #tpu.memory_space<semaphore_mem>>) src(%dma_wait3A_552 : memref<50x64xf32, #tpu.memory_space<vmem>>) dst(%dma_wait3A_545 : memref<50x64xf32, #tpu.memory_space<hbm>>)
    %dma_wait3A_553 = arith.constant 2 : i32
    %dma_wait3A_554 = arith.constant 0 : i32
    %dma_wait3A_555 = arith.constant 0 : i32
    %dma_wait3A_556 = tpu.memref_slice %arg6[%dma_wait3A_553, %dma_wait3A_554, %dma_wait3A_555] : memref<4x400x64xf32, #tpu.memory_space<vmem>> -> memref<1x400x64xf32, #tpu.memory_space<vmem>>
    %dma_wait3A_557 = tpu.memref_squeeze %dma_wait3A_556 : memref<1x400x64xf32, #tpu.memory_space<vmem>> -> memref<400x64xf32, #tpu.memory_space<vmem>>
    %dma_wait3A_558 = arith.constant 300 : i32
    %dma_wait3A_559 = arith.constant 0 : i32
    %dma_wait3A_560 = tpu.memref_slice %dma_wait3A_557[%dma_wait3A_558, %dma_wait3A_559] : memref<400x64xf32, #tpu.memory_space<vmem>> -> memref<50x64xf32, #tpu.memory_space<vmem>>
    %dma_wait3A_561 = arith.constant 0 : i32
    %dma_wait3A_562 = arith.constant 0 : i32
    %dma_wait3A_563 = tpu.memref_slice %arg4[%mul3A_4, %dma_wait3A_561, %dma_wait3A_562] : memref<16384x50x64xf32, #tpu.memory_space<hbm>> -> memref<1x50x64xf32, #tpu.memory_space<hbm>>
    %dma_wait3A_564 = tpu.memref_squeeze %dma_wait3A_563 : memref<1x50x64xf32, #tpu.memory_space<hbm>> -> memref<50x64xf32, #tpu.memory_space<hbm>>
    %dma_wait3A_565 = arith.constant 0 : i32
    %dma_wait3A_566 = arith.constant 0 : i32
    %dma_wait3A_567 = tpu.memref_slice %arg4[%mul3A_4, %dma_wait3A_565, %dma_wait3A_566] : memref<16384x50x64xf32, #tpu.memory_space<hbm>> -> memref<1x50x64xf32, #tpu.memory_space<hbm>>
    %dma_wait3A_568 = tpu.memref_squeeze %dma_wait3A_567 : memref<1x50x64xf32, #tpu.memory_space<hbm>> -> memref<50x64xf32, #tpu.memory_space<hbm>>
    %dma_wait3A_569 = arith.constant 0 : i32
    %dma_wait3A_570 = arith.constant 0 : i32
    %dma_wait3A_571 = tpu.memref_slice %arg6[%dma_wait3A_553, %dma_wait3A_569, %dma_wait3A_570] : memref<4x400x64xf32, #tpu.memory_space<vmem>> -> memref<1x400x64xf32, #tpu.memory_space<vmem>>
    %dma_wait3A_572 = tpu.memref_squeeze %dma_wait3A_571 : memref<1x400x64xf32, #tpu.memory_space<vmem>> -> memref<400x64xf32, #tpu.memory_space<vmem>>
    %dma_wait3A_573 = arith.constant 300 : i32
    %dma_wait3A_574 = arith.constant 0 : i32
    %dma_wait3A_575 = tpu.memref_slice %dma_wait3A_572[%dma_wait3A_573, %dma_wait3A_574] : memref<400x64xf32, #tpu.memory_space<vmem>> -> memref<50x64xf32, #tpu.memory_space<vmem>>
    tpu.wait_dma2 semaphore(%arg13 : memref<!tpu.dma_semaphore, #tpu.memory_space<semaphore_mem>>) src(%dma_wait3A_575 : memref<50x64xf32, #tpu.memory_space<vmem>>) dst(%dma_wait3A_568 : memref<50x64xf32, #tpu.memory_space<hbm>>)
    %dma_wait3A_576 = arith.constant 2 : i32
    %dma_wait3A_577 = arith.constant 0 : i32
    %dma_wait3A_578 = arith.constant 0 : i32
    %dma_wait3A_579 = tpu.memref_slice %arg6[%dma_wait3A_576, %dma_wait3A_577, %dma_wait3A_578] : memref<4x400x64xf32, #tpu.memory_space<vmem>> -> memref<1x400x64xf32, #tpu.memory_space<vmem>>
    %dma_wait3A_580 = tpu.memref_squeeze %dma_wait3A_579 : memref<1x400x64xf32, #tpu.memory_space<vmem>> -> memref<400x64xf32, #tpu.memory_space<vmem>>
    %dma_wait3A_581 = arith.constant 350 : i32
    %dma_wait3A_582 = arith.constant 0 : i32
    %dma_wait3A_583 = tpu.memref_slice %dma_wait3A_580[%dma_wait3A_581, %dma_wait3A_582] : memref<400x64xf32, #tpu.memory_space<vmem>> -> memref<50x64xf32, #tpu.memory_space<vmem>>
    %dma_wait3A_584 = arith.constant 0 : i32
    %dma_wait3A_585 = arith.constant 0 : i32
    %dma_wait3A_586 = tpu.memref_slice %arg4[%mul3A_4, %dma_wait3A_584, %dma_wait3A_585] : memref<16384x50x64xf32, #tpu.memory_space<hbm>> -> memref<1x50x64xf32, #tpu.memory_space<hbm>>
    %dma_wait3A_587 = tpu.memref_squeeze %dma_wait3A_586 : memref<1x50x64xf32, #tpu.memory_space<hbm>> -> memref<50x64xf32, #tpu.memory_space<hbm>>
    %dma_wait3A_588 = arith.constant 0 : i32
    %dma_wait3A_589 = arith.constant 0 : i32
    %dma_wait3A_590 = tpu.memref_slice %arg4[%mul3A_4, %dma_wait3A_588, %dma_wait3A_589] : memref<16384x50x64xf32, #tpu.memory_space<hbm>> -> memref<1x50x64xf32, #tpu.memory_space<hbm>>
    %dma_wait3A_591 = tpu.memref_squeeze %dma_wait3A_590 : memref<1x50x64xf32, #tpu.memory_space<hbm>> -> memref<50x64xf32, #tpu.memory_space<hbm>>
    %dma_wait3A_592 = arith.constant 0 : i32
    %dma_wait3A_593 = arith.constant 0 : i32
    %dma_wait3A_594 = tpu.memref_slice %arg6[%dma_wait3A_576, %dma_wait3A_592, %dma_wait3A_593] : memref<4x400x64xf32, #tpu.memory_space<vmem>> -> memref<1x400x64xf32, #tpu.memory_space<vmem>>
    %dma_wait3A_595 = tpu.memref_squeeze %dma_wait3A_594 : memref<1x400x64xf32, #tpu.memory_space<vmem>> -> memref<400x64xf32, #tpu.memory_space<vmem>>
    %dma_wait3A_596 = arith.constant 350 : i32
    %dma_wait3A_597 = arith.constant 0 : i32
    %dma_wait3A_598 = tpu.memref_slice %dma_wait3A_595[%dma_wait3A_596, %dma_wait3A_597] : memref<400x64xf32, #tpu.memory_space<vmem>> -> memref<50x64xf32, #tpu.memory_space<vmem>>
    tpu.wait_dma2 semaphore(%arg13 : memref<!tpu.dma_semaphore, #tpu.memory_space<semaphore_mem>>) src(%dma_wait3A_598 : memref<50x64xf32, #tpu.memory_space<vmem>>) dst(%dma_wait3A_591 : memref<50x64xf32, #tpu.memory_space<hbm>>)
    %dma_wait3A_599 = arith.constant 3 : i32
    %dma_wait3A_600 = arith.constant 0 : i32
    %dma_wait3A_601 = arith.constant 0 : i32
    %dma_wait3A_602 = tpu.memref_slice %arg6[%dma_wait3A_599, %dma_wait3A_600, %dma_wait3A_601] : memref<4x400x64xf32, #tpu.memory_space<vmem>> -> memref<1x400x64xf32, #tpu.memory_space<vmem>>
    %dma_wait3A_603 = tpu.memref_squeeze %dma_wait3A_602 : memref<1x400x64xf32, #tpu.memory_space<vmem>> -> memref<400x64xf32, #tpu.memory_space<vmem>>
    %dma_wait3A_604 = arith.constant 0 : i32
    %dma_wait3A_605 = arith.constant 0 : i32
    %dma_wait3A_606 = tpu.memref_slice %dma_wait3A_603[%dma_wait3A_604, %dma_wait3A_605] : memref<400x64xf32, #tpu.memory_space<vmem>> -> memref<50x64xf32, #tpu.memory_space<vmem>>
    %dma_wait3A_607 = arith.constant 0 : i32
    %dma_wait3A_608 = arith.constant 0 : i32
    %dma_wait3A_609 = tpu.memref_slice %arg4[%mul3A_4, %dma_wait3A_607, %dma_wait3A_608] : memref<16384x50x64xf32, #tpu.memory_space<hbm>> -> memref<1x50x64xf32, #tpu.memory_space<hbm>>
    %dma_wait3A_610 = tpu.memref_squeeze %dma_wait3A_609 : memref<1x50x64xf32, #tpu.memory_space<hbm>> -> memref<50x64xf32, #tpu.memory_space<hbm>>
    %dma_wait3A_611 = arith.constant 0 : i32
    %dma_wait3A_612 = arith.constant 0 : i32
    %dma_wait3A_613 = tpu.memref_slice %arg4[%mul3A_4, %dma_wait3A_611, %dma_wait3A_612] : memref<16384x50x64xf32, #tpu.memory_space<hbm>> -> memref<1x50x64xf32, #tpu.memory_space<hbm>>
    %dma_wait3A_614 = tpu.memref_squeeze %dma_wait3A_613 : memref<1x50x64xf32, #tpu.memory_space<hbm>> -> memref<50x64xf32, #tpu.memory_space<hbm>>
    %dma_wait3A_615 = arith.constant 0 : i32
    %dma_wait3A_616 = arith.constant 0 : i32
    %dma_wait3A_617 = tpu.memref_slice %arg6[%dma_wait3A_599, %dma_wait3A_615, %dma_wait3A_616] : memref<4x400x64xf32, #tpu.memory_space<vmem>> -> memref<1x400x64xf32, #tpu.memory_space<vmem>>
    %dma_wait3A_618 = tpu.memref_squeeze %dma_wait3A_617 : memref<1x400x64xf32, #tpu.memory_space<vmem>> -> memref<400x64xf32, #tpu.memory_space<vmem>>
    %dma_wait3A_619 = arith.constant 0 : i32
    %dma_wait3A_620 = arith.constant 0 : i32
    %dma_wait3A_621 = tpu.memref_slice %dma_wait3A_618[%dma_wait3A_619, %dma_wait3A_620] : memref<400x64xf32, #tpu.memory_space<vmem>> -> memref<50x64xf32, #tpu.memory_space<vmem>>
    tpu.wait_dma2 semaphore(%arg14 : memref<!tpu.dma_semaphore, #tpu.memory_space<semaphore_mem>>) src(%dma_wait3A_621 : memref<50x64xf32, #tpu.memory_space<vmem>>) dst(%dma_wait3A_614 : memref<50x64xf32, #tpu.memory_space<hbm>>)
    %dma_wait3A_622 = arith.constant 3 : i32
    %dma_wait3A_623 = arith.constant 0 : i32
    %dma_wait3A_624 = arith.constant 0 : i32
    %dma_wait3A_625 = tpu.memref_slice %arg6[%dma_wait3A_622, %dma_wait3A_623, %dma_wait3A_624] : memref<4x400x64xf32, #tpu.memory_space<vmem>> -> memref<1x400x64xf32, #tpu.memory_space<vmem>>
    %dma_wait3A_626 = tpu.memref_squeeze %dma_wait3A_625 : memref<1x400x64xf32, #tpu.memory_space<vmem>> -> memref<400x64xf32, #tpu.memory_space<vmem>>
    %dma_wait3A_627 = arith.constant 50 : i32
    %dma_wait3A_628 = arith.constant 0 : i32
    %dma_wait3A_629 = tpu.memref_slice %dma_wait3A_626[%dma_wait3A_627, %dma_wait3A_628] : memref<400x64xf32, #tpu.memory_space<vmem>> -> memref<50x64xf32, #tpu.memory_space<vmem>>
    %dma_wait3A_630 = arith.constant 0 : i32
    %dma_wait3A_631 = arith.constant 0 : i32
    %dma_wait3A_632 = tpu.memref_slice %arg4[%mul3A_4, %dma_wait3A_630, %dma_wait3A_631] : memref<16384x50x64xf32, #tpu.memory_space<hbm>> -> memref<1x50x64xf32, #tpu.memory_space<hbm>>
    %dma_wait3A_633 = tpu.memref_squeeze %dma_wait3A_632 : memref<1x50x64xf32, #tpu.memory_space<hbm>> -> memref<50x64xf32, #tpu.memory_space<hbm>>
    %dma_wait3A_634 = arith.constant 0 : i32
    %dma_wait3A_635 = arith.constant 0 : i32
    %dma_wait3A_636 = tpu.memref_slice %arg4[%mul3A_4, %dma_wait3A_634, %dma_wait3A_635] : memref<16384x50x64xf32, #tpu.memory_space<hbm>> -> memref<1x50x64xf32, #tpu.memory_space<hbm>>
    %dma_wait3A_637 = tpu.memref_squeeze %dma_wait3A_636 : memref<1x50x64xf32, #tpu.memory_space<hbm>> -> memref<50x64xf32, #tpu.memory_space<hbm>>
    %dma_wait3A_638 = arith.constant 0 : i32
    %dma_wait3A_639 = arith.constant 0 : i32
    %dma_wait3A_640 = tpu.memref_slice %arg6[%dma_wait3A_622, %dma_wait3A_638, %dma_wait3A_639] : memref<4x400x64xf32, #tpu.memory_space<vmem>> -> memref<1x400x64xf32, #tpu.memory_space<vmem>>
    %dma_wait3A_641 = tpu.memref_squeeze %dma_wait3A_640 : memref<1x400x64xf32, #tpu.memory_space<vmem>> -> memref<400x64xf32, #tpu.memory_space<vmem>>
    %dma_wait3A_642 = arith.constant 50 : i32
    %dma_wait3A_643 = arith.constant 0 : i32
    %dma_wait3A_644 = tpu.memref_slice %dma_wait3A_641[%dma_wait3A_642, %dma_wait3A_643] : memref<400x64xf32, #tpu.memory_space<vmem>> -> memref<50x64xf32, #tpu.memory_space<vmem>>
    tpu.wait_dma2 semaphore(%arg14 : memref<!tpu.dma_semaphore, #tpu.memory_space<semaphore_mem>>) src(%dma_wait3A_644 : memref<50x64xf32, #tpu.memory_space<vmem>>) dst(%dma_wait3A_637 : memref<50x64xf32, #tpu.memory_space<hbm>>)
    %dma_wait3A_645 = arith.constant 3 : i32
    %dma_wait3A_646 = arith.constant 0 : i32
    %dma_wait3A_647 = arith.constant 0 : i32
    %dma_wait3A_648 = tpu.memref_slice %arg6[%dma_wait3A_645, %dma_wait3A_646, %dma_wait3A_647] : memref<4x400x64xf32, #tpu.memory_space<vmem>> -> memref<1x400x64xf32, #tpu.memory_space<vmem>>
    %dma_wait3A_649 = tpu.memref_squeeze %dma_wait3A_648 : memref<1x400x64xf32, #tpu.memory_space<vmem>> -> memref<400x64xf32, #tpu.memory_space<vmem>>
    %dma_wait3A_650 = arith.constant 100 : i32
    %dma_wait3A_651 = arith.constant 0 : i32
    %dma_wait3A_652 = tpu.memref_slice %dma_wait3A_649[%dma_wait3A_650, %dma_wait3A_651] : memref<400x64xf32, #tpu.memory_space<vmem>> -> memref<50x64xf32, #tpu.memory_space<vmem>>
    %dma_wait3A_653 = arith.constant 0 : i32
    %dma_wait3A_654 = arith.constant 0 : i32
    %dma_wait3A_655 = tpu.memref_slice %arg4[%mul3A_4, %dma_wait3A_653, %dma_wait3A_654] : memref<16384x50x64xf32, #tpu.memory_space<hbm>> -> memref<1x50x64xf32, #tpu.memory_space<hbm>>
    %dma_wait3A_656 = tpu.memref_squeeze %dma_wait3A_655 : memref<1x50x64xf32, #tpu.memory_space<hbm>> -> memref<50x64xf32, #tpu.memory_space<hbm>>
    %dma_wait3A_657 = arith.constant 0 : i32
    %dma_wait3A_658 = arith.constant 0 : i32
    %dma_wait3A_659 = tpu.memref_slice %arg4[%mul3A_4, %dma_wait3A_657, %dma_wait3A_658] : memref<16384x50x64xf32, #tpu.memory_space<hbm>> -> memref<1x50x64xf32, #tpu.memory_space<hbm>>
    %dma_wait3A_660 = tpu.memref_squeeze %dma_wait3A_659 : memref<1x50x64xf32, #tpu.memory_space<hbm>> -> memref<50x64xf32, #tpu.memory_space<hbm>>
    %dma_wait3A_661 = arith.constant 0 : i32
    %dma_wait3A_662 = arith.constant 0 : i32
    %dma_wait3A_663 = tpu.memref_slice %arg6[%dma_wait3A_645, %dma_wait3A_661, %dma_wait3A_662] : memref<4x400x64xf32, #tpu.memory_space<vmem>> -> memref<1x400x64xf32, #tpu.memory_space<vmem>>
    %dma_wait3A_664 = tpu.memref_squeeze %dma_wait3A_663 : memref<1x400x64xf32, #tpu.memory_space<vmem>> -> memref<400x64xf32, #tpu.memory_space<vmem>>
    %dma_wait3A_665 = arith.constant 100 : i32
    %dma_wait3A_666 = arith.constant 0 : i32
    %dma_wait3A_667 = tpu.memref_slice %dma_wait3A_664[%dma_wait3A_665, %dma_wait3A_666] : memref<400x64xf32, #tpu.memory_space<vmem>> -> memref<50x64xf32, #tpu.memory_space<vmem>>
    tpu.wait_dma2 semaphore(%arg14 : memref<!tpu.dma_semaphore, #tpu.memory_space<semaphore_mem>>) src(%dma_wait3A_667 : memref<50x64xf32, #tpu.memory_space<vmem>>) dst(%dma_wait3A_660 : memref<50x64xf32, #tpu.memory_space<hbm>>)
    %dma_wait3A_668 = arith.constant 3 : i32
    %dma_wait3A_669 = arith.constant 0 : i32
    %dma_wait3A_670 = arith.constant 0 : i32
    %dma_wait3A_671 = tpu.memref_slice %arg6[%dma_wait3A_668, %dma_wait3A_669, %dma_wait3A_670] : memref<4x400x64xf32, #tpu.memory_space<vmem>> -> memref<1x400x64xf32, #tpu.memory_space<vmem>>
    %dma_wait3A_672 = tpu.memref_squeeze %dma_wait3A_671 : memref<1x400x64xf32, #tpu.memory_space<vmem>> -> memref<400x64xf32, #tpu.memory_space<vmem>>
    %dma_wait3A_673 = arith.constant 150 : i32
    %dma_wait3A_674 = arith.constant 0 : i32
    %dma_wait3A_675 = tpu.memref_slice %dma_wait3A_672[%dma_wait3A_673, %dma_wait3A_674] : memref<400x64xf32, #tpu.memory_space<vmem>> -> memref<50x64xf32, #tpu.memory_space<vmem>>
    %dma_wait3A_676 = arith.constant 0 : i32
    %dma_wait3A_677 = arith.constant 0 : i32
    %dma_wait3A_678 = tpu.memref_slice %arg4[%mul3A_4, %dma_wait3A_676, %dma_wait3A_677] : memref<16384x50x64xf32, #tpu.memory_space<hbm>> -> memref<1x50x64xf32, #tpu.memory_space<hbm>>
    %dma_wait3A_679 = tpu.memref_squeeze %dma_wait3A_678 : memref<1x50x64xf32, #tpu.memory_space<hbm>> -> memref<50x64xf32, #tpu.memory_space<hbm>>
    %dma_wait3A_680 = arith.constant 0 : i32
    %dma_wait3A_681 = arith.constant 0 : i32
    %dma_wait3A_682 = tpu.memref_slice %arg4[%mul3A_4, %dma_wait3A_680, %dma_wait3A_681] : memref<16384x50x64xf32, #tpu.memory_space<hbm>> -> memref<1x50x64xf32, #tpu.memory_space<hbm>>
    %dma_wait3A_683 = tpu.memref_squeeze %dma_wait3A_682 : memref<1x50x64xf32, #tpu.memory_space<hbm>> -> memref<50x64xf32, #tpu.memory_space<hbm>>
    %dma_wait3A_684 = arith.constant 0 : i32
    %dma_wait3A_685 = arith.constant 0 : i32
    %dma_wait3A_686 = tpu.memref_slice %arg6[%dma_wait3A_668, %dma_wait3A_684, %dma_wait3A_685] : memref<4x400x64xf32, #tpu.memory_space<vmem>> -> memref<1x400x64xf32, #tpu.memory_space<vmem>>
    %dma_wait3A_687 = tpu.memref_squeeze %dma_wait3A_686 : memref<1x400x64xf32, #tpu.memory_space<vmem>> -> memref<400x64xf32, #tpu.memory_space<vmem>>
    %dma_wait3A_688 = arith.constant 150 : i32
    %dma_wait3A_689 = arith.constant 0 : i32
    %dma_wait3A_690 = tpu.memref_slice %dma_wait3A_687[%dma_wait3A_688, %dma_wait3A_689] : memref<400x64xf32, #tpu.memory_space<vmem>> -> memref<50x64xf32, #tpu.memory_space<vmem>>
    tpu.wait_dma2 semaphore(%arg14 : memref<!tpu.dma_semaphore, #tpu.memory_space<semaphore_mem>>) src(%dma_wait3A_690 : memref<50x64xf32, #tpu.memory_space<vmem>>) dst(%dma_wait3A_683 : memref<50x64xf32, #tpu.memory_space<hbm>>)
    %dma_wait3A_691 = arith.constant 3 : i32
    %dma_wait3A_692 = arith.constant 0 : i32
    %dma_wait3A_693 = arith.constant 0 : i32
    %dma_wait3A_694 = tpu.memref_slice %arg6[%dma_wait3A_691, %dma_wait3A_692, %dma_wait3A_693] : memref<4x400x64xf32, #tpu.memory_space<vmem>> -> memref<1x400x64xf32, #tpu.memory_space<vmem>>
    %dma_wait3A_695 = tpu.memref_squeeze %dma_wait3A_694 : memref<1x400x64xf32, #tpu.memory_space<vmem>> -> memref<400x64xf32, #tpu.memory_space<vmem>>
    %dma_wait3A_696 = arith.constant 200 : i32
    %dma_wait3A_697 = arith.constant 0 : i32
    %dma_wait3A_698 = tpu.memref_slice %dma_wait3A_695[%dma_wait3A_696, %dma_wait3A_697] : memref<400x64xf32, #tpu.memory_space<vmem>> -> memref<50x64xf32, #tpu.memory_space<vmem>>
    %dma_wait3A_699 = arith.constant 0 : i32
    %dma_wait3A_700 = arith.constant 0 : i32
    %dma_wait3A_701 = tpu.memref_slice %arg4[%mul3A_4, %dma_wait3A_699, %dma_wait3A_700] : memref<16384x50x64xf32, #tpu.memory_space<hbm>> -> memref<1x50x64xf32, #tpu.memory_space<hbm>>
    %dma_wait3A_702 = tpu.memref_squeeze %dma_wait3A_701 : memref<1x50x64xf32, #tpu.memory_space<hbm>> -> memref<50x64xf32, #tpu.memory_space<hbm>>
    %dma_wait3A_703 = arith.constant 0 : i32
    %dma_wait3A_704 = arith.constant 0 : i32
    %dma_wait3A_705 = tpu.memref_slice %arg4[%mul3A_4, %dma_wait3A_703, %dma_wait3A_704] : memref<16384x50x64xf32, #tpu.memory_space<hbm>> -> memref<1x50x64xf32, #tpu.memory_space<hbm>>
    %dma_wait3A_706 = tpu.memref_squeeze %dma_wait3A_705 : memref<1x50x64xf32, #tpu.memory_space<hbm>> -> memref<50x64xf32, #tpu.memory_space<hbm>>
    %dma_wait3A_707 = arith.constant 0 : i32
    %dma_wait3A_708 = arith.constant 0 : i32
    %dma_wait3A_709 = tpu.memref_slice %arg6[%dma_wait3A_691, %dma_wait3A_707, %dma_wait3A_708] : memref<4x400x64xf32, #tpu.memory_space<vmem>> -> memref<1x400x64xf32, #tpu.memory_space<vmem>>
    %dma_wait3A_710 = tpu.memref_squeeze %dma_wait3A_709 : memref<1x400x64xf32, #tpu.memory_space<vmem>> -> memref<400x64xf32, #tpu.memory_space<vmem>>
    %dma_wait3A_711 = arith.constant 200 : i32
    %dma_wait3A_712 = arith.constant 0 : i32
    %dma_wait3A_713 = tpu.memref_slice %dma_wait3A_710[%dma_wait3A_711, %dma_wait3A_712] : memref<400x64xf32, #tpu.memory_space<vmem>> -> memref<50x64xf32, #tpu.memory_space<vmem>>
    tpu.wait_dma2 semaphore(%arg14 : memref<!tpu.dma_semaphore, #tpu.memory_space<semaphore_mem>>) src(%dma_wait3A_713 : memref<50x64xf32, #tpu.memory_space<vmem>>) dst(%dma_wait3A_706 : memref<50x64xf32, #tpu.memory_space<hbm>>)
    %dma_wait3A_714 = arith.constant 3 : i32
    %dma_wait3A_715 = arith.constant 0 : i32
    %dma_wait3A_716 = arith.constant 0 : i32
    %dma_wait3A_717 = tpu.memref_slice %arg6[%dma_wait3A_714, %dma_wait3A_715, %dma_wait3A_716] : memref<4x400x64xf32, #tpu.memory_space<vmem>> -> memref<1x400x64xf32, #tpu.memory_space<vmem>>
    %dma_wait3A_718 = tpu.memref_squeeze %dma_wait3A_717 : memref<1x400x64xf32, #tpu.memory_space<vmem>> -> memref<400x64xf32, #tpu.memory_space<vmem>>
    %dma_wait3A_719 = arith.constant 250 : i32
    %dma_wait3A_720 = arith.constant 0 : i32
    %dma_wait3A_721 = tpu.memref_slice %dma_wait3A_718[%dma_wait3A_719, %dma_wait3A_720] : memref<400x64xf32, #tpu.memory_space<vmem>> -> memref<50x64xf32, #tpu.memory_space<vmem>>
    %dma_wait3A_722 = arith.constant 0 : i32
    %dma_wait3A_723 = arith.constant 0 : i32
    %dma_wait3A_724 = tpu.memref_slice %arg4[%mul3A_4, %dma_wait3A_722, %dma_wait3A_723] : memref<16384x50x64xf32, #tpu.memory_space<hbm>> -> memref<1x50x64xf32, #tpu.memory_space<hbm>>
    %dma_wait3A_725 = tpu.memref_squeeze %dma_wait3A_724 : memref<1x50x64xf32, #tpu.memory_space<hbm>> -> memref<50x64xf32, #tpu.memory_space<hbm>>
    %dma_wait3A_726 = arith.constant 0 : i32
    %dma_wait3A_727 = arith.constant 0 : i32
    %dma_wait3A_728 = tpu.memref_slice %arg4[%mul3A_4, %dma_wait3A_726, %dma_wait3A_727] : memref<16384x50x64xf32, #tpu.memory_space<hbm>> -> memref<1x50x64xf32, #tpu.memory_space<hbm>>
    %dma_wait3A_729 = tpu.memref_squeeze %dma_wait3A_728 : memref<1x50x64xf32, #tpu.memory_space<hbm>> -> memref<50x64xf32, #tpu.memory_space<hbm>>
    %dma_wait3A_730 = arith.constant 0 : i32
    %dma_wait3A_731 = arith.constant 0 : i32
    %dma_wait3A_732 = tpu.memref_slice %arg6[%dma_wait3A_714, %dma_wait3A_730, %dma_wait3A_731] : memref<4x400x64xf32, #tpu.memory_space<vmem>> -> memref<1x400x64xf32, #tpu.memory_space<vmem>>
    %dma_wait3A_733 = tpu.memref_squeeze %dma_wait3A_732 : memref<1x400x64xf32, #tpu.memory_space<vmem>> -> memref<400x64xf32, #tpu.memory_space<vmem>>
    %dma_wait3A_734 = arith.constant 250 : i32
    %dma_wait3A_735 = arith.constant 0 : i32
    %dma_wait3A_736 = tpu.memref_slice %dma_wait3A_733[%dma_wait3A_734, %dma_wait3A_735] : memref<400x64xf32, #tpu.memory_space<vmem>> -> memref<50x64xf32, #tpu.memory_space<vmem>>
    tpu.wait_dma2 semaphore(%arg14 : memref<!tpu.dma_semaphore, #tpu.memory_space<semaphore_mem>>) src(%dma_wait3A_736 : memref<50x64xf32, #tpu.memory_space<vmem>>) dst(%dma_wait3A_729 : memref<50x64xf32, #tpu.memory_space<hbm>>)
    %dma_wait3A_737 = arith.constant 3 : i32
    %dma_wait3A_738 = arith.constant 0 : i32
    %dma_wait3A_739 = arith.constant 0 : i32
    %dma_wait3A_740 = tpu.memref_slice %arg6[%dma_wait3A_737, %dma_wait3A_738, %dma_wait3A_739] : memref<4x400x64xf32, #tpu.memory_space<vmem>> -> memref<1x400x64xf32, #tpu.memory_space<vmem>>
    %dma_wait3A_741 = tpu.memref_squeeze %dma_wait3A_740 : memref<1x400x64xf32, #tpu.memory_space<vmem>> -> memref<400x64xf32, #tpu.memory_space<vmem>>
    %dma_wait3A_742 = arith.constant 300 : i32
    %dma_wait3A_743 = arith.constant 0 : i32
    %dma_wait3A_744 = tpu.memref_slice %dma_wait3A_741[%dma_wait3A_742, %dma_wait3A_743] : memref<400x64xf32, #tpu.memory_space<vmem>> -> memref<50x64xf32, #tpu.memory_space<vmem>>
    %dma_wait3A_745 = arith.constant 0 : i32
    %dma_wait3A_746 = arith.constant 0 : i32
    %dma_wait3A_747 = tpu.memref_slice %arg4[%mul3A_4, %dma_wait3A_745, %dma_wait3A_746] : memref<16384x50x64xf32, #tpu.memory_space<hbm>> -> memref<1x50x64xf32, #tpu.memory_space<hbm>>
    %dma_wait3A_748 = tpu.memref_squeeze %dma_wait3A_747 : memref<1x50x64xf32, #tpu.memory_space<hbm>> -> memref<50x64xf32, #tpu.memory_space<hbm>>
    %dma_wait3A_749 = arith.constant 0 : i32
    %dma_wait3A_750 = arith.constant 0 : i32
    %dma_wait3A_751 = tpu.memref_slice %arg4[%mul3A_4, %dma_wait3A_749, %dma_wait3A_750] : memref<16384x50x64xf32, #tpu.memory_space<hbm>> -> memref<1x50x64xf32, #tpu.memory_space<hbm>>
    %dma_wait3A_752 = tpu.memref_squeeze %dma_wait3A_751 : memref<1x50x64xf32, #tpu.memory_space<hbm>> -> memref<50x64xf32, #tpu.memory_space<hbm>>
    %dma_wait3A_753 = arith.constant 0 : i32
    %dma_wait3A_754 = arith.constant 0 : i32
    %dma_wait3A_755 = tpu.memref_slice %arg6[%dma_wait3A_737, %dma_wait3A_753, %dma_wait3A_754] : memref<4x400x64xf32, #tpu.memory_space<vmem>> -> memref<1x400x64xf32, #tpu.memory_space<vmem>>
    %dma_wait3A_756 = tpu.memref_squeeze %dma_wait3A_755 : memref<1x400x64xf32, #tpu.memory_space<vmem>> -> memref<400x64xf32, #tpu.memory_space<vmem>>
    %dma_wait3A_757 = arith.constant 300 : i32
    %dma_wait3A_758 = arith.constant 0 : i32
    %dma_wait3A_759 = tpu.memref_slice %dma_wait3A_756[%dma_wait3A_757, %dma_wait3A_758] : memref<400x64xf32, #tpu.memory_space<vmem>> -> memref<50x64xf32, #tpu.memory_space<vmem>>
    tpu.wait_dma2 semaphore(%arg14 : memref<!tpu.dma_semaphore, #tpu.memory_space<semaphore_mem>>) src(%dma_wait3A_759 : memref<50x64xf32, #tpu.memory_space<vmem>>) dst(%dma_wait3A_752 : memref<50x64xf32, #tpu.memory_space<hbm>>)
    %dma_wait3A_760 = arith.constant 3 : i32
    %dma_wait3A_761 = arith.constant 0 : i32
    %dma_wait3A_762 = arith.constant 0 : i32
    %dma_wait3A_763 = tpu.memref_slice %arg6[%dma_wait3A_760, %dma_wait3A_761, %dma_wait3A_762] : memref<4x400x64xf32, #tpu.memory_space<vmem>> -> memref<1x400x64xf32, #tpu.memory_space<vmem>>
    %dma_wait3A_764 = tpu.memref_squeeze %dma_wait3A_763 : memref<1x400x64xf32, #tpu.memory_space<vmem>> -> memref<400x64xf32, #tpu.memory_space<vmem>>
    %dma_wait3A_765 = arith.constant 350 : i32
    %dma_wait3A_766 = arith.constant 0 : i32
    %dma_wait3A_767 = tpu.memref_slice %dma_wait3A_764[%dma_wait3A_765, %dma_wait3A_766] : memref<400x64xf32, #tpu.memory_space<vmem>> -> memref<50x64xf32, #tpu.memory_space<vmem>>
    %dma_wait3A_768 = arith.constant 0 : i32
    %dma_wait3A_769 = arith.constant 0 : i32
    %dma_wait3A_770 = tpu.memref_slice %arg4[%mul3A_4, %dma_wait3A_768, %dma_wait3A_769] : memref<16384x50x64xf32, #tpu.memory_space<hbm>> -> memref<1x50x64xf32, #tpu.memory_space<hbm>>
    %dma_wait3A_771 = tpu.memref_squeeze %dma_wait3A_770 : memref<1x50x64xf32, #tpu.memory_space<hbm>> -> memref<50x64xf32, #tpu.memory_space<hbm>>
    %dma_wait3A_772 = arith.constant 0 : i32
    %dma_wait3A_773 = arith.constant 0 : i32
    %dma_wait3A_774 = tpu.memref_slice %arg4[%mul3A_4, %dma_wait3A_772, %dma_wait3A_773] : memref<16384x50x64xf32, #tpu.memory_space<hbm>> -> memref<1x50x64xf32, #tpu.memory_space<hbm>>
    %dma_wait3A_775 = tpu.memref_squeeze %dma_wait3A_774 : memref<1x50x64xf32, #tpu.memory_space<hbm>> -> memref<50x64xf32, #tpu.memory_space<hbm>>
    %dma_wait3A_776 = arith.constant 0 : i32
    %dma_wait3A_777 = arith.constant 0 : i32
    %dma_wait3A_778 = tpu.memref_slice %arg6[%dma_wait3A_760, %dma_wait3A_776, %dma_wait3A_777] : memref<4x400x64xf32, #tpu.memory_space<vmem>> -> memref<1x400x64xf32, #tpu.memory_space<vmem>>
    %dma_wait3A_779 = tpu.memref_squeeze %dma_wait3A_778 : memref<1x400x64xf32, #tpu.memory_space<vmem>> -> memref<400x64xf32, #tpu.memory_space<vmem>>
    %dma_wait3A_780 = arith.constant 350 : i32
    %dma_wait3A_781 = arith.constant 0 : i32
    %dma_wait3A_782 = tpu.memref_slice %dma_wait3A_779[%dma_wait3A_780, %dma_wait3A_781] : memref<400x64xf32, #tpu.memory_space<vmem>> -> memref<50x64xf32, #tpu.memory_space<vmem>>
    tpu.wait_dma2 semaphore(%arg14 : memref<!tpu.dma_semaphore, #tpu.memory_space<semaphore_mem>>) src(%dma_wait3A_782 : memref<50x64xf32, #tpu.memory_space<vmem>>) dst(%dma_wait3A_775 : memref<50x64xf32, #tpu.memory_space<hbm>>)
    return
  }
}

</mosaic_0001>

<sc_bundles>
// kernel: _embed_lookup.3.cloned.1.call-start
scs
__scs_entry_jumppad:
0x0: {  	(pc) =	sbr.rel $0x88, $3  }
0x1: {  	(tag) =	ssettag $0x0;
	lr =	simm.s32 $0x1  }
0x2: {  	[smem:$0x3F9F] =	sst lr;
	_ =	strace $0xD0000000  }
0x3: {  	_ = 	snop  }
0x4: {  	_ = 	snop  }
0x5: {  	_ = 	snop  }
0x6: {  	_ = 	snop  }
0x7: {  	_ = 	snop  }
__scs_overlays_trampoline_lowered:
0x8: {  	[smem:$0x3FAE] =	sst s0  }
0x9: {  	[smem:$0x3FAF] =	sst s1  }
0xa: {  	[smem:$0x3FB0] =	sst s2  }
0xb: {  	[smem:$0x3FB1] =	sst s3  }
0xc: {  	[smem:$0x3FB2] =	sst s4  }
0xd: {  	[smem:$0x3FB3] =	sst s5  }
0xe: {  	[smem:$0x3FB4] =	sst s6  }
0xf: {  	[smem:$0x3FB5] =	sst s7  }
0x10: {  	[smem:$0x3FB6] =	sst s8  }
0x11: {  	[smem:$0x3FB7] =	sst s9;
	s0 =	simm.s32 @!p0 $0x0  }
0x12: {  	s1 =	sld [smem:$0x3F9D];
	s0 =	simm.s32 @p0 $0x1  }
0x13: {  	[smem:$0x3FB8] =	sst s0;
	s0 =	simm.s32 @!p1 $0x0  }
0x14: {  	s2 =	sld [smem:$0x3F9C];
	s0 =	simm.s32 @p1 $0x1  }
0x15: {  	[smem:$0x3FB9] =	sst s0;
	s0 =	simm.s32 @!p2 $0x0  }
0x16: {  	s3 =	sld [smem:$0x3FDB];
	s0 =	simm.s32 @p2 $0x1  }
0x17: {  	s4 =	simm.s32 $0x1BF5;
	[smem:$0x3FBB] =	sst s0  }
0x18: {  	s0 =	sld [smem:$0x3F9E];
	_ =	swait.ge [sflag:s4], $0x0  }
0x19: {  	s7 =	sld [smem:$0x3F9F]  }
0x1a: {  	s8 =	sadd.s32 $0xFFFFE003, lr  }
0x1b: {  	s9 =	sadd.s32 $0xFFFFFEF7, lr;
	s5 =	simm.s32 $0xFFFFFFFF;
	p2 =	slt.u32 s8, $0xFFFFF086  }
0x1c: {  	p1 =	slt.u32 s9, $0xF7A;
	s5 =	simm.s32 @!p2 $0x0  }
0x1d: {  	s5 =	simm.s32 @p1 $0x1;
	p0 =	seq.s32 s7, s2  }
0x1e: {  	s7 =	smul.u32 @!p0 $0xF7A, s2;
	p2 =	seq.s32 @!p0 s5, $0x0  }
0x1f: {  	s9 =	smul.u32 $0xF7A, s1;
	s8 =	simm.s32 @!p0 $0x1BF5;
	p2 =	por !p2, p0  }
0x20: {  	[sflag:s8] =	ssyncset.s32 @!p0 $0xFFFFF086;
	s6 =	sadd.s32 @!p0 s3, s7;
	s7 =	simm.s32 @!p0 $0x108  }
0x21: {  	s3 =	sadd.s32 s3, s9;
	s6 =	sadd.s32 @!p0 $0x88, s6;
	s7 =	simm.s32 @p2 $0x1082  }
0x22: {  	[simem:s7], [sflag:s8] =	dma.local @!p0 [hbm:s6], $0xF7A  }
0x23: {  	s9 =	sor.u32 $0xD0000000, s2;
	s6 =	simm.s32 $0x108;
	_ =	swait.ge @!p0 [sflag:s8], $0x0  }
0x24: {  	s3 =	sadd.s32 $0x88, s3;
	s6 =	simm.s32 @!p1 $0x1082;
	[sflag:s4] =	ssyncset.s32 $0xFFFFF086  }
0x25: {  	[simem:s6], [sflag:s4] =	dma.local [hbm:s3], $0xF7A  }
0x26: {  	[smem:$0x3F9F] =	sst s1;
	(tag) =	ssettag s2;
	_ =	strace s9  }
0x27: {  	s1 =	sld [smem:$0x3FAF]  }
0x28: {  	s2 =	sld [smem:$0x3FB0]  }
0x29: {  	s4 =	sld [smem:$0x3FB2]  }
0x2a: {  	p0 =	seq.s32 s5, $0x0;
	s5 =	sld [smem:$0x3FB3]  }
0x2b: {  	s6 =	sld [smem:$0x3FB4]  }
0x2c: {  	s7 =	sld [smem:$0x3FB5]  }
0x2d: {  	s3 =	simm.s32 $0x108;
	s8 =	sld [smem:$0x3FB6]  }
0x2e: {  	s3 =	simm.s32 @!p0 $0x1082;
	s9 =	sld [smem:$0x3FB7]  }
0x2f: {  	lr =	sadd.s32 s0, s3;
	s0 =	sld [smem:$0x3FAE]  }
0x30: {  	s3 =	sld [smem:$0x3FB1]  }
0x31: {  	[smem:$0x3FBA] =	sst s10  }
0x32: {  	s10 =	sld [smem:$0x3FB8];
	_ =	sdelay $0x3  }
0x33: {  	p0 =	seq.s32 s10, $0x1;
	s10 =	sld [smem:$0x3FBA];
	_ =	sdelay $0x3  }
0x34: {  	[smem:$0x3FBA] =	sst s10  }
0x35: {  	s10 =	sld [smem:$0x3FB9];
	_ =	sdelay $0x3  }
0x36: {  	p1 =	seq.s32 s10, $0x1;
	s10 =	sld [smem:$0x3FBA];
	_ =	sdelay $0x3  }
0x37: {  	[smem:$0x3FBA] =	sst s10  }
0x38: {  	s10 =	sld [smem:$0x3FBB]  }
0x39: {  	_ = 	snop;
	(pc) =	sbr.ind lr, $3  }
0x3a: {  	_ = 	snop  }
0x3b: {  	_ = 	snop  }
0x3c: {  	p2 =	seq.s32 s10, $0x1;
	s10 =	sld [smem:$0x3FBA]  }
0x3d: {  	_ =	shalt  }
0x3e: {  	_ =	shalt  }
0x3f: {  	_ =	shalt  }
0x40: {  	_ =	shalt  }
0x41: {  	_ =	shalt  }
0x42: {  	_ =	shalt  }
0x43: {  	_ =	shalt  }
0x44: {  	_ =	shalt  }
0x45: {  	_ =	shalt  }
0x46: {  	_ =	shalt  }
0x47: {  	_ =	shalt  }
0x48: {  	_ =	shalt  }
0x49: {  	_ =	shalt  }
0x4a: {  	_ =	shalt  }
0x4b: {  	_ =	shalt  }
0x4c: {  	_ =	shalt  }
0x4d: {  	_ =	shalt  }
0x4e: {  	_ =	shalt  }
0x4f: {  	_ =	shalt  }
0x50: {  	_ =	shalt  }
0x51: {  	_ =	shalt  }
0x52: {  	_ =	shalt  }
0x53: {  	_ =	shalt  }
0x54: {  	_ =	shalt  }
0x55: {  	_ =	shalt  }
0x56: {  	_ =	shalt  }
0x57: {  	_ =	shalt  }
0x58: {  	_ =	shalt  }
0x59: {  	_ =	shalt  }
0x5a: {  	_ =	shalt  }
0x5b: {  	_ =	shalt  }
0x5c: {  	_ =	shalt  }
0x5d: {  	_ =	shalt  }
0x5e: {  	_ =	shalt  }
0x5f: {  	_ =	shalt  }
0x60: {  	_ =	shalt  }
0x61: {  	_ =	shalt  }
0x62: {  	_ =	shalt  }
0x63: {  	_ =	shalt  }
0x64: {  	_ =	shalt  }
0x65: {  	_ =	shalt  }
0x66: {  	_ =	shalt  }
0x67: {  	_ =	shalt  }
0x68: {  	_ =	shalt  }
0x69: {  	_ =	shalt  }
0x6a: {  	_ =	shalt  }
0x6b: {  	_ =	shalt  }
0x6c: {  	_ =	shalt  }
0x6d: {  	_ =	shalt  }
0x6e: {  	_ =	shalt  }
0x6f: {  	_ =	shalt  }
0x70: {  	_ =	shalt  }
0x71: {  	_ =	shalt  }
0x72: {  	_ =	shalt  }
0x73: {  	_ =	shalt  }
0x74: {  	_ =	shalt  }
0x75: {  	_ =	shalt  }
0x76: {  	_ =	shalt  }
0x77: {  	_ =	shalt  }
0x78: {  	_ =	shalt  }
0x79: {  	_ =	shalt  }
0x7a: {  	_ =	shalt  }
0x7b: {  	_ =	shalt  }
0x7c: {  	_ =	shalt  }
0x7d: {  	_ =	shalt  }
0x7e: {  	_ =	shalt  }
0x7f: {  	_ =	shalt  }
0x80: {  	_ =	shalt  }
0x81: {  	_ =	shalt  }
0x82: {  	_ =	shalt  }
0x83: {  	_ =	shalt  }
0x84: {  	_ =	shalt  }
0x85: {  	_ =	shalt  }
0x86: {  	_ =	shalt  }
0x87: {  	_ =	shalt  }
.Lfunc_end0:
.L_simem_size_0:
called_computation.1_lowered:
.L_overlay_start_0:
0x88: {  	s2 =	sld [smem:$0x3FD9]  }
0x89: {  	s3 =	sld [smem:$0x3FFE];
	_ =	sdelay $0x1  }
0x8a: {  	s1 =	srdreg.scid  }
0x8b: {  	s0 =	sand.u32 $0x1, s1  }
0x8c: {  	s17 =	sshll.u32 s0, $0xA;
	s2 =	sadd.s32 s3, s2  }
0x8d: {  	s2 =	sadd.s32 s2, s17  }
0x8e: {  	[smem:$0x3FC6] =	sst s2  }
0x8f: {  	_ = 	snop  }
0x90: {  	s2 =	sld [smem:$0x3FC9]  }
0x91: {  	s18 =	sld [smem:$0x3FD0];
	(tm) =	ssettm $0x1  }
0x92: {  	s4 =	sld [smem:$0x3FFB];
	_ =	sdelay $0x3  }
0x93: {  	_ =	strace s4  }
0x94: {  	s4 =	sld [smem:$0x3FFC];
	_ =	sdelay $0x3  }
0x95: {  	_ =	strace s4  }
0x96: {  	s4 =	sld [smem:$0x3FFD];
	_ =	sdelay $0x3  }
0x97: {  	_ =	strace s4  }
0x98: {  	_ =	strace $0x8FFFFFFF  }
0x99: {  	s19 =	sld [smem:$0x3FDB];
	_ =	sdelay $0x1  }
0x9a: {  	s5 =	simm.s32 $_scs_section_size  }
0x9b: {  	s6 =	simm.s32 $_size__tile_overlayer_lowered;
	s7 =	simm.s32 $_tile_overlayer_lowered  }
0x9c: {  	s22 =	simm.s32 $0x1BFF;
	s21 =	sshll.u32 s7, $0x1;
	s4 =	sadd.s32 s5, s19  }
0x9d: {  	s8 =	simm.s32 $0x0;
	s20 =	sshll.u32 s6, $0x1;
	s6 =	sadd.s32 s21, s4  }
0x9e: {  	[timem:s8], [sflag:s22] =	dma.local [hbm:s6], s20  }
0x9f: {  	_ =	swait.ge [sflag:s22], s20  }
0xa0: {  	s5 =	ssub.s32 $0x0, s20;
	[sflag:s22] =	ssyncset.done $0x0  }
0xa1: {  	[sflag:s22] =	ssyncadd.s32 s5;
	_ =	sdelay $0x1  }
0xa2: {  	s23 =	simm.s32 $0x1B8B  }
0xa3: {  	_ =	swait.ge [sflag:s23], $0x1  }
0xa4: {  	[sflag:s23] =	ssyncset.done $0x0  }
0xa5: {  	s25 =	simm.s32 $0x1B8E;
	s24 =	sld [smem:$0x3FFE];
	[sflag:s23] =	ssyncadd.s32 $0xFFFFFFFF  }
0xa6: {  	s26 =	simm.s32 $execute0_lowered;
	[smem:$0x3FD2] =	sst s25  }
0xa7: {  	s6 =	sshll.u32 s26, $0x1;
	_ =	strace $0x80000046;
	[dreg:$0x1] =	wrdreg $0xFFFFFFFF  }
0xa8: {  	s28 =	simm.s32 $_size_execute0_lowered;
	s4 =	sadd.s32 s4, s6;
	[dreg:$0x0] =	wrdreg $0x0  }
0xa9: {  	s6 =	sshll.u32 s28, $0x1;
	[dreg:$0x2] =	wrdreg s4  }
0xaa: {  	[dreg:$0x3] =	wrdreg s6  }
0xab: {  	[dreg:$0x4] =	wrdreg $0xC0  }
0xac: {  	_ =	task [dreg:s8], $0x5FFFF  }
0xad: {  	[dreg:$0x1] =	wrdreg $0xFFFFFFFF  }
0xae: {  	[dreg:$0x0] =	wrdreg $0x60  }
0xaf: {  	[dreg:$0x2] =	wrdreg s2  }
0xb0: {  	[dreg:$0x3] =	wrdreg s24  }
0xb1: {  	[dreg:$0x4] =	wrdreg s18  }
0xb2: {  	[dreg:$0x5] =	wrdreg $0x9  }
0xb3: {  	_ =	task.clear_ibuf [dreg:s8], $0x6FFFF;
	_ =	strace $0x90000046  }
0xb4: {  	s29 =	simm.s32 $0x9;
	_ =	strace $0x80000048  }
0xb5: {  	_ =	swait.ge [sflag:s29], $0x1  }
0xb6: {  	[sflag:s29] =	ssyncadd.s32 $0xFFFFFFFF  }
0xb7: {  	_ =	strace $0x90000048  }
0xb8: {  	_ =	sfence  }
0xb9: {  	s30 =	sld [smem:$0x0];
	_ =	sdelay $0x2  }
0xba: {  	s31 =	sshll.u32 s1, $0xD;
	s1 =	sshrl.u32 s1, $0x2  }
0xbb: {  	s3 =	sand.u32 $0x4000, s31;
	s1 =	sadd.s32 s1, s30  }
0xbc: {  	s0 =	sor.u32 s3, s0;
	s1 =	sshll.u32 s1, $0x11  }
0xbd: {  	s0 =	sor.u32 s1, s0  }
0xbe: {  	s0 =	sadd.s32 $0x8F2B, s0  }
0xbf: {  	[sflag:s0] =	ssyncadd.remote.s32 $0x1  }
0xc0: {  	_ =	sfence.sel $0xFFFF  }
0xc1: {  	[dreg:$0x0] =	wrdreg $0xFFFFFFFF;
	(pc) =	sbr.abs _section_cstart, $3  }
0xc2: {  	[dreg:$0x1] =	wrdreg $0xFFFFFFFF  }
0xc3: {  	_ =	task.clear_ibuf [dreg:s8], $0x2FFFF;
	_ =	strace $0x9FFFFFFF  }
0xc4: {  	(tm) =	ssettm $0x7FFFFFFF  }
0xc5: {  	_ =	shalt  }
tec
execute0_lowered:
.L_overlay_start_1:
0x0: {  	(tag) =	ssettag $0x1  }
0x1: {  	s0 =	srdreg.scid;
	s11 =	stileid.u32  }
0x2: {  	s4 =	rddreg [dreg:$0x0];
	s2 =	smul.u32 $0x320000, s11  }
0x3: {  	s1 =	simm.s32 $0x0;
	s5 =	sand.u32 $0x1, s0;
	s21 =	smul.u32 $0x64000, s11  }
0x4: {  	s0 =	rddreg [dreg:$0x2];
	s7 =	sshll.u32 s11, $0x1;
	s3 =	smul.u32 $0x190000, s5  }
0x5: {  	s6 =	ssub.s32 $0x2, s5;
	s7 =	sor.u32 s5, s7;
	s5 =	smul.u32 $0x32000, s5  }
0x6: {  	[smem:$0x7FF] =	sst s1;
	s8 =	sshrl.u32 s6, $0x1;
	s7 =	smul.u32 $0xC80, s7  }
0x7: {  	s23 =	sadd.s32 s21, s0;
	s3 =	sadd.s32 s3, s2;
	s2 =	ssub.s32 s6, s8  }
0x8: {  	s9 =	sadd.s32 $0x11F80, s3;
	s10 =	sadd.s32 $0x11300, s3;
	s4 =	sadd.s32 s4, s7  }
0x9: {  	s14 =	sadd.s32 $0x10680, s3;
	s15 =	sor.u32 $0xFA00, s3;
	s16 =	sor.u32 $0xED80, s3  }
0xa: {  	s19 =	sor.u32 $0xE100, s3;
	s20 =	sor.u32 $0xD480, s3;
	s24 =	sor.u32 $0xBB80, s3  }
0xb: {  	s25 =	sor.u32 $0xAF00, s3;
	s26 =	sor.u32 $0xA280, s3;
	s8 =	sor.u32 $0x8980, s3  }
0xc: {  	s11 =	sor.u32 $0x7080, s3;
	s21 =	sor.u32 $0x3200, s3;
	s2 =	smax.u32 s2, $0x1  }
0xd: {  	s9 =	sshrl.u32 s9, $0x3;
	s10 =	sshrl.u32 s10, $0x3;
	[dreg:$0x4] =	wrdreg s4  }
0xe: {  	s4 =	sshrl.u32 s14, $0x3;
	s6 =	sshrl.u32 s15, $0x3;
	s12 =	sadd.s32 s9, s0  }
0xf: {  	s7 =	sshrl.u32 s16, $0x3;
	s13 =	sadd.s32 s10, s0;
	[dreg:$0x5] =	wrdreg s12  }
0x10: {  	s4 =	sadd.s32 s4, s0;
	s17 =	sadd.s32 s6, s0;
	[dreg:$0x6] =	wrdreg s13  }
0x11: {  	s18 =	sadd.s32 s7, s0;
	s6 =	sshrl.u32 s20, $0x3;
	[dreg:$0x7] =	wrdreg s4  }
0x12: {  	s7 =	sor.u32 $0x9600, s3;
	s9 =	sor.u32 $0x7D00, s3;
	[dreg:$0x8] =	wrdreg s17  }
0x13: {  	s20 =	sor.u32 $0x3E80, s3;
	[dreg:$0x9] =	wrdreg s18;
	s4 =	sshrl.u32 s19, $0x3  }
0x14: {  	s22 =	sadd.s32 s6, s0;
	s6 =	sshrl.u32 s26, $0x3;
	s10 =	sshrl.u32 s9, $0x3  }
0x15: {  	s12 =	sor.u32 $0x5780, s3;
	s13 =	sor.u32 $0x4B00, s3;
	s26 =	sadd.s32 $0x17700, s3  }
0x16: {  	s9 =	sadd.s32 $0x15E00, s3;
	s4 =	sadd.s32 s4, s0;
	[dreg:$0xb] =	wrdreg s22  }
0x17: {  	s16 =	sadd.s32 s10, s0;
	s19 =	sshrl.u32 s13, $0x3;
	s13 =	rddreg [dreg:$0x1]  }
0x18: {  	s22 =	sor.u32 $0x2580, s3;
	s10 =	sadd.s32 $0x15180, s3;
	[dreg:$0xa] =	wrdreg s4  }
0x19: {  	s4 =	sadd.s32 s5, s23;
	s5 =	sshrl.u32 s25, $0x3;
	s19 =	sadd.s32 s19, s0  }
0x1a: {  	s23 =	sshrl.u32 s22, $0x3;
	s25 =	sadd.s32 $0x18380, s3;
	[dreg:$0xc] =	wrdreg s4  }
0x1b: {  	s4 =	sshrl.u32 s24, $0x3;
	s5 =	sadd.s32 s5, s0;
	s22 =	sadd.s32 s23, s0  }
0x1c: {  	s24 =	sor.u32 $0x1900, s3;
	s4 =	sadd.s32 s4, s0;
	[dreg:$0xe] =	wrdreg s5  }
0x1d: {  	s5 =	sshrl.u32 s8, $0x3;
	s8 =	sadd.s32 $0x16A80, s3;
	[dreg:$0xd] =	wrdreg s4  }
0x1e: {  	s4 =	sadd.s32 s6, s0;
	s15 =	sadd.s32 s5, s0;
	s5 =	sshrl.u32 s12, $0x3  }
0x1f: {  	s12 =	sadd.s32 $0x14500, s3;
	s3 =	sadd.s32 $0x13880, s3;
	s6 =	simm.s32 $0x4  }
0x20: {  	[dreg:$0xf] =	wrdreg s4;
	s4 =	sshrl.u32 s7, $0x3;
	s18 =	sadd.s32 s5, s0  }
0x21: {  	s5 =	sshrl.u32 s21, $0x3;
	s7 =	sshrl.u32 s26, $0x3;
	s3 =	sshrl.u32 s3, $0x3  }
0x22: {  	s14 =	sadd.s32 s4, s0;
	s4 =	sshrl.u32 s11, $0x3;
	s21 =	sadd.s32 s5, s0  }
0x23: {  	s5 =	sshrl.u32 s25, $0x3;
	s25 =	sadd.s32 s7, s0;
	s11 =	sshrl.u32 s10, $0x3  }
0x24: {  	s30 =	sadd.s32 s3, s0;
	_ =	strace $0x80000047;
	[dreg:$0x10] =	wrdreg s2  }
0x25: {  	s2 =	simm.s32 $0x12C00;
	s3 =	simm.s32 $0x1;
	s7 =	simm.s32 $0x7  }
0x26: {  	s10 =	simm.s32 $0x0;
	s17 =	sadd.s32 s4, s0;
	s4 =	sshrl.u32 s20, $0x3  }
.Ltmp0:
0x27: {  	s29 =	sadd.s32 s11, s0;
	s20 =	sadd.s32 s4, s0;
	(pc) =	sbr.rel .LBB2_1-.Ltmp0, $4  }
0x28: {  	s4 =	sshrl.u32 s24, $0x3;
	s24 =	sadd.s32 s5, s0;
	s5 =	sshrl.u32 s9, $0x3  }
0x29: {  	s23 =	sadd.s32 s4, s0;
	s4 =	sshrl.u32 s8, $0x3;
	s28 =	sadd.s32 s5, s0  }
0x2a: {  	s5 =	simm.s32 $0x3;
	s26 =	sadd.s32 s4, s0;
	s4 =	sshrl.u32 s12, $0x3  }
0x2b: {  	s31 =	sadd.s32 s4, s0;
	s0 =	sadd.s32 $0x800, s13;
	s4 =	simm.s32 $0x2  }
.LBB2_4:
0x2c: {  	s8 =	simm.s32 $0x5  }
0x2d: {  	_ =	swait.ge [sflag:s8], $0xC80  }
0x2e: {  	[sflag:s8] =	ssyncset.done $0x0  }
0x2f: {  	[sflag:s8] =	ssyncadd.s32 $0xFFFFF380  }
0x30: {  	_ =	swait.ge [sflag:s8], $0xC80  }
0x31: {  	[sflag:s8] =	ssyncset.done $0x0  }
0x32: {  	[sflag:s8] =	ssyncadd.s32 $0xFFFFF380  }
0x33: {  	_ =	swait.ge [sflag:s8], $0xC80  }
0x34: {  	[sflag:s8] =	ssyncset.done $0x0  }
0x35: {  	[sflag:s8] =	ssyncadd.s32 $0xFFFFF380  }
0x36: {  	_ =	swait.ge [sflag:s8], $0xC80  }
0x37: {  	[sflag:s8] =	ssyncset.done $0x0  }
0x38: {  	[sflag:s8] =	ssyncadd.s32 $0xFFFFF380  }
0x39: {  	_ =	swait.ge [sflag:s8], $0xC80  }
0x3a: {  	[sflag:s8] =	ssyncset.done $0x0  }
0x3b: {  	[sflag:s8] =	ssyncadd.s32 $0xFFFFF380  }
0x3c: {  	_ =	swait.ge [sflag:s8], $0xC80  }
0x3d: {  	[sflag:s8] =	ssyncset.done $0x0  }
0x3e: {  	[sflag:s8] =	ssyncadd.s32 $0xFFFFF380  }
0x3f: {  	_ =	swait.ge [sflag:s8], $0xC80  }
0x40: {  	[sflag:s8] =	ssyncset.done $0x0  }
0x41: {  	[sflag:s8] =	ssyncadd.s32 $0xFFFFF380  }
0x42: {  	_ =	swait.ge [sflag:s8], $0xC80  }
0x43: {  	[sflag:s8] =	ssyncset.done $0x0  }
0x44: {  	s12 =	simm.s32 $0x6;
	[sflag:s8] =	ssyncadd.s32 $0xFFFFF380  }
0x45: {  	_ =	swait.ge [sflag:s12], $0xC80  }
0x46: {  	[sflag:s12] =	ssyncset.done $0x0  }
0x47: {  	[sflag:s12] =	ssyncadd.s32 $0xFFFFF380  }
0x48: {  	_ =	swait.ge [sflag:s12], $0xC80  }
0x49: {  	[sflag:s12] =	ssyncset.done $0x0  }
0x4a: {  	[sflag:s12] =	ssyncadd.s32 $0xFFFFF380  }
0x4b: {  	_ =	swait.ge [sflag:s12], $0xC80  }
0x4c: {  	[sflag:s12] =	ssyncset.done $0x0  }
0x4d: {  	[sflag:s12] =	ssyncadd.s32 $0xFFFFF380  }
0x4e: {  	_ =	swait.ge [sflag:s12], $0xC80  }
0x4f: {  	[sflag:s12] =	ssyncset.done $0x0  }
0x50: {  	[sflag:s12] =	ssyncadd.s32 $0xFFFFF380  }
0x51: {  	_ =	swait.ge [sflag:s12], $0xC80  }
0x52: {  	[sflag:s12] =	ssyncset.done $0x0  }
0x53: {  	[sflag:s12] =	ssyncadd.s32 $0xFFFFF380  }
0x54: {  	_ =	swait.ge [sflag:s12], $0xC80  }
0x55: {  	[sflag:s12] =	ssyncset.done $0x0  }
0x56: {  	[sflag:s12] =	ssyncadd.s32 $0xFFFFF380  }
0x57: {  	_ =	swait.ge [sflag:s12], $0xC80  }
0x58: {  	[sflag:s12] =	ssyncset.done $0x0  }
0x59: {  	[sflag:s12] =	ssyncadd.s32 $0xFFFFF380  }
0x5a: {  	_ =	swait.ge [sflag:s12], $0xC80  }
0x5b: {  	[sflag:s12] =	ssyncset.done $0x0  }
0x5c: {  	[sflag:s12] =	ssyncadd.s32 $0xFFFFF380  }
0x5d: {  	_ =	swait.ge [sflag:s7], $0xC80  }
0x5e: {  	[sflag:s7] =	ssyncset.done $0x0  }
0x5f: {  	[sflag:s7] =	ssyncadd.s32 $0xFFFFF380  }
0x60: {  	_ =	swait.ge [sflag:s7], $0xC80  }
0x61: {  	[sflag:s7] =	ssyncset.done $0x0  }
0x62: {  	[sflag:s7] =	ssyncadd.s32 $0xFFFFF380  }
0x63: {  	_ =	swait.ge [sflag:s7], $0xC80  }
0x64: {  	[sflag:s7] =	ssyncset.done $0x0  }
0x65: {  	[sflag:s7] =	ssyncadd.s32 $0xFFFFF380  }
0x66: {  	_ =	swait.ge [sflag:s7], $0xC80  }
0x67: {  	[sflag:s7] =	ssyncset.done $0x0  }
0x68: {  	[sflag:s7] =	ssyncadd.s32 $0xFFFFF380  }
0x69: {  	_ =	swait.ge [sflag:s7], $0xC80  }
0x6a: {  	[sflag:s7] =	ssyncset.done $0x0  }
0x6b: {  	[sflag:s7] =	ssyncadd.s32 $0xFFFFF380  }
0x6c: {  	_ =	swait.ge [sflag:s7], $0xC80  }
0x6d: {  	[sflag:s7] =	ssyncset.done $0x0  }
0x6e: {  	[sflag:s7] =	ssyncadd.s32 $0xFFFFF380  }
0x6f: {  	_ =	swait.ge [sflag:s7], $0xC80  }
0x70: {  	[sflag:s7] =	ssyncset.done $0x0  }
0x71: {  	[sflag:s7] =	ssyncadd.s32 $0xFFFFF380  }
0x72: {  	_ =	swait.ge [sflag:s7], $0xC80  }
0x73: {  	[sflag:s7] =	ssyncset.done $0x0  }
0x74: {  	s9 =	simm.s32 $0x8;
	[sflag:s7] =	ssyncadd.s32 $0xFFFFF380  }
0x75: {  	_ =	swait.ge [sflag:s9], $0xC80  }
0x76: {  	[sflag:s9] =	ssyncset.done $0x0  }
0x77: {  	[sflag:s9] =	ssyncadd.s32 $0xFFFFF380  }
0x78: {  	_ =	swait.ge [sflag:s9], $0xC80  }
0x79: {  	[sflag:s9] =	ssyncset.done $0x0  }
0x7a: {  	[sflag:s9] =	ssyncadd.s32 $0xFFFFF380  }
0x7b: {  	_ =	swait.ge [sflag:s9], $0xC80  }
0x7c: {  	[sflag:s9] =	ssyncset.done $0x0  }
0x7d: {  	[sflag:s9] =	ssyncadd.s32 $0xFFFFF380  }
0x7e: {  	_ =	swait.ge [sflag:s9], $0xC80  }
0x7f: {  	[sflag:s9] =	ssyncset.done $0x0  }
0x80: {  	[sflag:s9] =	ssyncadd.s32 $0xFFFFF380  }
0x81: {  	_ =	swait.ge [sflag:s9], $0xC80  }
0x82: {  	[sflag:s9] =	ssyncset.done $0x0  }
0x83: {  	[sflag:s9] =	ssyncadd.s32 $0xFFFFF380  }
0x84: {  	_ =	swait.ge [sflag:s9], $0xC80  }
0x85: {  	[sflag:s9] =	ssyncset.done $0x0  }
0x86: {  	[sflag:s9] =	ssyncadd.s32 $0xFFFFF380  }
0x87: {  	_ =	swait.ge [sflag:s9], $0xC80  }
0x88: {  	[sflag:s9] =	ssyncset.done $0x0  }
0x89: {  	[sflag:s9] =	ssyncadd.s32 $0xFFFFF380  }
0x8a: {  	_ =	swait.ge [sflag:s9], $0xC80  }
0x8b: {  	s10 =	rddreg [dreg:$0x11]  }
0x8c: {  	s13 =	rddreg [dreg:$0x10];
	s10 =	sadd.s32 $0x1, s10  }
0x8d: {  	p0 =	sne.s32 s10, s13  }
.Ltmp1:
0x8e: {  	_ = 	snop;
	(pc) =	sbr.rel @!p0 .LBB2_5-.Ltmp1, $3  }
0x8f: {  	_ =	sdelay $0x1  }
0x90: {  	[sflag:s9] =	ssyncset.done $0x0  }
0x91: {  	[sflag:s9] =	ssyncadd.s32 $0xFFFFF380  }
.LBB2_1:
0x92: {  	[dreg:$0x11] =	wrdreg s10  }
0x93: {  	s8 =	rddreg [dreg:$0x4];
	s9 =	simm.s32 $0x9  }
0x94: {  	[tilespmem:s1], [sflag:$0x9] =	stream.linear.gather [hbm4b:s8+s1], $0x6400, $0x38;
	[tilespmem:$0x1F400] =	vst v63  }
0x95: {  	_ =	swait.ge [sflag:s9], $0x6400  }
0x96: {  	[sflag:s9] =	ssyncset.done $0x0  }
0x97: {  	s8 =	simm.s32 $0x190;
	[sflag:s9] =	ssyncadd.s32 $0xFFFF9C00;
	s9 =	simm.s32 $0x6400  }
0x98: {  	[tilespmem:s9], [sflag:$0x1] =	stream.indirect.gather [hbm4b:s0+s8], $0x40, s1, s8, $0xb8;
	[tilespmem:$0x1F400] =	vst v63  }
0x99: {  	s10 =	simm.s32 $0xC800  }
0x9a: {  	[tilespmem:s10], [sflag:$0x2] =	stream.indirect.gather [hbm4b:s0+s8], $0x40, s8, s8, $0xb8;
	[tilespmem:$0x1F400] =	vst v63  }
0x9b: {  	s11 =	simm.s32 $0x320  }
0x9c: {  	[tilespmem:s2], [sflag:$0x3] =	stream.indirect.gather [hbm4b:s0+s8], $0x40, s11, s8, $0xb8;
	[tilespmem:$0x1F400] =	vst v63  }
0x9d: {  	s12 =	simm.s32 $0x4B0;
	s13 =	simm.s32 $0x19000  }
0x9e: {  	[tilespmem:s13], [sflag:$0x4] =	stream.indirect.gather [hbm4b:s0+s8], $0x40, s12, s8, $0xb8;
	[tilespmem:$0x1F400] =	vst v63  }
0x9f: {  	s9 =	simm.s32 $0x0;
	s8 =	simm.s32 $0x960  }
.LBB2_2:
0xa0: {  	_ =	swait.ge [sflag:s3], $0x6400  }
0xa1: {  	[sflag:s3] =	ssyncset.done $0x0;
	s10 =	rddreg [dreg:$0xc]  }
0xa2: {  	s11 =	simm.s32 $0x6400;
	[sflag:s3] =	ssyncadd.s32 $0xFFFF9C00;
	s10 =	sadd.s32 s9, s10  }
0xa3: {  	[hbm4b:s10+s1] =	stream.linear.scatter [tilespmem:s11], [sflag:$0x5], $0xC80, $0x38;
	[tilespmem:$0x1F400] =	vst v63  }
0xa4: {  	s12 =	simm.s32 $0x7080;
	s13 =	sadd.s32 $0x190, s10  }
0xa5: {  	[hbm4b:s13+s1] =	stream.linear.scatter [tilespmem:s12], [sflag:$0x5], $0xC80, $0x38;
	[tilespmem:$0x1F400] =	vst v63  }
0xa6: {  	s12 =	sadd.s32 s9, s23;
	s13 =	simm.s32 $0x7D00  }
0xa7: {  	[hbm4b:s12+s1] =	stream.linear.scatter [tilespmem:s13], [sflag:$0x5], $0xC80, $0x38;
	[tilespmem:$0x1F400] =	vst v63  }
0xa8: {  	s12 =	sadd.s32 s9, s22;
	s13 =	simm.s32 $0x8980  }
0xa9: {  	[hbm4b:s12+s1] =	stream.linear.scatter [tilespmem:s13], [sflag:$0x5], $0xC80, $0x38;
	[tilespmem:$0x1F400] =	vst v63  }
0xaa: {  	s12 =	sadd.s32 s9, s21;
	s13 =	simm.s32 $0x9600  }
0xab: {  	[hbm4b:s12+s1] =	stream.linear.scatter [tilespmem:s13], [sflag:$0x5], $0xC80, $0x38;
	[tilespmem:$0x1F400] =	vst v63  }
0xac: {  	s12 =	sadd.s32 s9, s20;
	s13 =	simm.s32 $0xA280  }
0xad: {  	[hbm4b:s12+s1] =	stream.linear.scatter [tilespmem:s13], [sflag:$0x5], $0xC80, $0x38;
	[tilespmem:$0x1F400] =	vst v63  }
0xae: {  	p0 =	seq.s32 s9, $0x0;
	s12 =	sadd.s32 s9, s19;
	s13 =	simm.s32 $0xAF00  }
0xaf: {  	[hbm4b:s12+s1] =	stream.linear.scatter [tilespmem:s13], [sflag:$0x5], $0xC80, $0x38;
	[tilespmem:$0x1F400] =	vst v63  }
0xb0: {  	s11 =	simm.s32 @!p0 $0x8;
	s12 =	sadd.s32 s9, s18;
	s13 =	simm.s32 $0xBB80  }
0xb1: {  	[hbm4b:s12+s1] =	stream.linear.scatter [tilespmem:s13], [sflag:$0x5], $0xC80, $0x38;
	[tilespmem:$0x1F400] =	vst v63  }
0xb2: {  	_ =	swait.ge @!p0 [sflag:s11], $0xC80  }
0xb3: {  	[sflag:s11] =	ssyncset.done @!p0 $0x0  }
0xb4: {  	[sflag:s11] =	ssyncadd.s32 @!p0 $0xFFFFF380  }
0xb5: {  	_ =	swait.ge @!p0 [sflag:s11], $0xC80  }
0xb6: {  	[sflag:s11] =	ssyncset.done @!p0 $0x0  }
0xb7: {  	[sflag:s11] =	ssyncadd.s32 @!p0 $0xFFFFF380  }
0xb8: {  	_ =	swait.ge @!p0 [sflag:s11], $0xC80  }
0xb9: {  	[sflag:s11] =	ssyncset.done @!p0 $0x0  }
0xba: {  	[sflag:s11] =	ssyncadd.s32 @!p0 $0xFFFFF380  }
0xbb: {  	_ =	swait.ge @!p0 [sflag:s11], $0xC80  }
0xbc: {  	[sflag:s11] =	ssyncset.done @!p0 $0x0  }
0xbd: {  	[sflag:s11] =	ssyncadd.s32 @!p0 $0xFFFFF380  }
0xbe: {  	_ =	swait.ge @!p0 [sflag:s11], $0xC80  }
0xbf: {  	[sflag:s11] =	ssyncset.done @!p0 $0x0  }
0xc0: {  	[sflag:s11] =	ssyncadd.s32 @!p0 $0xFFFFF380  }
0xc1: {  	_ =	swait.ge @!p0 [sflag:s11], $0xC80  }
0xc2: {  	[sflag:s11] =	ssyncset.done @!p0 $0x0  }
0xc3: {  	[sflag:s11] =	ssyncadd.s32 @!p0 $0xFFFFF380  }
0xc4: {  	_ =	swait.ge @!p0 [sflag:s11], $0xC80  }
0xc5: {  	[sflag:s11] =	ssyncset.done @!p0 $0x0  }
0xc6: {  	[sflag:s11] =	ssyncadd.s32 @!p0 $0xFFFFF380  }
0xc7: {  	_ =	swait.ge @!p0 [sflag:s11], $0xC80  }
0xc8: {  	s12 =	simm.s32 @!p0 $0x190;
	[sflag:s11] =	ssyncset.done @!p0 $0x0  }
0xc9: {  	s13 =	simm.s32 @!p0 $0x19000;
	[sflag:s11] =	ssyncadd.s32 @!p0 $0xFFFFF380;
	s11 =	sadd.s32 @!p0 $0xFFFFFB50, s8  }
0xca: {  	[tilespmem:s13], [sflag:$0x4] =	stream.indirect.gather @!p0 [hbm4b:s0+s12], $0x40, s11, s12, $0xb8;
	[tilespmem:$0x1F400] =	vst v63  }
0xcb: {  	_ =	swait.ge [sflag:s4], $0x6400  }
0xcc: {  	[sflag:s4] =	ssyncset.done $0x0  }
0xcd: {  	s12 =	sadd.s32 $0xC80, s10;
	s13 =	simm.s32 $0xC800;
	[sflag:s4] =	ssyncadd.s32 $0xFFFF9C00  }
0xce: {  	[hbm4b:s12+s1] =	stream.linear.scatter [tilespmem:s13], [sflag:$0x6], $0xC80, $0x38;
	[tilespmem:$0x1F400] =	vst v63  }
0xcf: {  	s12 =	sadd.s32 s9, s17;
	s13 =	simm.s32 $0xD480  }
0xd0: {  	[hbm4b:s12+s1] =	stream.linear.scatter [tilespmem:s13], [sflag:$0x6], $0xC80, $0x38;
	[tilespmem:$0x1F400] =	vst v63  }
0xd1: {  	s12 =	sadd.s32 s9, s16;
	s13 =	simm.s32 $0xE100  }
0xd2: {  	[hbm4b:s12+s1] =	stream.linear.scatter [tilespmem:s13], [sflag:$0x6], $0xC80, $0x38;
	[tilespmem:$0x1F400] =	vst v63  }
0xd3: {  	s12 =	sadd.s32 s9, s15;
	s13 =	simm.s32 $0xED80  }
0xd4: {  	[hbm4b:s12+s1] =	stream.linear.scatter [tilespmem:s13], [sflag:$0x6], $0xC80, $0x38;
	[tilespmem:$0x1F400] =	vst v63  }
0xd5: {  	s12 =	sadd.s32 s9, s14;
	s13 =	simm.s32 $0xFA00  }
0xd6: {  	[hbm4b:s12+s1] =	stream.linear.scatter [tilespmem:s13], [sflag:$0x6], $0xC80, $0x38;
	[tilespmem:$0x1F400] =	vst v63  }
0xd7: {  	s12 =	rddreg [dreg:$0xf]  }
0xd8: {  	s13 =	simm.s32 $0x10680;
	s11 =	sadd.s32 s9, s12;
	s12 =	rddreg [dreg:$0xe]  }
0xd9: {  	[hbm4b:s11+s1] =	stream.linear.scatter [tilespmem:s13], [sflag:$0x6], $0xC80, $0x38;
	[tilespmem:$0x1F400] =	vst v63  }
0xda: {  	s11 =	sadd.s32 s9, s12;
	s13 =	simm.s32 $0x11300;
	s12 =	rddreg [dreg:$0xd]  }
0xdb: {  	[hbm4b:s11+s1] =	stream.linear.scatter [tilespmem:s13], [sflag:$0x6], $0xC80, $0x38;
	[tilespmem:$0x1F400] =	vst v63  }
0xdc: {  	p0 =	seq.s32 s9, $0x2EE00;
	s11 =	sadd.s32 s9, s12;
	s13 =	simm.s32 $0x11F80  }
0xdd: {  	[hbm4b:s11+s1] =	stream.linear.scatter [tilespmem:s13], [sflag:$0x6], $0xC80, $0x38;
	[tilespmem:$0x1F400] =	vst v63  }
0xde: {  	s11 =	simm.s32 @!p0 $0x5  }
0xdf: {  	_ =	swait.ge @!p0 [sflag:s11], $0xC80  }
0xe0: {  	[sflag:s11] =	ssyncset.done @!p0 $0x0  }
0xe1: {  	[sflag:s11] =	ssyncadd.s32 @!p0 $0xFFFFF380  }
0xe2: {  	_ =	swait.ge @!p0 [sflag:s11], $0xC80  }
0xe3: {  	[sflag:s11] =	ssyncset.done @!p0 $0x0  }
0xe4: {  	[sflag:s11] =	ssyncadd.s32 @!p0 $0xFFFFF380  }
0xe5: {  	_ =	swait.ge @!p0 [sflag:s11], $0xC80  }
0xe6: {  	[sflag:s11] =	ssyncset.done @!p0 $0x0  }
0xe7: {  	[sflag:s11] =	ssyncadd.s32 @!p0 $0xFFFFF380  }
0xe8: {  	_ =	swait.ge @!p0 [sflag:s11], $0xC80  }
0xe9: {  	[sflag:s11] =	ssyncset.done @!p0 $0x0  }
0xea: {  	[sflag:s11] =	ssyncadd.s32 @!p0 $0xFFFFF380  }
0xeb: {  	_ =	swait.ge @!p0 [sflag:s11], $0xC80  }
0xec: {  	[sflag:s11] =	ssyncset.done @!p0 $0x0  }
0xed: {  	[sflag:s11] =	ssyncadd.s32 @!p0 $0xFFFFF380  }
0xee: {  	_ =	swait.ge @!p0 [sflag:s11], $0xC80  }
0xef: {  	[sflag:s11] =	ssyncset.done @!p0 $0x0  }
0xf0: {  	[sflag:s11] =	ssyncadd.s32 @!p0 $0xFFFFF380  }
0xf1: {  	_ =	swait.ge @!p0 [sflag:s11], $0xC80  }
0xf2: {  	[sflag:s11] =	ssyncset.done @!p0 $0x0  }
0xf3: {  	[sflag:s11] =	ssyncadd.s32 @!p0 $0xFFFFF380  }
0xf4: {  	_ =	swait.ge @!p0 [sflag:s11], $0xC80  }
0xf5: {  	s12 =	simm.s32 @!p0 $0x190;
	[sflag:s11] =	ssyncset.done @!p0 $0x0  }
0xf6: {  	s13 =	simm.s32 @!p0 $0x6400;
	[sflag:s11] =	ssyncadd.s32 @!p0 $0xFFFFF380;
	s11 =	sadd.s32 @!p0 $0xFFFFFCE0, s8  }
0xf7: {  	[tilespmem:s13], [sflag:$0x1] =	stream.indirect.gather @!p0 [hbm4b:s0+s12], $0x40, s11, s12, $0xb8;
	[tilespmem:$0x1F400] =	vst v63  }
0xf8: {  	_ =	swait.ge [sflag:s5], $0x6400  }
0xf9: {  	[sflag:s5] =	ssyncset.done $0x0  }
0xfa: {  	s13 =	sadd.s32 $0x1900, s10;
	[sflag:s5] =	ssyncadd.s32 $0xFFFF9C00  }
0xfb: {  	[hbm4b:s13+s1] =	stream.linear.scatter [tilespmem:s2], [sflag:$0x7], $0xC80, $0x38;
	[tilespmem:$0x1F400] =	vst v63  }
0xfc: {  	s13 =	rddreg [dreg:$0xb]  }
0xfd: {  	s11 =	sadd.s32 s9, s13;
	s13 =	simm.s32 $0x13880  }
0xfe: {  	[hbm4b:s11+s1] =	stream.linear.scatter [tilespmem:s13], [sflag:$0x7], $0xC80, $0x38;
	[tilespmem:$0x1F400] =	vst v63  }
0xff: {  	s13 =	rddreg [dreg:$0xa]  }
0x100: {  	s11 =	sadd.s32 s9, s13;
	s13 =	simm.s32 $0x14500  }
0x101: {  	[hbm4b:s11+s1] =	stream.linear.scatter [tilespmem:s13], [sflag:$0x7], $0xC80, $0x38;
	[tilespmem:$0x1F400] =	vst v63  }
0x102: {  	s13 =	rddreg [dreg:$0x9]  }
0x103: {  	s11 =	sadd.s32 s9, s13;
	s13 =	simm.s32 $0x15180  }
0x104: {  	[hbm4b:s11+s1] =	stream.linear.scatter [tilespmem:s13], [sflag:$0x7], $0xC80, $0x38;
	[tilespmem:$0x1F400] =	vst v63  }
0x105: {  	s13 =	rddreg [dreg:$0x8]  }
0x106: {  	s11 =	sadd.s32 s9, s13;
	s13 =	simm.s32 $0x15E00  }
0x107: {  	[hbm4b:s11+s1] =	stream.linear.scatter [tilespmem:s13], [sflag:$0x7], $0xC80, $0x38;
	[tilespmem:$0x1F400] =	vst v63  }
0x108: {  	s13 =	rddreg [dreg:$0x7]  }
0x109: {  	s11 =	sadd.s32 s9, s13;
	s13 =	simm.s32 $0x16A80  }
0x10a: {  	[hbm4b:s11+s1] =	stream.linear.scatter [tilespmem:s13], [sflag:$0x7], $0xC80, $0x38;
	[tilespmem:$0x1F400] =	vst v63  }
0x10b: {  	s13 =	rddreg [dreg:$0x6]  }
0x10c: {  	s11 =	sadd.s32 s9, s13;
	s13 =	simm.s32 $0x17700  }
0x10d: {  	[hbm4b:s11+s1] =	stream.linear.scatter [tilespmem:s13], [sflag:$0x7], $0xC80, $0x38;
	[tilespmem:$0x1F400] =	vst v63  }
0x10e: {  	s13 =	rddreg [dreg:$0x5]  }
0x10f: {  	s11 =	sadd.s32 s9, s13;
	s13 =	simm.s32 $0x18380  }
0x110: {  	[hbm4b:s11+s1] =	stream.linear.scatter [tilespmem:s13], [sflag:$0x7], $0xC80, $0x38;
	[tilespmem:$0x1F400] =	vst v63  }
0x111: {  	s11 =	simm.s32 @!p0 $0x6  }
0x112: {  	_ =	swait.ge @!p0 [sflag:s11], $0xC80  }
0x113: {  	[sflag:s11] =	ssyncset.done @!p0 $0x0  }
0x114: {  	[sflag:s11] =	ssyncadd.s32 @!p0 $0xFFFFF380  }
0x115: {  	_ =	swait.ge @!p0 [sflag:s11], $0xC80  }
0x116: {  	[sflag:s11] =	ssyncset.done @!p0 $0x0  }
0x117: {  	[sflag:s11] =	ssyncadd.s32 @!p0 $0xFFFFF380  }
0x118: {  	_ =	swait.ge @!p0 [sflag:s11], $0xC80  }
0x119: {  	[sflag:s11] =	ssyncset.done @!p0 $0x0  }
0x11a: {  	[sflag:s11] =	ssyncadd.s32 @!p0 $0xFFFFF380  }
0x11b: {  	_ =	swait.ge @!p0 [sflag:s11], $0xC80  }
0x11c: {  	[sflag:s11] =	ssyncset.done @!p0 $0x0  }
0x11d: {  	[sflag:s11] =	ssyncadd.s32 @!p0 $0xFFFFF380  }
0x11e: {  	_ =	swait.ge @!p0 [sflag:s11], $0xC80  }
0x11f: {  	[sflag:s11] =	ssyncset.done @!p0 $0x0  }
0x120: {  	[sflag:s11] =	ssyncadd.s32 @!p0 $0xFFFFF380  }
0x121: {  	_ =	swait.ge @!p0 [sflag:s11], $0xC80  }
0x122: {  	[sflag:s11] =	ssyncset.done @!p0 $0x0  }
0x123: {  	[sflag:s11] =	ssyncadd.s32 @!p0 $0xFFFFF380  }
0x124: {  	_ =	swait.ge @!p0 [sflag:s11], $0xC80  }
0x125: {  	[sflag:s11] =	ssyncset.done @!p0 $0x0  }
0x126: {  	[sflag:s11] =	ssyncadd.s32 @!p0 $0xFFFFF380  }
0x127: {  	_ =	swait.ge @!p0 [sflag:s11], $0xC80  }
0x128: {  	[sflag:s11] =	ssyncset.done @!p0 $0x0  }
0x129: {  	s13 =	simm.s32 @!p0 $0xC800;
	[sflag:s11] =	ssyncadd.s32 @!p0 $0xFFFFF380;
	s11 =	sadd.s32 @!p0 $0xFFFFFE70, s8  }
0x12a: {  	[tilespmem:s13], [sflag:$0x2] =	stream.indirect.gather @!p0 [hbm4b:s0+s12], $0x40, s11, s12, $0xb8;
	[tilespmem:$0x1F400] =	vst v63  }
0x12b: {  	_ =	swait.ge [sflag:s6], $0x6400  }
0x12c: {  	[sflag:s6] =	ssyncset.done $0x0  }
0x12d: {  	s10 =	sadd.s32 $0x2580, s10;
	s13 =	simm.s32 $0x19000;
	[sflag:s6] =	ssyncadd.s32 $0xFFFF9C00  }
0x12e: {  	[hbm4b:s10+s1] =	stream.linear.scatter [tilespmem:s13], [sflag:$0x8], $0xC80, $0x38;
	[tilespmem:$0x1F400] =	vst v63  }
0x12f: {  	s12 =	sadd.s32 s9, s30;
	s13 =	simm.s32 $0x19C80  }
0x130: {  	[hbm4b:s12+s1] =	stream.linear.scatter [tilespmem:s13], [sflag:$0x8], $0xC80, $0x38;
	[tilespmem:$0x1F400] =	vst v63  }
0x131: {  	s12 =	sadd.s32 s9, s31;
	s13 =	simm.s32 $0x1A900  }
0x132: {  	[hbm4b:s12+s1] =	stream.linear.scatter [tilespmem:s13], [sflag:$0x8], $0xC80, $0x38;
	[tilespmem:$0x1F400] =	vst v63  }
0x133: {  	s12 =	sadd.s32 s9, s29;
	s13 =	simm.s32 $0x1B580  }
0x134: {  	[hbm4b:s12+s1] =	stream.linear.scatter [tilespmem:s13], [sflag:$0x8], $0xC80, $0x38;
	[tilespmem:$0x1F400] =	vst v63  }
0x135: {  	s12 =	sadd.s32 s9, s28;
	s13 =	simm.s32 $0x1C200  }
0x136: {  	[hbm4b:s12+s1] =	stream.linear.scatter [tilespmem:s13], [sflag:$0x8], $0xC80, $0x38;
	[tilespmem:$0x1F400] =	vst v63  }
0x137: {  	s12 =	sadd.s32 s9, s26;
	s13 =	simm.s32 $0x1CE80  }
0x138: {  	[hbm4b:s12+s1] =	stream.linear.scatter [tilespmem:s13], [sflag:$0x8], $0xC80, $0x38;
	[tilespmem:$0x1F400] =	vst v63  }
.Ltmp2:
0x139: {  	_ = 	snop;
	(pc) =	sbr.rel @p0 .LBB2_4-.Ltmp2, $4  }
0x13a: {  	s12 =	sadd.s32 s9, s25;
	s13 =	simm.s32 $0x1DB00  }
0x13b: {  	[hbm4b:s12+s1] =	stream.linear.scatter [tilespmem:s13], [sflag:$0x8], $0xC80, $0x38;
	[tilespmem:$0x1F400] =	vst v63  }
0x13c: {  	s12 =	sadd.s32 s9, s24;
	s13 =	simm.s32 $0x1E780  }
0x13d: {  	[hbm4b:s12+s1] =	stream.linear.scatter [tilespmem:s13], [sflag:$0x8], $0xC80, $0x38;
	[tilespmem:$0x1F400] =	vst v63  }
0x13e: {  	_ =	swait.ge [sflag:s7], $0xC80  }
0x13f: {  	[sflag:s7] =	ssyncset.done $0x0  }
0x140: {  	[sflag:s7] =	ssyncadd.s32 $0xFFFFF380  }
0x141: {  	_ =	swait.ge [sflag:s7], $0xC80  }
0x142: {  	[sflag:s7] =	ssyncset.done $0x0  }
0x143: {  	[sflag:s7] =	ssyncadd.s32 $0xFFFFF380  }
0x144: {  	_ =	swait.ge [sflag:s7], $0xC80  }
0x145: {  	[sflag:s7] =	ssyncset.done $0x0  }
0x146: {  	[sflag:s7] =	ssyncadd.s32 $0xFFFFF380  }
0x147: {  	_ =	swait.ge [sflag:s7], $0xC80  }
0x148: {  	[sflag:s7] =	ssyncset.done $0x0  }
0x149: {  	[sflag:s7] =	ssyncadd.s32 $0xFFFFF380  }
0x14a: {  	_ =	swait.ge [sflag:s7], $0xC80  }
0x14b: {  	[sflag:s7] =	ssyncset.done $0x0  }
0x14c: {  	[sflag:s7] =	ssyncadd.s32 $0xFFFFF380  }
0x14d: {  	_ =	swait.ge [sflag:s7], $0xC80  }
0x14e: {  	[sflag:s7] =	ssyncset.done $0x0  }
0x14f: {  	[sflag:s7] =	ssyncadd.s32 $0xFFFFF380  }
0x150: {  	_ =	swait.ge [sflag:s7], $0xC80  }
0x151: {  	[sflag:s7] =	ssyncset.done $0x0  }
0x152: {  	[sflag:s7] =	ssyncadd.s32 $0xFFFFF380  }
.Ltmp3:
0x153: {  	_ =	swait.ge [sflag:s7], $0xC80;
	(pc) =	sbr.rel .LBB2_2-.Ltmp3, $4  }
0x154: {  	[sflag:s7] =	ssyncset.done $0x0  }
0x155: {  	s10 =	simm.s32 $0x190;
	[sflag:s7] =	ssyncadd.s32 $0xFFFFF380  }
0x156: {  	[tilespmem:s2], [sflag:$0x3] =	stream.indirect.gather [hbm4b:s0+s10], $0x40, s8, s10, $0xb8;
	[tilespmem:$0x1F400] =	vst v63  }
0x157: {  	s9 =	sadd.s32 $0x3200, s9;
	s8 =	sadd.s32 $0x640, s8  }
.LBB2_5:
0x158: {  	_ =	sfence.sel $0x180000  }
0x159: {  	[bflag:$0x0] =	sbarrier.arrive $0xFFFF  }
0x15a: {  	_ =	strace $0x90000047  }
0x15b: {  	s0 =	stileid.u32;
	[bflag:$0x2] =	sbarrier.arrive $0xFFFF  }
0x15c: {  	p0 =	sne.s32 s0, $0x0;
	s0 =	rddreg [dreg:$0x3]  }
0x15d: {  	s0 =	sadd.s32 @!p0 $0x100000, s0  }
0x15e: {  	[sflag:s0] =	ssyncadd.tile.s32 @!p0 $0x1;
	_ =	shalt  }
.Lfunc_end2:
_tile_overlayer_lowered:
.L_overlay_start_2:
0x15f: {  	(tag) =	ssettag $0x2  }
0x160: {  	s0 =	rddreg [dreg:$0x0];
	s2 =	stileid.u32  }
0x161: {  	s1 =	rddreg [dreg:$0x1];
	p0 =	sne.s32 s2, $0x0  }
0x162: {  	s3 =	rddreg [dreg:$0x2];
	[bflag:$0x3] =	sbarrier.arrive $0xFFFF;
	s2 =	simm.s32 @!p0 $0x1C09  }
0x163: {  	[timem:s3], [sflag:s2] =	dma.local @!p0 [hbm:s0], s1  }
0x164: {  	s0 =	simm.s32 @!p0 $0x9  }
0x165: {  	_ =	swait.ge @!p0 [sflag:s0], s1  }
0x166: {  	s1 =	ssub.s32 @!p0 $0x0, s1;
	[sflag:s0] =	ssyncset.done @!p0 $0x0  }
0x167: {  	[sflag:s0] =	ssyncadd.s32 @!p0 s1  }
0x168: {  	[bflag:$0x3] =	sbarrier.arrive $0xFFFF  }
0x169: {  	_ =	shalt  }

// kernel: sparse-core-data-format-call.cloned.1.call-start
scs
called_computation_lowered:
.L_overlay_start_0:
0x0: {  	s2 =	sld [smem:$0x3FD9]  }
0x1: {  	s3 =	sld [smem:$0x3FFE];
	_ =	sdelay $0x1  }
0x2: {  	s1 =	srdreg.scid  }
0x3: {  	s0 =	sand.u32 $0x1, s1  }
0x4: {  	s18 =	sshll.u32 s0, $0xA;
	s2 =	sadd.s32 s3, s2  }
0x5: {  	s2 =	sadd.s32 s2, s18  }
0x6: {  	[smem:$0x3FC6] =	sst s2  }
0x7: {  	_ = 	snop  }
0x8: {  	s2 =	sld [smem:$0x3FD0];
	(tm) =	ssettm $0x1  }
0x9: {  	s19 =	sld [smem:$0x3FFB];
	_ =	sdelay $0x3  }
0xa: {  	_ =	strace s19  }
0xb: {  	s3 =	sld [smem:$0x3FFC];
	_ =	sdelay $0x3  }
0xc: {  	_ =	strace s3  }
0xd: {  	s3 =	sld [smem:$0x3FFD];
	_ =	sdelay $0x3  }
0xe: {  	_ =	strace s3  }
0xf: {  	_ =	strace $0x8FFFFFFF  }
0x10: {  	s20 =	sld [smem:$0x3FDB];
	_ =	sdelay $0x1  }
0x11: {  	s4 =	simm.s32 $_scs_section_size  }
0x12: {  	s5 =	simm.s32 $_size__tile_overlayer_lowered;
	s6 =	simm.s32 $_tile_overlayer_lowered  }
0x13: {  	s23 =	simm.s32 $0x1BFF;
	s22 =	sshll.u32 s6, $0x1;
	s3 =	sadd.s32 s4, s20  }
0x14: {  	s7 =	simm.s32 $0x0;
	s21 =	sshll.u32 s5, $0x1;
	s5 =	sadd.s32 s22, s3  }
0x15: {  	[timem:s7], [sflag:s23] =	dma.local [hbm:s5], s21  }
0x16: {  	_ =	swait.ge [sflag:s23], s21  }
0x17: {  	s4 =	ssub.s32 $0x0, s21;
	[sflag:s23] =	ssyncset.done $0x0  }
0x18: {  	[sflag:s23] =	ssyncadd.s32 s4;
	_ =	sdelay $0x1  }
0x19: {  	s24 =	simm.s32 $0x1B8B  }
0x1a: {  	_ =	swait.ge [sflag:s24], $0x1  }
0x1b: {  	[sflag:s24] =	ssyncset.done $0x0  }
0x1c: {  	s26 =	simm.s32 $0x1B8E;
	s25 =	sld [smem:$0x3FFE];
	[sflag:s24] =	ssyncadd.s32 $0xFFFFFFFF  }
0x1d: {  	s27 =	simm.s32 $execute0_lowered;
	[smem:$0x3FD2] =	sst s26  }
0x1e: {  	s5 =	sshll.u32 s27, $0x1;
	_ =	strace $0x80000049;
	[dreg:$0x1] =	wrdreg $0xFFFFFFFF  }
0x1f: {  	s28 =	simm.s32 $_size_execute0_lowered;
	s3 =	sadd.s32 s3, s5;
	[dreg:$0x0] =	wrdreg $0x0  }
0x20: {  	s5 =	sshll.u32 s28, $0x1;
	[dreg:$0x2] =	wrdreg s3  }
0x21: {  	[dreg:$0x3] =	wrdreg s5  }
0x22: {  	[dreg:$0x4] =	wrdreg $0xC0  }
0x23: {  	_ =	task [dreg:s7], $0x5FFFF  }
0x24: {  	[dreg:$0x1] =	wrdreg $0xFFFFFFFF  }
0x25: {  	[dreg:$0x0] =	wrdreg $0x60  }
0x26: {  	[dreg:$0x2] =	wrdreg s25  }
0x27: {  	[dreg:$0x3] =	wrdreg s2  }
0x28: {  	[dreg:$0x4] =	wrdreg $0x9  }
0x29: {  	_ =	task.clear_ibuf [dreg:s7], $0x5FFFF;
	_ =	strace $0x90000049  }
0x2a: {  	s29 =	simm.s32 $0x9;
	_ =	strace $0x8000004B  }
0x2b: {  	_ =	swait.ge [sflag:s29], $0x1  }
0x2c: {  	[sflag:s29] =	ssyncadd.s32 $0xFFFFFFFF  }
0x2d: {  	_ =	strace $0x9000004B  }
0x2e: {  	_ =	sfence  }
0x2f: {  	s30 =	sld [smem:$0x0];
	_ =	sdelay $0x2  }
0x30: {  	s31 =	sshll.u32 s1, $0xD;
	s1 =	sshrl.u32 s1, $0x2  }
0x31: {  	s3 =	sand.u32 $0x4000, s31;
	s1 =	sadd.s32 s1, s30  }
0x32: {  	s0 =	sor.u32 s3, s0;
	s1 =	sshll.u32 s1, $0x11  }
0x33: {  	s0 =	sor.u32 s1, s0  }
0x34: {  	s0 =	sadd.s32 $0x8F2B, s0  }
0x35: {  	[sflag:s0] =	ssyncadd.remote.s32 $0x1  }
0x36: {  	_ =	sfence.sel $0xFFFF  }
0x37: {  	[dreg:$0x0] =	wrdreg $0xFFFFFFFF;
	(pc) =	sbr.abs _section_cstart, $3  }
0x38: {  	[dreg:$0x1] =	wrdreg $0xFFFFFFFF  }
0x39: {  	_ =	task.clear_ibuf [dreg:s7], $0x2FFFF;
	_ =	strace $0x9FFFFFFF  }
0x3a: {  	(tm) =	ssettm $0x7FFFFFFF  }
0x3b: {  	_ =	shalt  }
tec
execute0_lowered:
.L_overlay_start_1:
0x0: {  	(tag) =	ssettag $0x1  }
0x1: {  	s0 =	srdreg.scid  }
0x2: {  	s1 =	sshll.u32 s0, $0x4  }
0x3: {  	s0 =	stileid.u32;
	s1 =	sand.u32 $0x10, s1  }
0x4: {  	s1 =	sor.u32 s0, s1  }
0x5: {  	s6 =	rddreg [dreg:$0x0];
	s4 =	simm.s32 $0x1;
	s2 =	sshll.u32 s1, $0x7  }
0x6: {  	s7 =	simm.s32 $0x2;
	s12 =	simm.s32 $0x0;
	s1 =	ssub.s32 $0x4000, s2  }
0x7: {  	s8 =	simm.s32 $0x20000;
	s13 =	simm.s32 $0x0;
	s3 =	sand.u32 $0xF80, s1  }
0x8: {  	s9 =	simm.s32 $0x0;
	s5 =	sshrl.u32 s1, $0xC;
	p0 =	sne.s32 s3, $0x0  }
.Ltmp0:
0x9: {  	s1 =	rddreg [dreg:$0x2];
	s4 =	simm.s32 @!p0 $0x0;
	(pc) =	sbr.rel .LBB1_1-.Ltmp0, $4  }
0xa: {  	s11 =	simm.s32 $0x0;
	s3 =	rddreg [dreg:$0x1];
	s5 =	sadd.s32 s4, s5  }
0xb: {  	_ =	strace $0x8000004A;
	s4 =	simm.s32 $0x1;
	s5 =	smul.u32 $0x32, s5  }
0xc: {  	s6 =	sadd.s32 $0x800, s6;
	s10 =	smov.u32 s2;
	[sflag:s4] =	ssyncpa.u1 $0x0  }
0xd: {  	p0 =	por $0x0, $0x0;
	[sflag:s7] =	ssyncpa.u1 $0x0;
	s7 =	sor.u32 $0x1, s5  }
.LBB1_4:
0xe: {  	s16 =	sshll.u32 s13, $0x3;
	s17 =	sand.u32 $0x78, s13  }
0xf: {  	s30 =	sand.u32 $0x1F800, s13;
	s12 =	sshll.u32 s12, $0x11;
	s16 =	sand.u32 $0x3C00, s16  }
0x10: {  	[tilespmem:s15+$0x810 ss:$0x81] =	vst.msk $0xffff, v2;
	s31 =	sand.u32 $0x7, s13;
	s16 =	sor.u32 s17, s16;
	s17 =	sadd.s32 s3, s30  }
0x11: {  	[tilespmem:s15+$0x1020 ss:$0x81] =	vst.msk $0xffff, v0;
	s13 =	sshll.u32 s31, $0x12;
	s12 =	sadd.s32 s12, s17;
	s16 =	sshrl.u32 s16, $0x3  }
0x12: {  	[tilespmem:s15+$0x0 ss:$0x81] =	vst.msk $0xffff, v1;
	s13 =	sor.u32 $0x400, s13;
	s12 =	sadd.s32 s16, s12  }
0x13: {  	[hbm4b:s12+s13] =	stream.strided.scatter [tilespmem:s14], [sflag:$0x2], $0x2000, s8, s13, $0x20;
	[tilespmem:$0x8080] =	vst v63  }
.LBB1_5:
0x14: {  	s14 =	sadd.s32 $0x1, s9  }
0x15: {  	s12 =	sadd.s32 $0x1000, s10;
	s16 =	smov.u32 s10;
	p2 =	sgt.s32 s14, $0x31  }
0x16: {  	s16 =	smov.u32 @p2 s12  }
0x17: {  	s14 =	simm.s32 @p2 $0x0;
	p2 =	sgt.s32 s16, $0x3FFF  }
0x18: {  	s16 =	smov.u32 @p2 s2;
	p2 =	sne.s32 s11, s7  }
.Ltmp1:
0x19: {  	p1 =	slt.u32 s11, $0x2;
	(pc) =	sbr.rel @!p2 .LBB1_6-.Ltmp1, $4  }
0x1a: {  	s15 =	simm.s32 @!p1 $0x2  }
0x1b: {  	s13 =	smov.u32 s10;
	p0 =	por !p0, !p0;
	_ =	swait.ge @!p1 [sflag:s15], $0x2000  }
0x1c: {  	s12 =	smov.u32 s9;
	[sflag:s15] =	ssyncset.done @!p1 $0x0;
	s9 =	smov.u32 s14  }
0x1d: {  	s11 =	sadd.s32 $0x1, s11;
	[sflag:s15] =	ssyncadd.s32 @!p1 $0xFFFFE000;
	s10 =	smov.u32 s16  }
.LBB1_1:
0x1e: {  	p1 =	sge.u32 s11, s5  }
0x1f: {  	s14 =	sand.u32 @!p1 $0x1FFFFFF, s9  }
0x20: {  	s15 =	smulhi.u32 @!p1 $0x4924925, s14;
	_ =	sdelay $0x1  }
0x21: {  	s15 =	smul.u32 @!p1 $0x38, s15  }
0x22: {  	s16 =	sxor.u32 @!p1 $0xFFFFFFFF, s11;
	s17 =	smul.u32 @!p1 $0x380, s10  }
0x23: {  	s31 =	sadd.s32 $0xFFFFFFFF, s11;
	s16 =	sshll.u32 @!p1 s16, $0xD;
	s14 =	ssub.s32 @!p1 s14, s15  }
0x24: {  	s15 =	sand.u32 @!p1 $0x2000, s16;
	s16 =	sadd.s32 @!p1 s6, s17;
	s14 =	sshll.u32 @!p1 s14, $0x4  }
0x25: {  	s17 =	simm.s32 @!p1 $0x1C00;
	s14 =	sadd.s32 @!p1 s14, s16;
	s16 =	simm.s32 @!p1 $0x40  }
0x26: {  	[tilespmem:s15], [sflag:$0x1] =	stream.strided.gather @!p1 [hbm4b:s14+s16], $0x2000, s17, s16, $0x38;
	[tilespmem:$0x8080] =	vst v63  }
0x27: {  	p1 =	sge.u32 s31, s5  }
.Ltmp2:
0x28: {  	_ = 	snop;
	(pc) =	sbr.rel @p1 .LBB1_5-.Ltmp2, $1  }
0x29: {  	_ =	sdelay $0x3  }
0x2a: {  	s14 =	simm.s32 $0x1  }
0x2b: {  	_ =	swait.ge [sflag:s4], $0x2000;
	s14 =	simm.s32 @!p0 $0x0  }
0x2c: {  	[sflag:s4] =	ssyncset.done $0x0;
	s15 =	sshll.u32 s14, $0xD  }
0x2d: {  	[sflag:s4] =	ssyncadd.s32 $0xFFFFE000;
	s18 =	sor.u32 $0x20, s15  }
0x2e: {  	s14 =	smul.u32 $0x8100, s14;
	v3 =	vld [tilespmem:s18+$0x10]  }
0x2f: {  	s30 =	sand.u32 $0x1, s11;
	v2 =	vld [tilespmem:s18+$0xFFFFFFF0]  }
0x30: {  	s15 =	smul.u32 $0x8100, s30;
	s14 =	sshrl.u32 s14, $0x2;
	v0 =	vld [tilespmem:s18+$0x0]  }
0x31: {  	v1 =	vld [tilespmem:s18+$0xFFFFFFE0];
	s16 =	sor.u32 $0x4000, s14  }
0x32: {  	s31 =	sshrl.u32 s15, $0x2;
	s15 =	sadd.s32 $0x0, s16  }
0x33: {  	s17 =	simm.s32 $0x4;
	s18 =	sadd.s32 $0x40, s18;
	s14 =	sor.u32 $0x4000, s31;
	[tilespmem:s15+$0x1830 ss:$0x81] =	vst.msk $0xffff, v3  }
.LBB1_3:
0x34: {  	v3 =	vld [tilespmem:s18+$0x10];
	p1 =	sne.s32 s17, $0x1FC;
	[tilespmem:s15+$0x810 ss:$0x81] =	vst.msk $0xffff, v2;
	s19 =	smov.u32 s17;
	s17 =	sadd.s32 $0x4, s17  }
.Ltmp3:
0x35: {  	v2 =	vld [tilespmem:s18+$0xFFFFFFF0];
	[tilespmem:s15+$0x1020 ss:$0x81] =	vst.msk $0xffff, v0;
	(pc) =	sbr.rel @p1 .LBB1_3-.Ltmp3, $4  }
0x36: {  	v0 =	vld [tilespmem:s18+$0x0];
	[tilespmem:s15+$0x0 ss:$0x81] =	vst.msk $0xffff, v1  }
0x37: {  	s15 =	sshra.s32 s19, $0x2;
	v1 =	vld [tilespmem:s18+$0xFFFFFFE0]  }
0x38: {  	s15 =	sadd.s32 s15, s16  }
0x39: {  	s18 =	sadd.s32 $0x40, s18;
	[tilespmem:s15+$0x1830 ss:$0x81] =	vst.msk $0xffff, v3  }
.Ltmp4:
0x3a: {  	_ = 	snop;
	(pc) =	sbr.rel .LBB1_4-.Ltmp4, $1  }
0x3b: {  	_ =	sdelay $0x3  }
.LBB1_6:
0x3c: {  	_ =	sfence.sel $0x180000  }
0x3d: {  	s2 =	simm.s32 $0x1;
	[bflag:$0x0] =	sbarrier.arrive $0xFFFF  }
0x3e: {  	s31 =	simm.s32 $0x2;
	[sflag:s2] =	ssyncpa.u1 $0x1  }
0x3f: {  	[sflag:s31] =	ssyncpa.u1 $0x1  }
0x40: {  	p0 =	sne.s32 s0, $0x0;
	_ =	strace $0x9000004A  }
0x41: {  	s0 =	sadd.s32 @!p0 $0x100000, s1;
	[bflag:$0x2] =	sbarrier.arrive $0xFFFF  }
0x42: {  	[sflag:s0] =	ssyncadd.tile.s32 @!p0 $0x1;
	_ =	shalt  }
.Lfunc_end1:
_tile_overlayer_lowered:
.L_overlay_start_2:
0x43: {  	(tag) =	ssettag $0x2  }
0x44: {  	s0 =	rddreg [dreg:$0x0];
	s2 =	stileid.u32  }
0x45: {  	s1 =	rddreg [dreg:$0x1];
	p0 =	sne.s32 s2, $0x0  }
0x46: {  	s3 =	rddreg [dreg:$0x2];
	[bflag:$0x3] =	sbarrier.arrive $0xFFFF;
	s2 =	simm.s32 @!p0 $0x1C01  }
0x47: {  	[timem:s3], [sflag:s2] =	dma.local @!p0 [hbm:s0], s1  }
0x48: {  	s0 =	simm.s32 @!p0 $0x1  }
0x49: {  	_ =	swait.ge @!p0 [sflag:s0], s1  }
0x4a: {  	s1 =	ssub.s32 @!p0 $0x0, s1;
	[sflag:s0] =	ssyncset.done @!p0 $0x0  }
0x4b: {  	[sflag:s0] =	ssyncadd.s32 @!p0 s1  }
0x4c: {  	[bflag:$0x3] =	sbarrier.arrive $0xFFFF  }
0x4d: {  	_ =	shalt  }

</sc_bundles>
